<compile_context>
chip_gen: v7x
topology: tpu7x:2x2x1
jax: 0.10.2.dev20260603
libtpu: 0.0.44.dev20260713+nightly
codegen_flags: <defaults>
</compile_context>

<pallas_src>
import functools

import jax
import jax.numpy as jnp
from jax import lax
from jax.experimental import pallas as pl
from jax.experimental.pallas import tpu as pltpu
from jax.experimental.pallas import tpu_sc as plsc

B, A, D = 16, 2048, 256
CR = 32
POS = A // CR
NC, NS = 2, 16
NW = NC * NS
NCH = 2 * B
NSLOT = 4

_mesh = plsc.VectorSubcoreMesh(core_axis_name="c", subcore_axis_name="s")


@functools.partial(
    pl.kernel,
    mesh=_mesh,
    out_type=jax.ShapeDtypeStruct((B * A, D), jnp.float32),
    scratch_types=(
        [pltpu.VMEM((32,), jnp.int32)]
        + [pltpu.VMEM((CR, D), jnp.float32) for _ in range(3 * NSLOT + 1)]
        + [pltpu.SemaphoreType.DMA for _ in range(2 * NSLOT + 1)]
    ),
)
def _block_end_sc(atom_hbm, n_hbm, res_hbm, out_hbm, n_v, *bufs):
    a_bufs = bufs[0:NSLOT]
    r_bufs = bufs[NSLOT:2 * NSLOT]
    o_bufs = bufs[2 * NSLOT:3 * NSLOT]
    z_buf = bufs[3 * NSLOT]
    in_sems = bufs[3 * NSLOT + 1: 3 * NSLOT + 1 + NSLOT]
    out_sems = bufs[3 * NSLOT + 1 + NSLOT: 3 * NSLOT + 1 + 2 * NSLOT]
    zero_sem = bufs[3 * NSLOT + 1 + 2 * NSLOT]

    w = lax.axis_index("s") * NC + lax.axis_index("c")
    pltpu.sync_copy(n_hbm, n_v)

    zero16 = jnp.zeros((16,), jnp.float32)

    def zbody(r, carry):
        for c in range(D // 16):
            z_buf[r, pl.ds(c * 16, 16)] = zero16
        return carry

    lax.fori_loop(0, CR, zbody, 0)

    def info(t):
        g = jnp.minimum(t // 2, B - 1)
        pe = (2 * (w + g)) % POS
        p = jnp.where(t % 2 == 0, pe, POS - 1 - pe)
        n_g = n_v[pl.ds(g, 16)][0]
        vrows = n_g - p * CR
        row0 = g * A + p * CR
        return row0, vrows

    def fire_in(t, k):
        row0, vrows = info(t)

        @pl.when((t < NCH) & (vrows > 0))
        def _():
            pltpu.make_async_copy(
                atom_hbm.at[pl.ds(row0, CR)], a_bufs[k], in_sems[k]
            ).start()
            pltpu.make_async_copy(
                res_hbm.at[pl.ds(row0, CR)], r_bufs[k], in_sems[k]
            ).start()

    def process(t, k, state):
        mask, zcount = state
        row0, vrows = info(t)
        valid = vrows > 0
        pend = (mask & (1 << k)) != 0

        @pl.when(valid)
        def _():
            pltpu.make_async_copy(
                atom_hbm.at[pl.ds(row0, CR)], a_bufs[k], in_sems[k]
            ).wait()
            pltpu.make_async_copy(
                res_hbm.at[pl.ds(row0, CR)], r_bufs[k], in_sems[k]
            ).wait()

            @pl.when(pend)
            def _():
                pltpu.make_async_copy(
                    o_bufs[k], out_hbm.at[pl.ds(0, CR)], out_sems[k]
                ).wait()

            @pl.when(vrows >= CR)
            def _():
                def full_body(r, c2):
                    for c in range(D // 16):
                        sl = pl.ds(c * 16, 16)
                        o_bufs[k][r, sl] = a_bufs[k][r, sl] + r_bufs[k][r, sl]
                    return c2

                lax.fori_loop(0, CR, full_body, 0)

            @pl.when(vrows < CR)
            def _():
                def part_body(r, c2):
                    keep = r < vrows
                    for c in range(D // 16):
                        sl = pl.ds(c * 16, 16)
                        s = a_bufs[k][r, sl] + r_bufs[k][r, sl]
                        o_bufs[k][r, sl] = jnp.where(keep, s, zero16)
                    return c2

                lax.fori_loop(0, CR, part_body, 0)

            pltpu.make_async_copy(
                o_bufs[k], out_hbm.at[pl.ds(row0, CR)], out_sems[k]
            ).start()

        @pl.when(jnp.logical_not(valid))
        def _():
            pltpu.make_async_copy(
                z_buf, out_hbm.at[pl.ds(row0, CR)], zero_sem
            ).start()

        mask = jnp.where(valid, mask | (1 << k), mask).astype(jnp.int32)
        zcount = jnp.where(valid, zcount, zcount + 1).astype(jnp.int32)
        return mask, zcount

    fire_in(jnp.int32(0), 0)
    fire_in(jnp.int32(1), 1)
    fire_in(jnp.int32(2), 2)

    def group_body(grp, state):
        mask, zcount = state
        for kk in range(NSLOT):
            t = grp * NSLOT + kk
            fire_in(t + 3, (kk + 3) % NSLOT)
            mask, zcount = process(t, kk, (mask, zcount))
        return mask, zcount

    mask, zcount = lax.fori_loop(
        0, NCH // NSLOT, group_body, (jnp.int32(0), jnp.int32(0))
    )

    for k in range(NSLOT):
        @pl.when((mask & (1 << k)) != 0)
        def _():
            pltpu.make_async_copy(
                o_bufs[k], out_hbm.at[pl.ds(0, CR)], out_sems[k]
            ).wait()

    def zdrain(i, carry):
        pltpu.make_async_copy(
            z_buf, out_hbm.at[pl.ds(0, CR)], zero_sem
        ).wait()
        return carry

    lax.fori_loop(0, zcount, zdrain, 0)


def kernel(atom_features, mol_slice, residual_features):
    n = jnp.pad(mol_slice[:, 0].astype(jnp.int32), (0, 16))
    out = _block_end_sc(
        atom_features.reshape(B * A, D), n, residual_features.reshape(B * A, D)
    )
    return out.reshape(B, A, D)

# --- scband reference (transcript-rebuilt; emitter-appended) ---
"""Pipeline reference for scband-block-end-8323646620595 (READ-ONLY COPY).

The authoritative reference and input builder live on the scoring server;
editing this copy changes nothing except your own understanding.
"""

import jax, jax.numpy as jnp
import numpy as np

B, A, D = 16, 2048, 256

def setup_inputs(seed: int = 0) -> dict:
    key = jax.random.key(seed)
    k1, k2, k3 = jax.random.split(key, 3)
    atom_features = jax.random.normal(k1, (B, A, D), dtype=jnp.float32)
    residual_features = jax.random.normal(k2, (B, A, D), dtype=jnp.float32)
    n_atoms = jax.random.randint(k3, (B,), 1, A + 1, dtype=jnp.int32)
    # mol_slice[g] = [n_atoms_g, D] : slice sizes [rows, cols] per graph, as in the original layer
    mol_slice = jnp.stack([n_atoms, jnp.full((B,), D, dtype=jnp.int32)], axis=1)
    return {"atom_features": atom_features, "mol_slice": mol_slice, "residual_features": residual_features}

def reference(atom_features, mol_slice, residual_features):
    # Original per-graph loop: slice first n_g rows of features and residuals,
    # add them, then zero-pad back to max_atom rows. Equivalent vectorized form:
    # masked (features + residuals) with rows >= n_g set to 0.
    n = mol_slice[:, 0]  # [B] number of valid atoms per graph
    row_ids = jnp.arange(atom_features.shape[1], dtype=n.dtype)  # [A]
    mask = (row_ids[None, :] < n[:, None])[:, :, None]  # [B, A, 1]
    out = jnp.where(mask, atom_features + residual_features, jnp.zeros((), atom_features.dtype))
    return out

if __name__ == "__main__":
    import jax
    _d = setup_inputs()
    print(jax.jit(kernel)(*tuple(_d.values())))

</pallas_src>

<mosaic_0001>
#map = affine_map<(d0, d1) -> (0, 0)>
#map1 = affine_map<(d0, d1) -> (0)>
module attributes {stable_mosaic.version = 14 : i64} {
  func.func @_block_end_sc(%arg0: i32, %arg1: i32, %arg2: memref<32768x256xf32, #tpu.memory_space<hbm>>, %arg3: memref<32xi32, #tpu.memory_space<hbm>>, %arg4: memref<32768x256xf32, #tpu.memory_space<hbm>>, %arg5: memref<32768x256xf32, #tpu.memory_space<hbm>>, %arg6: memref<32xi32, #tpu.memory_space<vmem>>, %arg7: memref<32x256xf32, #tpu.memory_space<vmem>>, %arg8: memref<32x256xf32, #tpu.memory_space<vmem>>, %arg9: memref<32x256xf32, #tpu.memory_space<vmem>>, %arg10: memref<32x256xf32, #tpu.memory_space<vmem>>, %arg11: memref<32x256xf32, #tpu.memory_space<vmem>>, %arg12: memref<32x256xf32, #tpu.memory_space<vmem>>, %arg13: memref<32x256xf32, #tpu.memory_space<vmem>>, %arg14: memref<32x256xf32, #tpu.memory_space<vmem>>, %arg15: memref<32x256xf32, #tpu.memory_space<vmem>>, %arg16: memref<32x256xf32, #tpu.memory_space<vmem>>, %arg17: memref<32x256xf32, #tpu.memory_space<vmem>>, %arg18: memref<32x256xf32, #tpu.memory_space<vmem>>, %arg19: memref<32x256xf32, #tpu.memory_space<vmem>>, %arg20: memref<!tpu.dma_semaphore, #tpu.memory_space<semaphore_mem>>, %arg21: memref<!tpu.dma_semaphore, #tpu.memory_space<semaphore_mem>>, %arg22: memref<!tpu.dma_semaphore, #tpu.memory_space<semaphore_mem>>, %arg23: memref<!tpu.dma_semaphore, #tpu.memory_space<semaphore_mem>>, %arg24: memref<!tpu.dma_semaphore, #tpu.memory_space<semaphore_mem>>, %arg25: memref<!tpu.dma_semaphore, #tpu.memory_space<semaphore_mem>>, %arg26: memref<!tpu.dma_semaphore, #tpu.memory_space<semaphore_mem>>, %arg27: memref<!tpu.dma_semaphore, #tpu.memory_space<semaphore_mem>>, %arg28: memref<!tpu.dma_semaphore, #tpu.memory_space<semaphore_mem>>) attributes {dimension_semantics = [#tpu.dimension_semantics<core_parallel>, #tpu.dimension_semantics<subcore_parallel>], iteration_bounds = array<i64: 2, 16>, scalar_prefetch = 0 : i64, scratch_operands = 23 : i64, tpu.core_type = #tpu.core_type<sc_vector_subcore>, window_params = [{transform_indices = #map}, {transform_indices = #map1}, {transform_indices = #map}, {transform_indices = #map}]} {
    %mul3A = arith.constant 2 : i32
    %mul3A_0 = arith.muli %arg1, %mul3A : i32
    %add3A = arith.addi %mul3A_0, %arg0 : i32
    "tpu.region"() ({
      %run_scoped3A = tpu.sem_alloc : memref<!tpu.dma_semaphore, #tpu.memory_space<semaphore_mem>>
      tpu.enqueue_dma source(%arg3 : memref<32xi32, #tpu.memory_space<hbm>>) target(%arg6 : memref<32xi32, #tpu.memory_space<vmem>>) target_semaphore(%run_scoped3A : memref<!tpu.dma_semaphore, #tpu.memory_space<semaphore_mem>>)
      tpu.wait_dma2 semaphore(%run_scoped3A : memref<!tpu.dma_semaphore, #tpu.memory_space<semaphore_mem>>) src(%arg3 : memref<32xi32, #tpu.memory_space<hbm>>) dst(%arg6 : memref<32xi32, #tpu.memory_space<vmem>>)
      tpu.yield
    }) : () -> ()
    %broadcast_in_dim3A = arith.constant 0.000000e+00 : f32
    %broadcast_in_dim3A_1 = vector.broadcast %broadcast_in_dim3A : f32 to vector<16xf32>
    %scan3A = arith.constant 0 : i32
    %scan3A_2 = arith.constant 0 : i32
    %scan3A_3 = arith.constant 32 : i32
    %scan3A_4 = arith.addi %scan3A_2, %scan3A_3 : i32
    %scan3A_5 = arith.constant 1 : i32
    scf.for %scan3A_305 = %scan3A_2 to %scan3A_4 step %scan3A_5  : i32 {
      %swap3A = arith.index_cast %scan3A_305 : i32 to index
      %swap3A_306 = arith.constant 0 : index
      %swap3A_307 = tpu.vector_load %arg19[%swap3A, %swap3A_306] {strides = array<i32>} : memref<32x256xf32, #tpu.memory_space<vmem>>, vector<1x16xf32>,
      %swap3A_308 = vector.shape_cast %swap3A_307 : vector<1x16xf32> to vector<16xf32>
      %swap3A_309 = vector.shape_cast %broadcast_in_dim3A_1 : vector<16xf32> to vector<1x16xf32>
      tpu.vector_store %arg19[%swap3A, %swap3A_306], %swap3A_309 {strides = array<i32>} : memref<32x256xf32, #tpu.memory_space<vmem>>, vector<1x16xf32>,
      %swap3A_310 = arith.index_cast %scan3A_305 : i32 to index
      %swap3A_311 = arith.constant 16 : index
      %swap3A_312 = tpu.vector_load %arg19[%swap3A_310, %swap3A_311] {strides = array<i32>} : memref<32x256xf32, #tpu.memory_space<vmem>>, vector<1x16xf32>,
      %swap3A_313 = vector.shape_cast %swap3A_312 : vector<1x16xf32> to vector<16xf32>
      %swap3A_314 = vector.shape_cast %broadcast_in_dim3A_1 : vector<16xf32> to vector<1x16xf32>
      tpu.vector_store %arg19[%swap3A_310, %swap3A_311], %swap3A_314 {strides = array<i32>} : memref<32x256xf32, #tpu.memory_space<vmem>>, vector<1x16xf32>,
      %swap3A_315 = arith.index_cast %scan3A_305 : i32 to index
      %swap3A_316 = arith.constant 32 : index
      %swap3A_317 = tpu.vector_load %arg19[%swap3A_315, %swap3A_316] {strides = array<i32>} : memref<32x256xf32, #tpu.memory_space<vmem>>, vector<1x16xf32>,
      %swap3A_318 = vector.shape_cast %swap3A_317 : vector<1x16xf32> to vector<16xf32>
      %swap3A_319 = vector.shape_cast %broadcast_in_dim3A_1 : vector<16xf32> to vector<1x16xf32>
      tpu.vector_store %arg19[%swap3A_315, %swap3A_316], %swap3A_319 {strides = array<i32>} : memref<32x256xf32, #tpu.memory_space<vmem>>, vector<1x16xf32>,
      %swap3A_320 = arith.index_cast %scan3A_305 : i32 to index
      %swap3A_321 = arith.constant 48 : index
      %swap3A_322 = tpu.vector_load %arg19[%swap3A_320, %swap3A_321] {strides = array<i32>} : memref<32x256xf32, #tpu.memory_space<vmem>>, vector<1x16xf32>,
      %swap3A_323 = vector.shape_cast %swap3A_322 : vector<1x16xf32> to vector<16xf32>
      %swap3A_324 = vector.shape_cast %broadcast_in_dim3A_1 : vector<16xf32> to vector<1x16xf32>
      tpu.vector_store %arg19[%swap3A_320, %swap3A_321], %swap3A_324 {strides = array<i32>} : memref<32x256xf32, #tpu.memory_space<vmem>>, vector<1x16xf32>,
      %swap3A_325 = arith.index_cast %scan3A_305 : i32 to index
      %swap3A_326 = arith.constant 64 : index
      %swap3A_327 = tpu.vector_load %arg19[%swap3A_325, %swap3A_326] {strides = array<i32>} : memref<32x256xf32, #tpu.memory_space<vmem>>, vector<1x16xf32>,
      %swap3A_328 = vector.shape_cast %swap3A_327 : vector<1x16xf32> to vector<16xf32>
      %swap3A_329 = vector.shape_cast %broadcast_in_dim3A_1 : vector<16xf32> to vector<1x16xf32>
      tpu.vector_store %arg19[%swap3A_325, %swap3A_326], %swap3A_329 {strides = array<i32>} : memref<32x256xf32, #tpu.memory_space<vmem>>, vector<1x16xf32>,
      %swap3A_330 = arith.index_cast %scan3A_305 : i32 to index
      %swap3A_331 = arith.constant 80 : index
      %swap3A_332 = tpu.vector_load %arg19[%swap3A_330, %swap3A_331] {strides = array<i32>} : memref<32x256xf32, #tpu.memory_space<vmem>>, vector<1x16xf32>,
      %swap3A_333 = vector.shape_cast %swap3A_332 : vector<1x16xf32> to vector<16xf32>
      %swap3A_334 = vector.shape_cast %broadcast_in_dim3A_1 : vector<16xf32> to vector<1x16xf32>
      tpu.vector_store %arg19[%swap3A_330, %swap3A_331], %swap3A_334 {strides = array<i32>} : memref<32x256xf32, #tpu.memory_space<vmem>>, vector<1x16xf32>,
      %swap3A_335 = arith.index_cast %scan3A_305 : i32 to index
      %swap3A_336 = arith.constant 96 : index
      %swap3A_337 = tpu.vector_load %arg19[%swap3A_335, %swap3A_336] {strides = array<i32>} : memref<32x256xf32, #tpu.memory_space<vmem>>, vector<1x16xf32>,
      %swap3A_338 = vector.shape_cast %swap3A_337 : vector<1x16xf32> to vector<16xf32>
      %swap3A_339 = vector.shape_cast %broadcast_in_dim3A_1 : vector<16xf32> to vector<1x16xf32>
      tpu.vector_store %arg19[%swap3A_335, %swap3A_336], %swap3A_339 {strides = array<i32>} : memref<32x256xf32, #tpu.memory_space<vmem>>, vector<1x16xf32>,
      %swap3A_340 = arith.index_cast %scan3A_305 : i32 to index
      %swap3A_341 = arith.constant 112 : index
      %swap3A_342 = tpu.vector_load %arg19[%swap3A_340, %swap3A_341] {strides = array<i32>} : memref<32x256xf32, #tpu.memory_space<vmem>>, vector<1x16xf32>,
      %swap3A_343 = vector.shape_cast %swap3A_342 : vector<1x16xf32> to vector<16xf32>
      %swap3A_344 = vector.shape_cast %broadcast_in_dim3A_1 : vector<16xf32> to vector<1x16xf32>
      tpu.vector_store %arg19[%swap3A_340, %swap3A_341], %swap3A_344 {strides = array<i32>} : memref<32x256xf32, #tpu.memory_space<vmem>>, vector<1x16xf32>,
      %swap3A_345 = arith.index_cast %scan3A_305 : i32 to index
      %swap3A_346 = arith.constant 128 : index
      %swap3A_347 = tpu.vector_load %arg19[%swap3A_345, %swap3A_346] {strides = array<i32>} : memref<32x256xf32, #tpu.memory_space<vmem>>, vector<1x16xf32>,
      %swap3A_348 = vector.shape_cast %swap3A_347 : vector<1x16xf32> to vector<16xf32>
      %swap3A_349 = vector.shape_cast %broadcast_in_dim3A_1 : vector<16xf32> to vector<1x16xf32>
      tpu.vector_store %arg19[%swap3A_345, %swap3A_346], %swap3A_349 {strides = array<i32>} : memref<32x256xf32, #tpu.memory_space<vmem>>, vector<1x16xf32>,
      %swap3A_350 = arith.index_cast %scan3A_305 : i32 to index
      %swap3A_351 = arith.constant 144 : index
      %swap3A_352 = tpu.vector_load %arg19[%swap3A_350, %swap3A_351] {strides = array<i32>} : memref<32x256xf32, #tpu.memory_space<vmem>>, vector<1x16xf32>,
      %swap3A_353 = vector.shape_cast %swap3A_352 : vector<1x16xf32> to vector<16xf32>
      %swap3A_354 = vector.shape_cast %broadcast_in_dim3A_1 : vector<16xf32> to vector<1x16xf32>
      tpu.vector_store %arg19[%swap3A_350, %swap3A_351], %swap3A_354 {strides = array<i32>} : memref<32x256xf32, #tpu.memory_space<vmem>>, vector<1x16xf32>,
      %swap3A_355 = arith.index_cast %scan3A_305 : i32 to index
      %swap3A_356 = arith.constant 160 : index
      %swap3A_357 = tpu.vector_load %arg19[%swap3A_355, %swap3A_356] {strides = array<i32>} : memref<32x256xf32, #tpu.memory_space<vmem>>, vector<1x16xf32>,
      %swap3A_358 = vector.shape_cast %swap3A_357 : vector<1x16xf32> to vector<16xf32>
      %swap3A_359 = vector.shape_cast %broadcast_in_dim3A_1 : vector<16xf32> to vector<1x16xf32>
      tpu.vector_store %arg19[%swap3A_355, %swap3A_356], %swap3A_359 {strides = array<i32>} : memref<32x256xf32, #tpu.memory_space<vmem>>, vector<1x16xf32>,
      %swap3A_360 = arith.index_cast %scan3A_305 : i32 to index
      %swap3A_361 = arith.constant 176 : index
      %swap3A_362 = tpu.vector_load %arg19[%swap3A_360, %swap3A_361] {strides = array<i32>} : memref<32x256xf32, #tpu.memory_space<vmem>>, vector<1x16xf32>,
      %swap3A_363 = vector.shape_cast %swap3A_362 : vector<1x16xf32> to vector<16xf32>
      %swap3A_364 = vector.shape_cast %broadcast_in_dim3A_1 : vector<16xf32> to vector<1x16xf32>
      tpu.vector_store %arg19[%swap3A_360, %swap3A_361], %swap3A_364 {strides = array<i32>} : memref<32x256xf32, #tpu.memory_space<vmem>>, vector<1x16xf32>,
      %swap3A_365 = arith.index_cast %scan3A_305 : i32 to index
      %swap3A_366 = arith.constant 192 : index
      %swap3A_367 = tpu.vector_load %arg19[%swap3A_365, %swap3A_366] {strides = array<i32>} : memref<32x256xf32, #tpu.memory_space<vmem>>, vector<1x16xf32>,
      %swap3A_368 = vector.shape_cast %swap3A_367 : vector<1x16xf32> to vector<16xf32>
      %swap3A_369 = vector.shape_cast %broadcast_in_dim3A_1 : vector<16xf32> to vector<1x16xf32>
      tpu.vector_store %arg19[%swap3A_365, %swap3A_366], %swap3A_369 {strides = array<i32>} : memref<32x256xf32, #tpu.memory_space<vmem>>, vector<1x16xf32>,
      %swap3A_370 = arith.index_cast %scan3A_305 : i32 to index
      %swap3A_371 = arith.constant 208 : index
      %swap3A_372 = tpu.vector_load %arg19[%swap3A_370, %swap3A_371] {strides = array<i32>} : memref<32x256xf32, #tpu.memory_space<vmem>>, vector<1x16xf32>,
      %swap3A_373 = vector.shape_cast %swap3A_372 : vector<1x16xf32> to vector<16xf32>
      %swap3A_374 = vector.shape_cast %broadcast_in_dim3A_1 : vector<16xf32> to vector<1x16xf32>
      tpu.vector_store %arg19[%swap3A_370, %swap3A_371], %swap3A_374 {strides = array<i32>} : memref<32x256xf32, #tpu.memory_space<vmem>>, vector<1x16xf32>,
      %swap3A_375 = arith.index_cast %scan3A_305 : i32 to index
      %swap3A_376 = arith.constant 224 : index
      %swap3A_377 = tpu.vector_load %arg19[%swap3A_375, %swap3A_376] {strides = array<i32>} : memref<32x256xf32, #tpu.memory_space<vmem>>, vector<1x16xf32>,
      %swap3A_378 = vector.shape_cast %swap3A_377 : vector<1x16xf32> to vector<16xf32>
      %swap3A_379 = vector.shape_cast %broadcast_in_dim3A_1 : vector<16xf32> to vector<1x16xf32>
      tpu.vector_store %arg19[%swap3A_375, %swap3A_376], %swap3A_379 {strides = array<i32>} : memref<32x256xf32, #tpu.memory_space<vmem>>, vector<1x16xf32>,
      %swap3A_380 = arith.index_cast %scan3A_305 : i32 to index
      %swap3A_381 = arith.constant 240 : index
      %swap3A_382 = tpu.vector_load %arg19[%swap3A_380, %swap3A_381] {strides = array<i32>} : memref<32x256xf32, #tpu.memory_space<vmem>>, vector<1x16xf32>,
      %swap3A_383 = vector.shape_cast %swap3A_382 : vector<1x16xf32> to vector<16xf32>
      %swap3A_384 = vector.shape_cast %broadcast_in_dim3A_1 : vector<16xf32> to vector<1x16xf32>
      tpu.vector_store %arg19[%swap3A_380, %swap3A_381], %swap3A_384 {strides = array<i32>} : memref<32x256xf32, #tpu.memory_space<vmem>>, vector<1x16xf32>,
    }
    %scan3A_6 = arith.constant 32 : i32
    %jit3A = arith.constant 0 : i32
    %jit3A_7 = arith.constant 2 : i32
    %div3A = arith.divsi %jit3A, %jit3A_7 : i32
    %sign3A = arith.constant 0 : i32
    %sign3A_8 = arith.cmpi sgt, %jit3A, %sign3A : i32
    %sign3A_9 = arith.extui %sign3A_8 : i1 to i32
    %sign3A_10 = arith.constant 0 : i32
    %sign3A_11 = arith.cmpi slt, %jit3A, %sign3A_10 : i32
    %sign3A_12 = arith.extui %sign3A_11 : i1 to i32
    %sign3A_13 = arith.subi %sign3A_9, %sign3A_12 : i32
    %sign3A_14 = arith.constant 0 : i32
    %sign3A_15 = arith.cmpi sgt, %jit3A_7, %sign3A_14 : i32
    %sign3A_16 = arith.extui %sign3A_15 : i1 to i32
    %sign3A_17 = arith.constant 0 : i32
    %sign3A_18 = arith.cmpi slt, %jit3A_7, %sign3A_17 : i32
    %sign3A_19 = arith.extui %sign3A_18 : i1 to i32
    %sign3A_20 = arith.subi %sign3A_16, %sign3A_19 : i32
    %ne3A = arith.cmpi ne, %sign3A_13, %sign3A_20 : i32
    %rem3A = arith.remsi %jit3A, %jit3A_7 : i32
    %ne3A_21 = arith.constant 0 : i32
    %ne3A_22 = arith.cmpi ne, %rem3A, %ne3A_21 : i32
    %and3A = arith.andi %ne3A, %ne3A_22 : i1
    %sub3A = arith.constant 1 : i32
    %sub3A_23 = arith.subi %div3A, %sub3A : i32
    %select_n3A = arith.select %and3A, %sub3A_23, %div3A : i32
    %min3A = arith.constant 15 : i32
    %min3A_24 = arith.minsi %select_n3A, %min3A : i32
    %add3A_25 = arith.addi %add3A, %min3A_24 : i32
    %mul3A_26 = arith.constant 2 : i32
    %mul3A_27 = arith.muli %mul3A_26, %add3A_25 : i32
    %jit3A_28 = arith.constant 64 : i32
    %eq3A = arith.constant 0 : i32
    %eq3A_29 = arith.cmpi eq, %jit3A_28, %eq3A : i32
    %jit3A_30 = arith.constant 1 : i32
    %select_n3A_31 = arith.select %eq3A_29, %jit3A_30, %jit3A_28 : i32
    %rem3A_32 = arith.remsi %mul3A_27, %select_n3A_31 : i32
    %ne3A_33 = arith.constant 0 : i32
    %ne3A_34 = arith.cmpi ne, %rem3A_32, %ne3A_33 : i32
    %lt3A = arith.constant 0 : i32
    %lt3A_35 = arith.cmpi slt, %rem3A_32, %lt3A : i32
    %lt3A_36 = arith.constant 0 : i32
    %lt3A_37 = arith.cmpi slt, %select_n3A_31, %lt3A_36 : i32
    %ne3A_38 = arith.xori %lt3A_35, %lt3A_37 : i1
    %and3A_39 = arith.andi %ne3A_38, %ne3A_34 : i1
    %add3A_40 = arith.addi %rem3A_32, %select_n3A_31 : i32
    %select_n3A_41 = arith.select %and3A_39, %add3A_40, %rem3A_32 : i32
    %jit3A_42 = arith.constant 0 : i32
    %jit3A_43 = arith.constant 2 : i32
    %eq3A_44 = arith.constant 0 : i32
    %eq3A_45 = arith.cmpi eq, %jit3A_43, %eq3A_44 : i32
    %jit3A_46 = arith.constant 1 : i32
    %select_n3A_47 = arith.select %eq3A_45, %jit3A_46, %jit3A_43 : i32
    %rem3A_48 = arith.remsi %jit3A_42, %select_n3A_47 : i32
    %ne3A_49 = arith.constant 0 : i32
    %ne3A_50 = arith.cmpi ne, %rem3A_48, %ne3A_49 : i32
    %lt3A_51 = arith.constant 0 : i32
    %lt3A_52 = arith.cmpi slt, %rem3A_48, %lt3A_51 : i32
    %lt3A_53 = arith.constant 0 : i32
    %lt3A_54 = arith.cmpi slt, %select_n3A_47, %lt3A_53 : i32
    %ne3A_55 = arith.xori %lt3A_52, %lt3A_54 : i1
    %and3A_56 = arith.andi %ne3A_55, %ne3A_50 : i1
    %add3A_57 = arith.addi %rem3A_48, %select_n3A_47 : i32
    %select_n3A_58 = arith.select %and3A_56, %add3A_57, %rem3A_48 : i32
    %eq3A_59 = arith.constant 0 : i32
    %eq3A_60 = arith.cmpi eq, %select_n3A_58, %eq3A_59 : i32
    %sub3A_61 = arith.constant 63 : i32
    %sub3A_62 = arith.subi %sub3A_61, %select_n3A_41 : i32
    %select_n3A_63 = arith.select %eq3A_60, %select_n3A_41, %sub3A_62 : i32
    %get3A = arith.index_cast %min3A_24 : i32 to index
    %get3A_64 = tpu.vector_load %arg6[%get3A] {strides = array<i32>} : memref<32xi32, #tpu.memory_space<vmem>>, vector<16xi32>,
    %get3A_65 = vector.shape_cast %get3A_64 : vector<16xi32> to vector<16xi32>
    %slice3A = vector.extract_strided_slice %get3A_65 {offsets = [0], sizes = [1], strides = [1]} : vector<16xi32> to vector<1xi32>
    %squeeze3A = vector.extract %slice3A[0] : i32 from vector<1xi32>
    %mul3A_66 = arith.constant 32 : i32
    %mul3A_67 = arith.muli %select_n3A_63, %mul3A_66 : i32
    %sub3A_68 = arith.subi %squeeze3A, %mul3A_67 : i32
    %mul3A_69 = arith.constant 2048 : i32
    %mul3A_70 = arith.muli %min3A_24, %mul3A_69 : i32
    %mul3A_71 = arith.constant 32 : i32
    %mul3A_72 = arith.muli %select_n3A_63, %mul3A_71 : i32
    %add3A_73 = arith.addi %mul3A_70, %mul3A_72 : i32
    %lt3A_74 = arith.constant 0 : i32
    %lt3A_75 = arith.constant 32 : i32
    %lt3A_76 = arith.cmpi slt, %lt3A_74, %lt3A_75 : i32
    %gt3A = arith.constant 0 : i32
    %gt3A_77 = arith.cmpi sgt, %sub3A_68, %gt3A : i32
    %and3A_78 = arith.andi %lt3A_76, %gt3A_77 : i1
    %convert_element_type3A = arith.extui %and3A_78 : i1 to i32
    %cond3A = arith.constant 0 : i32
    %cond3A_79 = arith.cmpi ne, %convert_element_type3A, %cond3A : i32
    scf.if %cond3A_79 {
      %dma_start3A = arith.constant 0 : i32
      %dma_start3A_305 = tpu.memref_slice %arg2[%add3A_73, %dma_start3A] : memref<32768x256xf32, #tpu.memory_space<hbm>> -> memref<32x256xf32, #tpu.memory_space<hbm>>
      %dma_start3A_306 = arith.constant 0 : i32
      %dma_start3A_307 = tpu.memref_slice %arg2[%add3A_73, %dma_start3A_306] : memref<32768x256xf32, #tpu.memory_space<hbm>> -> memref<32x256xf32, #tpu.memory_space<hbm>>
      tpu.enqueue_dma source(%dma_start3A_307 : memref<32x256xf32, #tpu.memory_space<hbm>>) target(%arg7 : memref<32x256xf32, #tpu.memory_space<vmem>>) target_semaphore(%arg20 : memref<!tpu.dma_semaphore, #tpu.memory_space<semaphore_mem>>)
      %dma_start3A_308 = arith.constant 0 : i32
      %dma_start3A_309 = tpu.memref_slice %arg4[%add3A_73, %dma_start3A_308] : memref<32768x256xf32, #tpu.memory_space<hbm>> -> memref<32x256xf32, #tpu.memory_space<hbm>>
      %dma_start3A_310 = arith.constant 0 : i32
      %dma_start3A_311 = tpu.memref_slice %arg4[%add3A_73, %dma_start3A_310] : memref<32768x256xf32, #tpu.memory_space<hbm>> -> memref<32x256xf32, #tpu.memory_space<hbm>>
      tpu.enqueue_dma source(%dma_start3A_311 : memref<32x256xf32, #tpu.memory_space<hbm>>) target(%arg11 : memref<32x256xf32, #tpu.memory_space<vmem>>) target_semaphore(%arg20 : memref<!tpu.dma_semaphore, #tpu.memory_space<semaphore_mem>>)
    } else {
    }
    %jit3A_80 = arith.constant 1 : i32
    %jit3A_81 = arith.constant 2 : i32
    %div3A_82 = arith.divsi %jit3A_80, %jit3A_81 : i32
    %sign3A_83 = arith.constant 0 : i32
    %sign3A_84 = arith.cmpi sgt, %jit3A_80, %sign3A_83 : i32
    %sign3A_85 = arith.extui %sign3A_84 : i1 to i32
    %sign3A_86 = arith.constant 0 : i32
    %sign3A_87 = arith.cmpi slt, %jit3A_80, %sign3A_86 : i32
    %sign3A_88 = arith.extui %sign3A_87 : i1 to i32
    %sign3A_89 = arith.subi %sign3A_85, %sign3A_88 : i32
    %sign3A_90 = arith.constant 0 : i32
    %sign3A_91 = arith.cmpi sgt, %jit3A_81, %sign3A_90 : i32
    %sign3A_92 = arith.extui %sign3A_91 : i1 to i32
    %sign3A_93 = arith.constant 0 : i32
    %sign3A_94 = arith.cmpi slt, %jit3A_81, %sign3A_93 : i32
    %sign3A_95 = arith.extui %sign3A_94 : i1 to i32
    %sign3A_96 = arith.subi %sign3A_92, %sign3A_95 : i32
    %ne3A_97 = arith.cmpi ne, %sign3A_89, %sign3A_96 : i32
    %rem3A_98 = arith.remsi %jit3A_80, %jit3A_81 : i32
    %ne3A_99 = arith.constant 0 : i32
    %ne3A_100 = arith.cmpi ne, %rem3A_98, %ne3A_99 : i32
    %and3A_101 = arith.andi %ne3A_97, %ne3A_100 : i1
    %sub3A_102 = arith.constant 1 : i32
    %sub3A_103 = arith.subi %div3A_82, %sub3A_102 : i32
    %select_n3A_104 = arith.select %and3A_101, %sub3A_103, %div3A_82 : i32
    %min3A_105 = arith.constant 15 : i32
    %min3A_106 = arith.minsi %select_n3A_104, %min3A_105 : i32
    %add3A_107 = arith.addi %add3A, %min3A_106 : i32
    %mul3A_108 = arith.constant 2 : i32
    %mul3A_109 = arith.muli %mul3A_108, %add3A_107 : i32
    %jit3A_110 = arith.constant 64 : i32
    %eq3A_111 = arith.constant 0 : i32
    %eq3A_112 = arith.cmpi eq, %jit3A_110, %eq3A_111 : i32
    %jit3A_113 = arith.constant 1 : i32
    %select_n3A_114 = arith.select %eq3A_112, %jit3A_113, %jit3A_110 : i32
    %rem3A_115 = arith.remsi %mul3A_109, %select_n3A_114 : i32
    %ne3A_116 = arith.constant 0 : i32
    %ne3A_117 = arith.cmpi ne, %rem3A_115, %ne3A_116 : i32
    %lt3A_118 = arith.constant 0 : i32
    %lt3A_119 = arith.cmpi slt, %rem3A_115, %lt3A_118 : i32
    %lt3A_120 = arith.constant 0 : i32
    %lt3A_121 = arith.cmpi slt, %select_n3A_114, %lt3A_120 : i32
    %ne3A_122 = arith.xori %lt3A_119, %lt3A_121 : i1
    %and3A_123 = arith.andi %ne3A_122, %ne3A_117 : i1
    %add3A_124 = arith.addi %rem3A_115, %select_n3A_114 : i32
    %select_n3A_125 = arith.select %and3A_123, %add3A_124, %rem3A_115 : i32
    %jit3A_126 = arith.constant 1 : i32
    %jit3A_127 = arith.constant 2 : i32
    %eq3A_128 = arith.constant 0 : i32
    %eq3A_129 = arith.cmpi eq, %jit3A_127, %eq3A_128 : i32
    %jit3A_130 = arith.constant 1 : i32
    %select_n3A_131 = arith.select %eq3A_129, %jit3A_130, %jit3A_127 : i32
    %rem3A_132 = arith.remsi %jit3A_126, %select_n3A_131 : i32
    %ne3A_133 = arith.constant 0 : i32
    %ne3A_134 = arith.cmpi ne, %rem3A_132, %ne3A_133 : i32
    %lt3A_135 = arith.constant 0 : i32
    %lt3A_136 = arith.cmpi slt, %rem3A_132, %lt3A_135 : i32
    %lt3A_137 = arith.constant 0 : i32
    %lt3A_138 = arith.cmpi slt, %select_n3A_131, %lt3A_137 : i32
    %ne3A_139 = arith.xori %lt3A_136, %lt3A_138 : i1
    %and3A_140 = arith.andi %ne3A_139, %ne3A_134 : i1
    %add3A_141 = arith.addi %rem3A_132, %select_n3A_131 : i32
    %select_n3A_142 = arith.select %and3A_140, %add3A_141, %rem3A_132 : i32
    %eq3A_143 = arith.constant 0 : i32
    %eq3A_144 = arith.cmpi eq, %select_n3A_142, %eq3A_143 : i32
    %sub3A_145 = arith.constant 63 : i32
    %sub3A_146 = arith.subi %sub3A_145, %select_n3A_125 : i32
    %select_n3A_147 = arith.select %eq3A_144, %select_n3A_125, %sub3A_146 : i32
    %get3A_148 = arith.index_cast %min3A_106 : i32 to index
    %get3A_149 = tpu.vector_load %arg6[%get3A_148] {strides = array<i32>} : memref<32xi32, #tpu.memory_space<vmem>>, vector<16xi32>,
    %get3A_150 = vector.shape_cast %get3A_149 : vector<16xi32> to vector<16xi32>
    %slice3A_151 = vector.extract_strided_slice %get3A_150 {offsets = [0], sizes = [1], strides = [1]} : vector<16xi32> to vector<1xi32>
    %squeeze3A_152 = vector.extract %slice3A_151[0] : i32 from vector<1xi32>
    %mul3A_153 = arith.constant 32 : i32
    %mul3A_154 = arith.muli %select_n3A_147, %mul3A_153 : i32
    %sub3A_155 = arith.subi %squeeze3A_152, %mul3A_154 : i32
    %mul3A_156 = arith.constant 2048 : i32
    %mul3A_157 = arith.muli %min3A_106, %mul3A_156 : i32
    %mul3A_158 = arith.constant 32 : i32
    %mul3A_159 = arith.muli %select_n3A_147, %mul3A_158 : i32
    %add3A_160 = arith.addi %mul3A_157, %mul3A_159 : i32
    %lt3A_161 = arith.constant 1 : i32
    %lt3A_162 = arith.constant 32 : i32
    %lt3A_163 = arith.cmpi slt, %lt3A_161, %lt3A_162 : i32
    %gt3A_164 = arith.constant 0 : i32
    %gt3A_165 = arith.cmpi sgt, %sub3A_155, %gt3A_164 : i32
    %and3A_166 = arith.andi %lt3A_163, %gt3A_165 : i1
    %convert_element_type3A_167 = arith.extui %and3A_166 : i1 to i32
    %cond3A_168 = arith.constant 0 : i32
    %cond3A_169 = arith.cmpi ne, %convert_element_type3A_167, %cond3A_168 : i32
    scf.if %cond3A_169 {
      %dma_start3A = arith.constant 0 : i32
      %dma_start3A_305 = tpu.memref_slice %arg2[%add3A_160, %dma_start3A] : memref<32768x256xf32, #tpu.memory_space<hbm>> -> memref<32x256xf32, #tpu.memory_space<hbm>>
      %dma_start3A_306 = arith.constant 0 : i32
      %dma_start3A_307 = tpu.memref_slice %arg2[%add3A_160, %dma_start3A_306] : memref<32768x256xf32, #tpu.memory_space<hbm>> -> memref<32x256xf32, #tpu.memory_space<hbm>>
      tpu.enqueue_dma source(%dma_start3A_307 : memref<32x256xf32, #tpu.memory_space<hbm>>) target(%arg8 : memref<32x256xf32, #tpu.memory_space<vmem>>) target_semaphore(%arg21 : memref<!tpu.dma_semaphore, #tpu.memory_space<semaphore_mem>>)
      %dma_start3A_308 = arith.constant 0 : i32
      %dma_start3A_309 = tpu.memref_slice %arg4[%add3A_160, %dma_start3A_308] : memref<32768x256xf32, #tpu.memory_space<hbm>> -> memref<32x256xf32, #tpu.memory_space<hbm>>
      %dma_start3A_310 = arith.constant 0 : i32
      %dma_start3A_311 = tpu.memref_slice %arg4[%add3A_160, %dma_start3A_310] : memref<32768x256xf32, #tpu.memory_space<hbm>> -> memref<32x256xf32, #tpu.memory_space<hbm>>
      tpu.enqueue_dma source(%dma_start3A_311 : memref<32x256xf32, #tpu.memory_space<hbm>>) target(%arg12 : memref<32x256xf32, #tpu.memory_space<vmem>>) target_semaphore(%arg21 : memref<!tpu.dma_semaphore, #tpu.memory_space<semaphore_mem>>)
    } else {
    }
    %jit3A_170 = arith.constant 2 : i32
    %jit3A_171 = arith.constant 2 : i32
    %div3A_172 = arith.divsi %jit3A_170, %jit3A_171 : i32
    %sign3A_173 = arith.constant 0 : i32
    %sign3A_174 = arith.cmpi sgt, %jit3A_170, %sign3A_173 : i32
    %sign3A_175 = arith.extui %sign3A_174 : i1 to i32
    %sign3A_176 = arith.constant 0 : i32
    %sign3A_177 = arith.cmpi slt, %jit3A_170, %sign3A_176 : i32
    %sign3A_178 = arith.extui %sign3A_177 : i1 to i32
    %sign3A_179 = arith.subi %sign3A_175, %sign3A_178 : i32
    %sign3A_180 = arith.constant 0 : i32
    %sign3A_181 = arith.cmpi sgt, %jit3A_171, %sign3A_180 : i32
    %sign3A_182 = arith.extui %sign3A_181 : i1 to i32
    %sign3A_183 = arith.constant 0 : i32
    %sign3A_184 = arith.cmpi slt, %jit3A_171, %sign3A_183 : i32
    %sign3A_185 = arith.extui %sign3A_184 : i1 to i32
    %sign3A_186 = arith.subi %sign3A_182, %sign3A_185 : i32
    %ne3A_187 = arith.cmpi ne, %sign3A_179, %sign3A_186 : i32
    %rem3A_188 = arith.remsi %jit3A_170, %jit3A_171 : i32
    %ne3A_189 = arith.constant 0 : i32
    %ne3A_190 = arith.cmpi ne, %rem3A_188, %ne3A_189 : i32
    %and3A_191 = arith.andi %ne3A_187, %ne3A_190 : i1
    %sub3A_192 = arith.constant 1 : i32
    %sub3A_193 = arith.subi %div3A_172, %sub3A_192 : i32
    %select_n3A_194 = arith.select %and3A_191, %sub3A_193, %div3A_172 : i32
    %min3A_195 = arith.constant 15 : i32
    %min3A_196 = arith.minsi %select_n3A_194, %min3A_195 : i32
    %add3A_197 = arith.addi %add3A, %min3A_196 : i32
    %mul3A_198 = arith.constant 2 : i32
    %mul3A_199 = arith.muli %mul3A_198, %add3A_197 : i32
    %jit3A_200 = arith.constant 64 : i32
    %eq3A_201 = arith.constant 0 : i32
    %eq3A_202 = arith.cmpi eq, %jit3A_200, %eq3A_201 : i32
    %jit3A_203 = arith.constant 1 : i32
    %select_n3A_204 = arith.select %eq3A_202, %jit3A_203, %jit3A_200 : i32
    %rem3A_205 = arith.remsi %mul3A_199, %select_n3A_204 : i32
    %ne3A_206 = arith.constant 0 : i32
    %ne3A_207 = arith.cmpi ne, %rem3A_205, %ne3A_206 : i32
    %lt3A_208 = arith.constant 0 : i32
    %lt3A_209 = arith.cmpi slt, %rem3A_205, %lt3A_208 : i32
    %lt3A_210 = arith.constant 0 : i32
    %lt3A_211 = arith.cmpi slt, %select_n3A_204, %lt3A_210 : i32
    %ne3A_212 = arith.xori %lt3A_209, %lt3A_211 : i1
    %and3A_213 = arith.andi %ne3A_212, %ne3A_207 : i1
    %add3A_214 = arith.addi %rem3A_205, %select_n3A_204 : i32
    %select_n3A_215 = arith.select %and3A_213, %add3A_214, %rem3A_205 : i32
    %jit3A_216 = arith.constant 2 : i32
    %jit3A_217 = arith.constant 2 : i32
    %eq3A_218 = arith.constant 0 : i32
    %eq3A_219 = arith.cmpi eq, %jit3A_217, %eq3A_218 : i32
    %jit3A_220 = arith.constant 1 : i32
    %select_n3A_221 = arith.select %eq3A_219, %jit3A_220, %jit3A_217 : i32
    %rem3A_222 = arith.remsi %jit3A_216, %select_n3A_221 : i32
    %ne3A_223 = arith.constant 0 : i32
    %ne3A_224 = arith.cmpi ne, %rem3A_222, %ne3A_223 : i32
    %lt3A_225 = arith.constant 0 : i32
    %lt3A_226 = arith.cmpi slt, %rem3A_222, %lt3A_225 : i32
    %lt3A_227 = arith.constant 0 : i32
    %lt3A_228 = arith.cmpi slt, %select_n3A_221, %lt3A_227 : i32
    %ne3A_229 = arith.xori %lt3A_226, %lt3A_228 : i1
    %and3A_230 = arith.andi %ne3A_229, %ne3A_224 : i1
    %add3A_231 = arith.addi %rem3A_222, %select_n3A_221 : i32
    %select_n3A_232 = arith.select %and3A_230, %add3A_231, %rem3A_222 : i32
    %eq3A_233 = arith.constant 0 : i32
    %eq3A_234 = arith.cmpi eq, %select_n3A_232, %eq3A_233 : i32
    %sub3A_235 = arith.constant 63 : i32
    %sub3A_236 = arith.subi %sub3A_235, %select_n3A_215 : i32
    %select_n3A_237 = arith.select %eq3A_234, %select_n3A_215, %sub3A_236 : i32
    %get3A_238 = arith.index_cast %min3A_196 : i32 to index
    %get3A_239 = tpu.vector_load %arg6[%get3A_238] {strides = array<i32>} : memref<32xi32, #tpu.memory_space<vmem>>, vector<16xi32>,
    %get3A_240 = vector.shape_cast %get3A_239 : vector<16xi32> to vector<16xi32>
    %slice3A_241 = vector.extract_strided_slice %get3A_240 {offsets = [0], sizes = [1], strides = [1]} : vector<16xi32> to vector<1xi32>
    %squeeze3A_242 = vector.extract %slice3A_241[0] : i32 from vector<1xi32>
    %mul3A_243 = arith.constant 32 : i32
    %mul3A_244 = arith.muli %select_n3A_237, %mul3A_243 : i32
    %sub3A_245 = arith.subi %squeeze3A_242, %mul3A_244 : i32
    %mul3A_246 = arith.constant 2048 : i32
    %mul3A_247 = arith.muli %min3A_196, %mul3A_246 : i32
    %mul3A_248 = arith.constant 32 : i32
    %mul3A_249 = arith.muli %select_n3A_237, %mul3A_248 : i32
    %add3A_250 = arith.addi %mul3A_247, %mul3A_249 : i32
    %lt3A_251 = arith.constant 2 : i32
    %lt3A_252 = arith.constant 32 : i32
    %lt3A_253 = arith.cmpi slt, %lt3A_251, %lt3A_252 : i32
    %gt3A_254 = arith.constant 0 : i32
    %gt3A_255 = arith.cmpi sgt, %sub3A_245, %gt3A_254 : i32
    %and3A_256 = arith.andi %lt3A_253, %gt3A_255 : i1
    %convert_element_type3A_257 = arith.extui %and3A_256 : i1 to i32
    %cond3A_258 = arith.constant 0 : i32
    %cond3A_259 = arith.cmpi ne, %convert_element_type3A_257, %cond3A_258 : i32
    scf.if %cond3A_259 {
      %dma_start3A = arith.constant 0 : i32
      %dma_start3A_305 = tpu.memref_slice %arg2[%add3A_250, %dma_start3A] : memref<32768x256xf32, #tpu.memory_space<hbm>> -> memref<32x256xf32, #tpu.memory_space<hbm>>
      %dma_start3A_306 = arith.constant 0 : i32
      %dma_start3A_307 = tpu.memref_slice %arg2[%add3A_250, %dma_start3A_306] : memref<32768x256xf32, #tpu.memory_space<hbm>> -> memref<32x256xf32, #tpu.memory_space<hbm>>
      tpu.enqueue_dma source(%dma_start3A_307 : memref<32x256xf32, #tpu.memory_space<hbm>>) target(%arg9 : memref<32x256xf32, #tpu.memory_space<vmem>>) target_semaphore(%arg22 : memref<!tpu.dma_semaphore, #tpu.memory_space<semaphore_mem>>)
      %dma_start3A_308 = arith.constant 0 : i32
      %dma_start3A_309 = tpu.memref_slice %arg4[%add3A_250, %dma_start3A_308] : memref<32768x256xf32, #tpu.memory_space<hbm>> -> memref<32x256xf32, #tpu.memory_space<hbm>>
      %dma_start3A_310 = arith.constant 0 : i32
      %dma_start3A_311 = tpu.memref_slice %arg4[%add3A_250, %dma_start3A_310] : memref<32768x256xf32, #tpu.memory_space<hbm>> -> memref<32x256xf32, #tpu.memory_space<hbm>>
      tpu.enqueue_dma source(%dma_start3A_311 : memref<32x256xf32, #tpu.memory_space<hbm>>) target(%arg13 : memref<32x256xf32, #tpu.memory_space<vmem>>) target_semaphore(%arg22 : memref<!tpu.dma_semaphore, #tpu.memory_space<semaphore_mem>>)
    } else {
    }
    %scan3A_260 = arith.constant 0 : i32
    %scan3A_261 = arith.constant 0 : i32
    %scan3A_262 = arith.constant 0 : i32
    %scan3A_263 = arith.constant 8 : i32
    %scan3A_264 = arith.addi %scan3A_262, %scan3A_263 : i32
    %scan3A_265 = arith.constant 1 : i32
    %scan3A_266:2 = scf.for %scan3A_305 = %scan3A_262 to %scan3A_264 step %scan3A_265 iter_args(%scan3A_306 = %scan3A_260, %scan3A_307 = %scan3A_261) -> (i32, i32)  : i32 {
      %mul3A_308 = arith.constant 4 : i32
      %mul3A_309 = arith.muli %scan3A_305, %mul3A_308 : i32
      %add3A_310 = arith.constant 0 : i32
      %add3A_311 = arith.addi %mul3A_309, %add3A_310 : i32
      %add3A_312 = arith.constant 3 : i32
      %add3A_313 = arith.addi %add3A_311, %add3A_312 : i32
      %jit3A_314 = arith.constant 2 : i32
      %div3A_315 = arith.divsi %add3A_313, %jit3A_314 : i32
      %sign3A_316 = arith.constant 0 : i32
      %sign3A_317 = arith.cmpi sgt, %add3A_313, %sign3A_316 : i32
      %sign3A_318 = arith.extui %sign3A_317 : i1 to i32
      %sign3A_319 = arith.constant 0 : i32
      %sign3A_320 = arith.cmpi slt, %add3A_313, %sign3A_319 : i32
      %sign3A_321 = arith.extui %sign3A_320 : i1 to i32
      %sign3A_322 = arith.subi %sign3A_318, %sign3A_321 : i32
      %sign3A_323 = arith.constant 0 : i32
      %sign3A_324 = arith.cmpi sgt, %jit3A_314, %sign3A_323 : i32
      %sign3A_325 = arith.extui %sign3A_324 : i1 to i32
      %sign3A_326 = arith.constant 0 : i32
      %sign3A_327 = arith.cmpi slt, %jit3A_314, %sign3A_326 : i32
      %sign3A_328 = arith.extui %sign3A_327 : i1 to i32
      %sign3A_329 = arith.subi %sign3A_325, %sign3A_328 : i32
      %ne3A_330 = arith.cmpi ne, %sign3A_322, %sign3A_329 : i32
      %rem3A_331 = arith.remsi %add3A_313, %jit3A_314 : i32
      %ne3A_332 = arith.constant 0 : i32
      %ne3A_333 = arith.cmpi ne, %rem3A_331, %ne3A_332 : i32
      %and3A_334 = arith.andi %ne3A_330, %ne3A_333 : i1
      %sub3A_335 = arith.constant 1 : i32
      %sub3A_336 = arith.subi %div3A_315, %sub3A_335 : i32
      %select_n3A_337 = arith.select %and3A_334, %sub3A_336, %div3A_315 : i32
      %min3A_338 = arith.constant 15 : i32
      %min3A_339 = arith.minsi %select_n3A_337, %min3A_338 : i32
      %add3A_340 = arith.addi %add3A, %min3A_339 : i32
      %mul3A_341 = arith.constant 2 : i32
      %mul3A_342 = arith.muli %mul3A_341, %add3A_340 : i32
      %jit3A_343 = arith.constant 64 : i32
      %eq3A_344 = arith.constant 0 : i32
      %eq3A_345 = arith.cmpi eq, %jit3A_343, %eq3A_344 : i32
      %jit3A_346 = arith.constant 1 : i32
      %select_n3A_347 = arith.select %eq3A_345, %jit3A_346, %jit3A_343 : i32
      %rem3A_348 = arith.remsi %mul3A_342, %select_n3A_347 : i32
      %ne3A_349 = arith.constant 0 : i32
      %ne3A_350 = arith.cmpi ne, %rem3A_348, %ne3A_349 : i32
      %lt3A_351 = arith.constant 0 : i32
      %lt3A_352 = arith.cmpi slt, %rem3A_348, %lt3A_351 : i32
      %lt3A_353 = arith.constant 0 : i32
      %lt3A_354 = arith.cmpi slt, %select_n3A_347, %lt3A_353 : i32
      %ne3A_355 = arith.xori %lt3A_352, %lt3A_354 : i1
      %and3A_356 = arith.andi %ne3A_355, %ne3A_350 : i1
      %add3A_357 = arith.addi %rem3A_348, %select_n3A_347 : i32
      %select_n3A_358 = arith.select %and3A_356, %add3A_357, %rem3A_348 : i32
      %jit3A_359 = arith.constant 2 : i32
      %eq3A_360 = arith.constant 0 : i32
      %eq3A_361 = arith.cmpi eq, %jit3A_359, %eq3A_360 : i32
      %jit3A_362 = arith.constant 1 : i32
      %select_n3A_363 = arith.select %eq3A_361, %jit3A_362, %jit3A_359 : i32
      %rem3A_364 = arith.remsi %add3A_313, %select_n3A_363 : i32
      %ne3A_365 = arith.constant 0 : i32
      %ne3A_366 = arith.cmpi ne, %rem3A_364, %ne3A_365 : i32
      %lt3A_367 = arith.constant 0 : i32
      %lt3A_368 = arith.cmpi slt, %rem3A_364, %lt3A_367 : i32
      %lt3A_369 = arith.constant 0 : i32
      %lt3A_370 = arith.cmpi slt, %select_n3A_363, %lt3A_369 : i32
      %ne3A_371 = arith.xori %lt3A_368, %lt3A_370 : i1
      %and3A_372 = arith.andi %ne3A_371, %ne3A_366 : i1
      %add3A_373 = arith.addi %rem3A_364, %select_n3A_363 : i32
      %select_n3A_374 = arith.select %and3A_372, %add3A_373, %rem3A_364 : i32
      %eq3A_375 = arith.constant 0 : i32
      %eq3A_376 = arith.cmpi eq, %select_n3A_374, %eq3A_375 : i32
      %sub3A_377 = arith.constant 63 : i32
      %sub3A_378 = arith.subi %sub3A_377, %select_n3A_358 : i32
      %select_n3A_379 = arith.select %eq3A_376, %select_n3A_358, %sub3A_378 : i32
      %get3A_380 = arith.index_cast %min3A_339 : i32 to index
      %get3A_381 = tpu.vector_load %arg6[%get3A_380] {strides = array<i32>} : memref<32xi32, #tpu.memory_space<vmem>>, vector<16xi32>,
      %get3A_382 = vector.shape_cast %get3A_381 : vector<16xi32> to vector<16xi32>
      %slice3A_383 = vector.extract_strided_slice %get3A_382 {offsets = [0], sizes = [1], strides = [1]} : vector<16xi32> to vector<1xi32>
      %squeeze3A_384 = vector.extract %slice3A_383[0] : i32 from vector<1xi32>
      %mul3A_385 = arith.constant 32 : i32
      %mul3A_386 = arith.muli %select_n3A_379, %mul3A_385 : i32
      %sub3A_387 = arith.subi %squeeze3A_384, %mul3A_386 : i32
      %mul3A_388 = arith.constant 2048 : i32
      %mul3A_389 = arith.muli %min3A_339, %mul3A_388 : i32
      %mul3A_390 = arith.constant 32 : i32
      %mul3A_391 = arith.muli %select_n3A_379, %mul3A_390 : i32
      %add3A_392 = arith.addi %mul3A_389, %mul3A_391 : i32
      %lt3A_393 = arith.constant 32 : i32
      %lt3A_394 = arith.cmpi slt, %add3A_313, %lt3A_393 : i32
      %gt3A_395 = arith.constant 0 : i32
      %gt3A_396 = arith.cmpi sgt, %sub3A_387, %gt3A_395 : i32
      %and3A_397 = arith.andi %lt3A_394, %gt3A_396 : i1
      %convert_element_type3A_398 = arith.extui %and3A_397 : i1 to i32
      %cond3A_399 = arith.constant 0 : i32
      %cond3A_400 = arith.cmpi ne, %convert_element_type3A_398, %cond3A_399 : i32
      scf.if %cond3A_400 {
        %dma_start3A = arith.constant 0 : i32
        %dma_start3A_1074 = tpu.memref_slice %arg2[%add3A_392, %dma_start3A] : memref<32768x256xf32, #tpu.memory_space<hbm>> -> memref<32x256xf32, #tpu.memory_space<hbm>>
        %dma_start3A_1075 = arith.constant 0 : i32
        %dma_start3A_1076 = tpu.memref_slice %arg2[%add3A_392, %dma_start3A_1075] : memref<32768x256xf32, #tpu.memory_space<hbm>> -> memref<32x256xf32, #tpu.memory_space<hbm>>
        tpu.enqueue_dma source(%dma_start3A_1076 : memref<32x256xf32, #tpu.memory_space<hbm>>) target(%arg10 : memref<32x256xf32, #tpu.memory_space<vmem>>) target_semaphore(%arg23 : memref<!tpu.dma_semaphore, #tpu.memory_space<semaphore_mem>>)
        %dma_start3A_1077 = arith.constant 0 : i32
        %dma_start3A_1078 = tpu.memref_slice %arg4[%add3A_392, %dma_start3A_1077] : memref<32768x256xf32, #tpu.memory_space<hbm>> -> memref<32x256xf32, #tpu.memory_space<hbm>>
        %dma_start3A_1079 = arith.constant 0 : i32
        %dma_start3A_1080 = tpu.memref_slice %arg4[%add3A_392, %dma_start3A_1079] : memref<32768x256xf32, #tpu.memory_space<hbm>> -> memref<32x256xf32, #tpu.memory_space<hbm>>
        tpu.enqueue_dma source(%dma_start3A_1080 : memref<32x256xf32, #tpu.memory_space<hbm>>) target(%arg14 : memref<32x256xf32, #tpu.memory_space<vmem>>) target_semaphore(%arg23 : memref<!tpu.dma_semaphore, #tpu.memory_space<semaphore_mem>>)
      } else {
      }
      %jit3A_401 = arith.constant 2 : i32
      %div3A_402 = arith.divsi %add3A_311, %jit3A_401 : i32
      %sign3A_403 = arith.constant 0 : i32
      %sign3A_404 = arith.cmpi sgt, %add3A_311, %sign3A_403 : i32
      %sign3A_405 = arith.extui %sign3A_404 : i1 to i32
      %sign3A_406 = arith.constant 0 : i32
      %sign3A_407 = arith.cmpi slt, %add3A_311, %sign3A_406 : i32
      %sign3A_408 = arith.extui %sign3A_407 : i1 to i32
      %sign3A_409 = arith.subi %sign3A_405, %sign3A_408 : i32
      %sign3A_410 = arith.constant 0 : i32
      %sign3A_411 = arith.cmpi sgt, %jit3A_401, %sign3A_410 : i32
      %sign3A_412 = arith.extui %sign3A_411 : i1 to i32
      %sign3A_413 = arith.constant 0 : i32
      %sign3A_414 = arith.cmpi slt, %jit3A_401, %sign3A_413 : i32
      %sign3A_415 = arith.extui %sign3A_414 : i1 to i32
      %sign3A_416 = arith.subi %sign3A_412, %sign3A_415 : i32
      %ne3A_417 = arith.cmpi ne, %sign3A_409, %sign3A_416 : i32
      %rem3A_418 = arith.remsi %add3A_311, %jit3A_401 : i32
      %ne3A_419 = arith.constant 0 : i32
      %ne3A_420 = arith.cmpi ne, %rem3A_418, %ne3A_419 : i32
      %and3A_421 = arith.andi %ne3A_417, %ne3A_420 : i1
      %sub3A_422 = arith.constant 1 : i32
      %sub3A_423 = arith.subi %div3A_402, %sub3A_422 : i32
      %select_n3A_424 = arith.select %and3A_421, %sub3A_423, %div3A_402 : i32
      %min3A_425 = arith.constant 15 : i32
      %min3A_426 = arith.minsi %select_n3A_424, %min3A_425 : i32
      %add3A_427 = arith.addi %add3A, %min3A_426 : i32
      %mul3A_428 = arith.constant 2 : i32
      %mul3A_429 = arith.muli %mul3A_428, %add3A_427 : i32
      %jit3A_430 = arith.constant 64 : i32
      %eq3A_431 = arith.constant 0 : i32
      %eq3A_432 = arith.cmpi eq, %jit3A_430, %eq3A_431 : i32
      %jit3A_433 = arith.constant 1 : i32
      %select_n3A_434 = arith.select %eq3A_432, %jit3A_433, %jit3A_430 : i32
      %rem3A_435 = arith.remsi %mul3A_429, %select_n3A_434 : i32
      %ne3A_436 = arith.constant 0 : i32
      %ne3A_437 = arith.cmpi ne, %rem3A_435, %ne3A_436 : i32
      %lt3A_438 = arith.constant 0 : i32
      %lt3A_439 = arith.cmpi slt, %rem3A_435, %lt3A_438 : i32
      %lt3A_440 = arith.constant 0 : i32
      %lt3A_441 = arith.cmpi slt, %select_n3A_434, %lt3A_440 : i32
      %ne3A_442 = arith.xori %lt3A_439, %lt3A_441 : i1
      %and3A_443 = arith.andi %ne3A_442, %ne3A_437 : i1
      %add3A_444 = arith.addi %rem3A_435, %select_n3A_434 : i32
      %select_n3A_445 = arith.select %and3A_443, %add3A_444, %rem3A_435 : i32
      %jit3A_446 = arith.constant 2 : i32
      %eq3A_447 = arith.constant 0 : i32
      %eq3A_448 = arith.cmpi eq, %jit3A_446, %eq3A_447 : i32
      %jit3A_449 = arith.constant 1 : i32
      %select_n3A_450 = arith.select %eq3A_448, %jit3A_449, %jit3A_446 : i32
      %rem3A_451 = arith.remsi %add3A_311, %select_n3A_450 : i32
      %ne3A_452 = arith.constant 0 : i32
      %ne3A_453 = arith.cmpi ne, %rem3A_451, %ne3A_452 : i32
      %lt3A_454 = arith.constant 0 : i32
      %lt3A_455 = arith.cmpi slt, %rem3A_451, %lt3A_454 : i32
      %lt3A_456 = arith.constant 0 : i32
      %lt3A_457 = arith.cmpi slt, %select_n3A_450, %lt3A_456 : i32
      %ne3A_458 = arith.xori %lt3A_455, %lt3A_457 : i1
      %and3A_459 = arith.andi %ne3A_458, %ne3A_453 : i1
      %add3A_460 = arith.addi %rem3A_451, %select_n3A_450 : i32
      %select_n3A_461 = arith.select %and3A_459, %add3A_460, %rem3A_451 : i32
      %eq3A_462 = arith.constant 0 : i32
      %eq3A_463 = arith.cmpi eq, %select_n3A_461, %eq3A_462 : i32
      %sub3A_464 = arith.constant 63 : i32
      %sub3A_465 = arith.subi %sub3A_464, %select_n3A_445 : i32
      %select_n3A_466 = arith.select %eq3A_463, %select_n3A_445, %sub3A_465 : i32
      %get3A_467 = arith.index_cast %min3A_426 : i32 to index
      %get3A_468 = tpu.vector_load %arg6[%get3A_467] {strides = array<i32>} : memref<32xi32, #tpu.memory_space<vmem>>, vector<16xi32>,
      %get3A_469 = vector.shape_cast %get3A_468 : vector<16xi32> to vector<16xi32>
      %slice3A_470 = vector.extract_strided_slice %get3A_469 {offsets = [0], sizes = [1], strides = [1]} : vector<16xi32> to vector<1xi32>
      %squeeze3A_471 = vector.extract %slice3A_470[0] : i32 from vector<1xi32>
      %mul3A_472 = arith.constant 32 : i32
      %mul3A_473 = arith.muli %select_n3A_466, %mul3A_472 : i32
      %sub3A_474 = arith.subi %squeeze3A_471, %mul3A_473 : i32
      %mul3A_475 = arith.constant 2048 : i32
      %mul3A_476 = arith.muli %min3A_426, %mul3A_475 : i32
      %mul3A_477 = arith.constant 32 : i32
      %mul3A_478 = arith.muli %select_n3A_466, %mul3A_477 : i32
      %add3A_479 = arith.addi %mul3A_476, %mul3A_478 : i32
      %gt3A_480 = arith.constant 0 : i32
      %gt3A_481 = arith.cmpi sgt, %sub3A_474, %gt3A_480 : i32
      %and3A_482 = arith.constant 1 : i32
      %and3A_483 = arith.andi %scan3A_306, %and3A_482 : i32
      %ne3A_484 = arith.constant 0 : i32
      %ne3A_485 = arith.cmpi ne, %and3A_483, %ne3A_484 : i32
      %convert_element_type3A_486 = arith.extui %gt3A_481 : i1 to i32
      %cond3A_487 = arith.constant 0 : i32
      %cond3A_488 = arith.cmpi ne, %convert_element_type3A_486, %cond3A_487 : i32
      scf.if %cond3A_488 {
        %dma_wait3A = arith.constant 0 : i32
        %dma_wait3A_1074 = tpu.memref_slice %arg2[%add3A_479, %dma_wait3A] : memref<32768x256xf32, #tpu.memory_space<hbm>> -> memref<32x256xf32, #tpu.memory_space<hbm>>
        %dma_wait3A_1075 = arith.constant 0 : i32
        %dma_wait3A_1076 = tpu.memref_slice %arg2[%add3A_479, %dma_wait3A_1075] : memref<32768x256xf32, #tpu.memory_space<hbm>> -> memref<32x256xf32, #tpu.memory_space<hbm>>
        tpu.wait_dma2 semaphore(%arg20 : memref<!tpu.dma_semaphore, #tpu.memory_space<semaphore_mem>>) src(%dma_wait3A_1076 : memref<32x256xf32, #tpu.memory_space<hbm>>) dst(%arg7 : memref<32x256xf32, #tpu.memory_space<vmem>>)
        %dma_wait3A_1077 = arith.constant 0 : i32
        %dma_wait3A_1078 = tpu.memref_slice %arg4[%add3A_479, %dma_wait3A_1077] : memref<32768x256xf32, #tpu.memory_space<hbm>> -> memref<32x256xf32, #tpu.memory_space<hbm>>
        %dma_wait3A_1079 = arith.constant 0 : i32
        %dma_wait3A_1080 = tpu.memref_slice %arg4[%add3A_479, %dma_wait3A_1079] : memref<32768x256xf32, #tpu.memory_space<hbm>> -> memref<32x256xf32, #tpu.memory_space<hbm>>
        tpu.wait_dma2 semaphore(%arg20 : memref<!tpu.dma_semaphore, #tpu.memory_space<semaphore_mem>>) src(%dma_wait3A_1080 : memref<32x256xf32, #tpu.memory_space<hbm>>) dst(%arg11 : memref<32x256xf32, #tpu.memory_space<vmem>>)
        %convert_element_type3A_1081 = arith.extui %ne3A_485 : i1 to i32
        %cond3A_1082 = arith.constant 0 : i32
        %cond3A_1083 = arith.cmpi ne, %convert_element_type3A_1081, %cond3A_1082 : i32
        scf.if %cond3A_1083 {
          %dma_wait3A_1096 = arith.constant 0 : i32
          %dma_wait3A_1097 = arith.constant 0 : i32
          %dma_wait3A_1098 = tpu.memref_slice %arg5[%dma_wait3A_1096, %dma_wait3A_1097] : memref<32768x256xf32, #tpu.memory_space<hbm>> -> memref<32x256xf32, #tpu.memory_space<hbm>>
          %dma_wait3A_1099 = arith.constant 0 : i32
          %dma_wait3A_1100 = arith.constant 0 : i32
          %dma_wait3A_1101 = tpu.memref_slice %arg5[%dma_wait3A_1099, %dma_wait3A_1100] : memref<32768x256xf32, #tpu.memory_space<hbm>> -> memref<32x256xf32, #tpu.memory_space<hbm>>
          tpu.wait_dma2 semaphore(%arg24 : memref<!tpu.dma_semaphore, #tpu.memory_space<semaphore_mem>>) src(%arg15 : memref<32x256xf32, #tpu.memory_space<vmem>>) dst(%dma_wait3A_1101 : memref<32x256xf32, #tpu.memory_space<hbm>>)
        } else {
        }
        %ge3A = arith.constant 32 : i32
        %ge3A_1084 = arith.cmpi sge, %sub3A_474, %ge3A : i32
        %convert_element_type3A_1085 = arith.extui %ge3A_1084 : i1 to i32
        %cond3A_1086 = arith.constant 0 : i32
        %cond3A_1087 = arith.cmpi ne, %convert_element_type3A_1085, %cond3A_1086 : i32
        scf.if %cond3A_1087 {
          %scan3A_1096 = arith.constant 0 : i32
          %scan3A_1097 = arith.constant 0 : i32
          %scan3A_1098 = arith.constant 32 : i32
          %scan3A_1099 = arith.addi %scan3A_1097, %scan3A_1098 : i32
          %scan3A_1100 = arith.constant 1 : i32
          scf.for %scan3A_1102 = %scan3A_1097 to %scan3A_1099 step %scan3A_1100  : i32 {
            %get3A_1103 = arith.index_cast %scan3A_1102 : i32 to index
            %get3A_1104 = arith.constant 0 : index
            %get3A_1105 = tpu.vector_load %arg7[%get3A_1103, %get3A_1104] {strides = array<i32>} : memref<32x256xf32, #tpu.memory_space<vmem>>, vector<1x16xf32>,
            %get3A_1106 = vector.shape_cast %get3A_1105 : vector<1x16xf32> to vector<16xf32>
            %get3A_1107 = arith.index_cast %scan3A_1102 : i32 to index
            %get3A_1108 = arith.constant 0 : index
            %get3A_1109 = tpu.vector_load %arg11[%get3A_1107, %get3A_1108] {strides = array<i32>} : memref<32x256xf32, #tpu.memory_space<vmem>>, vector<1x16xf32>,
            %get3A_1110 = vector.shape_cast %get3A_1109 : vector<1x16xf32> to vector<16xf32>
            %add3A_1111 = arith.addf %get3A_1106, %get3A_1110 : vector<16xf32>
            %swap3A = arith.index_cast %scan3A_1102 : i32 to index
            %swap3A_1112 = arith.constant 0 : index
            %swap3A_1113 = tpu.vector_load %arg15[%swap3A, %swap3A_1112] {strides = array<i32>} : memref<32x256xf32, #tpu.memory_space<vmem>>, vector<1x16xf32>,
            %swap3A_1114 = vector.shape_cast %swap3A_1113 : vector<1x16xf32> to vector<16xf32>
            %swap3A_1115 = vector.shape_cast %add3A_1111 : vector<16xf32> to vector<1x16xf32>
            tpu.vector_store %arg15[%swap3A, %swap3A_1112], %swap3A_1115 {strides = array<i32>} : memref<32x256xf32, #tpu.memory_space<vmem>>, vector<1x16xf32>,
            %get3A_1116 = arith.index_cast %scan3A_1102 : i32 to index
            %get3A_1117 = arith.constant 16 : index
            %get3A_1118 = tpu.vector_load %arg7[%get3A_1116, %get3A_1117] {strides = array<i32>} : memref<32x256xf32, #tpu.memory_space<vmem>>, vector<1x16xf32>,
            %get3A_1119 = vector.shape_cast %get3A_1118 : vector<1x16xf32> to vector<16xf32>
            %get3A_1120 = arith.index_cast %scan3A_1102 : i32 to index
            %get3A_1121 = arith.constant 16 : index
            %get3A_1122 = tpu.vector_load %arg11[%get3A_1120, %get3A_1121] {strides = array<i32>} : memref<32x256xf32, #tpu.memory_space<vmem>>, vector<1x16xf32>,
            %get3A_1123 = vector.shape_cast %get3A_1122 : vector<1x16xf32> to vector<16xf32>
            %add3A_1124 = arith.addf %get3A_1119, %get3A_1123 : vector<16xf32>
            %swap3A_1125 = arith.index_cast %scan3A_1102 : i32 to index
            %swap3A_1126 = arith.constant 16 : index
            %swap3A_1127 = tpu.vector_load %arg15[%swap3A_1125, %swap3A_1126] {strides = array<i32>} : memref<32x256xf32, #tpu.memory_space<vmem>>, vector<1x16xf32>,
            %swap3A_1128 = vector.shape_cast %swap3A_1127 : vector<1x16xf32> to vector<16xf32>
            %swap3A_1129 = vector.shape_cast %add3A_1124 : vector<16xf32> to vector<1x16xf32>
            tpu.vector_store %arg15[%swap3A_1125, %swap3A_1126], %swap3A_1129 {strides = array<i32>} : memref<32x256xf32, #tpu.memory_space<vmem>>, vector<1x16xf32>,
            %get3A_1130 = arith.index_cast %scan3A_1102 : i32 to index
            %get3A_1131 = arith.constant 32 : index
            %get3A_1132 = tpu.vector_load %arg7[%get3A_1130, %get3A_1131] {strides = array<i32>} : memref<32x256xf32, #tpu.memory_space<vmem>>, vector<1x16xf32>,
            %get3A_1133 = vector.shape_cast %get3A_1132 : vector<1x16xf32> to vector<16xf32>
            %get3A_1134 = arith.index_cast %scan3A_1102 : i32 to index
            %get3A_1135 = arith.constant 32 : index
            %get3A_1136 = tpu.vector_load %arg11[%get3A_1134, %get3A_1135] {strides = array<i32>} : memref<32x256xf32, #tpu.memory_space<vmem>>, vector<1x16xf32>,
            %get3A_1137 = vector.shape_cast %get3A_1136 : vector<1x16xf32> to vector<16xf32>
            %add3A_1138 = arith.addf %get3A_1133, %get3A_1137 : vector<16xf32>
            %swap3A_1139 = arith.index_cast %scan3A_1102 : i32 to index
            %swap3A_1140 = arith.constant 32 : index
            %swap3A_1141 = tpu.vector_load %arg15[%swap3A_1139, %swap3A_1140] {strides = array<i32>} : memref<32x256xf32, #tpu.memory_space<vmem>>, vector<1x16xf32>,
            %swap3A_1142 = vector.shape_cast %swap3A_1141 : vector<1x16xf32> to vector<16xf32>
            %swap3A_1143 = vector.shape_cast %add3A_1138 : vector<16xf32> to vector<1x16xf32>
            tpu.vector_store %arg15[%swap3A_1139, %swap3A_1140], %swap3A_1143 {strides = array<i32>} : memref<32x256xf32, #tpu.memory_space<vmem>>, vector<1x16xf32>,
            %get3A_1144 = arith.index_cast %scan3A_1102 : i32 to index
            %get3A_1145 = arith.constant 48 : index
            %get3A_1146 = tpu.vector_load %arg7[%get3A_1144, %get3A_1145] {strides = array<i32>} : memref<32x256xf32, #tpu.memory_space<vmem>>, vector<1x16xf32>,
            %get3A_1147 = vector.shape_cast %get3A_1146 : vector<1x16xf32> to vector<16xf32>
            %get3A_1148 = arith.index_cast %scan3A_1102 : i32 to index
            %get3A_1149 = arith.constant 48 : index
            %get3A_1150 = tpu.vector_load %arg11[%get3A_1148, %get3A_1149] {strides = array<i32>} : memref<32x256xf32, #tpu.memory_space<vmem>>, vector<1x16xf32>,
            %get3A_1151 = vector.shape_cast %get3A_1150 : vector<1x16xf32> to vector<16xf32>
            %add3A_1152 = arith.addf %get3A_1147, %get3A_1151 : vector<16xf32>
            %swap3A_1153 = arith.index_cast %scan3A_1102 : i32 to index
            %swap3A_1154 = arith.constant 48 : index
            %swap3A_1155 = tpu.vector_load %arg15[%swap3A_1153, %swap3A_1154] {strides = array<i32>} : memref<32x256xf32, #tpu.memory_space<vmem>>, vector<1x16xf32>,
            %swap3A_1156 = vector.shape_cast %swap3A_1155 : vector<1x16xf32> to vector<16xf32>
            %swap3A_1157 = vector.shape_cast %add3A_1152 : vector<16xf32> to vector<1x16xf32>
            tpu.vector_store %arg15[%swap3A_1153, %swap3A_1154], %swap3A_1157 {strides = array<i32>} : memref<32x256xf32, #tpu.memory_space<vmem>>, vector<1x16xf32>,
            %get3A_1158 = arith.index_cast %scan3A_1102 : i32 to index
            %get3A_1159 = arith.constant 64 : index
            %get3A_1160 = tpu.vector_load %arg7[%get3A_1158, %get3A_1159] {strides = array<i32>} : memref<32x256xf32, #tpu.memory_space<vmem>>, vector<1x16xf32>,
            %get3A_1161 = vector.shape_cast %get3A_1160 : vector<1x16xf32> to vector<16xf32>
            %get3A_1162 = arith.index_cast %scan3A_1102 : i32 to index
            %get3A_1163 = arith.constant 64 : index
            %get3A_1164 = tpu.vector_load %arg11[%get3A_1162, %get3A_1163] {strides = array<i32>} : memref<32x256xf32, #tpu.memory_space<vmem>>, vector<1x16xf32>,
            %get3A_1165 = vector.shape_cast %get3A_1164 : vector<1x16xf32> to vector<16xf32>
            %add3A_1166 = arith.addf %get3A_1161, %get3A_1165 : vector<16xf32>
            %swap3A_1167 = arith.index_cast %scan3A_1102 : i32 to index
            %swap3A_1168 = arith.constant 64 : index
            %swap3A_1169 = tpu.vector_load %arg15[%swap3A_1167, %swap3A_1168] {strides = array<i32>} : memref<32x256xf32, #tpu.memory_space<vmem>>, vector<1x16xf32>,
            %swap3A_1170 = vector.shape_cast %swap3A_1169 : vector<1x16xf32> to vector<16xf32>
            %swap3A_1171 = vector.shape_cast %add3A_1166 : vector<16xf32> to vector<1x16xf32>
            tpu.vector_store %arg15[%swap3A_1167, %swap3A_1168], %swap3A_1171 {strides = array<i32>} : memref<32x256xf32, #tpu.memory_space<vmem>>, vector<1x16xf32>,
            %get3A_1172 = arith.index_cast %scan3A_1102 : i32 to index
            %get3A_1173 = arith.constant 80 : index
            %get3A_1174 = tpu.vector_load %arg7[%get3A_1172, %get3A_1173] {strides = array<i32>} : memref<32x256xf32, #tpu.memory_space<vmem>>, vector<1x16xf32>,
            %get3A_1175 = vector.shape_cast %get3A_1174 : vector<1x16xf32> to vector<16xf32>
            %get3A_1176 = arith.index_cast %scan3A_1102 : i32 to index
            %get3A_1177 = arith.constant 80 : index
            %get3A_1178 = tpu.vector_load %arg11[%get3A_1176, %get3A_1177] {strides = array<i32>} : memref<32x256xf32, #tpu.memory_space<vmem>>, vector<1x16xf32>,
            %get3A_1179 = vector.shape_cast %get3A_1178 : vector<1x16xf32> to vector<16xf32>
            %add3A_1180 = arith.addf %get3A_1175, %get3A_1179 : vector<16xf32>
            %swap3A_1181 = arith.index_cast %scan3A_1102 : i32 to index
            %swap3A_1182 = arith.constant 80 : index
            %swap3A_1183 = tpu.vector_load %arg15[%swap3A_1181, %swap3A_1182] {strides = array<i32>} : memref<32x256xf32, #tpu.memory_space<vmem>>, vector<1x16xf32>,
            %swap3A_1184 = vector.shape_cast %swap3A_1183 : vector<1x16xf32> to vector<16xf32>
            %swap3A_1185 = vector.shape_cast %add3A_1180 : vector<16xf32> to vector<1x16xf32>
            tpu.vector_store %arg15[%swap3A_1181, %swap3A_1182], %swap3A_1185 {strides = array<i32>} : memref<32x256xf32, #tpu.memory_space<vmem>>, vector<1x16xf32>,
            %get3A_1186 = arith.index_cast %scan3A_1102 : i32 to index
            %get3A_1187 = arith.constant 96 : index
            %get3A_1188 = tpu.vector_load %arg7[%get3A_1186, %get3A_1187] {strides = array<i32>} : memref<32x256xf32, #tpu.memory_space<vmem>>, vector<1x16xf32>,
            %get3A_1189 = vector.shape_cast %get3A_1188 : vector<1x16xf32> to vector<16xf32>
            %get3A_1190 = arith.index_cast %scan3A_1102 : i32 to index
            %get3A_1191 = arith.constant 96 : index
            %get3A_1192 = tpu.vector_load %arg11[%get3A_1190, %get3A_1191] {strides = array<i32>} : memref<32x256xf32, #tpu.memory_space<vmem>>, vector<1x16xf32>,
            %get3A_1193 = vector.shape_cast %get3A_1192 : vector<1x16xf32> to vector<16xf32>
            %add3A_1194 = arith.addf %get3A_1189, %get3A_1193 : vector<16xf32>
            %swap3A_1195 = arith.index_cast %scan3A_1102 : i32 to index
            %swap3A_1196 = arith.constant 96 : index
            %swap3A_1197 = tpu.vector_load %arg15[%swap3A_1195, %swap3A_1196] {strides = array<i32>} : memref<32x256xf32, #tpu.memory_space<vmem>>, vector<1x16xf32>,
            %swap3A_1198 = vector.shape_cast %swap3A_1197 : vector<1x16xf32> to vector<16xf32>
            %swap3A_1199 = vector.shape_cast %add3A_1194 : vector<16xf32> to vector<1x16xf32>
            tpu.vector_store %arg15[%swap3A_1195, %swap3A_1196], %swap3A_1199 {strides = array<i32>} : memref<32x256xf32, #tpu.memory_space<vmem>>, vector<1x16xf32>,
            %get3A_1200 = arith.index_cast %scan3A_1102 : i32 to index
            %get3A_1201 = arith.constant 112 : index
            %get3A_1202 = tpu.vector_load %arg7[%get3A_1200, %get3A_1201] {strides = array<i32>} : memref<32x256xf32, #tpu.memory_space<vmem>>, vector<1x16xf32>,
            %get3A_1203 = vector.shape_cast %get3A_1202 : vector<1x16xf32> to vector<16xf32>
            %get3A_1204 = arith.index_cast %scan3A_1102 : i32 to index
            %get3A_1205 = arith.constant 112 : index
            %get3A_1206 = tpu.vector_load %arg11[%get3A_1204, %get3A_1205] {strides = array<i32>} : memref<32x256xf32, #tpu.memory_space<vmem>>, vector<1x16xf32>,
            %get3A_1207 = vector.shape_cast %get3A_1206 : vector<1x16xf32> to vector<16xf32>
            %add3A_1208 = arith.addf %get3A_1203, %get3A_1207 : vector<16xf32>
            %swap3A_1209 = arith.index_cast %scan3A_1102 : i32 to index
            %swap3A_1210 = arith.constant 112 : index
            %swap3A_1211 = tpu.vector_load %arg15[%swap3A_1209, %swap3A_1210] {strides = array<i32>} : memref<32x256xf32, #tpu.memory_space<vmem>>, vector<1x16xf32>,
            %swap3A_1212 = vector.shape_cast %swap3A_1211 : vector<1x16xf32> to vector<16xf32>
            %swap3A_1213 = vector.shape_cast %add3A_1208 : vector<16xf32> to vector<1x16xf32>
            tpu.vector_store %arg15[%swap3A_1209, %swap3A_1210], %swap3A_1213 {strides = array<i32>} : memref<32x256xf32, #tpu.memory_space<vmem>>, vector<1x16xf32>,
            %get3A_1214 = arith.index_cast %scan3A_1102 : i32 to index
            %get3A_1215 = arith.constant 128 : index
            %get3A_1216 = tpu.vector_load %arg7[%get3A_1214, %get3A_1215] {strides = array<i32>} : memref<32x256xf32, #tpu.memory_space<vmem>>, vector<1x16xf32>,
            %get3A_1217 = vector.shape_cast %get3A_1216 : vector<1x16xf32> to vector<16xf32>
            %get3A_1218 = arith.index_cast %scan3A_1102 : i32 to index
            %get3A_1219 = arith.constant 128 : index
            %get3A_1220 = tpu.vector_load %arg11[%get3A_1218, %get3A_1219] {strides = array<i32>} : memref<32x256xf32, #tpu.memory_space<vmem>>, vector<1x16xf32>,
            %get3A_1221 = vector.shape_cast %get3A_1220 : vector<1x16xf32> to vector<16xf32>
            %add3A_1222 = arith.addf %get3A_1217, %get3A_1221 : vector<16xf32>
            %swap3A_1223 = arith.index_cast %scan3A_1102 : i32 to index
            %swap3A_1224 = arith.constant 128 : index
            %swap3A_1225 = tpu.vector_load %arg15[%swap3A_1223, %swap3A_1224] {strides = array<i32>} : memref<32x256xf32, #tpu.memory_space<vmem>>, vector<1x16xf32>,
            %swap3A_1226 = vector.shape_cast %swap3A_1225 : vector<1x16xf32> to vector<16xf32>
            %swap3A_1227 = vector.shape_cast %add3A_1222 : vector<16xf32> to vector<1x16xf32>
            tpu.vector_store %arg15[%swap3A_1223, %swap3A_1224], %swap3A_1227 {strides = array<i32>} : memref<32x256xf32, #tpu.memory_space<vmem>>, vector<1x16xf32>,
            %get3A_1228 = arith.index_cast %scan3A_1102 : i32 to index
            %get3A_1229 = arith.constant 144 : index
            %get3A_1230 = tpu.vector_load %arg7[%get3A_1228, %get3A_1229] {strides = array<i32>} : memref<32x256xf32, #tpu.memory_space<vmem>>, vector<1x16xf32>,
            %get3A_1231 = vector.shape_cast %get3A_1230 : vector<1x16xf32> to vector<16xf32>
            %get3A_1232 = arith.index_cast %scan3A_1102 : i32 to index
            %get3A_1233 = arith.constant 144 : index
            %get3A_1234 = tpu.vector_load %arg11[%get3A_1232, %get3A_1233] {strides = array<i32>} : memref<32x256xf32, #tpu.memory_space<vmem>>, vector<1x16xf32>,
            %get3A_1235 = vector.shape_cast %get3A_1234 : vector<1x16xf32> to vector<16xf32>
            %add3A_1236 = arith.addf %get3A_1231, %get3A_1235 : vector<16xf32>
            %swap3A_1237 = arith.index_cast %scan3A_1102 : i32 to index
            %swap3A_1238 = arith.constant 144 : index
            %swap3A_1239 = tpu.vector_load %arg15[%swap3A_1237, %swap3A_1238] {strides = array<i32>} : memref<32x256xf32, #tpu.memory_space<vmem>>, vector<1x16xf32>,
            %swap3A_1240 = vector.shape_cast %swap3A_1239 : vector<1x16xf32> to vector<16xf32>
            %swap3A_1241 = vector.shape_cast %add3A_1236 : vector<16xf32> to vector<1x16xf32>
            tpu.vector_store %arg15[%swap3A_1237, %swap3A_1238], %swap3A_1241 {strides = array<i32>} : memref<32x256xf32, #tpu.memory_space<vmem>>, vector<1x16xf32>,
            %get3A_1242 = arith.index_cast %scan3A_1102 : i32 to index
            %get3A_1243 = arith.constant 160 : index
            %get3A_1244 = tpu.vector_load %arg7[%get3A_1242, %get3A_1243] {strides = array<i32>} : memref<32x256xf32, #tpu.memory_space<vmem>>, vector<1x16xf32>,
            %get3A_1245 = vector.shape_cast %get3A_1244 : vector<1x16xf32> to vector<16xf32>
            %get3A_1246 = arith.index_cast %scan3A_1102 : i32 to index
            %get3A_1247 = arith.constant 160 : index
            %get3A_1248 = tpu.vector_load %arg11[%get3A_1246, %get3A_1247] {strides = array<i32>} : memref<32x256xf32, #tpu.memory_space<vmem>>, vector<1x16xf32>,
            %get3A_1249 = vector.shape_cast %get3A_1248 : vector<1x16xf32> to vector<16xf32>
            %add3A_1250 = arith.addf %get3A_1245, %get3A_1249 : vector<16xf32>
            %swap3A_1251 = arith.index_cast %scan3A_1102 : i32 to index
            %swap3A_1252 = arith.constant 160 : index
            %swap3A_1253 = tpu.vector_load %arg15[%swap3A_1251, %swap3A_1252] {strides = array<i32>} : memref<32x256xf32, #tpu.memory_space<vmem>>, vector<1x16xf32>,
            %swap3A_1254 = vector.shape_cast %swap3A_1253 : vector<1x16xf32> to vector<16xf32>
            %swap3A_1255 = vector.shape_cast %add3A_1250 : vector<16xf32> to vector<1x16xf32>
            tpu.vector_store %arg15[%swap3A_1251, %swap3A_1252], %swap3A_1255 {strides = array<i32>} : memref<32x256xf32, #tpu.memory_space<vmem>>, vector<1x16xf32>,
            %get3A_1256 = arith.index_cast %scan3A_1102 : i32 to index
            %get3A_1257 = arith.constant 176 : index
            %get3A_1258 = tpu.vector_load %arg7[%get3A_1256, %get3A_1257] {strides = array<i32>} : memref<32x256xf32, #tpu.memory_space<vmem>>, vector<1x16xf32>,
            %get3A_1259 = vector.shape_cast %get3A_1258 : vector<1x16xf32> to vector<16xf32>
            %get3A_1260 = arith.index_cast %scan3A_1102 : i32 to index
            %get3A_1261 = arith.constant 176 : index
            %get3A_1262 = tpu.vector_load %arg11[%get3A_1260, %get3A_1261] {strides = array<i32>} : memref<32x256xf32, #tpu.memory_space<vmem>>, vector<1x16xf32>,
            %get3A_1263 = vector.shape_cast %get3A_1262 : vector<1x16xf32> to vector<16xf32>
            %add3A_1264 = arith.addf %get3A_1259, %get3A_1263 : vector<16xf32>
            %swap3A_1265 = arith.index_cast %scan3A_1102 : i32 to index
            %swap3A_1266 = arith.constant 176 : index
            %swap3A_1267 = tpu.vector_load %arg15[%swap3A_1265, %swap3A_1266] {strides = array<i32>} : memref<32x256xf32, #tpu.memory_space<vmem>>, vector<1x16xf32>,
            %swap3A_1268 = vector.shape_cast %swap3A_1267 : vector<1x16xf32> to vector<16xf32>
            %swap3A_1269 = vector.shape_cast %add3A_1264 : vector<16xf32> to vector<1x16xf32>
            tpu.vector_store %arg15[%swap3A_1265, %swap3A_1266], %swap3A_1269 {strides = array<i32>} : memref<32x256xf32, #tpu.memory_space<vmem>>, vector<1x16xf32>,
            %get3A_1270 = arith.index_cast %scan3A_1102 : i32 to index
            %get3A_1271 = arith.constant 192 : index
            %get3A_1272 = tpu.vector_load %arg7[%get3A_1270, %get3A_1271] {strides = array<i32>} : memref<32x256xf32, #tpu.memory_space<vmem>>, vector<1x16xf32>,
            %get3A_1273 = vector.shape_cast %get3A_1272 : vector<1x16xf32> to vector<16xf32>
            %get3A_1274 = arith.index_cast %scan3A_1102 : i32 to index
            %get3A_1275 = arith.constant 192 : index
            %get3A_1276 = tpu.vector_load %arg11[%get3A_1274, %get3A_1275] {strides = array<i32>} : memref<32x256xf32, #tpu.memory_space<vmem>>, vector<1x16xf32>,
            %get3A_1277 = vector.shape_cast %get3A_1276 : vector<1x16xf32> to vector<16xf32>
            %add3A_1278 = arith.addf %get3A_1273, %get3A_1277 : vector<16xf32>
            %swap3A_1279 = arith.index_cast %scan3A_1102 : i32 to index
            %swap3A_1280 = arith.constant 192 : index
            %swap3A_1281 = tpu.vector_load %arg15[%swap3A_1279, %swap3A_1280] {strides = array<i32>} : memref<32x256xf32, #tpu.memory_space<vmem>>, vector<1x16xf32>,
            %swap3A_1282 = vector.shape_cast %swap3A_1281 : vector<1x16xf32> to vector<16xf32>
            %swap3A_1283 = vector.shape_cast %add3A_1278 : vector<16xf32> to vector<1x16xf32>
            tpu.vector_store %arg15[%swap3A_1279, %swap3A_1280], %swap3A_1283 {strides = array<i32>} : memref<32x256xf32, #tpu.memory_space<vmem>>, vector<1x16xf32>,
            %get3A_1284 = arith.index_cast %scan3A_1102 : i32 to index
            %get3A_1285 = arith.constant 208 : index
            %get3A_1286 = tpu.vector_load %arg7[%get3A_1284, %get3A_1285] {strides = array<i32>} : memref<32x256xf32, #tpu.memory_space<vmem>>, vector<1x16xf32>,
            %get3A_1287 = vector.shape_cast %get3A_1286 : vector<1x16xf32> to vector<16xf32>
            %get3A_1288 = arith.index_cast %scan3A_1102 : i32 to index
            %get3A_1289 = arith.constant 208 : index
            %get3A_1290 = tpu.vector_load %arg11[%get3A_1288, %get3A_1289] {strides = array<i32>} : memref<32x256xf32, #tpu.memory_space<vmem>>, vector<1x16xf32>,
            %get3A_1291 = vector.shape_cast %get3A_1290 : vector<1x16xf32> to vector<16xf32>
            %add3A_1292 = arith.addf %get3A_1287, %get3A_1291 : vector<16xf32>
            %swap3A_1293 = arith.index_cast %scan3A_1102 : i32 to index
            %swap3A_1294 = arith.constant 208 : index
            %swap3A_1295 = tpu.vector_load %arg15[%swap3A_1293, %swap3A_1294] {strides = array<i32>} : memref<32x256xf32, #tpu.memory_space<vmem>>, vector<1x16xf32>,
            %swap3A_1296 = vector.shape_cast %swap3A_1295 : vector<1x16xf32> to vector<16xf32>
            %swap3A_1297 = vector.shape_cast %add3A_1292 : vector<16xf32> to vector<1x16xf32>
            tpu.vector_store %arg15[%swap3A_1293, %swap3A_1294], %swap3A_1297 {strides = array<i32>} : memref<32x256xf32, #tpu.memory_space<vmem>>, vector<1x16xf32>,
            %get3A_1298 = arith.index_cast %scan3A_1102 : i32 to index
            %get3A_1299 = arith.constant 224 : index
            %get3A_1300 = tpu.vector_load %arg7[%get3A_1298, %get3A_1299] {strides = array<i32>} : memref<32x256xf32, #tpu.memory_space<vmem>>, vector<1x16xf32>,
            %get3A_1301 = vector.shape_cast %get3A_1300 : vector<1x16xf32> to vector<16xf32>
            %get3A_1302 = arith.index_cast %scan3A_1102 : i32 to index
            %get3A_1303 = arith.constant 224 : index
            %get3A_1304 = tpu.vector_load %arg11[%get3A_1302, %get3A_1303] {strides = array<i32>} : memref<32x256xf32, #tpu.memory_space<vmem>>, vector<1x16xf32>,
            %get3A_1305 = vector.shape_cast %get3A_1304 : vector<1x16xf32> to vector<16xf32>
            %add3A_1306 = arith.addf %get3A_1301, %get3A_1305 : vector<16xf32>
            %swap3A_1307 = arith.index_cast %scan3A_1102 : i32 to index
            %swap3A_1308 = arith.constant 224 : index
            %swap3A_1309 = tpu.vector_load %arg15[%swap3A_1307, %swap3A_1308] {strides = array<i32>} : memref<32x256xf32, #tpu.memory_space<vmem>>, vector<1x16xf32>,
            %swap3A_1310 = vector.shape_cast %swap3A_1309 : vector<1x16xf32> to vector<16xf32>
            %swap3A_1311 = vector.shape_cast %add3A_1306 : vector<16xf32> to vector<1x16xf32>
            tpu.vector_store %arg15[%swap3A_1307, %swap3A_1308], %swap3A_1311 {strides = array<i32>} : memref<32x256xf32, #tpu.memory_space<vmem>>, vector<1x16xf32>,
            %get3A_1312 = arith.index_cast %scan3A_1102 : i32 to index
            %get3A_1313 = arith.constant 240 : index
            %get3A_1314 = tpu.vector_load %arg7[%get3A_1312, %get3A_1313] {strides = array<i32>} : memref<32x256xf32, #tpu.memory_space<vmem>>, vector<1x16xf32>,
            %get3A_1315 = vector.shape_cast %get3A_1314 : vector<1x16xf32> to vector<16xf32>
            %get3A_1316 = arith.index_cast %scan3A_1102 : i32 to index
            %get3A_1317 = arith.constant 240 : index
            %get3A_1318 = tpu.vector_load %arg11[%get3A_1316, %get3A_1317] {strides = array<i32>} : memref<32x256xf32, #tpu.memory_space<vmem>>, vector<1x16xf32>,
            %get3A_1319 = vector.shape_cast %get3A_1318 : vector<1x16xf32> to vector<16xf32>
            %add3A_1320 = arith.addf %get3A_1315, %get3A_1319 : vector<16xf32>
            %swap3A_1321 = arith.index_cast %scan3A_1102 : i32 to index
            %swap3A_1322 = arith.constant 240 : index
            %swap3A_1323 = tpu.vector_load %arg15[%swap3A_1321, %swap3A_1322] {strides = array<i32>} : memref<32x256xf32, #tpu.memory_space<vmem>>, vector<1x16xf32>,
            %swap3A_1324 = vector.shape_cast %swap3A_1323 : vector<1x16xf32> to vector<16xf32>
            %swap3A_1325 = vector.shape_cast %add3A_1320 : vector<16xf32> to vector<1x16xf32>
            tpu.vector_store %arg15[%swap3A_1321, %swap3A_1322], %swap3A_1325 {strides = array<i32>} : memref<32x256xf32, #tpu.memory_space<vmem>>, vector<1x16xf32>,
          }
          %scan3A_1101 = arith.constant 32 : i32
        } else {
        }
        %lt3A_1088 = arith.constant 32 : i32
        %lt3A_1089 = arith.cmpi slt, %sub3A_474, %lt3A_1088 : i32
        %convert_element_type3A_1090 = arith.extui %lt3A_1089 : i1 to i32
        %cond3A_1091 = arith.constant 0 : i32
        %cond3A_1092 = arith.cmpi ne, %convert_element_type3A_1090, %cond3A_1091 : i32
        scf.if %cond3A_1092 {
          %scan3A_1096 = arith.constant 0 : i32
          %scan3A_1097 = arith.constant 0 : i32
          %scan3A_1098 = arith.constant 32 : i32
          %scan3A_1099 = arith.addi %scan3A_1097, %scan3A_1098 : i32
          %scan3A_1100 = arith.constant 1 : i32
          scf.for %scan3A_1102 = %scan3A_1097 to %scan3A_1099 step %scan3A_1100  : i32 {
            %lt3A_1103 = arith.cmpi slt, %scan3A_1102, %sub3A_474 : i32
            %get3A_1104 = arith.index_cast %scan3A_1102 : i32 to index
            %get3A_1105 = arith.constant 0 : index
            %get3A_1106 = tpu.vector_load %arg7[%get3A_1104, %get3A_1105] {strides = array<i32>} : memref<32x256xf32, #tpu.memory_space<vmem>>, vector<1x16xf32>,
            %get3A_1107 = vector.shape_cast %get3A_1106 : vector<1x16xf32> to vector<16xf32>
            %get3A_1108 = arith.index_cast %scan3A_1102 : i32 to index
            %get3A_1109 = arith.constant 0 : index
            %get3A_1110 = tpu.vector_load %arg11[%get3A_1108, %get3A_1109] {strides = array<i32>} : memref<32x256xf32, #tpu.memory_space<vmem>>, vector<1x16xf32>,
            %get3A_1111 = vector.shape_cast %get3A_1110 : vector<1x16xf32> to vector<16xf32>
            %add3A_1112 = arith.addf %get3A_1107, %get3A_1111 : vector<16xf32>
            %select_n3A_1113 = arith.select %lt3A_1103, %add3A_1112, %broadcast_in_dim3A_1 : vector<16xf32>
            %swap3A = arith.index_cast %scan3A_1102 : i32 to index
            %swap3A_1114 = arith.constant 0 : index
            %swap3A_1115 = tpu.vector_load %arg15[%swap3A, %swap3A_1114] {strides = array<i32>} : memref<32x256xf32, #tpu.memory_space<vmem>>, vector<1x16xf32>,
            %swap3A_1116 = vector.shape_cast %swap3A_1115 : vector<1x16xf32> to vector<16xf32>
            %swap3A_1117 = vector.shape_cast %select_n3A_1113 : vector<16xf32> to vector<1x16xf32>
            tpu.vector_store %arg15[%swap3A, %swap3A_1114], %swap3A_1117 {strides = array<i32>} : memref<32x256xf32, #tpu.memory_space<vmem>>, vector<1x16xf32>,
            %get3A_1118 = arith.index_cast %scan3A_1102 : i32 to index
            %get3A_1119 = arith.constant 16 : index
            %get3A_1120 = tpu.vector_load %arg7[%get3A_1118, %get3A_1119] {strides = array<i32>} : memref<32x256xf32, #tpu.memory_space<vmem>>, vector<1x16xf32>,
            %get3A_1121 = vector.shape_cast %get3A_1120 : vector<1x16xf32> to vector<16xf32>
            %get3A_1122 = arith.index_cast %scan3A_1102 : i32 to index
            %get3A_1123 = arith.constant 16 : index
            %get3A_1124 = tpu.vector_load %arg11[%get3A_1122, %get3A_1123] {strides = array<i32>} : memref<32x256xf32, #tpu.memory_space<vmem>>, vector<1x16xf32>,
            %get3A_1125 = vector.shape_cast %get3A_1124 : vector<1x16xf32> to vector<16xf32>
            %add3A_1126 = arith.addf %get3A_1121, %get3A_1125 : vector<16xf32>
            %select_n3A_1127 = arith.select %lt3A_1103, %add3A_1126, %broadcast_in_dim3A_1 : vector<16xf32>
            %swap3A_1128 = arith.index_cast %scan3A_1102 : i32 to index
            %swap3A_1129 = arith.constant 16 : index
            %swap3A_1130 = tpu.vector_load %arg15[%swap3A_1128, %swap3A_1129] {strides = array<i32>} : memref<32x256xf32, #tpu.memory_space<vmem>>, vector<1x16xf32>,
            %swap3A_1131 = vector.shape_cast %swap3A_1130 : vector<1x16xf32> to vector<16xf32>
            %swap3A_1132 = vector.shape_cast %select_n3A_1127 : vector<16xf32> to vector<1x16xf32>
            tpu.vector_store %arg15[%swap3A_1128, %swap3A_1129], %swap3A_1132 {strides = array<i32>} : memref<32x256xf32, #tpu.memory_space<vmem>>, vector<1x16xf32>,
            %get3A_1133 = arith.index_cast %scan3A_1102 : i32 to index
            %get3A_1134 = arith.constant 32 : index
            %get3A_1135 = tpu.vector_load %arg7[%get3A_1133, %get3A_1134] {strides = array<i32>} : memref<32x256xf32, #tpu.memory_space<vmem>>, vector<1x16xf32>,
            %get3A_1136 = vector.shape_cast %get3A_1135 : vector<1x16xf32> to vector<16xf32>
            %get3A_1137 = arith.index_cast %scan3A_1102 : i32 to index
            %get3A_1138 = arith.constant 32 : index
            %get3A_1139 = tpu.vector_load %arg11[%get3A_1137, %get3A_1138] {strides = array<i32>} : memref<32x256xf32, #tpu.memory_space<vmem>>, vector<1x16xf32>,
            %get3A_1140 = vector.shape_cast %get3A_1139 : vector<1x16xf32> to vector<16xf32>
            %add3A_1141 = arith.addf %get3A_1136, %get3A_1140 : vector<16xf32>
            %select_n3A_1142 = arith.select %lt3A_1103, %add3A_1141, %broadcast_in_dim3A_1 : vector<16xf32>
            %swap3A_1143 = arith.index_cast %scan3A_1102 : i32 to index
            %swap3A_1144 = arith.constant 32 : index
            %swap3A_1145 = tpu.vector_load %arg15[%swap3A_1143, %swap3A_1144] {strides = array<i32>} : memref<32x256xf32, #tpu.memory_space<vmem>>, vector<1x16xf32>,
            %swap3A_1146 = vector.shape_cast %swap3A_1145 : vector<1x16xf32> to vector<16xf32>
            %swap3A_1147 = vector.shape_cast %select_n3A_1142 : vector<16xf32> to vector<1x16xf32>
            tpu.vector_store %arg15[%swap3A_1143, %swap3A_1144], %swap3A_1147 {strides = array<i32>} : memref<32x256xf32, #tpu.memory_space<vmem>>, vector<1x16xf32>,
            %get3A_1148 = arith.index_cast %scan3A_1102 : i32 to index
            %get3A_1149 = arith.constant 48 : index
            %get3A_1150 = tpu.vector_load %arg7[%get3A_1148, %get3A_1149] {strides = array<i32>} : memref<32x256xf32, #tpu.memory_space<vmem>>, vector<1x16xf32>,
            %get3A_1151 = vector.shape_cast %get3A_1150 : vector<1x16xf32> to vector<16xf32>
            %get3A_1152 = arith.index_cast %scan3A_1102 : i32 to index
            %get3A_1153 = arith.constant 48 : index
            %get3A_1154 = tpu.vector_load %arg11[%get3A_1152, %get3A_1153] {strides = array<i32>} : memref<32x256xf32, #tpu.memory_space<vmem>>, vector<1x16xf32>,
            %get3A_1155 = vector.shape_cast %get3A_1154 : vector<1x16xf32> to vector<16xf32>
            %add3A_1156 = arith.addf %get3A_1151, %get3A_1155 : vector<16xf32>
            %select_n3A_1157 = arith.select %lt3A_1103, %add3A_1156, %broadcast_in_dim3A_1 : vector<16xf32>
            %swap3A_1158 = arith.index_cast %scan3A_1102 : i32 to index
            %swap3A_1159 = arith.constant 48 : index
            %swap3A_1160 = tpu.vector_load %arg15[%swap3A_1158, %swap3A_1159] {strides = array<i32>} : memref<32x256xf32, #tpu.memory_space<vmem>>, vector<1x16xf32>,
            %swap3A_1161 = vector.shape_cast %swap3A_1160 : vector<1x16xf32> to vector<16xf32>
            %swap3A_1162 = vector.shape_cast %select_n3A_1157 : vector<16xf32> to vector<1x16xf32>
            tpu.vector_store %arg15[%swap3A_1158, %swap3A_1159], %swap3A_1162 {strides = array<i32>} : memref<32x256xf32, #tpu.memory_space<vmem>>, vector<1x16xf32>,
            %get3A_1163 = arith.index_cast %scan3A_1102 : i32 to index
            %get3A_1164 = arith.constant 64 : index
            %get3A_1165 = tpu.vector_load %arg7[%get3A_1163, %get3A_1164] {strides = array<i32>} : memref<32x256xf32, #tpu.memory_space<vmem>>, vector<1x16xf32>,
            %get3A_1166 = vector.shape_cast %get3A_1165 : vector<1x16xf32> to vector<16xf32>
            %get3A_1167 = arith.index_cast %scan3A_1102 : i32 to index
            %get3A_1168 = arith.constant 64 : index
            %get3A_1169 = tpu.vector_load %arg11[%get3A_1167, %get3A_1168] {strides = array<i32>} : memref<32x256xf32, #tpu.memory_space<vmem>>, vector<1x16xf32>,
            %get3A_1170 = vector.shape_cast %get3A_1169 : vector<1x16xf32> to vector<16xf32>
            %add3A_1171 = arith.addf %get3A_1166, %get3A_1170 : vector<16xf32>
            %select_n3A_1172 = arith.select %lt3A_1103, %add3A_1171, %broadcast_in_dim3A_1 : vector<16xf32>
            %swap3A_1173 = arith.index_cast %scan3A_1102 : i32 to index
            %swap3A_1174 = arith.constant 64 : index
            %swap3A_1175 = tpu.vector_load %arg15[%swap3A_1173, %swap3A_1174] {strides = array<i32>} : memref<32x256xf32, #tpu.memory_space<vmem>>, vector<1x16xf32>,
            %swap3A_1176 = vector.shape_cast %swap3A_1175 : vector<1x16xf32> to vector<16xf32>
            %swap3A_1177 = vector.shape_cast %select_n3A_1172 : vector<16xf32> to vector<1x16xf32>
            tpu.vector_store %arg15[%swap3A_1173, %swap3A_1174], %swap3A_1177 {strides = array<i32>} : memref<32x256xf32, #tpu.memory_space<vmem>>, vector<1x16xf32>,
            %get3A_1178 = arith.index_cast %scan3A_1102 : i32 to index
            %get3A_1179 = arith.constant 80 : index
            %get3A_1180 = tpu.vector_load %arg7[%get3A_1178, %get3A_1179] {strides = array<i32>} : memref<32x256xf32, #tpu.memory_space<vmem>>, vector<1x16xf32>,
            %get3A_1181 = vector.shape_cast %get3A_1180 : vector<1x16xf32> to vector<16xf32>
            %get3A_1182 = arith.index_cast %scan3A_1102 : i32 to index
            %get3A_1183 = arith.constant 80 : index
            %get3A_1184 = tpu.vector_load %arg11[%get3A_1182, %get3A_1183] {strides = array<i32>} : memref<32x256xf32, #tpu.memory_space<vmem>>, vector<1x16xf32>,
            %get3A_1185 = vector.shape_cast %get3A_1184 : vector<1x16xf32> to vector<16xf32>
            %add3A_1186 = arith.addf %get3A_1181, %get3A_1185 : vector<16xf32>
            %select_n3A_1187 = arith.select %lt3A_1103, %add3A_1186, %broadcast_in_dim3A_1 : vector<16xf32>
            %swap3A_1188 = arith.index_cast %scan3A_1102 : i32 to index
            %swap3A_1189 = arith.constant 80 : index
            %swap3A_1190 = tpu.vector_load %arg15[%swap3A_1188, %swap3A_1189] {strides = array<i32>} : memref<32x256xf32, #tpu.memory_space<vmem>>, vector<1x16xf32>,
            %swap3A_1191 = vector.shape_cast %swap3A_1190 : vector<1x16xf32> to vector<16xf32>
            %swap3A_1192 = vector.shape_cast %select_n3A_1187 : vector<16xf32> to vector<1x16xf32>
            tpu.vector_store %arg15[%swap3A_1188, %swap3A_1189], %swap3A_1192 {strides = array<i32>} : memref<32x256xf32, #tpu.memory_space<vmem>>, vector<1x16xf32>,
            %get3A_1193 = arith.index_cast %scan3A_1102 : i32 to index
            %get3A_1194 = arith.constant 96 : index
            %get3A_1195 = tpu.vector_load %arg7[%get3A_1193, %get3A_1194] {strides = array<i32>} : memref<32x256xf32, #tpu.memory_space<vmem>>, vector<1x16xf32>,
            %get3A_1196 = vector.shape_cast %get3A_1195 : vector<1x16xf32> to vector<16xf32>
            %get3A_1197 = arith.index_cast %scan3A_1102 : i32 to index
            %get3A_1198 = arith.constant 96 : index
            %get3A_1199 = tpu.vector_load %arg11[%get3A_1197, %get3A_1198] {strides = array<i32>} : memref<32x256xf32, #tpu.memory_space<vmem>>, vector<1x16xf32>,
            %get3A_1200 = vector.shape_cast %get3A_1199 : vector<1x16xf32> to vector<16xf32>
            %add3A_1201 = arith.addf %get3A_1196, %get3A_1200 : vector<16xf32>
            %select_n3A_1202 = arith.select %lt3A_1103, %add3A_1201, %broadcast_in_dim3A_1 : vector<16xf32>
            %swap3A_1203 = arith.index_cast %scan3A_1102 : i32 to index
            %swap3A_1204 = arith.constant 96 : index
            %swap3A_1205 = tpu.vector_load %arg15[%swap3A_1203, %swap3A_1204] {strides = array<i32>} : memref<32x256xf32, #tpu.memory_space<vmem>>, vector<1x16xf32>,
            %swap3A_1206 = vector.shape_cast %swap3A_1205 : vector<1x16xf32> to vector<16xf32>
            %swap3A_1207 = vector.shape_cast %select_n3A_1202 : vector<16xf32> to vector<1x16xf32>
            tpu.vector_store %arg15[%swap3A_1203, %swap3A_1204], %swap3A_1207 {strides = array<i32>} : memref<32x256xf32, #tpu.memory_space<vmem>>, vector<1x16xf32>,
            %get3A_1208 = arith.index_cast %scan3A_1102 : i32 to index
            %get3A_1209 = arith.constant 112 : index
            %get3A_1210 = tpu.vector_load %arg7[%get3A_1208, %get3A_1209] {strides = array<i32>} : memref<32x256xf32, #tpu.memory_space<vmem>>, vector<1x16xf32>,
            %get3A_1211 = vector.shape_cast %get3A_1210 : vector<1x16xf32> to vector<16xf32>
            %get3A_1212 = arith.index_cast %scan3A_1102 : i32 to index
            %get3A_1213 = arith.constant 112 : index
            %get3A_1214 = tpu.vector_load %arg11[%get3A_1212, %get3A_1213] {strides = array<i32>} : memref<32x256xf32, #tpu.memory_space<vmem>>, vector<1x16xf32>,
            %get3A_1215 = vector.shape_cast %get3A_1214 : vector<1x16xf32> to vector<16xf32>
            %add3A_1216 = arith.addf %get3A_1211, %get3A_1215 : vector<16xf32>
            %select_n3A_1217 = arith.select %lt3A_1103, %add3A_1216, %broadcast_in_dim3A_1 : vector<16xf32>
            %swap3A_1218 = arith.index_cast %scan3A_1102 : i32 to index
            %swap3A_1219 = arith.constant 112 : index
            %swap3A_1220 = tpu.vector_load %arg15[%swap3A_1218, %swap3A_1219] {strides = array<i32>} : memref<32x256xf32, #tpu.memory_space<vmem>>, vector<1x16xf32>,
            %swap3A_1221 = vector.shape_cast %swap3A_1220 : vector<1x16xf32> to vector<16xf32>
            %swap3A_1222 = vector.shape_cast %select_n3A_1217 : vector<16xf32> to vector<1x16xf32>
            tpu.vector_store %arg15[%swap3A_1218, %swap3A_1219], %swap3A_1222 {strides = array<i32>} : memref<32x256xf32, #tpu.memory_space<vmem>>, vector<1x16xf32>,
            %get3A_1223 = arith.index_cast %scan3A_1102 : i32 to index
            %get3A_1224 = arith.constant 128 : index
            %get3A_1225 = tpu.vector_load %arg7[%get3A_1223, %get3A_1224] {strides = array<i32>} : memref<32x256xf32, #tpu.memory_space<vmem>>, vector<1x16xf32>,
            %get3A_1226 = vector.shape_cast %get3A_1225 : vector<1x16xf32> to vector<16xf32>
            %get3A_1227 = arith.index_cast %scan3A_1102 : i32 to index
            %get3A_1228 = arith.constant 128 : index
            %get3A_1229 = tpu.vector_load %arg11[%get3A_1227, %get3A_1228] {strides = array<i32>} : memref<32x256xf32, #tpu.memory_space<vmem>>, vector<1x16xf32>,
            %get3A_1230 = vector.shape_cast %get3A_1229 : vector<1x16xf32> to vector<16xf32>
            %add3A_1231 = arith.addf %get3A_1226, %get3A_1230 : vector<16xf32>
            %select_n3A_1232 = arith.select %lt3A_1103, %add3A_1231, %broadcast_in_dim3A_1 : vector<16xf32>
            %swap3A_1233 = arith.index_cast %scan3A_1102 : i32 to index
            %swap3A_1234 = arith.constant 128 : index
            %swap3A_1235 = tpu.vector_load %arg15[%swap3A_1233, %swap3A_1234] {strides = array<i32>} : memref<32x256xf32, #tpu.memory_space<vmem>>, vector<1x16xf32>,
            %swap3A_1236 = vector.shape_cast %swap3A_1235 : vector<1x16xf32> to vector<16xf32>
            %swap3A_1237 = vector.shape_cast %select_n3A_1232 : vector<16xf32> to vector<1x16xf32>
            tpu.vector_store %arg15[%swap3A_1233, %swap3A_1234], %swap3A_1237 {strides = array<i32>} : memref<32x256xf32, #tpu.memory_space<vmem>>, vector<1x16xf32>,
            %get3A_1238 = arith.index_cast %scan3A_1102 : i32 to index
            %get3A_1239 = arith.constant 144 : index
            %get3A_1240 = tpu.vector_load %arg7[%get3A_1238, %get3A_1239] {strides = array<i32>} : memref<32x256xf32, #tpu.memory_space<vmem>>, vector<1x16xf32>,
            %get3A_1241 = vector.shape_cast %get3A_1240 : vector<1x16xf32> to vector<16xf32>
            %get3A_1242 = arith.index_cast %scan3A_1102 : i32 to index
            %get3A_1243 = arith.constant 144 : index
            %get3A_1244 = tpu.vector_load %arg11[%get3A_1242, %get3A_1243] {strides = array<i32>} : memref<32x256xf32, #tpu.memory_space<vmem>>, vector<1x16xf32>,
            %get3A_1245 = vector.shape_cast %get3A_1244 : vector<1x16xf32> to vector<16xf32>
            %add3A_1246 = arith.addf %get3A_1241, %get3A_1245 : vector<16xf32>
            %select_n3A_1247 = arith.select %lt3A_1103, %add3A_1246, %broadcast_in_dim3A_1 : vector<16xf32>
            %swap3A_1248 = arith.index_cast %scan3A_1102 : i32 to index
            %swap3A_1249 = arith.constant 144 : index
            %swap3A_1250 = tpu.vector_load %arg15[%swap3A_1248, %swap3A_1249] {strides = array<i32>} : memref<32x256xf32, #tpu.memory_space<vmem>>, vector<1x16xf32>,
            %swap3A_1251 = vector.shape_cast %swap3A_1250 : vector<1x16xf32> to vector<16xf32>
            %swap3A_1252 = vector.shape_cast %select_n3A_1247 : vector<16xf32> to vector<1x16xf32>
            tpu.vector_store %arg15[%swap3A_1248, %swap3A_1249], %swap3A_1252 {strides = array<i32>} : memref<32x256xf32, #tpu.memory_space<vmem>>, vector<1x16xf32>,
            %get3A_1253 = arith.index_cast %scan3A_1102 : i32 to index
            %get3A_1254 = arith.constant 160 : index
            %get3A_1255 = tpu.vector_load %arg7[%get3A_1253, %get3A_1254] {strides = array<i32>} : memref<32x256xf32, #tpu.memory_space<vmem>>, vector<1x16xf32>,
            %get3A_1256 = vector.shape_cast %get3A_1255 : vector<1x16xf32> to vector<16xf32>
            %get3A_1257 = arith.index_cast %scan3A_1102 : i32 to index
            %get3A_1258 = arith.constant 160 : index
            %get3A_1259 = tpu.vector_load %arg11[%get3A_1257, %get3A_1258] {strides = array<i32>} : memref<32x256xf32, #tpu.memory_space<vmem>>, vector<1x16xf32>,
            %get3A_1260 = vector.shape_cast %get3A_1259 : vector<1x16xf32> to vector<16xf32>
            %add3A_1261 = arith.addf %get3A_1256, %get3A_1260 : vector<16xf32>
            %select_n3A_1262 = arith.select %lt3A_1103, %add3A_1261, %broadcast_in_dim3A_1 : vector<16xf32>
            %swap3A_1263 = arith.index_cast %scan3A_1102 : i32 to index
            %swap3A_1264 = arith.constant 160 : index
            %swap3A_1265 = tpu.vector_load %arg15[%swap3A_1263, %swap3A_1264] {strides = array<i32>} : memref<32x256xf32, #tpu.memory_space<vmem>>, vector<1x16xf32>,
            %swap3A_1266 = vector.shape_cast %swap3A_1265 : vector<1x16xf32> to vector<16xf32>
            %swap3A_1267 = vector.shape_cast %select_n3A_1262 : vector<16xf32> to vector<1x16xf32>
            tpu.vector_store %arg15[%swap3A_1263, %swap3A_1264], %swap3A_1267 {strides = array<i32>} : memref<32x256xf32, #tpu.memory_space<vmem>>, vector<1x16xf32>,
            %get3A_1268 = arith.index_cast %scan3A_1102 : i32 to index
            %get3A_1269 = arith.constant 176 : index
            %get3A_1270 = tpu.vector_load %arg7[%get3A_1268, %get3A_1269] {strides = array<i32>} : memref<32x256xf32, #tpu.memory_space<vmem>>, vector<1x16xf32>,
            %get3A_1271 = vector.shape_cast %get3A_1270 : vector<1x16xf32> to vector<16xf32>
            %get3A_1272 = arith.index_cast %scan3A_1102 : i32 to index
            %get3A_1273 = arith.constant 176 : index
            %get3A_1274 = tpu.vector_load %arg11[%get3A_1272, %get3A_1273] {strides = array<i32>} : memref<32x256xf32, #tpu.memory_space<vmem>>, vector<1x16xf32>,
            %get3A_1275 = vector.shape_cast %get3A_1274 : vector<1x16xf32> to vector<16xf32>
            %add3A_1276 = arith.addf %get3A_1271, %get3A_1275 : vector<16xf32>
            %select_n3A_1277 = arith.select %lt3A_1103, %add3A_1276, %broadcast_in_dim3A_1 : vector<16xf32>
            %swap3A_1278 = arith.index_cast %scan3A_1102 : i32 to index
            %swap3A_1279 = arith.constant 176 : index
            %swap3A_1280 = tpu.vector_load %arg15[%swap3A_1278, %swap3A_1279] {strides = array<i32>} : memref<32x256xf32, #tpu.memory_space<vmem>>, vector<1x16xf32>,
            %swap3A_1281 = vector.shape_cast %swap3A_1280 : vector<1x16xf32> to vector<16xf32>
            %swap3A_1282 = vector.shape_cast %select_n3A_1277 : vector<16xf32> to vector<1x16xf32>
            tpu.vector_store %arg15[%swap3A_1278, %swap3A_1279], %swap3A_1282 {strides = array<i32>} : memref<32x256xf32, #tpu.memory_space<vmem>>, vector<1x16xf32>,
            %get3A_1283 = arith.index_cast %scan3A_1102 : i32 to index
            %get3A_1284 = arith.constant 192 : index
            %get3A_1285 = tpu.vector_load %arg7[%get3A_1283, %get3A_1284] {strides = array<i32>} : memref<32x256xf32, #tpu.memory_space<vmem>>, vector<1x16xf32>,
            %get3A_1286 = vector.shape_cast %get3A_1285 : vector<1x16xf32> to vector<16xf32>
            %get3A_1287 = arith.index_cast %scan3A_1102 : i32 to index
            %get3A_1288 = arith.constant 192 : index
            %get3A_1289 = tpu.vector_load %arg11[%get3A_1287, %get3A_1288] {strides = array<i32>} : memref<32x256xf32, #tpu.memory_space<vmem>>, vector<1x16xf32>,
            %get3A_1290 = vector.shape_cast %get3A_1289 : vector<1x16xf32> to vector<16xf32>
            %add3A_1291 = arith.addf %get3A_1286, %get3A_1290 : vector<16xf32>
            %select_n3A_1292 = arith.select %lt3A_1103, %add3A_1291, %broadcast_in_dim3A_1 : vector<16xf32>
            %swap3A_1293 = arith.index_cast %scan3A_1102 : i32 to index
            %swap3A_1294 = arith.constant 192 : index
            %swap3A_1295 = tpu.vector_load %arg15[%swap3A_1293, %swap3A_1294] {strides = array<i32>} : memref<32x256xf32, #tpu.memory_space<vmem>>, vector<1x16xf32>,
            %swap3A_1296 = vector.shape_cast %swap3A_1295 : vector<1x16xf32> to vector<16xf32>
            %swap3A_1297 = vector.shape_cast %select_n3A_1292 : vector<16xf32> to vector<1x16xf32>
            tpu.vector_store %arg15[%swap3A_1293, %swap3A_1294], %swap3A_1297 {strides = array<i32>} : memref<32x256xf32, #tpu.memory_space<vmem>>, vector<1x16xf32>,
            %get3A_1298 = arith.index_cast %scan3A_1102 : i32 to index
            %get3A_1299 = arith.constant 208 : index
            %get3A_1300 = tpu.vector_load %arg7[%get3A_1298, %get3A_1299] {strides = array<i32>} : memref<32x256xf32, #tpu.memory_space<vmem>>, vector<1x16xf32>,
            %get3A_1301 = vector.shape_cast %get3A_1300 : vector<1x16xf32> to vector<16xf32>
            %get3A_1302 = arith.index_cast %scan3A_1102 : i32 to index
            %get3A_1303 = arith.constant 208 : index
            %get3A_1304 = tpu.vector_load %arg11[%get3A_1302, %get3A_1303] {strides = array<i32>} : memref<32x256xf32, #tpu.memory_space<vmem>>, vector<1x16xf32>,
            %get3A_1305 = vector.shape_cast %get3A_1304 : vector<1x16xf32> to vector<16xf32>
            %add3A_1306 = arith.addf %get3A_1301, %get3A_1305 : vector<16xf32>
            %select_n3A_1307 = arith.select %lt3A_1103, %add3A_1306, %broadcast_in_dim3A_1 : vector<16xf32>
            %swap3A_1308 = arith.index_cast %scan3A_1102 : i32 to index
            %swap3A_1309 = arith.constant 208 : index
            %swap3A_1310 = tpu.vector_load %arg15[%swap3A_1308, %swap3A_1309] {strides = array<i32>} : memref<32x256xf32, #tpu.memory_space<vmem>>, vector<1x16xf32>,
            %swap3A_1311 = vector.shape_cast %swap3A_1310 : vector<1x16xf32> to vector<16xf32>
            %swap3A_1312 = vector.shape_cast %select_n3A_1307 : vector<16xf32> to vector<1x16xf32>
            tpu.vector_store %arg15[%swap3A_1308, %swap3A_1309], %swap3A_1312 {strides = array<i32>} : memref<32x256xf32, #tpu.memory_space<vmem>>, vector<1x16xf32>,
            %get3A_1313 = arith.index_cast %scan3A_1102 : i32 to index
            %get3A_1314 = arith.constant 224 : index
            %get3A_1315 = tpu.vector_load %arg7[%get3A_1313, %get3A_1314] {strides = array<i32>} : memref<32x256xf32, #tpu.memory_space<vmem>>, vector<1x16xf32>,
            %get3A_1316 = vector.shape_cast %get3A_1315 : vector<1x16xf32> to vector<16xf32>
            %get3A_1317 = arith.index_cast %scan3A_1102 : i32 to index
            %get3A_1318 = arith.constant 224 : index
            %get3A_1319 = tpu.vector_load %arg11[%get3A_1317, %get3A_1318] {strides = array<i32>} : memref<32x256xf32, #tpu.memory_space<vmem>>, vector<1x16xf32>,
            %get3A_1320 = vector.shape_cast %get3A_1319 : vector<1x16xf32> to vector<16xf32>
            %add3A_1321 = arith.addf %get3A_1316, %get3A_1320 : vector<16xf32>
            %select_n3A_1322 = arith.select %lt3A_1103, %add3A_1321, %broadcast_in_dim3A_1 : vector<16xf32>
            %swap3A_1323 = arith.index_cast %scan3A_1102 : i32 to index
            %swap3A_1324 = arith.constant 224 : index
            %swap3A_1325 = tpu.vector_load %arg15[%swap3A_1323, %swap3A_1324] {strides = array<i32>} : memref<32x256xf32, #tpu.memory_space<vmem>>, vector<1x16xf32>,
            %swap3A_1326 = vector.shape_cast %swap3A_1325 : vector<1x16xf32> to vector<16xf32>
            %swap3A_1327 = vector.shape_cast %select_n3A_1322 : vector<16xf32> to vector<1x16xf32>
            tpu.vector_store %arg15[%swap3A_1323, %swap3A_1324], %swap3A_1327 {strides = array<i32>} : memref<32x256xf32, #tpu.memory_space<vmem>>, vector<1x16xf32>,
            %get3A_1328 = arith.index_cast %scan3A_1102 : i32 to index
            %get3A_1329 = arith.constant 240 : index
            %get3A_1330 = tpu.vector_load %arg7[%get3A_1328, %get3A_1329] {strides = array<i32>} : memref<32x256xf32, #tpu.memory_space<vmem>>, vector<1x16xf32>,
            %get3A_1331 = vector.shape_cast %get3A_1330 : vector<1x16xf32> to vector<16xf32>
            %get3A_1332 = arith.index_cast %scan3A_1102 : i32 to index
            %get3A_1333 = arith.constant 240 : index
            %get3A_1334 = tpu.vector_load %arg11[%get3A_1332, %get3A_1333] {strides = array<i32>} : memref<32x256xf32, #tpu.memory_space<vmem>>, vector<1x16xf32>,
            %get3A_1335 = vector.shape_cast %get3A_1334 : vector<1x16xf32> to vector<16xf32>
            %add3A_1336 = arith.addf %get3A_1331, %get3A_1335 : vector<16xf32>
            %select_n3A_1337 = arith.select %lt3A_1103, %add3A_1336, %broadcast_in_dim3A_1 : vector<16xf32>
            %swap3A_1338 = arith.index_cast %scan3A_1102 : i32 to index
            %swap3A_1339 = arith.constant 240 : index
            %swap3A_1340 = tpu.vector_load %arg15[%swap3A_1338, %swap3A_1339] {strides = array<i32>} : memref<32x256xf32, #tpu.memory_space<vmem>>, vector<1x16xf32>,
            %swap3A_1341 = vector.shape_cast %swap3A_1340 : vector<1x16xf32> to vector<16xf32>
            %swap3A_1342 = vector.shape_cast %select_n3A_1337 : vector<16xf32> to vector<1x16xf32>
            tpu.vector_store %arg15[%swap3A_1338, %swap3A_1339], %swap3A_1342 {strides = array<i32>} : memref<32x256xf32, #tpu.memory_space<vmem>>, vector<1x16xf32>,
          }
          %scan3A_1101 = arith.constant 32 : i32
        } else {
        }
        %dma_start3A = arith.constant 0 : i32
        %dma_start3A_1093 = tpu.memref_slice %arg5[%add3A_479, %dma_start3A] : memref<32768x256xf32, #tpu.memory_space<hbm>> -> memref<32x256xf32, #tpu.memory_space<hbm>>
        %dma_start3A_1094 = arith.constant 0 : i32
        %dma_start3A_1095 = tpu.memref_slice %arg5[%add3A_479, %dma_start3A_1094] : memref<32768x256xf32, #tpu.memory_space<hbm>> -> memref<32x256xf32, #tpu.memory_space<hbm>>
        tpu.enqueue_dma source(%arg15 : memref<32x256xf32, #tpu.memory_space<vmem>>) target(%dma_start3A_1095 : memref<32x256xf32, #tpu.memory_space<hbm>>) target_semaphore(%arg24 : memref<!tpu.dma_semaphore, #tpu.memory_space<semaphore_mem>>)
      } else {
      }
      %not3A = arith.constant true
      %not3A_489 = arith.xori %gt3A_481, %not3A : i1
      %convert_element_type3A_490 = arith.extui %not3A_489 : i1 to i32
      %cond3A_491 = arith.constant 0 : i32
      %cond3A_492 = arith.cmpi ne, %convert_element_type3A_490, %cond3A_491 : i32
      scf.if %cond3A_492 {
        %dma_start3A = arith.constant 0 : i32
        %dma_start3A_1074 = tpu.memref_slice %arg5[%add3A_479, %dma_start3A] : memref<32768x256xf32, #tpu.memory_space<hbm>> -> memref<32x256xf32, #tpu.memory_space<hbm>>
        %dma_start3A_1075 = arith.constant 0 : i32
        %dma_start3A_1076 = tpu.memref_slice %arg5[%add3A_479, %dma_start3A_1075] : memref<32768x256xf32, #tpu.memory_space<hbm>> -> memref<32x256xf32, #tpu.memory_space<hbm>>
        tpu.enqueue_dma source(%arg19 : memref<32x256xf32, #tpu.memory_space<vmem>>) target(%dma_start3A_1076 : memref<32x256xf32, #tpu.memory_space<hbm>>) target_semaphore(%arg28 : memref<!tpu.dma_semaphore, #tpu.memory_space<semaphore_mem>>)
      } else {
      }
      %or3A = arith.constant 1 : i32
      %or3A_493 = arith.ori %scan3A_306, %or3A : i32
      %select_n3A_494 = arith.select %gt3A_481, %or3A_493, %scan3A_306 : i32
      %add3A_495 = arith.constant 1 : i32
      %add3A_496 = arith.addi %scan3A_307, %add3A_495 : i32
      %select_n3A_497 = arith.select %gt3A_481, %scan3A_307, %add3A_496 : i32
      %mul3A_498 = arith.constant 4 : i32
      %mul3A_499 = arith.muli %scan3A_305, %mul3A_498 : i32
      %add3A_500 = arith.constant 1 : i32
      %add3A_501 = arith.addi %mul3A_499, %add3A_500 : i32
      %add3A_502 = arith.constant 3 : i32
      %add3A_503 = arith.addi %add3A_501, %add3A_502 : i32
      %jit3A_504 = arith.constant 2 : i32
      %div3A_505 = arith.divsi %add3A_503, %jit3A_504 : i32
      %sign3A_506 = arith.constant 0 : i32
      %sign3A_507 = arith.cmpi sgt, %add3A_503, %sign3A_506 : i32
      %sign3A_508 = arith.extui %sign3A_507 : i1 to i32
      %sign3A_509 = arith.constant 0 : i32
      %sign3A_510 = arith.cmpi slt, %add3A_503, %sign3A_509 : i32
      %sign3A_511 = arith.extui %sign3A_510 : i1 to i32
      %sign3A_512 = arith.subi %sign3A_508, %sign3A_511 : i32
      %sign3A_513 = arith.constant 0 : i32
      %sign3A_514 = arith.cmpi sgt, %jit3A_504, %sign3A_513 : i32
      %sign3A_515 = arith.extui %sign3A_514 : i1 to i32
      %sign3A_516 = arith.constant 0 : i32
      %sign3A_517 = arith.cmpi slt, %jit3A_504, %sign3A_516 : i32
      %sign3A_518 = arith.extui %sign3A_517 : i1 to i32
      %sign3A_519 = arith.subi %sign3A_515, %sign3A_518 : i32
      %ne3A_520 = arith.cmpi ne, %sign3A_512, %sign3A_519 : i32
      %rem3A_521 = arith.remsi %add3A_503, %jit3A_504 : i32
      %ne3A_522 = arith.constant 0 : i32
      %ne3A_523 = arith.cmpi ne, %rem3A_521, %ne3A_522 : i32
      %and3A_524 = arith.andi %ne3A_520, %ne3A_523 : i1
      %sub3A_525 = arith.constant 1 : i32
      %sub3A_526 = arith.subi %div3A_505, %sub3A_525 : i32
      %select_n3A_527 = arith.select %and3A_524, %sub3A_526, %div3A_505 : i32
      %min3A_528 = arith.constant 15 : i32
      %min3A_529 = arith.minsi %select_n3A_527, %min3A_528 : i32
      %add3A_530 = arith.addi %add3A, %min3A_529 : i32
      %mul3A_531 = arith.constant 2 : i32
      %mul3A_532 = arith.muli %mul3A_531, %add3A_530 : i32
      %jit3A_533 = arith.constant 64 : i32
      %eq3A_534 = arith.constant 0 : i32
      %eq3A_535 = arith.cmpi eq, %jit3A_533, %eq3A_534 : i32
      %jit3A_536 = arith.constant 1 : i32
      %select_n3A_537 = arith.select %eq3A_535, %jit3A_536, %jit3A_533 : i32
      %rem3A_538 = arith.remsi %mul3A_532, %select_n3A_537 : i32
      %ne3A_539 = arith.constant 0 : i32
      %ne3A_540 = arith.cmpi ne, %rem3A_538, %ne3A_539 : i32
      %lt3A_541 = arith.constant 0 : i32
      %lt3A_542 = arith.cmpi slt, %rem3A_538, %lt3A_541 : i32
      %lt3A_543 = arith.constant 0 : i32
      %lt3A_544 = arith.cmpi slt, %select_n3A_537, %lt3A_543 : i32
      %ne3A_545 = arith.xori %lt3A_542, %lt3A_544 : i1
      %and3A_546 = arith.andi %ne3A_545, %ne3A_540 : i1
      %add3A_547 = arith.addi %rem3A_538, %select_n3A_537 : i32
      %select_n3A_548 = arith.select %and3A_546, %add3A_547, %rem3A_538 : i32
      %jit3A_549 = arith.constant 2 : i32
      %eq3A_550 = arith.constant 0 : i32
      %eq3A_551 = arith.cmpi eq, %jit3A_549, %eq3A_550 : i32
      %jit3A_552 = arith.constant 1 : i32
      %select_n3A_553 = arith.select %eq3A_551, %jit3A_552, %jit3A_549 : i32
      %rem3A_554 = arith.remsi %add3A_503, %select_n3A_553 : i32
      %ne3A_555 = arith.constant 0 : i32
      %ne3A_556 = arith.cmpi ne, %rem3A_554, %ne3A_555 : i32
      %lt3A_557 = arith.constant 0 : i32
      %lt3A_558 = arith.cmpi slt, %rem3A_554, %lt3A_557 : i32
      %lt3A_559 = arith.constant 0 : i32
      %lt3A_560 = arith.cmpi slt, %select_n3A_553, %lt3A_559 : i32
      %ne3A_561 = arith.xori %lt3A_558, %lt3A_560 : i1
      %and3A_562 = arith.andi %ne3A_561, %ne3A_556 : i1
      %add3A_563 = arith.addi %rem3A_554, %select_n3A_553 : i32
      %select_n3A_564 = arith.select %and3A_562, %add3A_563, %rem3A_554 : i32
      %eq3A_565 = arith.constant 0 : i32
      %eq3A_566 = arith.cmpi eq, %select_n3A_564, %eq3A_565 : i32
      %sub3A_567 = arith.constant 63 : i32
      %sub3A_568 = arith.subi %sub3A_567, %select_n3A_548 : i32
      %select_n3A_569 = arith.select %eq3A_566, %select_n3A_548, %sub3A_568 : i32
      %get3A_570 = arith.index_cast %min3A_529 : i32 to index
      %get3A_571 = tpu.vector_load %arg6[%get3A_570] {strides = array<i32>} : memref<32xi32, #tpu.memory_space<vmem>>, vector<16xi32>,
      %get3A_572 = vector.shape_cast %get3A_571 : vector<16xi32> to vector<16xi32>
      %slice3A_573 = vector.extract_strided_slice %get3A_572 {offsets = [0], sizes = [1], strides = [1]} : vector<16xi32> to vector<1xi32>
      %squeeze3A_574 = vector.extract %slice3A_573[0] : i32 from vector<1xi32>
      %mul3A_575 = arith.constant 32 : i32
      %mul3A_576 = arith.muli %select_n3A_569, %mul3A_575 : i32
      %sub3A_577 = arith.subi %squeeze3A_574, %mul3A_576 : i32
      %mul3A_578 = arith.constant 2048 : i32
      %mul3A_579 = arith.muli %min3A_529, %mul3A_578 : i32
      %mul3A_580 = arith.constant 32 : i32
      %mul3A_581 = arith.muli %select_n3A_569, %mul3A_580 : i32
      %add3A_582 = arith.addi %mul3A_579, %mul3A_581 : i32
      %lt3A_583 = arith.constant 32 : i32
      %lt3A_584 = arith.cmpi slt, %add3A_503, %lt3A_583 : i32
      %gt3A_585 = arith.constant 0 : i32
      %gt3A_586 = arith.cmpi sgt, %sub3A_577, %gt3A_585 : i32
      %and3A_587 = arith.andi %lt3A_584, %gt3A_586 : i1
      %convert_element_type3A_588 = arith.extui %and3A_587 : i1 to i32
      %cond3A_589 = arith.constant 0 : i32
      %cond3A_590 = arith.cmpi ne, %convert_element_type3A_588, %cond3A_589 : i32
      scf.if %cond3A_590 {
        %dma_start3A = arith.constant 0 : i32
        %dma_start3A_1074 = tpu.memref_slice %arg2[%add3A_582, %dma_start3A] : memref<32768x256xf32, #tpu.memory_space<hbm>> -> memref<32x256xf32, #tpu.memory_space<hbm>>
        %dma_start3A_1075 = arith.constant 0 : i32
        %dma_start3A_1076 = tpu.memref_slice %arg2[%add3A_582, %dma_start3A_1075] : memref<32768x256xf32, #tpu.memory_space<hbm>> -> memref<32x256xf32, #tpu.memory_space<hbm>>
        tpu.enqueue_dma source(%dma_start3A_1076 : memref<32x256xf32, #tpu.memory_space<hbm>>) target(%arg7 : memref<32x256xf32, #tpu.memory_space<vmem>>) target_semaphore(%arg20 : memref<!tpu.dma_semaphore, #tpu.memory_space<semaphore_mem>>)
        %dma_start3A_1077 = arith.constant 0 : i32
        %dma_start3A_1078 = tpu.memref_slice %arg4[%add3A_582, %dma_start3A_1077] : memref<32768x256xf32, #tpu.memory_space<hbm>> -> memref<32x256xf32, #tpu.memory_space<hbm>>
        %dma_start3A_1079 = arith.constant 0 : i32
        %dma_start3A_1080 = tpu.memref_slice %arg4[%add3A_582, %dma_start3A_1079] : memref<32768x256xf32, #tpu.memory_space<hbm>> -> memref<32x256xf32, #tpu.memory_space<hbm>>
        tpu.enqueue_dma source(%dma_start3A_1080 : memref<32x256xf32, #tpu.memory_space<hbm>>) target(%arg11 : memref<32x256xf32, #tpu.memory_space<vmem>>) target_semaphore(%arg20 : memref<!tpu.dma_semaphore, #tpu.memory_space<semaphore_mem>>)
      } else {
      }
      %jit3A_591 = arith.constant 2 : i32
      %div3A_592 = arith.divsi %add3A_501, %jit3A_591 : i32
      %sign3A_593 = arith.constant 0 : i32
      %sign3A_594 = arith.cmpi sgt, %add3A_501, %sign3A_593 : i32
      %sign3A_595 = arith.extui %sign3A_594 : i1 to i32
      %sign3A_596 = arith.constant 0 : i32
      %sign3A_597 = arith.cmpi slt, %add3A_501, %sign3A_596 : i32
      %sign3A_598 = arith.extui %sign3A_597 : i1 to i32
      %sign3A_599 = arith.subi %sign3A_595, %sign3A_598 : i32
      %sign3A_600 = arith.constant 0 : i32
      %sign3A_601 = arith.cmpi sgt, %jit3A_591, %sign3A_600 : i32
      %sign3A_602 = arith.extui %sign3A_601 : i1 to i32
      %sign3A_603 = arith.constant 0 : i32
      %sign3A_604 = arith.cmpi slt, %jit3A_591, %sign3A_603 : i32
      %sign3A_605 = arith.extui %sign3A_604 : i1 to i32
      %sign3A_606 = arith.subi %sign3A_602, %sign3A_605 : i32
      %ne3A_607 = arith.cmpi ne, %sign3A_599, %sign3A_606 : i32
      %rem3A_608 = arith.remsi %add3A_501, %jit3A_591 : i32
      %ne3A_609 = arith.constant 0 : i32
      %ne3A_610 = arith.cmpi ne, %rem3A_608, %ne3A_609 : i32
      %and3A_611 = arith.andi %ne3A_607, %ne3A_610 : i1
      %sub3A_612 = arith.constant 1 : i32
      %sub3A_613 = arith.subi %div3A_592, %sub3A_612 : i32
      %select_n3A_614 = arith.select %and3A_611, %sub3A_613, %div3A_592 : i32
      %min3A_615 = arith.constant 15 : i32
      %min3A_616 = arith.minsi %select_n3A_614, %min3A_615 : i32
      %add3A_617 = arith.addi %add3A, %min3A_616 : i32
      %mul3A_618 = arith.constant 2 : i32
      %mul3A_619 = arith.muli %mul3A_618, %add3A_617 : i32
      %jit3A_620 = arith.constant 64 : i32
      %eq3A_621 = arith.constant 0 : i32
      %eq3A_622 = arith.cmpi eq, %jit3A_620, %eq3A_621 : i32
      %jit3A_623 = arith.constant 1 : i32
      %select_n3A_624 = arith.select %eq3A_622, %jit3A_623, %jit3A_620 : i32
      %rem3A_625 = arith.remsi %mul3A_619, %select_n3A_624 : i32
      %ne3A_626 = arith.constant 0 : i32
      %ne3A_627 = arith.cmpi ne, %rem3A_625, %ne3A_626 : i32
      %lt3A_628 = arith.constant 0 : i32
      %lt3A_629 = arith.cmpi slt, %rem3A_625, %lt3A_628 : i32
      %lt3A_630 = arith.constant 0 : i32
      %lt3A_631 = arith.cmpi slt, %select_n3A_624, %lt3A_630 : i32
      %ne3A_632 = arith.xori %lt3A_629, %lt3A_631 : i1
      %and3A_633 = arith.andi %ne3A_632, %ne3A_627 : i1
      %add3A_634 = arith.addi %rem3A_625, %select_n3A_624 : i32
      %select_n3A_635 = arith.select %and3A_633, %add3A_634, %rem3A_625 : i32
      %jit3A_636 = arith.constant 2 : i32
      %eq3A_637 = arith.constant 0 : i32
      %eq3A_638 = arith.cmpi eq, %jit3A_636, %eq3A_637 : i32
      %jit3A_639 = arith.constant 1 : i32
      %select_n3A_640 = arith.select %eq3A_638, %jit3A_639, %jit3A_636 : i32
      %rem3A_641 = arith.remsi %add3A_501, %select_n3A_640 : i32
      %ne3A_642 = arith.constant 0 : i32
      %ne3A_643 = arith.cmpi ne, %rem3A_641, %ne3A_642 : i32
      %lt3A_644 = arith.constant 0 : i32
      %lt3A_645 = arith.cmpi slt, %rem3A_641, %lt3A_644 : i32
      %lt3A_646 = arith.constant 0 : i32
      %lt3A_647 = arith.cmpi slt, %select_n3A_640, %lt3A_646 : i32
      %ne3A_648 = arith.xori %lt3A_645, %lt3A_647 : i1
      %and3A_649 = arith.andi %ne3A_648, %ne3A_643 : i1
      %add3A_650 = arith.addi %rem3A_641, %select_n3A_640 : i32
      %select_n3A_651 = arith.select %and3A_649, %add3A_650, %rem3A_641 : i32
      %eq3A_652 = arith.constant 0 : i32
      %eq3A_653 = arith.cmpi eq, %select_n3A_651, %eq3A_652 : i32
      %sub3A_654 = arith.constant 63 : i32
      %sub3A_655 = arith.subi %sub3A_654, %select_n3A_635 : i32
      %select_n3A_656 = arith.select %eq3A_653, %select_n3A_635, %sub3A_655 : i32
      %get3A_657 = arith.index_cast %min3A_616 : i32 to index
      %get3A_658 = tpu.vector_load %arg6[%get3A_657] {strides = array<i32>} : memref<32xi32, #tpu.memory_space<vmem>>, vector<16xi32>,
      %get3A_659 = vector.shape_cast %get3A_658 : vector<16xi32> to vector<16xi32>
      %slice3A_660 = vector.extract_strided_slice %get3A_659 {offsets = [0], sizes = [1], strides = [1]} : vector<16xi32> to vector<1xi32>
      %squeeze3A_661 = vector.extract %slice3A_660[0] : i32 from vector<1xi32>
      %mul3A_662 = arith.constant 32 : i32
      %mul3A_663 = arith.muli %select_n3A_656, %mul3A_662 : i32
      %sub3A_664 = arith.subi %squeeze3A_661, %mul3A_663 : i32
      %mul3A_665 = arith.constant 2048 : i32
      %mul3A_666 = arith.muli %min3A_616, %mul3A_665 : i32
      %mul3A_667 = arith.constant 32 : i32
      %mul3A_668 = arith.muli %select_n3A_656, %mul3A_667 : i32
      %add3A_669 = arith.addi %mul3A_666, %mul3A_668 : i32
      %gt3A_670 = arith.constant 0 : i32
      %gt3A_671 = arith.cmpi sgt, %sub3A_664, %gt3A_670 : i32
      %and3A_672 = arith.constant 2 : i32
      %and3A_673 = arith.andi %select_n3A_494, %and3A_672 : i32
      %ne3A_674 = arith.constant 0 : i32
      %ne3A_675 = arith.cmpi ne, %and3A_673, %ne3A_674 : i32
      %convert_element_type3A_676 = arith.extui %gt3A_671 : i1 to i32
      %cond3A_677 = arith.constant 0 : i32
      %cond3A_678 = arith.cmpi ne, %convert_element_type3A_676, %cond3A_677 : i32
      scf.if %cond3A_678 {
        %dma_wait3A = arith.constant 0 : i32
        %dma_wait3A_1074 = tpu.memref_slice %arg2[%add3A_669, %dma_wait3A] : memref<32768x256xf32, #tpu.memory_space<hbm>> -> memref<32x256xf32, #tpu.memory_space<hbm>>
        %dma_wait3A_1075 = arith.constant 0 : i32
        %dma_wait3A_1076 = tpu.memref_slice %arg2[%add3A_669, %dma_wait3A_1075] : memref<32768x256xf32, #tpu.memory_space<hbm>> -> memref<32x256xf32, #tpu.memory_space<hbm>>
        tpu.wait_dma2 semaphore(%arg21 : memref<!tpu.dma_semaphore, #tpu.memory_space<semaphore_mem>>) src(%dma_wait3A_1076 : memref<32x256xf32, #tpu.memory_space<hbm>>) dst(%arg8 : memref<32x256xf32, #tpu.memory_space<vmem>>)
        %dma_wait3A_1077 = arith.constant 0 : i32
        %dma_wait3A_1078 = tpu.memref_slice %arg4[%add3A_669, %dma_wait3A_1077] : memref<32768x256xf32, #tpu.memory_space<hbm>> -> memref<32x256xf32, #tpu.memory_space<hbm>>
        %dma_wait3A_1079 = arith.constant 0 : i32
        %dma_wait3A_1080 = tpu.memref_slice %arg4[%add3A_669, %dma_wait3A_1079] : memref<32768x256xf32, #tpu.memory_space<hbm>> -> memref<32x256xf32, #tpu.memory_space<hbm>>
        tpu.wait_dma2 semaphore(%arg21 : memref<!tpu.dma_semaphore, #tpu.memory_space<semaphore_mem>>) src(%dma_wait3A_1080 : memref<32x256xf32, #tpu.memory_space<hbm>>) dst(%arg12 : memref<32x256xf32, #tpu.memory_space<vmem>>)
        %convert_element_type3A_1081 = arith.extui %ne3A_675 : i1 to i32
        %cond3A_1082 = arith.constant 0 : i32
        %cond3A_1083 = arith.cmpi ne, %convert_element_type3A_1081, %cond3A_1082 : i32
        scf.if %cond3A_1083 {
          %dma_wait3A_1096 = arith.constant 0 : i32
          %dma_wait3A_1097 = arith.constant 0 : i32
          %dma_wait3A_1098 = tpu.memref_slice %arg5[%dma_wait3A_1096, %dma_wait3A_1097] : memref<32768x256xf32, #tpu.memory_space<hbm>> -> memref<32x256xf32, #tpu.memory_space<hbm>>
          %dma_wait3A_1099 = arith.constant 0 : i32
          %dma_wait3A_1100 = arith.constant 0 : i32
          %dma_wait3A_1101 = tpu.memref_slice %arg5[%dma_wait3A_1099, %dma_wait3A_1100] : memref<32768x256xf32, #tpu.memory_space<hbm>> -> memref<32x256xf32, #tpu.memory_space<hbm>>
          tpu.wait_dma2 semaphore(%arg25 : memref<!tpu.dma_semaphore, #tpu.memory_space<semaphore_mem>>) src(%arg16 : memref<32x256xf32, #tpu.memory_space<vmem>>) dst(%dma_wait3A_1101 : memref<32x256xf32, #tpu.memory_space<hbm>>)
        } else {
        }
        %ge3A = arith.constant 32 : i32
        %ge3A_1084 = arith.cmpi sge, %sub3A_664, %ge3A : i32
        %convert_element_type3A_1085 = arith.extui %ge3A_1084 : i1 to i32
        %cond3A_1086 = arith.constant 0 : i32
        %cond3A_1087 = arith.cmpi ne, %convert_element_type3A_1085, %cond3A_1086 : i32
        scf.if %cond3A_1087 {
          %scan3A_1096 = arith.constant 0 : i32
          %scan3A_1097 = arith.constant 0 : i32
          %scan3A_1098 = arith.constant 32 : i32
          %scan3A_1099 = arith.addi %scan3A_1097, %scan3A_1098 : i32
          %scan3A_1100 = arith.constant 1 : i32
          scf.for %scan3A_1102 = %scan3A_1097 to %scan3A_1099 step %scan3A_1100  : i32 {
            %get3A_1103 = arith.index_cast %scan3A_1102 : i32 to index
            %get3A_1104 = arith.constant 0 : index
            %get3A_1105 = tpu.vector_load %arg8[%get3A_1103, %get3A_1104] {strides = array<i32>} : memref<32x256xf32, #tpu.memory_space<vmem>>, vector<1x16xf32>,
            %get3A_1106 = vector.shape_cast %get3A_1105 : vector<1x16xf32> to vector<16xf32>
            %get3A_1107 = arith.index_cast %scan3A_1102 : i32 to index
            %get3A_1108 = arith.constant 0 : index
            %get3A_1109 = tpu.vector_load %arg12[%get3A_1107, %get3A_1108] {strides = array<i32>} : memref<32x256xf32, #tpu.memory_space<vmem>>, vector<1x16xf32>,
            %get3A_1110 = vector.shape_cast %get3A_1109 : vector<1x16xf32> to vector<16xf32>
            %add3A_1111 = arith.addf %get3A_1106, %get3A_1110 : vector<16xf32>
            %swap3A = arith.index_cast %scan3A_1102 : i32 to index
            %swap3A_1112 = arith.constant 0 : index
            %swap3A_1113 = tpu.vector_load %arg16[%swap3A, %swap3A_1112] {strides = array<i32>} : memref<32x256xf32, #tpu.memory_space<vmem>>, vector<1x16xf32>,
            %swap3A_1114 = vector.shape_cast %swap3A_1113 : vector<1x16xf32> to vector<16xf32>
            %swap3A_1115 = vector.shape_cast %add3A_1111 : vector<16xf32> to vector<1x16xf32>
            tpu.vector_store %arg16[%swap3A, %swap3A_1112], %swap3A_1115 {strides = array<i32>} : memref<32x256xf32, #tpu.memory_space<vmem>>, vector<1x16xf32>,
            %get3A_1116 = arith.index_cast %scan3A_1102 : i32 to index
            %get3A_1117 = arith.constant 16 : index
            %get3A_1118 = tpu.vector_load %arg8[%get3A_1116, %get3A_1117] {strides = array<i32>} : memref<32x256xf32, #tpu.memory_space<vmem>>, vector<1x16xf32>,
            %get3A_1119 = vector.shape_cast %get3A_1118 : vector<1x16xf32> to vector<16xf32>
            %get3A_1120 = arith.index_cast %scan3A_1102 : i32 to index
            %get3A_1121 = arith.constant 16 : index
            %get3A_1122 = tpu.vector_load %arg12[%get3A_1120, %get3A_1121] {strides = array<i32>} : memref<32x256xf32, #tpu.memory_space<vmem>>, vector<1x16xf32>,
            %get3A_1123 = vector.shape_cast %get3A_1122 : vector<1x16xf32> to vector<16xf32>
            %add3A_1124 = arith.addf %get3A_1119, %get3A_1123 : vector<16xf32>
            %swap3A_1125 = arith.index_cast %scan3A_1102 : i32 to index
            %swap3A_1126 = arith.constant 16 : index
            %swap3A_1127 = tpu.vector_load %arg16[%swap3A_1125, %swap3A_1126] {strides = array<i32>} : memref<32x256xf32, #tpu.memory_space<vmem>>, vector<1x16xf32>,
            %swap3A_1128 = vector.shape_cast %swap3A_1127 : vector<1x16xf32> to vector<16xf32>
            %swap3A_1129 = vector.shape_cast %add3A_1124 : vector<16xf32> to vector<1x16xf32>
            tpu.vector_store %arg16[%swap3A_1125, %swap3A_1126], %swap3A_1129 {strides = array<i32>} : memref<32x256xf32, #tpu.memory_space<vmem>>, vector<1x16xf32>,
            %get3A_1130 = arith.index_cast %scan3A_1102 : i32 to index
            %get3A_1131 = arith.constant 32 : index
            %get3A_1132 = tpu.vector_load %arg8[%get3A_1130, %get3A_1131] {strides = array<i32>} : memref<32x256xf32, #tpu.memory_space<vmem>>, vector<1x16xf32>,
            %get3A_1133 = vector.shape_cast %get3A_1132 : vector<1x16xf32> to vector<16xf32>
            %get3A_1134 = arith.index_cast %scan3A_1102 : i32 to index
            %get3A_1135 = arith.constant 32 : index
            %get3A_1136 = tpu.vector_load %arg12[%get3A_1134, %get3A_1135] {strides = array<i32>} : memref<32x256xf32, #tpu.memory_space<vmem>>, vector<1x16xf32>,
            %get3A_1137 = vector.shape_cast %get3A_1136 : vector<1x16xf32> to vector<16xf32>
            %add3A_1138 = arith.addf %get3A_1133, %get3A_1137 : vector<16xf32>
            %swap3A_1139 = arith.index_cast %scan3A_1102 : i32 to index
            %swap3A_1140 = arith.constant 32 : index
            %swap3A_1141 = tpu.vector_load %arg16[%swap3A_1139, %swap3A_1140] {strides = array<i32>} : memref<32x256xf32, #tpu.memory_space<vmem>>, vector<1x16xf32>,
            %swap3A_1142 = vector.shape_cast %swap3A_1141 : vector<1x16xf32> to vector<16xf32>
            %swap3A_1143 = vector.shape_cast %add3A_1138 : vector<16xf32> to vector<1x16xf32>
            tpu.vector_store %arg16[%swap3A_1139, %swap3A_1140], %swap3A_1143 {strides = array<i32>} : memref<32x256xf32, #tpu.memory_space<vmem>>, vector<1x16xf32>,
            %get3A_1144 = arith.index_cast %scan3A_1102 : i32 to index
            %get3A_1145 = arith.constant 48 : index
            %get3A_1146 = tpu.vector_load %arg8[%get3A_1144, %get3A_1145] {strides = array<i32>} : memref<32x256xf32, #tpu.memory_space<vmem>>, vector<1x16xf32>,
            %get3A_1147 = vector.shape_cast %get3A_1146 : vector<1x16xf32> to vector<16xf32>
            %get3A_1148 = arith.index_cast %scan3A_1102 : i32 to index
            %get3A_1149 = arith.constant 48 : index
            %get3A_1150 = tpu.vector_load %arg12[%get3A_1148, %get3A_1149] {strides = array<i32>} : memref<32x256xf32, #tpu.memory_space<vmem>>, vector<1x16xf32>,
            %get3A_1151 = vector.shape_cast %get3A_1150 : vector<1x16xf32> to vector<16xf32>
            %add3A_1152 = arith.addf %get3A_1147, %get3A_1151 : vector<16xf32>
            %swap3A_1153 = arith.index_cast %scan3A_1102 : i32 to index
            %swap3A_1154 = arith.constant 48 : index
            %swap3A_1155 = tpu.vector_load %arg16[%swap3A_1153, %swap3A_1154] {strides = array<i32>} : memref<32x256xf32, #tpu.memory_space<vmem>>, vector<1x16xf32>,
            %swap3A_1156 = vector.shape_cast %swap3A_1155 : vector<1x16xf32> to vector<16xf32>
            %swap3A_1157 = vector.shape_cast %add3A_1152 : vector<16xf32> to vector<1x16xf32>
            tpu.vector_store %arg16[%swap3A_1153, %swap3A_1154], %swap3A_1157 {strides = array<i32>} : memref<32x256xf32, #tpu.memory_space<vmem>>, vector<1x16xf32>,
            %get3A_1158 = arith.index_cast %scan3A_1102 : i32 to index
            %get3A_1159 = arith.constant 64 : index
            %get3A_1160 = tpu.vector_load %arg8[%get3A_1158, %get3A_1159] {strides = array<i32>} : memref<32x256xf32, #tpu.memory_space<vmem>>, vector<1x16xf32>,
            %get3A_1161 = vector.shape_cast %get3A_1160 : vector<1x16xf32> to vector<16xf32>
            %get3A_1162 = arith.index_cast %scan3A_1102 : i32 to index
            %get3A_1163 = arith.constant 64 : index
            %get3A_1164 = tpu.vector_load %arg12[%get3A_1162, %get3A_1163] {strides = array<i32>} : memref<32x256xf32, #tpu.memory_space<vmem>>, vector<1x16xf32>,
            %get3A_1165 = vector.shape_cast %get3A_1164 : vector<1x16xf32> to vector<16xf32>
            %add3A_1166 = arith.addf %get3A_1161, %get3A_1165 : vector<16xf32>
            %swap3A_1167 = arith.index_cast %scan3A_1102 : i32 to index
            %swap3A_1168 = arith.constant 64 : index
            %swap3A_1169 = tpu.vector_load %arg16[%swap3A_1167, %swap3A_1168] {strides = array<i32>} : memref<32x256xf32, #tpu.memory_space<vmem>>, vector<1x16xf32>,
            %swap3A_1170 = vector.shape_cast %swap3A_1169 : vector<1x16xf32> to vector<16xf32>
            %swap3A_1171 = vector.shape_cast %add3A_1166 : vector<16xf32> to vector<1x16xf32>
            tpu.vector_store %arg16[%swap3A_1167, %swap3A_1168], %swap3A_1171 {strides = array<i32>} : memref<32x256xf32, #tpu.memory_space<vmem>>, vector<1x16xf32>,
            %get3A_1172 = arith.index_cast %scan3A_1102 : i32 to index
            %get3A_1173 = arith.constant 80 : index
            %get3A_1174 = tpu.vector_load %arg8[%get3A_1172, %get3A_1173] {strides = array<i32>} : memref<32x256xf32, #tpu.memory_space<vmem>>, vector<1x16xf32>,
            %get3A_1175 = vector.shape_cast %get3A_1174 : vector<1x16xf32> to vector<16xf32>
            %get3A_1176 = arith.index_cast %scan3A_1102 : i32 to index
            %get3A_1177 = arith.constant 80 : index
            %get3A_1178 = tpu.vector_load %arg12[%get3A_1176, %get3A_1177] {strides = array<i32>} : memref<32x256xf32, #tpu.memory_space<vmem>>, vector<1x16xf32>,
            %get3A_1179 = vector.shape_cast %get3A_1178 : vector<1x16xf32> to vector<16xf32>
            %add3A_1180 = arith.addf %get3A_1175, %get3A_1179 : vector<16xf32>
            %swap3A_1181 = arith.index_cast %scan3A_1102 : i32 to index
            %swap3A_1182 = arith.constant 80 : index
            %swap3A_1183 = tpu.vector_load %arg16[%swap3A_1181, %swap3A_1182] {strides = array<i32>} : memref<32x256xf32, #tpu.memory_space<vmem>>, vector<1x16xf32>,
            %swap3A_1184 = vector.shape_cast %swap3A_1183 : vector<1x16xf32> to vector<16xf32>
            %swap3A_1185 = vector.shape_cast %add3A_1180 : vector<16xf32> to vector<1x16xf32>
            tpu.vector_store %arg16[%swap3A_1181, %swap3A_1182], %swap3A_1185 {strides = array<i32>} : memref<32x256xf32, #tpu.memory_space<vmem>>, vector<1x16xf32>,
            %get3A_1186 = arith.index_cast %scan3A_1102 : i32 to index
            %get3A_1187 = arith.constant 96 : index
            %get3A_1188 = tpu.vector_load %arg8[%get3A_1186, %get3A_1187] {strides = array<i32>} : memref<32x256xf32, #tpu.memory_space<vmem>>, vector<1x16xf32>,
            %get3A_1189 = vector.shape_cast %get3A_1188 : vector<1x16xf32> to vector<16xf32>
            %get3A_1190 = arith.index_cast %scan3A_1102 : i32 to index
            %get3A_1191 = arith.constant 96 : index
            %get3A_1192 = tpu.vector_load %arg12[%get3A_1190, %get3A_1191] {strides = array<i32>} : memref<32x256xf32, #tpu.memory_space<vmem>>, vector<1x16xf32>,
            %get3A_1193 = vector.shape_cast %get3A_1192 : vector<1x16xf32> to vector<16xf32>
            %add3A_1194 = arith.addf %get3A_1189, %get3A_1193 : vector<16xf32>
            %swap3A_1195 = arith.index_cast %scan3A_1102 : i32 to index
            %swap3A_1196 = arith.constant 96 : index
            %swap3A_1197 = tpu.vector_load %arg16[%swap3A_1195, %swap3A_1196] {strides = array<i32>} : memref<32x256xf32, #tpu.memory_space<vmem>>, vector<1x16xf32>,
            %swap3A_1198 = vector.shape_cast %swap3A_1197 : vector<1x16xf32> to vector<16xf32>
            %swap3A_1199 = vector.shape_cast %add3A_1194 : vector<16xf32> to vector<1x16xf32>
            tpu.vector_store %arg16[%swap3A_1195, %swap3A_1196], %swap3A_1199 {strides = array<i32>} : memref<32x256xf32, #tpu.memory_space<vmem>>, vector<1x16xf32>,
            %get3A_1200 = arith.index_cast %scan3A_1102 : i32 to index
            %get3A_1201 = arith.constant 112 : index
            %get3A_1202 = tpu.vector_load %arg8[%get3A_1200, %get3A_1201] {strides = array<i32>} : memref<32x256xf32, #tpu.memory_space<vmem>>, vector<1x16xf32>,
            %get3A_1203 = vector.shape_cast %get3A_1202 : vector<1x16xf32> to vector<16xf32>
            %get3A_1204 = arith.index_cast %scan3A_1102 : i32 to index
            %get3A_1205 = arith.constant 112 : index
            %get3A_1206 = tpu.vector_load %arg12[%get3A_1204, %get3A_1205] {strides = array<i32>} : memref<32x256xf32, #tpu.memory_space<vmem>>, vector<1x16xf32>,
            %get3A_1207 = vector.shape_cast %get3A_1206 : vector<1x16xf32> to vector<16xf32>
            %add3A_1208 = arith.addf %get3A_1203, %get3A_1207 : vector<16xf32>
            %swap3A_1209 = arith.index_cast %scan3A_1102 : i32 to index
            %swap3A_1210 = arith.constant 112 : index
            %swap3A_1211 = tpu.vector_load %arg16[%swap3A_1209, %swap3A_1210] {strides = array<i32>} : memref<32x256xf32, #tpu.memory_space<vmem>>, vector<1x16xf32>,
            %swap3A_1212 = vector.shape_cast %swap3A_1211 : vector<1x16xf32> to vector<16xf32>
            %swap3A_1213 = vector.shape_cast %add3A_1208 : vector<16xf32> to vector<1x16xf32>
            tpu.vector_store %arg16[%swap3A_1209, %swap3A_1210], %swap3A_1213 {strides = array<i32>} : memref<32x256xf32, #tpu.memory_space<vmem>>, vector<1x16xf32>,
            %get3A_1214 = arith.index_cast %scan3A_1102 : i32 to index
            %get3A_1215 = arith.constant 128 : index
            %get3A_1216 = tpu.vector_load %arg8[%get3A_1214, %get3A_1215] {strides = array<i32>} : memref<32x256xf32, #tpu.memory_space<vmem>>, vector<1x16xf32>,
            %get3A_1217 = vector.shape_cast %get3A_1216 : vector<1x16xf32> to vector<16xf32>
            %get3A_1218 = arith.index_cast %scan3A_1102 : i32 to index
            %get3A_1219 = arith.constant 128 : index
            %get3A_1220 = tpu.vector_load %arg12[%get3A_1218, %get3A_1219] {strides = array<i32>} : memref<32x256xf32, #tpu.memory_space<vmem>>, vector<1x16xf32>,
            %get3A_1221 = vector.shape_cast %get3A_1220 : vector<1x16xf32> to vector<16xf32>
            %add3A_1222 = arith.addf %get3A_1217, %get3A_1221 : vector<16xf32>
            %swap3A_1223 = arith.index_cast %scan3A_1102 : i32 to index
            %swap3A_1224 = arith.constant 128 : index
            %swap3A_1225 = tpu.vector_load %arg16[%swap3A_1223, %swap3A_1224] {strides = array<i32>} : memref<32x256xf32, #tpu.memory_space<vmem>>, vector<1x16xf32>,
            %swap3A_1226 = vector.shape_cast %swap3A_1225 : vector<1x16xf32> to vector<16xf32>
            %swap3A_1227 = vector.shape_cast %add3A_1222 : vector<16xf32> to vector<1x16xf32>
            tpu.vector_store %arg16[%swap3A_1223, %swap3A_1224], %swap3A_1227 {strides = array<i32>} : memref<32x256xf32, #tpu.memory_space<vmem>>, vector<1x16xf32>,
            %get3A_1228 = arith.index_cast %scan3A_1102 : i32 to index
            %get3A_1229 = arith.constant 144 : index
            %get3A_1230 = tpu.vector_load %arg8[%get3A_1228, %get3A_1229] {strides = array<i32>} : memref<32x256xf32, #tpu.memory_space<vmem>>, vector<1x16xf32>,
            %get3A_1231 = vector.shape_cast %get3A_1230 : vector<1x16xf32> to vector<16xf32>
            %get3A_1232 = arith.index_cast %scan3A_1102 : i32 to index
            %get3A_1233 = arith.constant 144 : index
            %get3A_1234 = tpu.vector_load %arg12[%get3A_1232, %get3A_1233] {strides = array<i32>} : memref<32x256xf32, #tpu.memory_space<vmem>>, vector<1x16xf32>,
            %get3A_1235 = vector.shape_cast %get3A_1234 : vector<1x16xf32> to vector<16xf32>
            %add3A_1236 = arith.addf %get3A_1231, %get3A_1235 : vector<16xf32>
            %swap3A_1237 = arith.index_cast %scan3A_1102 : i32 to index
            %swap3A_1238 = arith.constant 144 : index
            %swap3A_1239 = tpu.vector_load %arg16[%swap3A_1237, %swap3A_1238] {strides = array<i32>} : memref<32x256xf32, #tpu.memory_space<vmem>>, vector<1x16xf32>,
            %swap3A_1240 = vector.shape_cast %swap3A_1239 : vector<1x16xf32> to vector<16xf32>
            %swap3A_1241 = vector.shape_cast %add3A_1236 : vector<16xf32> to vector<1x16xf32>
            tpu.vector_store %arg16[%swap3A_1237, %swap3A_1238], %swap3A_1241 {strides = array<i32>} : memref<32x256xf32, #tpu.memory_space<vmem>>, vector<1x16xf32>,
            %get3A_1242 = arith.index_cast %scan3A_1102 : i32 to index
            %get3A_1243 = arith.constant 160 : index
            %get3A_1244 = tpu.vector_load %arg8[%get3A_1242, %get3A_1243] {strides = array<i32>} : memref<32x256xf32, #tpu.memory_space<vmem>>, vector<1x16xf32>,
            %get3A_1245 = vector.shape_cast %get3A_1244 : vector<1x16xf32> to vector<16xf32>
            %get3A_1246 = arith.index_cast %scan3A_1102 : i32 to index
            %get3A_1247 = arith.constant 160 : index
            %get3A_1248 = tpu.vector_load %arg12[%get3A_1246, %get3A_1247] {strides = array<i32>} : memref<32x256xf32, #tpu.memory_space<vmem>>, vector<1x16xf32>,
            %get3A_1249 = vector.shape_cast %get3A_1248 : vector<1x16xf32> to vector<16xf32>
            %add3A_1250 = arith.addf %get3A_1245, %get3A_1249 : vector<16xf32>
            %swap3A_1251 = arith.index_cast %scan3A_1102 : i32 to index
            %swap3A_1252 = arith.constant 160 : index
            %swap3A_1253 = tpu.vector_load %arg16[%swap3A_1251, %swap3A_1252] {strides = array<i32>} : memref<32x256xf32, #tpu.memory_space<vmem>>, vector<1x16xf32>,
            %swap3A_1254 = vector.shape_cast %swap3A_1253 : vector<1x16xf32> to vector<16xf32>
            %swap3A_1255 = vector.shape_cast %add3A_1250 : vector<16xf32> to vector<1x16xf32>
            tpu.vector_store %arg16[%swap3A_1251, %swap3A_1252], %swap3A_1255 {strides = array<i32>} : memref<32x256xf32, #tpu.memory_space<vmem>>, vector<1x16xf32>,
            %get3A_1256 = arith.index_cast %scan3A_1102 : i32 to index
            %get3A_1257 = arith.constant 176 : index
            %get3A_1258 = tpu.vector_load %arg8[%get3A_1256, %get3A_1257] {strides = array<i32>} : memref<32x256xf32, #tpu.memory_space<vmem>>, vector<1x16xf32>,
            %get3A_1259 = vector.shape_cast %get3A_1258 : vector<1x16xf32> to vector<16xf32>
            %get3A_1260 = arith.index_cast %scan3A_1102 : i32 to index
            %get3A_1261 = arith.constant 176 : index
            %get3A_1262 = tpu.vector_load %arg12[%get3A_1260, %get3A_1261] {strides = array<i32>} : memref<32x256xf32, #tpu.memory_space<vmem>>, vector<1x16xf32>,
            %get3A_1263 = vector.shape_cast %get3A_1262 : vector<1x16xf32> to vector<16xf32>
            %add3A_1264 = arith.addf %get3A_1259, %get3A_1263 : vector<16xf32>
            %swap3A_1265 = arith.index_cast %scan3A_1102 : i32 to index
            %swap3A_1266 = arith.constant 176 : index
            %swap3A_1267 = tpu.vector_load %arg16[%swap3A_1265, %swap3A_1266] {strides = array<i32>} : memref<32x256xf32, #tpu.memory_space<vmem>>, vector<1x16xf32>,
            %swap3A_1268 = vector.shape_cast %swap3A_1267 : vector<1x16xf32> to vector<16xf32>
            %swap3A_1269 = vector.shape_cast %add3A_1264 : vector<16xf32> to vector<1x16xf32>
            tpu.vector_store %arg16[%swap3A_1265, %swap3A_1266], %swap3A_1269 {strides = array<i32>} : memref<32x256xf32, #tpu.memory_space<vmem>>, vector<1x16xf32>,
            %get3A_1270 = arith.index_cast %scan3A_1102 : i32 to index
            %get3A_1271 = arith.constant 192 : index
            %get3A_1272 = tpu.vector_load %arg8[%get3A_1270, %get3A_1271] {strides = array<i32>} : memref<32x256xf32, #tpu.memory_space<vmem>>, vector<1x16xf32>,
            %get3A_1273 = vector.shape_cast %get3A_1272 : vector<1x16xf32> to vector<16xf32>
            %get3A_1274 = arith.index_cast %scan3A_1102 : i32 to index
            %get3A_1275 = arith.constant 192 : index
            %get3A_1276 = tpu.vector_load %arg12[%get3A_1274, %get3A_1275] {strides = array<i32>} : memref<32x256xf32, #tpu.memory_space<vmem>>, vector<1x16xf32>,
            %get3A_1277 = vector.shape_cast %get3A_1276 : vector<1x16xf32> to vector<16xf32>
            %add3A_1278 = arith.addf %get3A_1273, %get3A_1277 : vector<16xf32>
            %swap3A_1279 = arith.index_cast %scan3A_1102 : i32 to index
            %swap3A_1280 = arith.constant 192 : index
            %swap3A_1281 = tpu.vector_load %arg16[%swap3A_1279, %swap3A_1280] {strides = array<i32>} : memref<32x256xf32, #tpu.memory_space<vmem>>, vector<1x16xf32>,
            %swap3A_1282 = vector.shape_cast %swap3A_1281 : vector<1x16xf32> to vector<16xf32>
            %swap3A_1283 = vector.shape_cast %add3A_1278 : vector<16xf32> to vector<1x16xf32>
            tpu.vector_store %arg16[%swap3A_1279, %swap3A_1280], %swap3A_1283 {strides = array<i32>} : memref<32x256xf32, #tpu.memory_space<vmem>>, vector<1x16xf32>,
            %get3A_1284 = arith.index_cast %scan3A_1102 : i32 to index
            %get3A_1285 = arith.constant 208 : index
            %get3A_1286 = tpu.vector_load %arg8[%get3A_1284, %get3A_1285] {strides = array<i32>} : memref<32x256xf32, #tpu.memory_space<vmem>>, vector<1x16xf32>,
            %get3A_1287 = vector.shape_cast %get3A_1286 : vector<1x16xf32> to vector<16xf32>
            %get3A_1288 = arith.index_cast %scan3A_1102 : i32 to index
            %get3A_1289 = arith.constant 208 : index
            %get3A_1290 = tpu.vector_load %arg12[%get3A_1288, %get3A_1289] {strides = array<i32>} : memref<32x256xf32, #tpu.memory_space<vmem>>, vector<1x16xf32>,
            %get3A_1291 = vector.shape_cast %get3A_1290 : vector<1x16xf32> to vector<16xf32>
            %add3A_1292 = arith.addf %get3A_1287, %get3A_1291 : vector<16xf32>
            %swap3A_1293 = arith.index_cast %scan3A_1102 : i32 to index
            %swap3A_1294 = arith.constant 208 : index
            %swap3A_1295 = tpu.vector_load %arg16[%swap3A_1293, %swap3A_1294] {strides = array<i32>} : memref<32x256xf32, #tpu.memory_space<vmem>>, vector<1x16xf32>,
            %swap3A_1296 = vector.shape_cast %swap3A_1295 : vector<1x16xf32> to vector<16xf32>
            %swap3A_1297 = vector.shape_cast %add3A_1292 : vector<16xf32> to vector<1x16xf32>
            tpu.vector_store %arg16[%swap3A_1293, %swap3A_1294], %swap3A_1297 {strides = array<i32>} : memref<32x256xf32, #tpu.memory_space<vmem>>, vector<1x16xf32>,
            %get3A_1298 = arith.index_cast %scan3A_1102 : i32 to index
            %get3A_1299 = arith.constant 224 : index
            %get3A_1300 = tpu.vector_load %arg8[%get3A_1298, %get3A_1299] {strides = array<i32>} : memref<32x256xf32, #tpu.memory_space<vmem>>, vector<1x16xf32>,
            %get3A_1301 = vector.shape_cast %get3A_1300 : vector<1x16xf32> to vector<16xf32>
            %get3A_1302 = arith.index_cast %scan3A_1102 : i32 to index
            %get3A_1303 = arith.constant 224 : index
            %get3A_1304 = tpu.vector_load %arg12[%get3A_1302, %get3A_1303] {strides = array<i32>} : memref<32x256xf32, #tpu.memory_space<vmem>>, vector<1x16xf32>,
            %get3A_1305 = vector.shape_cast %get3A_1304 : vector<1x16xf32> to vector<16xf32>
            %add3A_1306 = arith.addf %get3A_1301, %get3A_1305 : vector<16xf32>
            %swap3A_1307 = arith.index_cast %scan3A_1102 : i32 to index
            %swap3A_1308 = arith.constant 224 : index
            %swap3A_1309 = tpu.vector_load %arg16[%swap3A_1307, %swap3A_1308] {strides = array<i32>} : memref<32x256xf32, #tpu.memory_space<vmem>>, vector<1x16xf32>,
            %swap3A_1310 = vector.shape_cast %swap3A_1309 : vector<1x16xf32> to vector<16xf32>
            %swap3A_1311 = vector.shape_cast %add3A_1306 : vector<16xf32> to vector<1x16xf32>
            tpu.vector_store %arg16[%swap3A_1307, %swap3A_1308], %swap3A_1311 {strides = array<i32>} : memref<32x256xf32, #tpu.memory_space<vmem>>, vector<1x16xf32>,
            %get3A_1312 = arith.index_cast %scan3A_1102 : i32 to index
            %get3A_1313 = arith.constant 240 : index
            %get3A_1314 = tpu.vector_load %arg8[%get3A_1312, %get3A_1313] {strides = array<i32>} : memref<32x256xf32, #tpu.memory_space<vmem>>, vector<1x16xf32>,
            %get3A_1315 = vector.shape_cast %get3A_1314 : vector<1x16xf32> to vector<16xf32>
            %get3A_1316 = arith.index_cast %scan3A_1102 : i32 to index
            %get3A_1317 = arith.constant 240 : index
            %get3A_1318 = tpu.vector_load %arg12[%get3A_1316, %get3A_1317] {strides = array<i32>} : memref<32x256xf32, #tpu.memory_space<vmem>>, vector<1x16xf32>,
            %get3A_1319 = vector.shape_cast %get3A_1318 : vector<1x16xf32> to vector<16xf32>
            %add3A_1320 = arith.addf %get3A_1315, %get3A_1319 : vector<16xf32>
            %swap3A_1321 = arith.index_cast %scan3A_1102 : i32 to index
            %swap3A_1322 = arith.constant 240 : index
            %swap3A_1323 = tpu.vector_load %arg16[%swap3A_1321, %swap3A_1322] {strides = array<i32>} : memref<32x256xf32, #tpu.memory_space<vmem>>, vector<1x16xf32>,
            %swap3A_1324 = vector.shape_cast %swap3A_1323 : vector<1x16xf32> to vector<16xf32>
            %swap3A_1325 = vector.shape_cast %add3A_1320 : vector<16xf32> to vector<1x16xf32>
            tpu.vector_store %arg16[%swap3A_1321, %swap3A_1322], %swap3A_1325 {strides = array<i32>} : memref<32x256xf32, #tpu.memory_space<vmem>>, vector<1x16xf32>,
          }
          %scan3A_1101 = arith.constant 32 : i32
        } else {
        }
        %lt3A_1088 = arith.constant 32 : i32
        %lt3A_1089 = arith.cmpi slt, %sub3A_664, %lt3A_1088 : i32
        %convert_element_type3A_1090 = arith.extui %lt3A_1089 : i1 to i32
        %cond3A_1091 = arith.constant 0 : i32
        %cond3A_1092 = arith.cmpi ne, %convert_element_type3A_1090, %cond3A_1091 : i32
        scf.if %cond3A_1092 {
          %scan3A_1096 = arith.constant 0 : i32
          %scan3A_1097 = arith.constant 0 : i32
          %scan3A_1098 = arith.constant 32 : i32
          %scan3A_1099 = arith.addi %scan3A_1097, %scan3A_1098 : i32
          %scan3A_1100 = arith.constant 1 : i32
          scf.for %scan3A_1102 = %scan3A_1097 to %scan3A_1099 step %scan3A_1100  : i32 {
            %lt3A_1103 = arith.cmpi slt, %scan3A_1102, %sub3A_664 : i32
            %get3A_1104 = arith.index_cast %scan3A_1102 : i32 to index
            %get3A_1105 = arith.constant 0 : index
            %get3A_1106 = tpu.vector_load %arg8[%get3A_1104, %get3A_1105] {strides = array<i32>} : memref<32x256xf32, #tpu.memory_space<vmem>>, vector<1x16xf32>,
            %get3A_1107 = vector.shape_cast %get3A_1106 : vector<1x16xf32> to vector<16xf32>
            %get3A_1108 = arith.index_cast %scan3A_1102 : i32 to index
            %get3A_1109 = arith.constant 0 : index
            %get3A_1110 = tpu.vector_load %arg12[%get3A_1108, %get3A_1109] {strides = array<i32>} : memref<32x256xf32, #tpu.memory_space<vmem>>, vector<1x16xf32>,
            %get3A_1111 = vector.shape_cast %get3A_1110 : vector<1x16xf32> to vector<16xf32>
            %add3A_1112 = arith.addf %get3A_1107, %get3A_1111 : vector<16xf32>
            %select_n3A_1113 = arith.select %lt3A_1103, %add3A_1112, %broadcast_in_dim3A_1 : vector<16xf32>
            %swap3A = arith.index_cast %scan3A_1102 : i32 to index
            %swap3A_1114 = arith.constant 0 : index
            %swap3A_1115 = tpu.vector_load %arg16[%swap3A, %swap3A_1114] {strides = array<i32>} : memref<32x256xf32, #tpu.memory_space<vmem>>, vector<1x16xf32>,
            %swap3A_1116 = vector.shape_cast %swap3A_1115 : vector<1x16xf32> to vector<16xf32>
            %swap3A_1117 = vector.shape_cast %select_n3A_1113 : vector<16xf32> to vector<1x16xf32>
            tpu.vector_store %arg16[%swap3A, %swap3A_1114], %swap3A_1117 {strides = array<i32>} : memref<32x256xf32, #tpu.memory_space<vmem>>, vector<1x16xf32>,
            %get3A_1118 = arith.index_cast %scan3A_1102 : i32 to index
            %get3A_1119 = arith.constant 16 : index
            %get3A_1120 = tpu.vector_load %arg8[%get3A_1118, %get3A_1119] {strides = array<i32>} : memref<32x256xf32, #tpu.memory_space<vmem>>, vector<1x16xf32>,
            %get3A_1121 = vector.shape_cast %get3A_1120 : vector<1x16xf32> to vector<16xf32>
            %get3A_1122 = arith.index_cast %scan3A_1102 : i32 to index
            %get3A_1123 = arith.constant 16 : index
            %get3A_1124 = tpu.vector_load %arg12[%get3A_1122, %get3A_1123] {strides = array<i32>} : memref<32x256xf32, #tpu.memory_space<vmem>>, vector<1x16xf32>,
            %get3A_1125 = vector.shape_cast %get3A_1124 : vector<1x16xf32> to vector<16xf32>
            %add3A_1126 = arith.addf %get3A_1121, %get3A_1125 : vector<16xf32>
            %select_n3A_1127 = arith.select %lt3A_1103, %add3A_1126, %broadcast_in_dim3A_1 : vector<16xf32>
            %swap3A_1128 = arith.index_cast %scan3A_1102 : i32 to index
            %swap3A_1129 = arith.constant 16 : index
            %swap3A_1130 = tpu.vector_load %arg16[%swap3A_1128, %swap3A_1129] {strides = array<i32>} : memref<32x256xf32, #tpu.memory_space<vmem>>, vector<1x16xf32>,
            %swap3A_1131 = vector.shape_cast %swap3A_1130 : vector<1x16xf32> to vector<16xf32>
            %swap3A_1132 = vector.shape_cast %select_n3A_1127 : vector<16xf32> to vector<1x16xf32>
            tpu.vector_store %arg16[%swap3A_1128, %swap3A_1129], %swap3A_1132 {strides = array<i32>} : memref<32x256xf32, #tpu.memory_space<vmem>>, vector<1x16xf32>,
            %get3A_1133 = arith.index_cast %scan3A_1102 : i32 to index
            %get3A_1134 = arith.constant 32 : index
            %get3A_1135 = tpu.vector_load %arg8[%get3A_1133, %get3A_1134] {strides = array<i32>} : memref<32x256xf32, #tpu.memory_space<vmem>>, vector<1x16xf32>,
            %get3A_1136 = vector.shape_cast %get3A_1135 : vector<1x16xf32> to vector<16xf32>
            %get3A_1137 = arith.index_cast %scan3A_1102 : i32 to index
            %get3A_1138 = arith.constant 32 : index
            %get3A_1139 = tpu.vector_load %arg12[%get3A_1137, %get3A_1138] {strides = array<i32>} : memref<32x256xf32, #tpu.memory_space<vmem>>, vector<1x16xf32>,
            %get3A_1140 = vector.shape_cast %get3A_1139 : vector<1x16xf32> to vector<16xf32>
            %add3A_1141 = arith.addf %get3A_1136, %get3A_1140 : vector<16xf32>
            %select_n3A_1142 = arith.select %lt3A_1103, %add3A_1141, %broadcast_in_dim3A_1 : vector<16xf32>
            %swap3A_1143 = arith.index_cast %scan3A_1102 : i32 to index
            %swap3A_1144 = arith.constant 32 : index
            %swap3A_1145 = tpu.vector_load %arg16[%swap3A_1143, %swap3A_1144] {strides = array<i32>} : memref<32x256xf32, #tpu.memory_space<vmem>>, vector<1x16xf32>,
            %swap3A_1146 = vector.shape_cast %swap3A_1145 : vector<1x16xf32> to vector<16xf32>
            %swap3A_1147 = vector.shape_cast %select_n3A_1142 : vector<16xf32> to vector<1x16xf32>
            tpu.vector_store %arg16[%swap3A_1143, %swap3A_1144], %swap3A_1147 {strides = array<i32>} : memref<32x256xf32, #tpu.memory_space<vmem>>, vector<1x16xf32>,
            %get3A_1148 = arith.index_cast %scan3A_1102 : i32 to index
            %get3A_1149 = arith.constant 48 : index
            %get3A_1150 = tpu.vector_load %arg8[%get3A_1148, %get3A_1149] {strides = array<i32>} : memref<32x256xf32, #tpu.memory_space<vmem>>, vector<1x16xf32>,
            %get3A_1151 = vector.shape_cast %get3A_1150 : vector<1x16xf32> to vector<16xf32>
            %get3A_1152 = arith.index_cast %scan3A_1102 : i32 to index
            %get3A_1153 = arith.constant 48 : index
            %get3A_1154 = tpu.vector_load %arg12[%get3A_1152, %get3A_1153] {strides = array<i32>} : memref<32x256xf32, #tpu.memory_space<vmem>>, vector<1x16xf32>,
            %get3A_1155 = vector.shape_cast %get3A_1154 : vector<1x16xf32> to vector<16xf32>
            %add3A_1156 = arith.addf %get3A_1151, %get3A_1155 : vector<16xf32>
            %select_n3A_1157 = arith.select %lt3A_1103, %add3A_1156, %broadcast_in_dim3A_1 : vector<16xf32>
            %swap3A_1158 = arith.index_cast %scan3A_1102 : i32 to index
            %swap3A_1159 = arith.constant 48 : index
            %swap3A_1160 = tpu.vector_load %arg16[%swap3A_1158, %swap3A_1159] {strides = array<i32>} : memref<32x256xf32, #tpu.memory_space<vmem>>, vector<1x16xf32>,
            %swap3A_1161 = vector.shape_cast %swap3A_1160 : vector<1x16xf32> to vector<16xf32>
            %swap3A_1162 = vector.shape_cast %select_n3A_1157 : vector<16xf32> to vector<1x16xf32>
            tpu.vector_store %arg16[%swap3A_1158, %swap3A_1159], %swap3A_1162 {strides = array<i32>} : memref<32x256xf32, #tpu.memory_space<vmem>>, vector<1x16xf32>,
            %get3A_1163 = arith.index_cast %scan3A_1102 : i32 to index
            %get3A_1164 = arith.constant 64 : index
            %get3A_1165 = tpu.vector_load %arg8[%get3A_1163, %get3A_1164] {strides = array<i32>} : memref<32x256xf32, #tpu.memory_space<vmem>>, vector<1x16xf32>,
            %get3A_1166 = vector.shape_cast %get3A_1165 : vector<1x16xf32> to vector<16xf32>
            %get3A_1167 = arith.index_cast %scan3A_1102 : i32 to index
            %get3A_1168 = arith.constant 64 : index
            %get3A_1169 = tpu.vector_load %arg12[%get3A_1167, %get3A_1168] {strides = array<i32>} : memref<32x256xf32, #tpu.memory_space<vmem>>, vector<1x16xf32>,
            %get3A_1170 = vector.shape_cast %get3A_1169 : vector<1x16xf32> to vector<16xf32>
            %add3A_1171 = arith.addf %get3A_1166, %get3A_1170 : vector<16xf32>
            %select_n3A_1172 = arith.select %lt3A_1103, %add3A_1171, %broadcast_in_dim3A_1 : vector<16xf32>
            %swap3A_1173 = arith.index_cast %scan3A_1102 : i32 to index
            %swap3A_1174 = arith.constant 64 : index
            %swap3A_1175 = tpu.vector_load %arg16[%swap3A_1173, %swap3A_1174] {strides = array<i32>} : memref<32x256xf32, #tpu.memory_space<vmem>>, vector<1x16xf32>,
            %swap3A_1176 = vector.shape_cast %swap3A_1175 : vector<1x16xf32> to vector<16xf32>
            %swap3A_1177 = vector.shape_cast %select_n3A_1172 : vector<16xf32> to vector<1x16xf32>
            tpu.vector_store %arg16[%swap3A_1173, %swap3A_1174], %swap3A_1177 {strides = array<i32>} : memref<32x256xf32, #tpu.memory_space<vmem>>, vector<1x16xf32>,
            %get3A_1178 = arith.index_cast %scan3A_1102 : i32 to index
            %get3A_1179 = arith.constant 80 : index
            %get3A_1180 = tpu.vector_load %arg8[%get3A_1178, %get3A_1179] {strides = array<i32>} : memref<32x256xf32, #tpu.memory_space<vmem>>, vector<1x16xf32>,
            %get3A_1181 = vector.shape_cast %get3A_1180 : vector<1x16xf32> to vector<16xf32>
            %get3A_1182 = arith.index_cast %scan3A_1102 : i32 to index
            %get3A_1183 = arith.constant 80 : index
            %get3A_1184 = tpu.vector_load %arg12[%get3A_1182, %get3A_1183] {strides = array<i32>} : memref<32x256xf32, #tpu.memory_space<vmem>>, vector<1x16xf32>,
            %get3A_1185 = vector.shape_cast %get3A_1184 : vector<1x16xf32> to vector<16xf32>
            %add3A_1186 = arith.addf %get3A_1181, %get3A_1185 : vector<16xf32>
            %select_n3A_1187 = arith.select %lt3A_1103, %add3A_1186, %broadcast_in_dim3A_1 : vector<16xf32>
            %swap3A_1188 = arith.index_cast %scan3A_1102 : i32 to index
            %swap3A_1189 = arith.constant 80 : index
            %swap3A_1190 = tpu.vector_load %arg16[%swap3A_1188, %swap3A_1189] {strides = array<i32>} : memref<32x256xf32, #tpu.memory_space<vmem>>, vector<1x16xf32>,
            %swap3A_1191 = vector.shape_cast %swap3A_1190 : vector<1x16xf32> to vector<16xf32>
            %swap3A_1192 = vector.shape_cast %select_n3A_1187 : vector<16xf32> to vector<1x16xf32>
            tpu.vector_store %arg16[%swap3A_1188, %swap3A_1189], %swap3A_1192 {strides = array<i32>} : memref<32x256xf32, #tpu.memory_space<vmem>>, vector<1x16xf32>,
            %get3A_1193 = arith.index_cast %scan3A_1102 : i32 to index
            %get3A_1194 = arith.constant 96 : index
            %get3A_1195 = tpu.vector_load %arg8[%get3A_1193, %get3A_1194] {strides = array<i32>} : memref<32x256xf32, #tpu.memory_space<vmem>>, vector<1x16xf32>,
            %get3A_1196 = vector.shape_cast %get3A_1195 : vector<1x16xf32> to vector<16xf32>
            %get3A_1197 = arith.index_cast %scan3A_1102 : i32 to index
            %get3A_1198 = arith.constant 96 : index
            %get3A_1199 = tpu.vector_load %arg12[%get3A_1197, %get3A_1198] {strides = array<i32>} : memref<32x256xf32, #tpu.memory_space<vmem>>, vector<1x16xf32>,
            %get3A_1200 = vector.shape_cast %get3A_1199 : vector<1x16xf32> to vector<16xf32>
            %add3A_1201 = arith.addf %get3A_1196, %get3A_1200 : vector<16xf32>
            %select_n3A_1202 = arith.select %lt3A_1103, %add3A_1201, %broadcast_in_dim3A_1 : vector<16xf32>
            %swap3A_1203 = arith.index_cast %scan3A_1102 : i32 to index
            %swap3A_1204 = arith.constant 96 : index
            %swap3A_1205 = tpu.vector_load %arg16[%swap3A_1203, %swap3A_1204] {strides = array<i32>} : memref<32x256xf32, #tpu.memory_space<vmem>>, vector<1x16xf32>,
            %swap3A_1206 = vector.shape_cast %swap3A_1205 : vector<1x16xf32> to vector<16xf32>
            %swap3A_1207 = vector.shape_cast %select_n3A_1202 : vector<16xf32> to vector<1x16xf32>
            tpu.vector_store %arg16[%swap3A_1203, %swap3A_1204], %swap3A_1207 {strides = array<i32>} : memref<32x256xf32, #tpu.memory_space<vmem>>, vector<1x16xf32>,
            %get3A_1208 = arith.index_cast %scan3A_1102 : i32 to index
            %get3A_1209 = arith.constant 112 : index
            %get3A_1210 = tpu.vector_load %arg8[%get3A_1208, %get3A_1209] {strides = array<i32>} : memref<32x256xf32, #tpu.memory_space<vmem>>, vector<1x16xf32>,
            %get3A_1211 = vector.shape_cast %get3A_1210 : vector<1x16xf32> to vector<16xf32>
            %get3A_1212 = arith.index_cast %scan3A_1102 : i32 to index
            %get3A_1213 = arith.constant 112 : index
            %get3A_1214 = tpu.vector_load %arg12[%get3A_1212, %get3A_1213] {strides = array<i32>} : memref<32x256xf32, #tpu.memory_space<vmem>>, vector<1x16xf32>,
            %get3A_1215 = vector.shape_cast %get3A_1214 : vector<1x16xf32> to vector<16xf32>
            %add3A_1216 = arith.addf %get3A_1211, %get3A_1215 : vector<16xf32>
            %select_n3A_1217 = arith.select %lt3A_1103, %add3A_1216, %broadcast_in_dim3A_1 : vector<16xf32>
            %swap3A_1218 = arith.index_cast %scan3A_1102 : i32 to index
            %swap3A_1219 = arith.constant 112 : index
            %swap3A_1220 = tpu.vector_load %arg16[%swap3A_1218, %swap3A_1219] {strides = array<i32>} : memref<32x256xf32, #tpu.memory_space<vmem>>, vector<1x16xf32>,
            %swap3A_1221 = vector.shape_cast %swap3A_1220 : vector<1x16xf32> to vector<16xf32>
            %swap3A_1222 = vector.shape_cast %select_n3A_1217 : vector<16xf32> to vector<1x16xf32>
            tpu.vector_store %arg16[%swap3A_1218, %swap3A_1219], %swap3A_1222 {strides = array<i32>} : memref<32x256xf32, #tpu.memory_space<vmem>>, vector<1x16xf32>,
            %get3A_1223 = arith.index_cast %scan3A_1102 : i32 to index
            %get3A_1224 = arith.constant 128 : index
            %get3A_1225 = tpu.vector_load %arg8[%get3A_1223, %get3A_1224] {strides = array<i32>} : memref<32x256xf32, #tpu.memory_space<vmem>>, vector<1x16xf32>,
            %get3A_1226 = vector.shape_cast %get3A_1225 : vector<1x16xf32> to vector<16xf32>
            %get3A_1227 = arith.index_cast %scan3A_1102 : i32 to index
            %get3A_1228 = arith.constant 128 : index
            %get3A_1229 = tpu.vector_load %arg12[%get3A_1227, %get3A_1228] {strides = array<i32>} : memref<32x256xf32, #tpu.memory_space<vmem>>, vector<1x16xf32>,
            %get3A_1230 = vector.shape_cast %get3A_1229 : vector<1x16xf32> to vector<16xf32>
            %add3A_1231 = arith.addf %get3A_1226, %get3A_1230 : vector<16xf32>
            %select_n3A_1232 = arith.select %lt3A_1103, %add3A_1231, %broadcast_in_dim3A_1 : vector<16xf32>
            %swap3A_1233 = arith.index_cast %scan3A_1102 : i32 to index
            %swap3A_1234 = arith.constant 128 : index
            %swap3A_1235 = tpu.vector_load %arg16[%swap3A_1233, %swap3A_1234] {strides = array<i32>} : memref<32x256xf32, #tpu.memory_space<vmem>>, vector<1x16xf32>,
            %swap3A_1236 = vector.shape_cast %swap3A_1235 : vector<1x16xf32> to vector<16xf32>
            %swap3A_1237 = vector.shape_cast %select_n3A_1232 : vector<16xf32> to vector<1x16xf32>
            tpu.vector_store %arg16[%swap3A_1233, %swap3A_1234], %swap3A_1237 {strides = array<i32>} : memref<32x256xf32, #tpu.memory_space<vmem>>, vector<1x16xf32>,
            %get3A_1238 = arith.index_cast %scan3A_1102 : i32 to index
            %get3A_1239 = arith.constant 144 : index
            %get3A_1240 = tpu.vector_load %arg8[%get3A_1238, %get3A_1239] {strides = array<i32>} : memref<32x256xf32, #tpu.memory_space<vmem>>, vector<1x16xf32>,
            %get3A_1241 = vector.shape_cast %get3A_1240 : vector<1x16xf32> to vector<16xf32>
            %get3A_1242 = arith.index_cast %scan3A_1102 : i32 to index
            %get3A_1243 = arith.constant 144 : index
            %get3A_1244 = tpu.vector_load %arg12[%get3A_1242, %get3A_1243] {strides = array<i32>} : memref<32x256xf32, #tpu.memory_space<vmem>>, vector<1x16xf32>,
            %get3A_1245 = vector.shape_cast %get3A_1244 : vector<1x16xf32> to vector<16xf32>
            %add3A_1246 = arith.addf %get3A_1241, %get3A_1245 : vector<16xf32>
            %select_n3A_1247 = arith.select %lt3A_1103, %add3A_1246, %broadcast_in_dim3A_1 : vector<16xf32>
            %swap3A_1248 = arith.index_cast %scan3A_1102 : i32 to index
            %swap3A_1249 = arith.constant 144 : index
            %swap3A_1250 = tpu.vector_load %arg16[%swap3A_1248, %swap3A_1249] {strides = array<i32>} : memref<32x256xf32, #tpu.memory_space<vmem>>, vector<1x16xf32>,
            %swap3A_1251 = vector.shape_cast %swap3A_1250 : vector<1x16xf32> to vector<16xf32>
            %swap3A_1252 = vector.shape_cast %select_n3A_1247 : vector<16xf32> to vector<1x16xf32>
            tpu.vector_store %arg16[%swap3A_1248, %swap3A_1249], %swap3A_1252 {strides = array<i32>} : memref<32x256xf32, #tpu.memory_space<vmem>>, vector<1x16xf32>,
            %get3A_1253 = arith.index_cast %scan3A_1102 : i32 to index
            %get3A_1254 = arith.constant 160 : index
            %get3A_1255 = tpu.vector_load %arg8[%get3A_1253, %get3A_1254] {strides = array<i32>} : memref<32x256xf32, #tpu.memory_space<vmem>>, vector<1x16xf32>,
            %get3A_1256 = vector.shape_cast %get3A_1255 : vector<1x16xf32> to vector<16xf32>
            %get3A_1257 = arith.index_cast %scan3A_1102 : i32 to index
            %get3A_1258 = arith.constant 160 : index
            %get3A_1259 = tpu.vector_load %arg12[%get3A_1257, %get3A_1258] {strides = array<i32>} : memref<32x256xf32, #tpu.memory_space<vmem>>, vector<1x16xf32>,
            %get3A_1260 = vector.shape_cast %get3A_1259 : vector<1x16xf32> to vector<16xf32>
            %add3A_1261 = arith.addf %get3A_1256, %get3A_1260 : vector<16xf32>
            %select_n3A_1262 = arith.select %lt3A_1103, %add3A_1261, %broadcast_in_dim3A_1 : vector<16xf32>
            %swap3A_1263 = arith.index_cast %scan3A_1102 : i32 to index
            %swap3A_1264 = arith.constant 160 : index
            %swap3A_1265 = tpu.vector_load %arg16[%swap3A_1263, %swap3A_1264] {strides = array<i32>} : memref<32x256xf32, #tpu.memory_space<vmem>>, vector<1x16xf32>,
            %swap3A_1266 = vector.shape_cast %swap3A_1265 : vector<1x16xf32> to vector<16xf32>
            %swap3A_1267 = vector.shape_cast %select_n3A_1262 : vector<16xf32> to vector<1x16xf32>
            tpu.vector_store %arg16[%swap3A_1263, %swap3A_1264], %swap3A_1267 {strides = array<i32>} : memref<32x256xf32, #tpu.memory_space<vmem>>, vector<1x16xf32>,
            %get3A_1268 = arith.index_cast %scan3A_1102 : i32 to index
            %get3A_1269 = arith.constant 176 : index
            %get3A_1270 = tpu.vector_load %arg8[%get3A_1268, %get3A_1269] {strides = array<i32>} : memref<32x256xf32, #tpu.memory_space<vmem>>, vector<1x16xf32>,
            %get3A_1271 = vector.shape_cast %get3A_1270 : vector<1x16xf32> to vector<16xf32>
            %get3A_1272 = arith.index_cast %scan3A_1102 : i32 to index
            %get3A_1273 = arith.constant 176 : index
            %get3A_1274 = tpu.vector_load %arg12[%get3A_1272, %get3A_1273] {strides = array<i32>} : memref<32x256xf32, #tpu.memory_space<vmem>>, vector<1x16xf32>,
            %get3A_1275 = vector.shape_cast %get3A_1274 : vector<1x16xf32> to vector<16xf32>
            %add3A_1276 = arith.addf %get3A_1271, %get3A_1275 : vector<16xf32>
            %select_n3A_1277 = arith.select %lt3A_1103, %add3A_1276, %broadcast_in_dim3A_1 : vector<16xf32>
            %swap3A_1278 = arith.index_cast %scan3A_1102 : i32 to index
            %swap3A_1279 = arith.constant 176 : index
            %swap3A_1280 = tpu.vector_load %arg16[%swap3A_1278, %swap3A_1279] {strides = array<i32>} : memref<32x256xf32, #tpu.memory_space<vmem>>, vector<1x16xf32>,
            %swap3A_1281 = vector.shape_cast %swap3A_1280 : vector<1x16xf32> to vector<16xf32>
            %swap3A_1282 = vector.shape_cast %select_n3A_1277 : vector<16xf32> to vector<1x16xf32>
            tpu.vector_store %arg16[%swap3A_1278, %swap3A_1279], %swap3A_1282 {strides = array<i32>} : memref<32x256xf32, #tpu.memory_space<vmem>>, vector<1x16xf32>,
            %get3A_1283 = arith.index_cast %scan3A_1102 : i32 to index
            %get3A_1284 = arith.constant 192 : index
            %get3A_1285 = tpu.vector_load %arg8[%get3A_1283, %get3A_1284] {strides = array<i32>} : memref<32x256xf32, #tpu.memory_space<vmem>>, vector<1x16xf32>,
            %get3A_1286 = vector.shape_cast %get3A_1285 : vector<1x16xf32> to vector<16xf32>
            %get3A_1287 = arith.index_cast %scan3A_1102 : i32 to index
            %get3A_1288 = arith.constant 192 : index
            %get3A_1289 = tpu.vector_load %arg12[%get3A_1287, %get3A_1288] {strides = array<i32>} : memref<32x256xf32, #tpu.memory_space<vmem>>, vector<1x16xf32>,
            %get3A_1290 = vector.shape_cast %get3A_1289 : vector<1x16xf32> to vector<16xf32>
            %add3A_1291 = arith.addf %get3A_1286, %get3A_1290 : vector<16xf32>
            %select_n3A_1292 = arith.select %lt3A_1103, %add3A_1291, %broadcast_in_dim3A_1 : vector<16xf32>
            %swap3A_1293 = arith.index_cast %scan3A_1102 : i32 to index
            %swap3A_1294 = arith.constant 192 : index
            %swap3A_1295 = tpu.vector_load %arg16[%swap3A_1293, %swap3A_1294] {strides = array<i32>} : memref<32x256xf32, #tpu.memory_space<vmem>>, vector<1x16xf32>,
            %swap3A_1296 = vector.shape_cast %swap3A_1295 : vector<1x16xf32> to vector<16xf32>
            %swap3A_1297 = vector.shape_cast %select_n3A_1292 : vector<16xf32> to vector<1x16xf32>
            tpu.vector_store %arg16[%swap3A_1293, %swap3A_1294], %swap3A_1297 {strides = array<i32>} : memref<32x256xf32, #tpu.memory_space<vmem>>, vector<1x16xf32>,
            %get3A_1298 = arith.index_cast %scan3A_1102 : i32 to index
            %get3A_1299 = arith.constant 208 : index
            %get3A_1300 = tpu.vector_load %arg8[%get3A_1298, %get3A_1299] {strides = array<i32>} : memref<32x256xf32, #tpu.memory_space<vmem>>, vector<1x16xf32>,
            %get3A_1301 = vector.shape_cast %get3A_1300 : vector<1x16xf32> to vector<16xf32>
            %get3A_1302 = arith.index_cast %scan3A_1102 : i32 to index
            %get3A_1303 = arith.constant 208 : index
            %get3A_1304 = tpu.vector_load %arg12[%get3A_1302, %get3A_1303] {strides = array<i32>} : memref<32x256xf32, #tpu.memory_space<vmem>>, vector<1x16xf32>,
            %get3A_1305 = vector.shape_cast %get3A_1304 : vector<1x16xf32> to vector<16xf32>
            %add3A_1306 = arith.addf %get3A_1301, %get3A_1305 : vector<16xf32>
            %select_n3A_1307 = arith.select %lt3A_1103, %add3A_1306, %broadcast_in_dim3A_1 : vector<16xf32>
            %swap3A_1308 = arith.index_cast %scan3A_1102 : i32 to index
            %swap3A_1309 = arith.constant 208 : index
            %swap3A_1310 = tpu.vector_load %arg16[%swap3A_1308, %swap3A_1309] {strides = array<i32>} : memref<32x256xf32, #tpu.memory_space<vmem>>, vector<1x16xf32>,
            %swap3A_1311 = vector.shape_cast %swap3A_1310 : vector<1x16xf32> to vector<16xf32>
            %swap3A_1312 = vector.shape_cast %select_n3A_1307 : vector<16xf32> to vector<1x16xf32>
            tpu.vector_store %arg16[%swap3A_1308, %swap3A_1309], %swap3A_1312 {strides = array<i32>} : memref<32x256xf32, #tpu.memory_space<vmem>>, vector<1x16xf32>,
            %get3A_1313 = arith.index_cast %scan3A_1102 : i32 to index
            %get3A_1314 = arith.constant 224 : index
            %get3A_1315 = tpu.vector_load %arg8[%get3A_1313, %get3A_1314] {strides = array<i32>} : memref<32x256xf32, #tpu.memory_space<vmem>>, vector<1x16xf32>,
            %get3A_1316 = vector.shape_cast %get3A_1315 : vector<1x16xf32> to vector<16xf32>
            %get3A_1317 = arith.index_cast %scan3A_1102 : i32 to index
            %get3A_1318 = arith.constant 224 : index
            %get3A_1319 = tpu.vector_load %arg12[%get3A_1317, %get3A_1318] {strides = array<i32>} : memref<32x256xf32, #tpu.memory_space<vmem>>, vector<1x16xf32>,
            %get3A_1320 = vector.shape_cast %get3A_1319 : vector<1x16xf32> to vector<16xf32>
            %add3A_1321 = arith.addf %get3A_1316, %get3A_1320 : vector<16xf32>
            %select_n3A_1322 = arith.select %lt3A_1103, %add3A_1321, %broadcast_in_dim3A_1 : vector<16xf32>
            %swap3A_1323 = arith.index_cast %scan3A_1102 : i32 to index
            %swap3A_1324 = arith.constant 224 : index
            %swap3A_1325 = tpu.vector_load %arg16[%swap3A_1323, %swap3A_1324] {strides = array<i32>} : memref<32x256xf32, #tpu.memory_space<vmem>>, vector<1x16xf32>,
            %swap3A_1326 = vector.shape_cast %swap3A_1325 : vector<1x16xf32> to vector<16xf32>
            %swap3A_1327 = vector.shape_cast %select_n3A_1322 : vector<16xf32> to vector<1x16xf32>
            tpu.vector_store %arg16[%swap3A_1323, %swap3A_1324], %swap3A_1327 {strides = array<i32>} : memref<32x256xf32, #tpu.memory_space<vmem>>, vector<1x16xf32>,
            %get3A_1328 = arith.index_cast %scan3A_1102 : i32 to index
            %get3A_1329 = arith.constant 240 : index
            %get3A_1330 = tpu.vector_load %arg8[%get3A_1328, %get3A_1329] {strides = array<i32>} : memref<32x256xf32, #tpu.memory_space<vmem>>, vector<1x16xf32>,
            %get3A_1331 = vector.shape_cast %get3A_1330 : vector<1x16xf32> to vector<16xf32>
            %get3A_1332 = arith.index_cast %scan3A_1102 : i32 to index
            %get3A_1333 = arith.constant 240 : index
            %get3A_1334 = tpu.vector_load %arg12[%get3A_1332, %get3A_1333] {strides = array<i32>} : memref<32x256xf32, #tpu.memory_space<vmem>>, vector<1x16xf32>,
            %get3A_1335 = vector.shape_cast %get3A_1334 : vector<1x16xf32> to vector<16xf32>
            %add3A_1336 = arith.addf %get3A_1331, %get3A_1335 : vector<16xf32>
            %select_n3A_1337 = arith.select %lt3A_1103, %add3A_1336, %broadcast_in_dim3A_1 : vector<16xf32>
            %swap3A_1338 = arith.index_cast %scan3A_1102 : i32 to index
            %swap3A_1339 = arith.constant 240 : index
            %swap3A_1340 = tpu.vector_load %arg16[%swap3A_1338, %swap3A_1339] {strides = array<i32>} : memref<32x256xf32, #tpu.memory_space<vmem>>, vector<1x16xf32>,
            %swap3A_1341 = vector.shape_cast %swap3A_1340 : vector<1x16xf32> to vector<16xf32>
            %swap3A_1342 = vector.shape_cast %select_n3A_1337 : vector<16xf32> to vector<1x16xf32>
            tpu.vector_store %arg16[%swap3A_1338, %swap3A_1339], %swap3A_1342 {strides = array<i32>} : memref<32x256xf32, #tpu.memory_space<vmem>>, vector<1x16xf32>,
          }
          %scan3A_1101 = arith.constant 32 : i32
        } else {
        }
        %dma_start3A = arith.constant 0 : i32
        %dma_start3A_1093 = tpu.memref_slice %arg5[%add3A_669, %dma_start3A] : memref<32768x256xf32, #tpu.memory_space<hbm>> -> memref<32x256xf32, #tpu.memory_space<hbm>>
        %dma_start3A_1094 = arith.constant 0 : i32
        %dma_start3A_1095 = tpu.memref_slice %arg5[%add3A_669, %dma_start3A_1094] : memref<32768x256xf32, #tpu.memory_space<hbm>> -> memref<32x256xf32, #tpu.memory_space<hbm>>
        tpu.enqueue_dma source(%arg16 : memref<32x256xf32, #tpu.memory_space<vmem>>) target(%dma_start3A_1095 : memref<32x256xf32, #tpu.memory_space<hbm>>) target_semaphore(%arg25 : memref<!tpu.dma_semaphore, #tpu.memory_space<semaphore_mem>>)
      } else {
      }
      %not3A_679 = arith.constant true
      %not3A_680 = arith.xori %gt3A_671, %not3A_679 : i1
      %convert_element_type3A_681 = arith.extui %not3A_680 : i1 to i32
      %cond3A_682 = arith.constant 0 : i32
      %cond3A_683 = arith.cmpi ne, %convert_element_type3A_681, %cond3A_682 : i32
      scf.if %cond3A_683 {
        %dma_start3A = arith.constant 0 : i32
        %dma_start3A_1074 = tpu.memref_slice %arg5[%add3A_669, %dma_start3A] : memref<32768x256xf32, #tpu.memory_space<hbm>> -> memref<32x256xf32, #tpu.memory_space<hbm>>
        %dma_start3A_1075 = arith.constant 0 : i32
        %dma_start3A_1076 = tpu.memref_slice %arg5[%add3A_669, %dma_start3A_1075] : memref<32768x256xf32, #tpu.memory_space<hbm>> -> memref<32x256xf32, #tpu.memory_space<hbm>>
        tpu.enqueue_dma source(%arg19 : memref<32x256xf32, #tpu.memory_space<vmem>>) target(%dma_start3A_1076 : memref<32x256xf32, #tpu.memory_space<hbm>>) target_semaphore(%arg28 : memref<!tpu.dma_semaphore, #tpu.memory_space<semaphore_mem>>)
      } else {
      }
      %or3A_684 = arith.constant 2 : i32
      %or3A_685 = arith.ori %select_n3A_494, %or3A_684 : i32
      %select_n3A_686 = arith.select %gt3A_671, %or3A_685, %select_n3A_494 : i32
      %add3A_687 = arith.constant 1 : i32
      %add3A_688 = arith.addi %select_n3A_497, %add3A_687 : i32
      %select_n3A_689 = arith.select %gt3A_671, %select_n3A_497, %add3A_688 : i32
      %mul3A_690 = arith.constant 4 : i32
      %mul3A_691 = arith.muli %scan3A_305, %mul3A_690 : i32
      %add3A_692 = arith.constant 2 : i32
      %add3A_693 = arith.addi %mul3A_691, %add3A_692 : i32
      %add3A_694 = arith.constant 3 : i32
      %add3A_695 = arith.addi %add3A_693, %add3A_694 : i32
      %jit3A_696 = arith.constant 2 : i32
      %div3A_697 = arith.divsi %add3A_695, %jit3A_696 : i32
      %sign3A_698 = arith.constant 0 : i32
      %sign3A_699 = arith.cmpi sgt, %add3A_695, %sign3A_698 : i32
      %sign3A_700 = arith.extui %sign3A_699 : i1 to i32
      %sign3A_701 = arith.constant 0 : i32
      %sign3A_702 = arith.cmpi slt, %add3A_695, %sign3A_701 : i32
      %sign3A_703 = arith.extui %sign3A_702 : i1 to i32
      %sign3A_704 = arith.subi %sign3A_700, %sign3A_703 : i32
      %sign3A_705 = arith.constant 0 : i32
      %sign3A_706 = arith.cmpi sgt, %jit3A_696, %sign3A_705 : i32
      %sign3A_707 = arith.extui %sign3A_706 : i1 to i32
      %sign3A_708 = arith.constant 0 : i32
      %sign3A_709 = arith.cmpi slt, %jit3A_696, %sign3A_708 : i32
      %sign3A_710 = arith.extui %sign3A_709 : i1 to i32
      %sign3A_711 = arith.subi %sign3A_707, %sign3A_710 : i32
      %ne3A_712 = arith.cmpi ne, %sign3A_704, %sign3A_711 : i32
      %rem3A_713 = arith.remsi %add3A_695, %jit3A_696 : i32
      %ne3A_714 = arith.constant 0 : i32
      %ne3A_715 = arith.cmpi ne, %rem3A_713, %ne3A_714 : i32
      %and3A_716 = arith.andi %ne3A_712, %ne3A_715 : i1
      %sub3A_717 = arith.constant 1 : i32
      %sub3A_718 = arith.subi %div3A_697, %sub3A_717 : i32
      %select_n3A_719 = arith.select %and3A_716, %sub3A_718, %div3A_697 : i32
      %min3A_720 = arith.constant 15 : i32
      %min3A_721 = arith.minsi %select_n3A_719, %min3A_720 : i32
      %add3A_722 = arith.addi %add3A, %min3A_721 : i32
      %mul3A_723 = arith.constant 2 : i32
      %mul3A_724 = arith.muli %mul3A_723, %add3A_722 : i32
      %jit3A_725 = arith.constant 64 : i32
      %eq3A_726 = arith.constant 0 : i32
      %eq3A_727 = arith.cmpi eq, %jit3A_725, %eq3A_726 : i32
      %jit3A_728 = arith.constant 1 : i32
      %select_n3A_729 = arith.select %eq3A_727, %jit3A_728, %jit3A_725 : i32
      %rem3A_730 = arith.remsi %mul3A_724, %select_n3A_729 : i32
      %ne3A_731 = arith.constant 0 : i32
      %ne3A_732 = arith.cmpi ne, %rem3A_730, %ne3A_731 : i32
      %lt3A_733 = arith.constant 0 : i32
      %lt3A_734 = arith.cmpi slt, %rem3A_730, %lt3A_733 : i32
      %lt3A_735 = arith.constant 0 : i32
      %lt3A_736 = arith.cmpi slt, %select_n3A_729, %lt3A_735 : i32
      %ne3A_737 = arith.xori %lt3A_734, %lt3A_736 : i1
      %and3A_738 = arith.andi %ne3A_737, %ne3A_732 : i1
      %add3A_739 = arith.addi %rem3A_730, %select_n3A_729 : i32
      %select_n3A_740 = arith.select %and3A_738, %add3A_739, %rem3A_730 : i32
      %jit3A_741 = arith.constant 2 : i32
      %eq3A_742 = arith.constant 0 : i32
      %eq3A_743 = arith.cmpi eq, %jit3A_741, %eq3A_742 : i32
      %jit3A_744 = arith.constant 1 : i32
      %select_n3A_745 = arith.select %eq3A_743, %jit3A_744, %jit3A_741 : i32
      %rem3A_746 = arith.remsi %add3A_695, %select_n3A_745 : i32
      %ne3A_747 = arith.constant 0 : i32
      %ne3A_748 = arith.cmpi ne, %rem3A_746, %ne3A_747 : i32
      %lt3A_749 = arith.constant 0 : i32
      %lt3A_750 = arith.cmpi slt, %rem3A_746, %lt3A_749 : i32
      %lt3A_751 = arith.constant 0 : i32
      %lt3A_752 = arith.cmpi slt, %select_n3A_745, %lt3A_751 : i32
      %ne3A_753 = arith.xori %lt3A_750, %lt3A_752 : i1
      %and3A_754 = arith.andi %ne3A_753, %ne3A_748 : i1
      %add3A_755 = arith.addi %rem3A_746, %select_n3A_745 : i32
      %select_n3A_756 = arith.select %and3A_754, %add3A_755, %rem3A_746 : i32
      %eq3A_757 = arith.constant 0 : i32
      %eq3A_758 = arith.cmpi eq, %select_n3A_756, %eq3A_757 : i32
      %sub3A_759 = arith.constant 63 : i32
      %sub3A_760 = arith.subi %sub3A_759, %select_n3A_740 : i32
      %select_n3A_761 = arith.select %eq3A_758, %select_n3A_740, %sub3A_760 : i32
      %get3A_762 = arith.index_cast %min3A_721 : i32 to index
      %get3A_763 = tpu.vector_load %arg6[%get3A_762] {strides = array<i32>} : memref<32xi32, #tpu.memory_space<vmem>>, vector<16xi32>,
      %get3A_764 = vector.shape_cast %get3A_763 : vector<16xi32> to vector<16xi32>
      %slice3A_765 = vector.extract_strided_slice %get3A_764 {offsets = [0], sizes = [1], strides = [1]} : vector<16xi32> to vector<1xi32>
      %squeeze3A_766 = vector.extract %slice3A_765[0] : i32 from vector<1xi32>
      %mul3A_767 = arith.constant 32 : i32
      %mul3A_768 = arith.muli %select_n3A_761, %mul3A_767 : i32
      %sub3A_769 = arith.subi %squeeze3A_766, %mul3A_768 : i32
      %mul3A_770 = arith.constant 2048 : i32
      %mul3A_771 = arith.muli %min3A_721, %mul3A_770 : i32
      %mul3A_772 = arith.constant 32 : i32
      %mul3A_773 = arith.muli %select_n3A_761, %mul3A_772 : i32
      %add3A_774 = arith.addi %mul3A_771, %mul3A_773 : i32
      %lt3A_775 = arith.constant 32 : i32
      %lt3A_776 = arith.cmpi slt, %add3A_695, %lt3A_775 : i32
      %gt3A_777 = arith.constant 0 : i32
      %gt3A_778 = arith.cmpi sgt, %sub3A_769, %gt3A_777 : i32
      %and3A_779 = arith.andi %lt3A_776, %gt3A_778 : i1
      %convert_element_type3A_780 = arith.extui %and3A_779 : i1 to i32
      %cond3A_781 = arith.constant 0 : i32
      %cond3A_782 = arith.cmpi ne, %convert_element_type3A_780, %cond3A_781 : i32
      scf.if %cond3A_782 {
        %dma_start3A = arith.constant 0 : i32
        %dma_start3A_1074 = tpu.memref_slice %arg2[%add3A_774, %dma_start3A] : memref<32768x256xf32, #tpu.memory_space<hbm>> -> memref<32x256xf32, #tpu.memory_space<hbm>>
        %dma_start3A_1075 = arith.constant 0 : i32
        %dma_start3A_1076 = tpu.memref_slice %arg2[%add3A_774, %dma_start3A_1075] : memref<32768x256xf32, #tpu.memory_space<hbm>> -> memref<32x256xf32, #tpu.memory_space<hbm>>
        tpu.enqueue_dma source(%dma_start3A_1076 : memref<32x256xf32, #tpu.memory_space<hbm>>) target(%arg8 : memref<32x256xf32, #tpu.memory_space<vmem>>) target_semaphore(%arg21 : memref<!tpu.dma_semaphore, #tpu.memory_space<semaphore_mem>>)
        %dma_start3A_1077 = arith.constant 0 : i32
        %dma_start3A_1078 = tpu.memref_slice %arg4[%add3A_774, %dma_start3A_1077] : memref<32768x256xf32, #tpu.memory_space<hbm>> -> memref<32x256xf32, #tpu.memory_space<hbm>>
        %dma_start3A_1079 = arith.constant 0 : i32
        %dma_start3A_1080 = tpu.memref_slice %arg4[%add3A_774, %dma_start3A_1079] : memref<32768x256xf32, #tpu.memory_space<hbm>> -> memref<32x256xf32, #tpu.memory_space<hbm>>
        tpu.enqueue_dma source(%dma_start3A_1080 : memref<32x256xf32, #tpu.memory_space<hbm>>) target(%arg12 : memref<32x256xf32, #tpu.memory_space<vmem>>) target_semaphore(%arg21 : memref<!tpu.dma_semaphore, #tpu.memory_space<semaphore_mem>>)
      } else {
      }
      %jit3A_783 = arith.constant 2 : i32
      %div3A_784 = arith.divsi %add3A_693, %jit3A_783 : i32
      %sign3A_785 = arith.constant 0 : i32
      %sign3A_786 = arith.cmpi sgt, %add3A_693, %sign3A_785 : i32
      %sign3A_787 = arith.extui %sign3A_786 : i1 to i32
      %sign3A_788 = arith.constant 0 : i32
      %sign3A_789 = arith.cmpi slt, %add3A_693, %sign3A_788 : i32
      %sign3A_790 = arith.extui %sign3A_789 : i1 to i32
      %sign3A_791 = arith.subi %sign3A_787, %sign3A_790 : i32
      %sign3A_792 = arith.constant 0 : i32
      %sign3A_793 = arith.cmpi sgt, %jit3A_783, %sign3A_792 : i32
      %sign3A_794 = arith.extui %sign3A_793 : i1 to i32
      %sign3A_795 = arith.constant 0 : i32
      %sign3A_796 = arith.cmpi slt, %jit3A_783, %sign3A_795 : i32
      %sign3A_797 = arith.extui %sign3A_796 : i1 to i32
      %sign3A_798 = arith.subi %sign3A_794, %sign3A_797 : i32
      %ne3A_799 = arith.cmpi ne, %sign3A_791, %sign3A_798 : i32
      %rem3A_800 = arith.remsi %add3A_693, %jit3A_783 : i32
      %ne3A_801 = arith.constant 0 : i32
      %ne3A_802 = arith.cmpi ne, %rem3A_800, %ne3A_801 : i32
      %and3A_803 = arith.andi %ne3A_799, %ne3A_802 : i1
      %sub3A_804 = arith.constant 1 : i32
      %sub3A_805 = arith.subi %div3A_784, %sub3A_804 : i32
      %select_n3A_806 = arith.select %and3A_803, %sub3A_805, %div3A_784 : i32
      %min3A_807 = arith.constant 15 : i32
      %min3A_808 = arith.minsi %select_n3A_806, %min3A_807 : i32
      %add3A_809 = arith.addi %add3A, %min3A_808 : i32
      %mul3A_810 = arith.constant 2 : i32
      %mul3A_811 = arith.muli %mul3A_810, %add3A_809 : i32
      %jit3A_812 = arith.constant 64 : i32
      %eq3A_813 = arith.constant 0 : i32
      %eq3A_814 = arith.cmpi eq, %jit3A_812, %eq3A_813 : i32
      %jit3A_815 = arith.constant 1 : i32
      %select_n3A_816 = arith.select %eq3A_814, %jit3A_815, %jit3A_812 : i32
      %rem3A_817 = arith.remsi %mul3A_811, %select_n3A_816 : i32
      %ne3A_818 = arith.constant 0 : i32
      %ne3A_819 = arith.cmpi ne, %rem3A_817, %ne3A_818 : i32
      %lt3A_820 = arith.constant 0 : i32
      %lt3A_821 = arith.cmpi slt, %rem3A_817, %lt3A_820 : i32
      %lt3A_822 = arith.constant 0 : i32
      %lt3A_823 = arith.cmpi slt, %select_n3A_816, %lt3A_822 : i32
      %ne3A_824 = arith.xori %lt3A_821, %lt3A_823 : i1
      %and3A_825 = arith.andi %ne3A_824, %ne3A_819 : i1
      %add3A_826 = arith.addi %rem3A_817, %select_n3A_816 : i32
      %select_n3A_827 = arith.select %and3A_825, %add3A_826, %rem3A_817 : i32
      %jit3A_828 = arith.constant 2 : i32
      %eq3A_829 = arith.constant 0 : i32
      %eq3A_830 = arith.cmpi eq, %jit3A_828, %eq3A_829 : i32
      %jit3A_831 = arith.constant 1 : i32
      %select_n3A_832 = arith.select %eq3A_830, %jit3A_831, %jit3A_828 : i32
      %rem3A_833 = arith.remsi %add3A_693, %select_n3A_832 : i32
      %ne3A_834 = arith.constant 0 : i32
      %ne3A_835 = arith.cmpi ne, %rem3A_833, %ne3A_834 : i32
      %lt3A_836 = arith.constant 0 : i32
      %lt3A_837 = arith.cmpi slt, %rem3A_833, %lt3A_836 : i32
      %lt3A_838 = arith.constant 0 : i32
      %lt3A_839 = arith.cmpi slt, %select_n3A_832, %lt3A_838 : i32
      %ne3A_840 = arith.xori %lt3A_837, %lt3A_839 : i1
      %and3A_841 = arith.andi %ne3A_840, %ne3A_835 : i1
      %add3A_842 = arith.addi %rem3A_833, %select_n3A_832 : i32
      %select_n3A_843 = arith.select %and3A_841, %add3A_842, %rem3A_833 : i32
      %eq3A_844 = arith.constant 0 : i32
      %eq3A_845 = arith.cmpi eq, %select_n3A_843, %eq3A_844 : i32
      %sub3A_846 = arith.constant 63 : i32
      %sub3A_847 = arith.subi %sub3A_846, %select_n3A_827 : i32
      %select_n3A_848 = arith.select %eq3A_845, %select_n3A_827, %sub3A_847 : i32
      %get3A_849 = arith.index_cast %min3A_808 : i32 to index
      %get3A_850 = tpu.vector_load %arg6[%get3A_849] {strides = array<i32>} : memref<32xi32, #tpu.memory_space<vmem>>, vector<16xi32>,
      %get3A_851 = vector.shape_cast %get3A_850 : vector<16xi32> to vector<16xi32>
      %slice3A_852 = vector.extract_strided_slice %get3A_851 {offsets = [0], sizes = [1], strides = [1]} : vector<16xi32> to vector<1xi32>
      %squeeze3A_853 = vector.extract %slice3A_852[0] : i32 from vector<1xi32>
      %mul3A_854 = arith.constant 32 : i32
      %mul3A_855 = arith.muli %select_n3A_848, %mul3A_854 : i32
      %sub3A_856 = arith.subi %squeeze3A_853, %mul3A_855 : i32
      %mul3A_857 = arith.constant 2048 : i32
      %mul3A_858 = arith.muli %min3A_808, %mul3A_857 : i32
      %mul3A_859 = arith.constant 32 : i32
      %mul3A_860 = arith.muli %select_n3A_848, %mul3A_859 : i32
      %add3A_861 = arith.addi %mul3A_858, %mul3A_860 : i32
      %gt3A_862 = arith.constant 0 : i32
      %gt3A_863 = arith.cmpi sgt, %sub3A_856, %gt3A_862 : i32
      %and3A_864 = arith.constant 4 : i32
      %and3A_865 = arith.andi %select_n3A_686, %and3A_864 : i32
      %ne3A_866 = arith.constant 0 : i32
      %ne3A_867 = arith.cmpi ne, %and3A_865, %ne3A_866 : i32
      %convert_element_type3A_868 = arith.extui %gt3A_863 : i1 to i32
      %cond3A_869 = arith.constant 0 : i32
      %cond3A_870 = arith.cmpi ne, %convert_element_type3A_868, %cond3A_869 : i32
      scf.if %cond3A_870 {
        %dma_wait3A = arith.constant 0 : i32
        %dma_wait3A_1074 = tpu.memref_slice %arg2[%add3A_861, %dma_wait3A] : memref<32768x256xf32, #tpu.memory_space<hbm>> -> memref<32x256xf32, #tpu.memory_space<hbm>>
        %dma_wait3A_1075 = arith.constant 0 : i32
        %dma_wait3A_1076 = tpu.memref_slice %arg2[%add3A_861, %dma_wait3A_1075] : memref<32768x256xf32, #tpu.memory_space<hbm>> -> memref<32x256xf32, #tpu.memory_space<hbm>>
        tpu.wait_dma2 semaphore(%arg22 : memref<!tpu.dma_semaphore, #tpu.memory_space<semaphore_mem>>) src(%dma_wait3A_1076 : memref<32x256xf32, #tpu.memory_space<hbm>>) dst(%arg9 : memref<32x256xf32, #tpu.memory_space<vmem>>)
        %dma_wait3A_1077 = arith.constant 0 : i32
        %dma_wait3A_1078 = tpu.memref_slice %arg4[%add3A_861, %dma_wait3A_1077] : memref<32768x256xf32, #tpu.memory_space<hbm>> -> memref<32x256xf32, #tpu.memory_space<hbm>>
        %dma_wait3A_1079 = arith.constant 0 : i32
        %dma_wait3A_1080 = tpu.memref_slice %arg4[%add3A_861, %dma_wait3A_1079] : memref<32768x256xf32, #tpu.memory_space<hbm>> -> memref<32x256xf32, #tpu.memory_space<hbm>>
        tpu.wait_dma2 semaphore(%arg22 : memref<!tpu.dma_semaphore, #tpu.memory_space<semaphore_mem>>) src(%dma_wait3A_1080 : memref<32x256xf32, #tpu.memory_space<hbm>>) dst(%arg13 : memref<32x256xf32, #tpu.memory_space<vmem>>)
        %convert_element_type3A_1081 = arith.extui %ne3A_867 : i1 to i32
        %cond3A_1082 = arith.constant 0 : i32
        %cond3A_1083 = arith.cmpi ne, %convert_element_type3A_1081, %cond3A_1082 : i32
        scf.if %cond3A_1083 {
          %dma_wait3A_1096 = arith.constant 0 : i32
          %dma_wait3A_1097 = arith.constant 0 : i32
          %dma_wait3A_1098 = tpu.memref_slice %arg5[%dma_wait3A_1096, %dma_wait3A_1097] : memref<32768x256xf32, #tpu.memory_space<hbm>> -> memref<32x256xf32, #tpu.memory_space<hbm>>
          %dma_wait3A_1099 = arith.constant 0 : i32
          %dma_wait3A_1100 = arith.constant 0 : i32
          %dma_wait3A_1101 = tpu.memref_slice %arg5[%dma_wait3A_1099, %dma_wait3A_1100] : memref<32768x256xf32, #tpu.memory_space<hbm>> -> memref<32x256xf32, #tpu.memory_space<hbm>>
          tpu.wait_dma2 semaphore(%arg26 : memref<!tpu.dma_semaphore, #tpu.memory_space<semaphore_mem>>) src(%arg17 : memref<32x256xf32, #tpu.memory_space<vmem>>) dst(%dma_wait3A_1101 : memref<32x256xf32, #tpu.memory_space<hbm>>)
        } else {
        }
        %ge3A = arith.constant 32 : i32
        %ge3A_1084 = arith.cmpi sge, %sub3A_856, %ge3A : i32
        %convert_element_type3A_1085 = arith.extui %ge3A_1084 : i1 to i32
        %cond3A_1086 = arith.constant 0 : i32
        %cond3A_1087 = arith.cmpi ne, %convert_element_type3A_1085, %cond3A_1086 : i32
        scf.if %cond3A_1087 {
          %scan3A_1096 = arith.constant 0 : i32
          %scan3A_1097 = arith.constant 0 : i32
          %scan3A_1098 = arith.constant 32 : i32
          %scan3A_1099 = arith.addi %scan3A_1097, %scan3A_1098 : i32
          %scan3A_1100 = arith.constant 1 : i32
          scf.for %scan3A_1102 = %scan3A_1097 to %scan3A_1099 step %scan3A_1100  : i32 {
            %get3A_1103 = arith.index_cast %scan3A_1102 : i32 to index
            %get3A_1104 = arith.constant 0 : index
            %get3A_1105 = tpu.vector_load %arg9[%get3A_1103, %get3A_1104] {strides = array<i32>} : memref<32x256xf32, #tpu.memory_space<vmem>>, vector<1x16xf32>,
            %get3A_1106 = vector.shape_cast %get3A_1105 : vector<1x16xf32> to vector<16xf32>
            %get3A_1107 = arith.index_cast %scan3A_1102 : i32 to index
            %get3A_1108 = arith.constant 0 : index
            %get3A_1109 = tpu.vector_load %arg13[%get3A_1107, %get3A_1108] {strides = array<i32>} : memref<32x256xf32, #tpu.memory_space<vmem>>, vector<1x16xf32>,
            %get3A_1110 = vector.shape_cast %get3A_1109 : vector<1x16xf32> to vector<16xf32>
            %add3A_1111 = arith.addf %get3A_1106, %get3A_1110 : vector<16xf32>
            %swap3A = arith.index_cast %scan3A_1102 : i32 to index
            %swap3A_1112 = arith.constant 0 : index
            %swap3A_1113 = tpu.vector_load %arg17[%swap3A, %swap3A_1112] {strides = array<i32>} : memref<32x256xf32, #tpu.memory_space<vmem>>, vector<1x16xf32>,
            %swap3A_1114 = vector.shape_cast %swap3A_1113 : vector<1x16xf32> to vector<16xf32>
            %swap3A_1115 = vector.shape_cast %add3A_1111 : vector<16xf32> to vector<1x16xf32>
            tpu.vector_store %arg17[%swap3A, %swap3A_1112], %swap3A_1115 {strides = array<i32>} : memref<32x256xf32, #tpu.memory_space<vmem>>, vector<1x16xf32>,
            %get3A_1116 = arith.index_cast %scan3A_1102 : i32 to index
            %get3A_1117 = arith.constant 16 : index
            %get3A_1118 = tpu.vector_load %arg9[%get3A_1116, %get3A_1117] {strides = array<i32>} : memref<32x256xf32, #tpu.memory_space<vmem>>, vector<1x16xf32>,
            %get3A_1119 = vector.shape_cast %get3A_1118 : vector<1x16xf32> to vector<16xf32>
            %get3A_1120 = arith.index_cast %scan3A_1102 : i32 to index
            %get3A_1121 = arith.constant 16 : index
            %get3A_1122 = tpu.vector_load %arg13[%get3A_1120, %get3A_1121] {strides = array<i32>} : memref<32x256xf32, #tpu.memory_space<vmem>>, vector<1x16xf32>,
            %get3A_1123 = vector.shape_cast %get3A_1122 : vector<1x16xf32> to vector<16xf32>
            %add3A_1124 = arith.addf %get3A_1119, %get3A_1123 : vector<16xf32>
            %swap3A_1125 = arith.index_cast %scan3A_1102 : i32 to index
            %swap3A_1126 = arith.constant 16 : index
            %swap3A_1127 = tpu.vector_load %arg17[%swap3A_1125, %swap3A_1126] {strides = array<i32>} : memref<32x256xf32, #tpu.memory_space<vmem>>, vector<1x16xf32>,
            %swap3A_1128 = vector.shape_cast %swap3A_1127 : vector<1x16xf32> to vector<16xf32>
            %swap3A_1129 = vector.shape_cast %add3A_1124 : vector<16xf32> to vector<1x16xf32>
            tpu.vector_store %arg17[%swap3A_1125, %swap3A_1126], %swap3A_1129 {strides = array<i32>} : memref<32x256xf32, #tpu.memory_space<vmem>>, vector<1x16xf32>,
            %get3A_1130 = arith.index_cast %scan3A_1102 : i32 to index
            %get3A_1131 = arith.constant 32 : index
            %get3A_1132 = tpu.vector_load %arg9[%get3A_1130, %get3A_1131] {strides = array<i32>} : memref<32x256xf32, #tpu.memory_space<vmem>>, vector<1x16xf32>,
            %get3A_1133 = vector.shape_cast %get3A_1132 : vector<1x16xf32> to vector<16xf32>
            %get3A_1134 = arith.index_cast %scan3A_1102 : i32 to index
            %get3A_1135 = arith.constant 32 : index
            %get3A_1136 = tpu.vector_load %arg13[%get3A_1134, %get3A_1135] {strides = array<i32>} : memref<32x256xf32, #tpu.memory_space<vmem>>, vector<1x16xf32>,
            %get3A_1137 = vector.shape_cast %get3A_1136 : vector<1x16xf32> to vector<16xf32>
            %add3A_1138 = arith.addf %get3A_1133, %get3A_1137 : vector<16xf32>
            %swap3A_1139 = arith.index_cast %scan3A_1102 : i32 to index
            %swap3A_1140 = arith.constant 32 : index
            %swap3A_1141 = tpu.vector_load %arg17[%swap3A_1139, %swap3A_1140] {strides = array<i32>} : memref<32x256xf32, #tpu.memory_space<vmem>>, vector<1x16xf32>,
            %swap3A_1142 = vector.shape_cast %swap3A_1141 : vector<1x16xf32> to vector<16xf32>
            %swap3A_1143 = vector.shape_cast %add3A_1138 : vector<16xf32> to vector<1x16xf32>
            tpu.vector_store %arg17[%swap3A_1139, %swap3A_1140], %swap3A_1143 {strides = array<i32>} : memref<32x256xf32, #tpu.memory_space<vmem>>, vector<1x16xf32>,
            %get3A_1144 = arith.index_cast %scan3A_1102 : i32 to index
            %get3A_1145 = arith.constant 48 : index
            %get3A_1146 = tpu.vector_load %arg9[%get3A_1144, %get3A_1145] {strides = array<i32>} : memref<32x256xf32, #tpu.memory_space<vmem>>, vector<1x16xf32>,
            %get3A_1147 = vector.shape_cast %get3A_1146 : vector<1x16xf32> to vector<16xf32>
            %get3A_1148 = arith.index_cast %scan3A_1102 : i32 to index
            %get3A_1149 = arith.constant 48 : index
            %get3A_1150 = tpu.vector_load %arg13[%get3A_1148, %get3A_1149] {strides = array<i32>} : memref<32x256xf32, #tpu.memory_space<vmem>>, vector<1x16xf32>,
            %get3A_1151 = vector.shape_cast %get3A_1150 : vector<1x16xf32> to vector<16xf32>
            %add3A_1152 = arith.addf %get3A_1147, %get3A_1151 : vector<16xf32>
            %swap3A_1153 = arith.index_cast %scan3A_1102 : i32 to index
            %swap3A_1154 = arith.constant 48 : index
            %swap3A_1155 = tpu.vector_load %arg17[%swap3A_1153, %swap3A_1154] {strides = array<i32>} : memref<32x256xf32, #tpu.memory_space<vmem>>, vector<1x16xf32>,
            %swap3A_1156 = vector.shape_cast %swap3A_1155 : vector<1x16xf32> to vector<16xf32>
            %swap3A_1157 = vector.shape_cast %add3A_1152 : vector<16xf32> to vector<1x16xf32>
            tpu.vector_store %arg17[%swap3A_1153, %swap3A_1154], %swap3A_1157 {strides = array<i32>} : memref<32x256xf32, #tpu.memory_space<vmem>>, vector<1x16xf32>,
            %get3A_1158 = arith.index_cast %scan3A_1102 : i32 to index
            %get3A_1159 = arith.constant 64 : index
            %get3A_1160 = tpu.vector_load %arg9[%get3A_1158, %get3A_1159] {strides = array<i32>} : memref<32x256xf32, #tpu.memory_space<vmem>>, vector<1x16xf32>,
            %get3A_1161 = vector.shape_cast %get3A_1160 : vector<1x16xf32> to vector<16xf32>
            %get3A_1162 = arith.index_cast %scan3A_1102 : i32 to index
            %get3A_1163 = arith.constant 64 : index
            %get3A_1164 = tpu.vector_load %arg13[%get3A_1162, %get3A_1163] {strides = array<i32>} : memref<32x256xf32, #tpu.memory_space<vmem>>, vector<1x16xf32>,
            %get3A_1165 = vector.shape_cast %get3A_1164 : vector<1x16xf32> to vector<16xf32>
            %add3A_1166 = arith.addf %get3A_1161, %get3A_1165 : vector<16xf32>
            %swap3A_1167 = arith.index_cast %scan3A_1102 : i32 to index
            %swap3A_1168 = arith.constant 64 : index
            %swap3A_1169 = tpu.vector_load %arg17[%swap3A_1167, %swap3A_1168] {strides = array<i32>} : memref<32x256xf32, #tpu.memory_space<vmem>>, vector<1x16xf32>,
            %swap3A_1170 = vector.shape_cast %swap3A_1169 : vector<1x16xf32> to vector<16xf32>
            %swap3A_1171 = vector.shape_cast %add3A_1166 : vector<16xf32> to vector<1x16xf32>
            tpu.vector_store %arg17[%swap3A_1167, %swap3A_1168], %swap3A_1171 {strides = array<i32>} : memref<32x256xf32, #tpu.memory_space<vmem>>, vector<1x16xf32>,
            %get3A_1172 = arith.index_cast %scan3A_1102 : i32 to index
            %get3A_1173 = arith.constant 80 : index
            %get3A_1174 = tpu.vector_load %arg9[%get3A_1172, %get3A_1173] {strides = array<i32>} : memref<32x256xf32, #tpu.memory_space<vmem>>, vector<1x16xf32>,
            %get3A_1175 = vector.shape_cast %get3A_1174 : vector<1x16xf32> to vector<16xf32>
            %get3A_1176 = arith.index_cast %scan3A_1102 : i32 to index
            %get3A_1177 = arith.constant 80 : index
            %get3A_1178 = tpu.vector_load %arg13[%get3A_1176, %get3A_1177] {strides = array<i32>} : memref<32x256xf32, #tpu.memory_space<vmem>>, vector<1x16xf32>,
            %get3A_1179 = vector.shape_cast %get3A_1178 : vector<1x16xf32> to vector<16xf32>
            %add3A_1180 = arith.addf %get3A_1175, %get3A_1179 : vector<16xf32>
            %swap3A_1181 = arith.index_cast %scan3A_1102 : i32 to index
            %swap3A_1182 = arith.constant 80 : index
            %swap3A_1183 = tpu.vector_load %arg17[%swap3A_1181, %swap3A_1182] {strides = array<i32>} : memref<32x256xf32, #tpu.memory_space<vmem>>, vector<1x16xf32>,
            %swap3A_1184 = vector.shape_cast %swap3A_1183 : vector<1x16xf32> to vector<16xf32>
            %swap3A_1185 = vector.shape_cast %add3A_1180 : vector<16xf32> to vector<1x16xf32>
            tpu.vector_store %arg17[%swap3A_1181, %swap3A_1182], %swap3A_1185 {strides = array<i32>} : memref<32x256xf32, #tpu.memory_space<vmem>>, vector<1x16xf32>,
            %get3A_1186 = arith.index_cast %scan3A_1102 : i32 to index
            %get3A_1187 = arith.constant 96 : index
            %get3A_1188 = tpu.vector_load %arg9[%get3A_1186, %get3A_1187] {strides = array<i32>} : memref<32x256xf32, #tpu.memory_space<vmem>>, vector<1x16xf32>,
            %get3A_1189 = vector.shape_cast %get3A_1188 : vector<1x16xf32> to vector<16xf32>
            %get3A_1190 = arith.index_cast %scan3A_1102 : i32 to index
            %get3A_1191 = arith.constant 96 : index
            %get3A_1192 = tpu.vector_load %arg13[%get3A_1190, %get3A_1191] {strides = array<i32>} : memref<32x256xf32, #tpu.memory_space<vmem>>, vector<1x16xf32>,
            %get3A_1193 = vector.shape_cast %get3A_1192 : vector<1x16xf32> to vector<16xf32>
            %add3A_1194 = arith.addf %get3A_1189, %get3A_1193 : vector<16xf32>
            %swap3A_1195 = arith.index_cast %scan3A_1102 : i32 to index
            %swap3A_1196 = arith.constant 96 : index
            %swap3A_1197 = tpu.vector_load %arg17[%swap3A_1195, %swap3A_1196] {strides = array<i32>} : memref<32x256xf32, #tpu.memory_space<vmem>>, vector<1x16xf32>,
            %swap3A_1198 = vector.shape_cast %swap3A_1197 : vector<1x16xf32> to vector<16xf32>
            %swap3A_1199 = vector.shape_cast %add3A_1194 : vector<16xf32> to vector<1x16xf32>
            tpu.vector_store %arg17[%swap3A_1195, %swap3A_1196], %swap3A_1199 {strides = array<i32>} : memref<32x256xf32, #tpu.memory_space<vmem>>, vector<1x16xf32>,
            %get3A_1200 = arith.index_cast %scan3A_1102 : i32 to index
            %get3A_1201 = arith.constant 112 : index
            %get3A_1202 = tpu.vector_load %arg9[%get3A_1200, %get3A_1201] {strides = array<i32>} : memref<32x256xf32, #tpu.memory_space<vmem>>, vector<1x16xf32>,
            %get3A_1203 = vector.shape_cast %get3A_1202 : vector<1x16xf32> to vector<16xf32>
            %get3A_1204 = arith.index_cast %scan3A_1102 : i32 to index
            %get3A_1205 = arith.constant 112 : index
            %get3A_1206 = tpu.vector_load %arg13[%get3A_1204, %get3A_1205] {strides = array<i32>} : memref<32x256xf32, #tpu.memory_space<vmem>>, vector<1x16xf32>,
            %get3A_1207 = vector.shape_cast %get3A_1206 : vector<1x16xf32> to vector<16xf32>
            %add3A_1208 = arith.addf %get3A_1203, %get3A_1207 : vector<16xf32>
            %swap3A_1209 = arith.index_cast %scan3A_1102 : i32 to index
            %swap3A_1210 = arith.constant 112 : index
            %swap3A_1211 = tpu.vector_load %arg17[%swap3A_1209, %swap3A_1210] {strides = array<i32>} : memref<32x256xf32, #tpu.memory_space<vmem>>, vector<1x16xf32>,
            %swap3A_1212 = vector.shape_cast %swap3A_1211 : vector<1x16xf32> to vector<16xf32>
            %swap3A_1213 = vector.shape_cast %add3A_1208 : vector<16xf32> to vector<1x16xf32>
            tpu.vector_store %arg17[%swap3A_1209, %swap3A_1210], %swap3A_1213 {strides = array<i32>} : memref<32x256xf32, #tpu.memory_space<vmem>>, vector<1x16xf32>,
            %get3A_1214 = arith.index_cast %scan3A_1102 : i32 to index
            %get3A_1215 = arith.constant 128 : index
            %get3A_1216 = tpu.vector_load %arg9[%get3A_1214, %get3A_1215] {strides = array<i32>} : memref<32x256xf32, #tpu.memory_space<vmem>>, vector<1x16xf32>,
            %get3A_1217 = vector.shape_cast %get3A_1216 : vector<1x16xf32> to vector<16xf32>
            %get3A_1218 = arith.index_cast %scan3A_1102 : i32 to index
            %get3A_1219 = arith.constant 128 : index
            %get3A_1220 = tpu.vector_load %arg13[%get3A_1218, %get3A_1219] {strides = array<i32>} : memref<32x256xf32, #tpu.memory_space<vmem>>, vector<1x16xf32>,
            %get3A_1221 = vector.shape_cast %get3A_1220 : vector<1x16xf32> to vector<16xf32>
            %add3A_1222 = arith.addf %get3A_1217, %get3A_1221 : vector<16xf32>
            %swap3A_1223 = arith.index_cast %scan3A_1102 : i32 to index
            %swap3A_1224 = arith.constant 128 : index
            %swap3A_1225 = tpu.vector_load %arg17[%swap3A_1223, %swap3A_1224] {strides = array<i32>} : memref<32x256xf32, #tpu.memory_space<vmem>>, vector<1x16xf32>,
            %swap3A_1226 = vector.shape_cast %swap3A_1225 : vector<1x16xf32> to vector<16xf32>
            %swap3A_1227 = vector.shape_cast %add3A_1222 : vector<16xf32> to vector<1x16xf32>
            tpu.vector_store %arg17[%swap3A_1223, %swap3A_1224], %swap3A_1227 {strides = array<i32>} : memref<32x256xf32, #tpu.memory_space<vmem>>, vector<1x16xf32>,
            %get3A_1228 = arith.index_cast %scan3A_1102 : i32 to index
            %get3A_1229 = arith.constant 144 : index
            %get3A_1230 = tpu.vector_load %arg9[%get3A_1228, %get3A_1229] {strides = array<i32>} : memref<32x256xf32, #tpu.memory_space<vmem>>, vector<1x16xf32>,
            %get3A_1231 = vector.shape_cast %get3A_1230 : vector<1x16xf32> to vector<16xf32>
            %get3A_1232 = arith.index_cast %scan3A_1102 : i32 to index
            %get3A_1233 = arith.constant 144 : index
            %get3A_1234 = tpu.vector_load %arg13[%get3A_1232, %get3A_1233] {strides = array<i32>} : memref<32x256xf32, #tpu.memory_space<vmem>>, vector<1x16xf32>,
            %get3A_1235 = vector.shape_cast %get3A_1234 : vector<1x16xf32> to vector<16xf32>
            %add3A_1236 = arith.addf %get3A_1231, %get3A_1235 : vector<16xf32>
            %swap3A_1237 = arith.index_cast %scan3A_1102 : i32 to index
            %swap3A_1238 = arith.constant 144 : index
            %swap3A_1239 = tpu.vector_load %arg17[%swap3A_1237, %swap3A_1238] {strides = array<i32>} : memref<32x256xf32, #tpu.memory_space<vmem>>, vector<1x16xf32>,
            %swap3A_1240 = vector.shape_cast %swap3A_1239 : vector<1x16xf32> to vector<16xf32>
            %swap3A_1241 = vector.shape_cast %add3A_1236 : vector<16xf32> to vector<1x16xf32>
            tpu.vector_store %arg17[%swap3A_1237, %swap3A_1238], %swap3A_1241 {strides = array<i32>} : memref<32x256xf32, #tpu.memory_space<vmem>>, vector<1x16xf32>,
            %get3A_1242 = arith.index_cast %scan3A_1102 : i32 to index
            %get3A_1243 = arith.constant 160 : index
            %get3A_1244 = tpu.vector_load %arg9[%get3A_1242, %get3A_1243] {strides = array<i32>} : memref<32x256xf32, #tpu.memory_space<vmem>>, vector<1x16xf32>,
            %get3A_1245 = vector.shape_cast %get3A_1244 : vector<1x16xf32> to vector<16xf32>
            %get3A_1246 = arith.index_cast %scan3A_1102 : i32 to index
            %get3A_1247 = arith.constant 160 : index
            %get3A_1248 = tpu.vector_load %arg13[%get3A_1246, %get3A_1247] {strides = array<i32>} : memref<32x256xf32, #tpu.memory_space<vmem>>, vector<1x16xf32>,
            %get3A_1249 = vector.shape_cast %get3A_1248 : vector<1x16xf32> to vector<16xf32>
            %add3A_1250 = arith.addf %get3A_1245, %get3A_1249 : vector<16xf32>
            %swap3A_1251 = arith.index_cast %scan3A_1102 : i32 to index
            %swap3A_1252 = arith.constant 160 : index
            %swap3A_1253 = tpu.vector_load %arg17[%swap3A_1251, %swap3A_1252] {strides = array<i32>} : memref<32x256xf32, #tpu.memory_space<vmem>>, vector<1x16xf32>,
            %swap3A_1254 = vector.shape_cast %swap3A_1253 : vector<1x16xf32> to vector<16xf32>
            %swap3A_1255 = vector.shape_cast %add3A_1250 : vector<16xf32> to vector<1x16xf32>
            tpu.vector_store %arg17[%swap3A_1251, %swap3A_1252], %swap3A_1255 {strides = array<i32>} : memref<32x256xf32, #tpu.memory_space<vmem>>, vector<1x16xf32>,
            %get3A_1256 = arith.index_cast %scan3A_1102 : i32 to index
            %get3A_1257 = arith.constant 176 : index
            %get3A_1258 = tpu.vector_load %arg9[%get3A_1256, %get3A_1257] {strides = array<i32>} : memref<32x256xf32, #tpu.memory_space<vmem>>, vector<1x16xf32>,
            %get3A_1259 = vector.shape_cast %get3A_1258 : vector<1x16xf32> to vector<16xf32>
            %get3A_1260 = arith.index_cast %scan3A_1102 : i32 to index
            %get3A_1261 = arith.constant 176 : index
            %get3A_1262 = tpu.vector_load %arg13[%get3A_1260, %get3A_1261] {strides = array<i32>} : memref<32x256xf32, #tpu.memory_space<vmem>>, vector<1x16xf32>,
            %get3A_1263 = vector.shape_cast %get3A_1262 : vector<1x16xf32> to vector<16xf32>
            %add3A_1264 = arith.addf %get3A_1259, %get3A_1263 : vector<16xf32>
            %swap3A_1265 = arith.index_cast %scan3A_1102 : i32 to index
            %swap3A_1266 = arith.constant 176 : index
            %swap3A_1267 = tpu.vector_load %arg17[%swap3A_1265, %swap3A_1266] {strides = array<i32>} : memref<32x256xf32, #tpu.memory_space<vmem>>, vector<1x16xf32>,
            %swap3A_1268 = vector.shape_cast %swap3A_1267 : vector<1x16xf32> to vector<16xf32>
            %swap3A_1269 = vector.shape_cast %add3A_1264 : vector<16xf32> to vector<1x16xf32>
            tpu.vector_store %arg17[%swap3A_1265, %swap3A_1266], %swap3A_1269 {strides = array<i32>} : memref<32x256xf32, #tpu.memory_space<vmem>>, vector<1x16xf32>,
            %get3A_1270 = arith.index_cast %scan3A_1102 : i32 to index
            %get3A_1271 = arith.constant 192 : index
            %get3A_1272 = tpu.vector_load %arg9[%get3A_1270, %get3A_1271] {strides = array<i32>} : memref<32x256xf32, #tpu.memory_space<vmem>>, vector<1x16xf32>,
            %get3A_1273 = vector.shape_cast %get3A_1272 : vector<1x16xf32> to vector<16xf32>
            %get3A_1274 = arith.index_cast %scan3A_1102 : i32 to index
            %get3A_1275 = arith.constant 192 : index
            %get3A_1276 = tpu.vector_load %arg13[%get3A_1274, %get3A_1275] {strides = array<i32>} : memref<32x256xf32, #tpu.memory_space<vmem>>, vector<1x16xf32>,
            %get3A_1277 = vector.shape_cast %get3A_1276 : vector<1x16xf32> to vector<16xf32>
            %add3A_1278 = arith.addf %get3A_1273, %get3A_1277 : vector<16xf32>
            %swap3A_1279 = arith.index_cast %scan3A_1102 : i32 to index
            %swap3A_1280 = arith.constant 192 : index
            %swap3A_1281 = tpu.vector_load %arg17[%swap3A_1279, %swap3A_1280] {strides = array<i32>} : memref<32x256xf32, #tpu.memory_space<vmem>>, vector<1x16xf32>,
            %swap3A_1282 = vector.shape_cast %swap3A_1281 : vector<1x16xf32> to vector<16xf32>
            %swap3A_1283 = vector.shape_cast %add3A_1278 : vector<16xf32> to vector<1x16xf32>
            tpu.vector_store %arg17[%swap3A_1279, %swap3A_1280], %swap3A_1283 {strides = array<i32>} : memref<32x256xf32, #tpu.memory_space<vmem>>, vector<1x16xf32>,
            %get3A_1284 = arith.index_cast %scan3A_1102 : i32 to index
            %get3A_1285 = arith.constant 208 : index
            %get3A_1286 = tpu.vector_load %arg9[%get3A_1284, %get3A_1285] {strides = array<i32>} : memref<32x256xf32, #tpu.memory_space<vmem>>, vector<1x16xf32>,
            %get3A_1287 = vector.shape_cast %get3A_1286 : vector<1x16xf32> to vector<16xf32>
            %get3A_1288 = arith.index_cast %scan3A_1102 : i32 to index
            %get3A_1289 = arith.constant 208 : index
            %get3A_1290 = tpu.vector_load %arg13[%get3A_1288, %get3A_1289] {strides = array<i32>} : memref<32x256xf32, #tpu.memory_space<vmem>>, vector<1x16xf32>,
            %get3A_1291 = vector.shape_cast %get3A_1290 : vector<1x16xf32> to vector<16xf32>
            %add3A_1292 = arith.addf %get3A_1287, %get3A_1291 : vector<16xf32>
            %swap3A_1293 = arith.index_cast %scan3A_1102 : i32 to index
            %swap3A_1294 = arith.constant 208 : index
            %swap3A_1295 = tpu.vector_load %arg17[%swap3A_1293, %swap3A_1294] {strides = array<i32>} : memref<32x256xf32, #tpu.memory_space<vmem>>, vector<1x16xf32>,
            %swap3A_1296 = vector.shape_cast %swap3A_1295 : vector<1x16xf32> to vector<16xf32>
            %swap3A_1297 = vector.shape_cast %add3A_1292 : vector<16xf32> to vector<1x16xf32>
            tpu.vector_store %arg17[%swap3A_1293, %swap3A_1294], %swap3A_1297 {strides = array<i32>} : memref<32x256xf32, #tpu.memory_space<vmem>>, vector<1x16xf32>,
            %get3A_1298 = arith.index_cast %scan3A_1102 : i32 to index
            %get3A_1299 = arith.constant 224 : index
            %get3A_1300 = tpu.vector_load %arg9[%get3A_1298, %get3A_1299] {strides = array<i32>} : memref<32x256xf32, #tpu.memory_space<vmem>>, vector<1x16xf32>,
            %get3A_1301 = vector.shape_cast %get3A_1300 : vector<1x16xf32> to vector<16xf32>
            %get3A_1302 = arith.index_cast %scan3A_1102 : i32 to index
            %get3A_1303 = arith.constant 224 : index
            %get3A_1304 = tpu.vector_load %arg13[%get3A_1302, %get3A_1303] {strides = array<i32>} : memref<32x256xf32, #tpu.memory_space<vmem>>, vector<1x16xf32>,
            %get3A_1305 = vector.shape_cast %get3A_1304 : vector<1x16xf32> to vector<16xf32>
            %add3A_1306 = arith.addf %get3A_1301, %get3A_1305 : vector<16xf32>
            %swap3A_1307 = arith.index_cast %scan3A_1102 : i32 to index
            %swap3A_1308 = arith.constant 224 : index
            %swap3A_1309 = tpu.vector_load %arg17[%swap3A_1307, %swap3A_1308] {strides = array<i32>} : memref<32x256xf32, #tpu.memory_space<vmem>>, vector<1x16xf32>,
            %swap3A_1310 = vector.shape_cast %swap3A_1309 : vector<1x16xf32> to vector<16xf32>
            %swap3A_1311 = vector.shape_cast %add3A_1306 : vector<16xf32> to vector<1x16xf32>
            tpu.vector_store %arg17[%swap3A_1307, %swap3A_1308], %swap3A_1311 {strides = array<i32>} : memref<32x256xf32, #tpu.memory_space<vmem>>, vector<1x16xf32>,
            %get3A_1312 = arith.index_cast %scan3A_1102 : i32 to index
            %get3A_1313 = arith.constant 240 : index
            %get3A_1314 = tpu.vector_load %arg9[%get3A_1312, %get3A_1313] {strides = array<i32>} : memref<32x256xf32, #tpu.memory_space<vmem>>, vector<1x16xf32>,
            %get3A_1315 = vector.shape_cast %get3A_1314 : vector<1x16xf32> to vector<16xf32>
            %get3A_1316 = arith.index_cast %scan3A_1102 : i32 to index
            %get3A_1317 = arith.constant 240 : index
            %get3A_1318 = tpu.vector_load %arg13[%get3A_1316, %get3A_1317] {strides = array<i32>} : memref<32x256xf32, #tpu.memory_space<vmem>>, vector<1x16xf32>,
            %get3A_1319 = vector.shape_cast %get3A_1318 : vector<1x16xf32> to vector<16xf32>
            %add3A_1320 = arith.addf %get3A_1315, %get3A_1319 : vector<16xf32>
            %swap3A_1321 = arith.index_cast %scan3A_1102 : i32 to index
            %swap3A_1322 = arith.constant 240 : index
            %swap3A_1323 = tpu.vector_load %arg17[%swap3A_1321, %swap3A_1322] {strides = array<i32>} : memref<32x256xf32, #tpu.memory_space<vmem>>, vector<1x16xf32>,
            %swap3A_1324 = vector.shape_cast %swap3A_1323 : vector<1x16xf32> to vector<16xf32>
            %swap3A_1325 = vector.shape_cast %add3A_1320 : vector<16xf32> to vector<1x16xf32>
            tpu.vector_store %arg17[%swap3A_1321, %swap3A_1322], %swap3A_1325 {strides = array<i32>} : memref<32x256xf32, #tpu.memory_space<vmem>>, vector<1x16xf32>,
          }
          %scan3A_1101 = arith.constant 32 : i32
        } else {
        }
        %lt3A_1088 = arith.constant 32 : i32
        %lt3A_1089 = arith.cmpi slt, %sub3A_856, %lt3A_1088 : i32
        %convert_element_type3A_1090 = arith.extui %lt3A_1089 : i1 to i32
        %cond3A_1091 = arith.constant 0 : i32
        %cond3A_1092 = arith.cmpi ne, %convert_element_type3A_1090, %cond3A_1091 : i32
        scf.if %cond3A_1092 {
          %scan3A_1096 = arith.constant 0 : i32
          %scan3A_1097 = arith.constant 0 : i32
          %scan3A_1098 = arith.constant 32 : i32
          %scan3A_1099 = arith.addi %scan3A_1097, %scan3A_1098 : i32
          %scan3A_1100 = arith.constant 1 : i32
          scf.for %scan3A_1102 = %scan3A_1097 to %scan3A_1099 step %scan3A_1100  : i32 {
            %lt3A_1103 = arith.cmpi slt, %scan3A_1102, %sub3A_856 : i32
            %get3A_1104 = arith.index_cast %scan3A_1102 : i32 to index
            %get3A_1105 = arith.constant 0 : index
            %get3A_1106 = tpu.vector_load %arg9[%get3A_1104, %get3A_1105] {strides = array<i32>} : memref<32x256xf32, #tpu.memory_space<vmem>>, vector<1x16xf32>,
            %get3A_1107 = vector.shape_cast %get3A_1106 : vector<1x16xf32> to vector<16xf32>
            %get3A_1108 = arith.index_cast %scan3A_1102 : i32 to index
            %get3A_1109 = arith.constant 0 : index
            %get3A_1110 = tpu.vector_load %arg13[%get3A_1108, %get3A_1109] {strides = array<i32>} : memref<32x256xf32, #tpu.memory_space<vmem>>, vector<1x16xf32>,
            %get3A_1111 = vector.shape_cast %get3A_1110 : vector<1x16xf32> to vector<16xf32>
            %add3A_1112 = arith.addf %get3A_1107, %get3A_1111 : vector<16xf32>
            %select_n3A_1113 = arith.select %lt3A_1103, %add3A_1112, %broadcast_in_dim3A_1 : vector<16xf32>
            %swap3A = arith.index_cast %scan3A_1102 : i32 to index
            %swap3A_1114 = arith.constant 0 : index
            %swap3A_1115 = tpu.vector_load %arg17[%swap3A, %swap3A_1114] {strides = array<i32>} : memref<32x256xf32, #tpu.memory_space<vmem>>, vector<1x16xf32>,
            %swap3A_1116 = vector.shape_cast %swap3A_1115 : vector<1x16xf32> to vector<16xf32>
            %swap3A_1117 = vector.shape_cast %select_n3A_1113 : vector<16xf32> to vector<1x16xf32>
            tpu.vector_store %arg17[%swap3A, %swap3A_1114], %swap3A_1117 {strides = array<i32>} : memref<32x256xf32, #tpu.memory_space<vmem>>, vector<1x16xf32>,
            %get3A_1118 = arith.index_cast %scan3A_1102 : i32 to index
            %get3A_1119 = arith.constant 16 : index
            %get3A_1120 = tpu.vector_load %arg9[%get3A_1118, %get3A_1119] {strides = array<i32>} : memref<32x256xf32, #tpu.memory_space<vmem>>, vector<1x16xf32>,
            %get3A_1121 = vector.shape_cast %get3A_1120 : vector<1x16xf32> to vector<16xf32>
            %get3A_1122 = arith.index_cast %scan3A_1102 : i32 to index
            %get3A_1123 = arith.constant 16 : index
            %get3A_1124 = tpu.vector_load %arg13[%get3A_1122, %get3A_1123] {strides = array<i32>} : memref<32x256xf32, #tpu.memory_space<vmem>>, vector<1x16xf32>,
            %get3A_1125 = vector.shape_cast %get3A_1124 : vector<1x16xf32> to vector<16xf32>
            %add3A_1126 = arith.addf %get3A_1121, %get3A_1125 : vector<16xf32>
            %select_n3A_1127 = arith.select %lt3A_1103, %add3A_1126, %broadcast_in_dim3A_1 : vector<16xf32>
            %swap3A_1128 = arith.index_cast %scan3A_1102 : i32 to index
            %swap3A_1129 = arith.constant 16 : index
            %swap3A_1130 = tpu.vector_load %arg17[%swap3A_1128, %swap3A_1129] {strides = array<i32>} : memref<32x256xf32, #tpu.memory_space<vmem>>, vector<1x16xf32>,
            %swap3A_1131 = vector.shape_cast %swap3A_1130 : vector<1x16xf32> to vector<16xf32>
            %swap3A_1132 = vector.shape_cast %select_n3A_1127 : vector<16xf32> to vector<1x16xf32>
            tpu.vector_store %arg17[%swap3A_1128, %swap3A_1129], %swap3A_1132 {strides = array<i32>} : memref<32x256xf32, #tpu.memory_space<vmem>>, vector<1x16xf32>,
            %get3A_1133 = arith.index_cast %scan3A_1102 : i32 to index
            %get3A_1134 = arith.constant 32 : index
            %get3A_1135 = tpu.vector_load %arg9[%get3A_1133, %get3A_1134] {strides = array<i32>} : memref<32x256xf32, #tpu.memory_space<vmem>>, vector<1x16xf32>,
            %get3A_1136 = vector.shape_cast %get3A_1135 : vector<1x16xf32> to vector<16xf32>
            %get3A_1137 = arith.index_cast %scan3A_1102 : i32 to index
            %get3A_1138 = arith.constant 32 : index
            %get3A_1139 = tpu.vector_load %arg13[%get3A_1137, %get3A_1138] {strides = array<i32>} : memref<32x256xf32, #tpu.memory_space<vmem>>, vector<1x16xf32>,
            %get3A_1140 = vector.shape_cast %get3A_1139 : vector<1x16xf32> to vector<16xf32>
            %add3A_1141 = arith.addf %get3A_1136, %get3A_1140 : vector<16xf32>
            %select_n3A_1142 = arith.select %lt3A_1103, %add3A_1141, %broadcast_in_dim3A_1 : vector<16xf32>
            %swap3A_1143 = arith.index_cast %scan3A_1102 : i32 to index
            %swap3A_1144 = arith.constant 32 : index
            %swap3A_1145 = tpu.vector_load %arg17[%swap3A_1143, %swap3A_1144] {strides = array<i32>} : memref<32x256xf32, #tpu.memory_space<vmem>>, vector<1x16xf32>,
            %swap3A_1146 = vector.shape_cast %swap3A_1145 : vector<1x16xf32> to vector<16xf32>
            %swap3A_1147 = vector.shape_cast %select_n3A_1142 : vector<16xf32> to vector<1x16xf32>
            tpu.vector_store %arg17[%swap3A_1143, %swap3A_1144], %swap3A_1147 {strides = array<i32>} : memref<32x256xf32, #tpu.memory_space<vmem>>, vector<1x16xf32>,
            %get3A_1148 = arith.index_cast %scan3A_1102 : i32 to index
            %get3A_1149 = arith.constant 48 : index
            %get3A_1150 = tpu.vector_load %arg9[%get3A_1148, %get3A_1149] {strides = array<i32>} : memref<32x256xf32, #tpu.memory_space<vmem>>, vector<1x16xf32>,
            %get3A_1151 = vector.shape_cast %get3A_1150 : vector<1x16xf32> to vector<16xf32>
            %get3A_1152 = arith.index_cast %scan3A_1102 : i32 to index
            %get3A_1153 = arith.constant 48 : index
            %get3A_1154 = tpu.vector_load %arg13[%get3A_1152, %get3A_1153] {strides = array<i32>} : memref<32x256xf32, #tpu.memory_space<vmem>>, vector<1x16xf32>,
            %get3A_1155 = vector.shape_cast %get3A_1154 : vector<1x16xf32> to vector<16xf32>
            %add3A_1156 = arith.addf %get3A_1151, %get3A_1155 : vector<16xf32>
            %select_n3A_1157 = arith.select %lt3A_1103, %add3A_1156, %broadcast_in_dim3A_1 : vector<16xf32>
            %swap3A_1158 = arith.index_cast %scan3A_1102 : i32 to index
            %swap3A_1159 = arith.constant 48 : index
            %swap3A_1160 = tpu.vector_load %arg17[%swap3A_1158, %swap3A_1159] {strides = array<i32>} : memref<32x256xf32, #tpu.memory_space<vmem>>, vector<1x16xf32>,
            %swap3A_1161 = vector.shape_cast %swap3A_1160 : vector<1x16xf32> to vector<16xf32>
            %swap3A_1162 = vector.shape_cast %select_n3A_1157 : vector<16xf32> to vector<1x16xf32>
            tpu.vector_store %arg17[%swap3A_1158, %swap3A_1159], %swap3A_1162 {strides = array<i32>} : memref<32x256xf32, #tpu.memory_space<vmem>>, vector<1x16xf32>,
            %get3A_1163 = arith.index_cast %scan3A_1102 : i32 to index
            %get3A_1164 = arith.constant 64 : index
            %get3A_1165 = tpu.vector_load %arg9[%get3A_1163, %get3A_1164] {strides = array<i32>} : memref<32x256xf32, #tpu.memory_space<vmem>>, vector<1x16xf32>,
            %get3A_1166 = vector.shape_cast %get3A_1165 : vector<1x16xf32> to vector<16xf32>
            %get3A_1167 = arith.index_cast %scan3A_1102 : i32 to index
            %get3A_1168 = arith.constant 64 : index
            %get3A_1169 = tpu.vector_load %arg13[%get3A_1167, %get3A_1168] {strides = array<i32>} : memref<32x256xf32, #tpu.memory_space<vmem>>, vector<1x16xf32>,
            %get3A_1170 = vector.shape_cast %get3A_1169 : vector<1x16xf32> to vector<16xf32>
            %add3A_1171 = arith.addf %get3A_1166, %get3A_1170 : vector<16xf32>
            %select_n3A_1172 = arith.select %lt3A_1103, %add3A_1171, %broadcast_in_dim3A_1 : vector<16xf32>
            %swap3A_1173 = arith.index_cast %scan3A_1102 : i32 to index
            %swap3A_1174 = arith.constant 64 : index
            %swap3A_1175 = tpu.vector_load %arg17[%swap3A_1173, %swap3A_1174] {strides = array<i32>} : memref<32x256xf32, #tpu.memory_space<vmem>>, vector<1x16xf32>,
            %swap3A_1176 = vector.shape_cast %swap3A_1175 : vector<1x16xf32> to vector<16xf32>
            %swap3A_1177 = vector.shape_cast %select_n3A_1172 : vector<16xf32> to vector<1x16xf32>
            tpu.vector_store %arg17[%swap3A_1173, %swap3A_1174], %swap3A_1177 {strides = array<i32>} : memref<32x256xf32, #tpu.memory_space<vmem>>, vector<1x16xf32>,
            %get3A_1178 = arith.index_cast %scan3A_1102 : i32 to index
            %get3A_1179 = arith.constant 80 : index
            %get3A_1180 = tpu.vector_load %arg9[%get3A_1178, %get3A_1179] {strides = array<i32>} : memref<32x256xf32, #tpu.memory_space<vmem>>, vector<1x16xf32>,
            %get3A_1181 = vector.shape_cast %get3A_1180 : vector<1x16xf32> to vector<16xf32>
            %get3A_1182 = arith.index_cast %scan3A_1102 : i32 to index
            %get3A_1183 = arith.constant 80 : index
            %get3A_1184 = tpu.vector_load %arg13[%get3A_1182, %get3A_1183] {strides = array<i32>} : memref<32x256xf32, #tpu.memory_space<vmem>>, vector<1x16xf32>,
            %get3A_1185 = vector.shape_cast %get3A_1184 : vector<1x16xf32> to vector<16xf32>
            %add3A_1186 = arith.addf %get3A_1181, %get3A_1185 : vector<16xf32>
            %select_n3A_1187 = arith.select %lt3A_1103, %add3A_1186, %broadcast_in_dim3A_1 : vector<16xf32>
            %swap3A_1188 = arith.index_cast %scan3A_1102 : i32 to index
            %swap3A_1189 = arith.constant 80 : index
            %swap3A_1190 = tpu.vector_load %arg17[%swap3A_1188, %swap3A_1189] {strides = array<i32>} : memref<32x256xf32, #tpu.memory_space<vmem>>, vector<1x16xf32>,
            %swap3A_1191 = vector.shape_cast %swap3A_1190 : vector<1x16xf32> to vector<16xf32>
            %swap3A_1192 = vector.shape_cast %select_n3A_1187 : vector<16xf32> to vector<1x16xf32>
            tpu.vector_store %arg17[%swap3A_1188, %swap3A_1189], %swap3A_1192 {strides = array<i32>} : memref<32x256xf32, #tpu.memory_space<vmem>>, vector<1x16xf32>,
            %get3A_1193 = arith.index_cast %scan3A_1102 : i32 to index
            %get3A_1194 = arith.constant 96 : index
            %get3A_1195 = tpu.vector_load %arg9[%get3A_1193, %get3A_1194] {strides = array<i32>} : memref<32x256xf32, #tpu.memory_space<vmem>>, vector<1x16xf32>,
            %get3A_1196 = vector.shape_cast %get3A_1195 : vector<1x16xf32> to vector<16xf32>
            %get3A_1197 = arith.index_cast %scan3A_1102 : i32 to index
            %get3A_1198 = arith.constant 96 : index
            %get3A_1199 = tpu.vector_load %arg13[%get3A_1197, %get3A_1198] {strides = array<i32>} : memref<32x256xf32, #tpu.memory_space<vmem>>, vector<1x16xf32>,
            %get3A_1200 = vector.shape_cast %get3A_1199 : vector<1x16xf32> to vector<16xf32>
            %add3A_1201 = arith.addf %get3A_1196, %get3A_1200 : vector<16xf32>
            %select_n3A_1202 = arith.select %lt3A_1103, %add3A_1201, %broadcast_in_dim3A_1 : vector<16xf32>
            %swap3A_1203 = arith.index_cast %scan3A_1102 : i32 to index
            %swap3A_1204 = arith.constant 96 : index
            %swap3A_1205 = tpu.vector_load %arg17[%swap3A_1203, %swap3A_1204] {strides = array<i32>} : memref<32x256xf32, #tpu.memory_space<vmem>>, vector<1x16xf32>,
            %swap3A_1206 = vector.shape_cast %swap3A_1205 : vector<1x16xf32> to vector<16xf32>
            %swap3A_1207 = vector.shape_cast %select_n3A_1202 : vector<16xf32> to vector<1x16xf32>
            tpu.vector_store %arg17[%swap3A_1203, %swap3A_1204], %swap3A_1207 {strides = array<i32>} : memref<32x256xf32, #tpu.memory_space<vmem>>, vector<1x16xf32>,
            %get3A_1208 = arith.index_cast %scan3A_1102 : i32 to index
            %get3A_1209 = arith.constant 112 : index
            %get3A_1210 = tpu.vector_load %arg9[%get3A_1208, %get3A_1209] {strides = array<i32>} : memref<32x256xf32, #tpu.memory_space<vmem>>, vector<1x16xf32>,
            %get3A_1211 = vector.shape_cast %get3A_1210 : vector<1x16xf32> to vector<16xf32>
            %get3A_1212 = arith.index_cast %scan3A_1102 : i32 to index
            %get3A_1213 = arith.constant 112 : index
            %get3A_1214 = tpu.vector_load %arg13[%get3A_1212, %get3A_1213] {strides = array<i32>} : memref<32x256xf32, #tpu.memory_space<vmem>>, vector<1x16xf32>,
            %get3A_1215 = vector.shape_cast %get3A_1214 : vector<1x16xf32> to vector<16xf32>
            %add3A_1216 = arith.addf %get3A_1211, %get3A_1215 : vector<16xf32>
            %select_n3A_1217 = arith.select %lt3A_1103, %add3A_1216, %broadcast_in_dim3A_1 : vector<16xf32>
            %swap3A_1218 = arith.index_cast %scan3A_1102 : i32 to index
            %swap3A_1219 = arith.constant 112 : index
            %swap3A_1220 = tpu.vector_load %arg17[%swap3A_1218, %swap3A_1219] {strides = array<i32>} : memref<32x256xf32, #tpu.memory_space<vmem>>, vector<1x16xf32>,
            %swap3A_1221 = vector.shape_cast %swap3A_1220 : vector<1x16xf32> to vector<16xf32>
            %swap3A_1222 = vector.shape_cast %select_n3A_1217 : vector<16xf32> to vector<1x16xf32>
            tpu.vector_store %arg17[%swap3A_1218, %swap3A_1219], %swap3A_1222 {strides = array<i32>} : memref<32x256xf32, #tpu.memory_space<vmem>>, vector<1x16xf32>,
            %get3A_1223 = arith.index_cast %scan3A_1102 : i32 to index
            %get3A_1224 = arith.constant 128 : index
            %get3A_1225 = tpu.vector_load %arg9[%get3A_1223, %get3A_1224] {strides = array<i32>} : memref<32x256xf32, #tpu.memory_space<vmem>>, vector<1x16xf32>,
            %get3A_1226 = vector.shape_cast %get3A_1225 : vector<1x16xf32> to vector<16xf32>
            %get3A_1227 = arith.index_cast %scan3A_1102 : i32 to index
            %get3A_1228 = arith.constant 128 : index
            %get3A_1229 = tpu.vector_load %arg13[%get3A_1227, %get3A_1228] {strides = array<i32>} : memref<32x256xf32, #tpu.memory_space<vmem>>, vector<1x16xf32>,
            %get3A_1230 = vector.shape_cast %get3A_1229 : vector<1x16xf32> to vector<16xf32>
            %add3A_1231 = arith.addf %get3A_1226, %get3A_1230 : vector<16xf32>
            %select_n3A_1232 = arith.select %lt3A_1103, %add3A_1231, %broadcast_in_dim3A_1 : vector<16xf32>
            %swap3A_1233 = arith.index_cast %scan3A_1102 : i32 to index
            %swap3A_1234 = arith.constant 128 : index
            %swap3A_1235 = tpu.vector_load %arg17[%swap3A_1233, %swap3A_1234] {strides = array<i32>} : memref<32x256xf32, #tpu.memory_space<vmem>>, vector<1x16xf32>,
            %swap3A_1236 = vector.shape_cast %swap3A_1235 : vector<1x16xf32> to vector<16xf32>
            %swap3A_1237 = vector.shape_cast %select_n3A_1232 : vector<16xf32> to vector<1x16xf32>
            tpu.vector_store %arg17[%swap3A_1233, %swap3A_1234], %swap3A_1237 {strides = array<i32>} : memref<32x256xf32, #tpu.memory_space<vmem>>, vector<1x16xf32>,
            %get3A_1238 = arith.index_cast %scan3A_1102 : i32 to index
            %get3A_1239 = arith.constant 144 : index
            %get3A_1240 = tpu.vector_load %arg9[%get3A_1238, %get3A_1239] {strides = array<i32>} : memref<32x256xf32, #tpu.memory_space<vmem>>, vector<1x16xf32>,
            %get3A_1241 = vector.shape_cast %get3A_1240 : vector<1x16xf32> to vector<16xf32>
            %get3A_1242 = arith.index_cast %scan3A_1102 : i32 to index
            %get3A_1243 = arith.constant 144 : index
            %get3A_1244 = tpu.vector_load %arg13[%get3A_1242, %get3A_1243] {strides = array<i32>} : memref<32x256xf32, #tpu.memory_space<vmem>>, vector<1x16xf32>,
            %get3A_1245 = vector.shape_cast %get3A_1244 : vector<1x16xf32> to vector<16xf32>
            %add3A_1246 = arith.addf %get3A_1241, %get3A_1245 : vector<16xf32>
            %select_n3A_1247 = arith.select %lt3A_1103, %add3A_1246, %broadcast_in_dim3A_1 : vector<16xf32>
            %swap3A_1248 = arith.index_cast %scan3A_1102 : i32 to index
            %swap3A_1249 = arith.constant 144 : index
            %swap3A_1250 = tpu.vector_load %arg17[%swap3A_1248, %swap3A_1249] {strides = array<i32>} : memref<32x256xf32, #tpu.memory_space<vmem>>, vector<1x16xf32>,
            %swap3A_1251 = vector.shape_cast %swap3A_1250 : vector<1x16xf32> to vector<16xf32>
            %swap3A_1252 = vector.shape_cast %select_n3A_1247 : vector<16xf32> to vector<1x16xf32>
            tpu.vector_store %arg17[%swap3A_1248, %swap3A_1249], %swap3A_1252 {strides = array<i32>} : memref<32x256xf32, #tpu.memory_space<vmem>>, vector<1x16xf32>,
            %get3A_1253 = arith.index_cast %scan3A_1102 : i32 to index
            %get3A_1254 = arith.constant 160 : index
            %get3A_1255 = tpu.vector_load %arg9[%get3A_1253, %get3A_1254] {strides = array<i32>} : memref<32x256xf32, #tpu.memory_space<vmem>>, vector<1x16xf32>,
            %get3A_1256 = vector.shape_cast %get3A_1255 : vector<1x16xf32> to vector<16xf32>
            %get3A_1257 = arith.index_cast %scan3A_1102 : i32 to index
            %get3A_1258 = arith.constant 160 : index
            %get3A_1259 = tpu.vector_load %arg13[%get3A_1257, %get3A_1258] {strides = array<i32>} : memref<32x256xf32, #tpu.memory_space<vmem>>, vector<1x16xf32>,
            %get3A_1260 = vector.shape_cast %get3A_1259 : vector<1x16xf32> to vector<16xf32>
            %add3A_1261 = arith.addf %get3A_1256, %get3A_1260 : vector<16xf32>
            %select_n3A_1262 = arith.select %lt3A_1103, %add3A_1261, %broadcast_in_dim3A_1 : vector<16xf32>
            %swap3A_1263 = arith.index_cast %scan3A_1102 : i32 to index
            %swap3A_1264 = arith.constant 160 : index
            %swap3A_1265 = tpu.vector_load %arg17[%swap3A_1263, %swap3A_1264] {strides = array<i32>} : memref<32x256xf32, #tpu.memory_space<vmem>>, vector<1x16xf32>,
            %swap3A_1266 = vector.shape_cast %swap3A_1265 : vector<1x16xf32> to vector<16xf32>
            %swap3A_1267 = vector.shape_cast %select_n3A_1262 : vector<16xf32> to vector<1x16xf32>
            tpu.vector_store %arg17[%swap3A_1263, %swap3A_1264], %swap3A_1267 {strides = array<i32>} : memref<32x256xf32, #tpu.memory_space<vmem>>, vector<1x16xf32>,
            %get3A_1268 = arith.index_cast %scan3A_1102 : i32 to index
            %get3A_1269 = arith.constant 176 : index
            %get3A_1270 = tpu.vector_load %arg9[%get3A_1268, %get3A_1269] {strides = array<i32>} : memref<32x256xf32, #tpu.memory_space<vmem>>, vector<1x16xf32>,
            %get3A_1271 = vector.shape_cast %get3A_1270 : vector<1x16xf32> to vector<16xf32>
            %get3A_1272 = arith.index_cast %scan3A_1102 : i32 to index
            %get3A_1273 = arith.constant 176 : index
            %get3A_1274 = tpu.vector_load %arg13[%get3A_1272, %get3A_1273] {strides = array<i32>} : memref<32x256xf32, #tpu.memory_space<vmem>>, vector<1x16xf32>,
            %get3A_1275 = vector.shape_cast %get3A_1274 : vector<1x16xf32> to vector<16xf32>
            %add3A_1276 = arith.addf %get3A_1271, %get3A_1275 : vector<16xf32>
            %select_n3A_1277 = arith.select %lt3A_1103, %add3A_1276, %broadcast_in_dim3A_1 : vector<16xf32>
            %swap3A_1278 = arith.index_cast %scan3A_1102 : i32 to index
            %swap3A_1279 = arith.constant 176 : index
            %swap3A_1280 = tpu.vector_load %arg17[%swap3A_1278, %swap3A_1279] {strides = array<i32>} : memref<32x256xf32, #tpu.memory_space<vmem>>, vector<1x16xf32>,
            %swap3A_1281 = vector.shape_cast %swap3A_1280 : vector<1x16xf32> to vector<16xf32>
            %swap3A_1282 = vector.shape_cast %select_n3A_1277 : vector<16xf32> to vector<1x16xf32>
            tpu.vector_store %arg17[%swap3A_1278, %swap3A_1279], %swap3A_1282 {strides = array<i32>} : memref<32x256xf32, #tpu.memory_space<vmem>>, vector<1x16xf32>,
            %get3A_1283 = arith.index_cast %scan3A_1102 : i32 to index
            %get3A_1284 = arith.constant 192 : index
            %get3A_1285 = tpu.vector_load %arg9[%get3A_1283, %get3A_1284] {strides = array<i32>} : memref<32x256xf32, #tpu.memory_space<vmem>>, vector<1x16xf32>,
            %get3A_1286 = vector.shape_cast %get3A_1285 : vector<1x16xf32> to vector<16xf32>
            %get3A_1287 = arith.index_cast %scan3A_1102 : i32 to index
            %get3A_1288 = arith.constant 192 : index
            %get3A_1289 = tpu.vector_load %arg13[%get3A_1287, %get3A_1288] {strides = array<i32>} : memref<32x256xf32, #tpu.memory_space<vmem>>, vector<1x16xf32>,
            %get3A_1290 = vector.shape_cast %get3A_1289 : vector<1x16xf32> to vector<16xf32>
            %add3A_1291 = arith.addf %get3A_1286, %get3A_1290 : vector<16xf32>
            %select_n3A_1292 = arith.select %lt3A_1103, %add3A_1291, %broadcast_in_dim3A_1 : vector<16xf32>
            %swap3A_1293 = arith.index_cast %scan3A_1102 : i32 to index
            %swap3A_1294 = arith.constant 192 : index
            %swap3A_1295 = tpu.vector_load %arg17[%swap3A_1293, %swap3A_1294] {strides = array<i32>} : memref<32x256xf32, #tpu.memory_space<vmem>>, vector<1x16xf32>,
            %swap3A_1296 = vector.shape_cast %swap3A_1295 : vector<1x16xf32> to vector<16xf32>
            %swap3A_1297 = vector.shape_cast %select_n3A_1292 : vector<16xf32> to vector<1x16xf32>
            tpu.vector_store %arg17[%swap3A_1293, %swap3A_1294], %swap3A_1297 {strides = array<i32>} : memref<32x256xf32, #tpu.memory_space<vmem>>, vector<1x16xf32>,
            %get3A_1298 = arith.index_cast %scan3A_1102 : i32 to index
            %get3A_1299 = arith.constant 208 : index
            %get3A_1300 = tpu.vector_load %arg9[%get3A_1298, %get3A_1299] {strides = array<i32>} : memref<32x256xf32, #tpu.memory_space<vmem>>, vector<1x16xf32>,
            %get3A_1301 = vector.shape_cast %get3A_1300 : vector<1x16xf32> to vector<16xf32>
            %get3A_1302 = arith.index_cast %scan3A_1102 : i32 to index
            %get3A_1303 = arith.constant 208 : index
            %get3A_1304 = tpu.vector_load %arg13[%get3A_1302, %get3A_1303] {strides = array<i32>} : memref<32x256xf32, #tpu.memory_space<vmem>>, vector<1x16xf32>,
            %get3A_1305 = vector.shape_cast %get3A_1304 : vector<1x16xf32> to vector<16xf32>
            %add3A_1306 = arith.addf %get3A_1301, %get3A_1305 : vector<16xf32>
            %select_n3A_1307 = arith.select %lt3A_1103, %add3A_1306, %broadcast_in_dim3A_1 : vector<16xf32>
            %swap3A_1308 = arith.index_cast %scan3A_1102 : i32 to index
            %swap3A_1309 = arith.constant 208 : index
            %swap3A_1310 = tpu.vector_load %arg17[%swap3A_1308, %swap3A_1309] {strides = array<i32>} : memref<32x256xf32, #tpu.memory_space<vmem>>, vector<1x16xf32>,
            %swap3A_1311 = vector.shape_cast %swap3A_1310 : vector<1x16xf32> to vector<16xf32>
            %swap3A_1312 = vector.shape_cast %select_n3A_1307 : vector<16xf32> to vector<1x16xf32>
            tpu.vector_store %arg17[%swap3A_1308, %swap3A_1309], %swap3A_1312 {strides = array<i32>} : memref<32x256xf32, #tpu.memory_space<vmem>>, vector<1x16xf32>,
            %get3A_1313 = arith.index_cast %scan3A_1102 : i32 to index
            %get3A_1314 = arith.constant 224 : index
            %get3A_1315 = tpu.vector_load %arg9[%get3A_1313, %get3A_1314] {strides = array<i32>} : memref<32x256xf32, #tpu.memory_space<vmem>>, vector<1x16xf32>,
            %get3A_1316 = vector.shape_cast %get3A_1315 : vector<1x16xf32> to vector<16xf32>
            %get3A_1317 = arith.index_cast %scan3A_1102 : i32 to index
            %get3A_1318 = arith.constant 224 : index
            %get3A_1319 = tpu.vector_load %arg13[%get3A_1317, %get3A_1318] {strides = array<i32>} : memref<32x256xf32, #tpu.memory_space<vmem>>, vector<1x16xf32>,
            %get3A_1320 = vector.shape_cast %get3A_1319 : vector<1x16xf32> to vector<16xf32>
            %add3A_1321 = arith.addf %get3A_1316, %get3A_1320 : vector<16xf32>
            %select_n3A_1322 = arith.select %lt3A_1103, %add3A_1321, %broadcast_in_dim3A_1 : vector<16xf32>
            %swap3A_1323 = arith.index_cast %scan3A_1102 : i32 to index
            %swap3A_1324 = arith.constant 224 : index
            %swap3A_1325 = tpu.vector_load %arg17[%swap3A_1323, %swap3A_1324] {strides = array<i32>} : memref<32x256xf32, #tpu.memory_space<vmem>>, vector<1x16xf32>,
            %swap3A_1326 = vector.shape_cast %swap3A_1325 : vector<1x16xf32> to vector<16xf32>
            %swap3A_1327 = vector.shape_cast %select_n3A_1322 : vector<16xf32> to vector<1x16xf32>
            tpu.vector_store %arg17[%swap3A_1323, %swap3A_1324], %swap3A_1327 {strides = array<i32>} : memref<32x256xf32, #tpu.memory_space<vmem>>, vector<1x16xf32>,
            %get3A_1328 = arith.index_cast %scan3A_1102 : i32 to index
            %get3A_1329 = arith.constant 240 : index
            %get3A_1330 = tpu.vector_load %arg9[%get3A_1328, %get3A_1329] {strides = array<i32>} : memref<32x256xf32, #tpu.memory_space<vmem>>, vector<1x16xf32>,
            %get3A_1331 = vector.shape_cast %get3A_1330 : vector<1x16xf32> to vector<16xf32>
            %get3A_1332 = arith.index_cast %scan3A_1102 : i32 to index
            %get3A_1333 = arith.constant 240 : index
            %get3A_1334 = tpu.vector_load %arg13[%get3A_1332, %get3A_1333] {strides = array<i32>} : memref<32x256xf32, #tpu.memory_space<vmem>>, vector<1x16xf32>,
            %get3A_1335 = vector.shape_cast %get3A_1334 : vector<1x16xf32> to vector<16xf32>
            %add3A_1336 = arith.addf %get3A_1331, %get3A_1335 : vector<16xf32>
            %select_n3A_1337 = arith.select %lt3A_1103, %add3A_1336, %broadcast_in_dim3A_1 : vector<16xf32>
            %swap3A_1338 = arith.index_cast %scan3A_1102 : i32 to index
            %swap3A_1339 = arith.constant 240 : index
            %swap3A_1340 = tpu.vector_load %arg17[%swap3A_1338, %swap3A_1339] {strides = array<i32>} : memref<32x256xf32, #tpu.memory_space<vmem>>, vector<1x16xf32>,
            %swap3A_1341 = vector.shape_cast %swap3A_1340 : vector<1x16xf32> to vector<16xf32>
            %swap3A_1342 = vector.shape_cast %select_n3A_1337 : vector<16xf32> to vector<1x16xf32>
            tpu.vector_store %arg17[%swap3A_1338, %swap3A_1339], %swap3A_1342 {strides = array<i32>} : memref<32x256xf32, #tpu.memory_space<vmem>>, vector<1x16xf32>,
          }
          %scan3A_1101 = arith.constant 32 : i32
        } else {
        }
        %dma_start3A = arith.constant 0 : i32
        %dma_start3A_1093 = tpu.memref_slice %arg5[%add3A_861, %dma_start3A] : memref<32768x256xf32, #tpu.memory_space<hbm>> -> memref<32x256xf32, #tpu.memory_space<hbm>>
        %dma_start3A_1094 = arith.constant 0 : i32
        %dma_start3A_1095 = tpu.memref_slice %arg5[%add3A_861, %dma_start3A_1094] : memref<32768x256xf32, #tpu.memory_space<hbm>> -> memref<32x256xf32, #tpu.memory_space<hbm>>
        tpu.enqueue_dma source(%arg17 : memref<32x256xf32, #tpu.memory_space<vmem>>) target(%dma_start3A_1095 : memref<32x256xf32, #tpu.memory_space<hbm>>) target_semaphore(%arg26 : memref<!tpu.dma_semaphore, #tpu.memory_space<semaphore_mem>>)
      } else {
      }
      %not3A_871 = arith.constant true
      %not3A_872 = arith.xori %gt3A_863, %not3A_871 : i1
      %convert_element_type3A_873 = arith.extui %not3A_872 : i1 to i32
      %cond3A_874 = arith.constant 0 : i32
      %cond3A_875 = arith.cmpi ne, %convert_element_type3A_873, %cond3A_874 : i32
      scf.if %cond3A_875 {
        %dma_start3A = arith.constant 0 : i32
        %dma_start3A_1074 = tpu.memref_slice %arg5[%add3A_861, %dma_start3A] : memref<32768x256xf32, #tpu.memory_space<hbm>> -> memref<32x256xf32, #tpu.memory_space<hbm>>
        %dma_start3A_1075 = arith.constant 0 : i32
        %dma_start3A_1076 = tpu.memref_slice %arg5[%add3A_861, %dma_start3A_1075] : memref<32768x256xf32, #tpu.memory_space<hbm>> -> memref<32x256xf32, #tpu.memory_space<hbm>>
        tpu.enqueue_dma source(%arg19 : memref<32x256xf32, #tpu.memory_space<vmem>>) target(%dma_start3A_1076 : memref<32x256xf32, #tpu.memory_space<hbm>>) target_semaphore(%arg28 : memref<!tpu.dma_semaphore, #tpu.memory_space<semaphore_mem>>)
      } else {
      }
      %or3A_876 = arith.constant 4 : i32
      %or3A_877 = arith.ori %select_n3A_686, %or3A_876 : i32
      %select_n3A_878 = arith.select %gt3A_863, %or3A_877, %select_n3A_686 : i32
      %add3A_879 = arith.constant 1 : i32
      %add3A_880 = arith.addi %select_n3A_689, %add3A_879 : i32
      %select_n3A_881 = arith.select %gt3A_863, %select_n3A_689, %add3A_880 : i32
      %mul3A_882 = arith.constant 4 : i32
      %mul3A_883 = arith.muli %scan3A_305, %mul3A_882 : i32
      %add3A_884 = arith.constant 3 : i32
      %add3A_885 = arith.addi %mul3A_883, %add3A_884 : i32
      %add3A_886 = arith.constant 3 : i32
      %add3A_887 = arith.addi %add3A_885, %add3A_886 : i32
      %jit3A_888 = arith.constant 2 : i32
      %div3A_889 = arith.divsi %add3A_887, %jit3A_888 : i32
      %sign3A_890 = arith.constant 0 : i32
      %sign3A_891 = arith.cmpi sgt, %add3A_887, %sign3A_890 : i32
      %sign3A_892 = arith.extui %sign3A_891 : i1 to i32
      %sign3A_893 = arith.constant 0 : i32
      %sign3A_894 = arith.cmpi slt, %add3A_887, %sign3A_893 : i32
      %sign3A_895 = arith.extui %sign3A_894 : i1 to i32
      %sign3A_896 = arith.subi %sign3A_892, %sign3A_895 : i32
      %sign3A_897 = arith.constant 0 : i32
      %sign3A_898 = arith.cmpi sgt, %jit3A_888, %sign3A_897 : i32
      %sign3A_899 = arith.extui %sign3A_898 : i1 to i32
      %sign3A_900 = arith.constant 0 : i32
      %sign3A_901 = arith.cmpi slt, %jit3A_888, %sign3A_900 : i32
      %sign3A_902 = arith.extui %sign3A_901 : i1 to i32
      %sign3A_903 = arith.subi %sign3A_899, %sign3A_902 : i32
      %ne3A_904 = arith.cmpi ne, %sign3A_896, %sign3A_903 : i32
      %rem3A_905 = arith.remsi %add3A_887, %jit3A_888 : i32
      %ne3A_906 = arith.constant 0 : i32
      %ne3A_907 = arith.cmpi ne, %rem3A_905, %ne3A_906 : i32
      %and3A_908 = arith.andi %ne3A_904, %ne3A_907 : i1
      %sub3A_909 = arith.constant 1 : i32
      %sub3A_910 = arith.subi %div3A_889, %sub3A_909 : i32
      %select_n3A_911 = arith.select %and3A_908, %sub3A_910, %div3A_889 : i32
      %min3A_912 = arith.constant 15 : i32
      %min3A_913 = arith.minsi %select_n3A_911, %min3A_912 : i32
      %add3A_914 = arith.addi %add3A, %min3A_913 : i32
      %mul3A_915 = arith.constant 2 : i32
      %mul3A_916 = arith.muli %mul3A_915, %add3A_914 : i32
      %jit3A_917 = arith.constant 64 : i32
      %eq3A_918 = arith.constant 0 : i32
      %eq3A_919 = arith.cmpi eq, %jit3A_917, %eq3A_918 : i32
      %jit3A_920 = arith.constant 1 : i32
      %select_n3A_921 = arith.select %eq3A_919, %jit3A_920, %jit3A_917 : i32
      %rem3A_922 = arith.remsi %mul3A_916, %select_n3A_921 : i32
      %ne3A_923 = arith.constant 0 : i32
      %ne3A_924 = arith.cmpi ne, %rem3A_922, %ne3A_923 : i32
      %lt3A_925 = arith.constant 0 : i32
      %lt3A_926 = arith.cmpi slt, %rem3A_922, %lt3A_925 : i32
      %lt3A_927 = arith.constant 0 : i32
      %lt3A_928 = arith.cmpi slt, %select_n3A_921, %lt3A_927 : i32
      %ne3A_929 = arith.xori %lt3A_926, %lt3A_928 : i1
      %and3A_930 = arith.andi %ne3A_929, %ne3A_924 : i1
      %add3A_931 = arith.addi %rem3A_922, %select_n3A_921 : i32
      %select_n3A_932 = arith.select %and3A_930, %add3A_931, %rem3A_922 : i32
      %jit3A_933 = arith.constant 2 : i32
      %eq3A_934 = arith.constant 0 : i32
      %eq3A_935 = arith.cmpi eq, %jit3A_933, %eq3A_934 : i32
      %jit3A_936 = arith.constant 1 : i32
      %select_n3A_937 = arith.select %eq3A_935, %jit3A_936, %jit3A_933 : i32
      %rem3A_938 = arith.remsi %add3A_887, %select_n3A_937 : i32
      %ne3A_939 = arith.constant 0 : i32
      %ne3A_940 = arith.cmpi ne, %rem3A_938, %ne3A_939 : i32
      %lt3A_941 = arith.constant 0 : i32
      %lt3A_942 = arith.cmpi slt, %rem3A_938, %lt3A_941 : i32
      %lt3A_943 = arith.constant 0 : i32
      %lt3A_944 = arith.cmpi slt, %select_n3A_937, %lt3A_943 : i32
      %ne3A_945 = arith.xori %lt3A_942, %lt3A_944 : i1
      %and3A_946 = arith.andi %ne3A_945, %ne3A_940 : i1
      %add3A_947 = arith.addi %rem3A_938, %select_n3A_937 : i32
      %select_n3A_948 = arith.select %and3A_946, %add3A_947, %rem3A_938 : i32
      %eq3A_949 = arith.constant 0 : i32
      %eq3A_950 = arith.cmpi eq, %select_n3A_948, %eq3A_949 : i32
      %sub3A_951 = arith.constant 63 : i32
      %sub3A_952 = arith.subi %sub3A_951, %select_n3A_932 : i32
      %select_n3A_953 = arith.select %eq3A_950, %select_n3A_932, %sub3A_952 : i32
      %get3A_954 = arith.index_cast %min3A_913 : i32 to index
      %get3A_955 = tpu.vector_load %arg6[%get3A_954] {strides = array<i32>} : memref<32xi32, #tpu.memory_space<vmem>>, vector<16xi32>,
      %get3A_956 = vector.shape_cast %get3A_955 : vector<16xi32> to vector<16xi32>
      %slice3A_957 = vector.extract_strided_slice %get3A_956 {offsets = [0], sizes = [1], strides = [1]} : vector<16xi32> to vector<1xi32>
      %squeeze3A_958 = vector.extract %slice3A_957[0] : i32 from vector<1xi32>
      %mul3A_959 = arith.constant 32 : i32
      %mul3A_960 = arith.muli %select_n3A_953, %mul3A_959 : i32
      %sub3A_961 = arith.subi %squeeze3A_958, %mul3A_960 : i32
      %mul3A_962 = arith.constant 2048 : i32
      %mul3A_963 = arith.muli %min3A_913, %mul3A_962 : i32
      %mul3A_964 = arith.constant 32 : i32
      %mul3A_965 = arith.muli %select_n3A_953, %mul3A_964 : i32
      %add3A_966 = arith.addi %mul3A_963, %mul3A_965 : i32
      %lt3A_967 = arith.constant 32 : i32
      %lt3A_968 = arith.cmpi slt, %add3A_887, %lt3A_967 : i32
      %gt3A_969 = arith.constant 0 : i32
      %gt3A_970 = arith.cmpi sgt, %sub3A_961, %gt3A_969 : i32
      %and3A_971 = arith.andi %lt3A_968, %gt3A_970 : i1
      %convert_element_type3A_972 = arith.extui %and3A_971 : i1 to i32
      %cond3A_973 = arith.constant 0 : i32
      %cond3A_974 = arith.cmpi ne, %convert_element_type3A_972, %cond3A_973 : i32
      scf.if %cond3A_974 {
        %dma_start3A = arith.constant 0 : i32
        %dma_start3A_1074 = tpu.memref_slice %arg2[%add3A_966, %dma_start3A] : memref<32768x256xf32, #tpu.memory_space<hbm>> -> memref<32x256xf32, #tpu.memory_space<hbm>>
        %dma_start3A_1075 = arith.constant 0 : i32
        %dma_start3A_1076 = tpu.memref_slice %arg2[%add3A_966, %dma_start3A_1075] : memref<32768x256xf32, #tpu.memory_space<hbm>> -> memref<32x256xf32, #tpu.memory_space<hbm>>
        tpu.enqueue_dma source(%dma_start3A_1076 : memref<32x256xf32, #tpu.memory_space<hbm>>) target(%arg9 : memref<32x256xf32, #tpu.memory_space<vmem>>) target_semaphore(%arg22 : memref<!tpu.dma_semaphore, #tpu.memory_space<semaphore_mem>>)
        %dma_start3A_1077 = arith.constant 0 : i32
        %dma_start3A_1078 = tpu.memref_slice %arg4[%add3A_966, %dma_start3A_1077] : memref<32768x256xf32, #tpu.memory_space<hbm>> -> memref<32x256xf32, #tpu.memory_space<hbm>>
        %dma_start3A_1079 = arith.constant 0 : i32
        %dma_start3A_1080 = tpu.memref_slice %arg4[%add3A_966, %dma_start3A_1079] : memref<32768x256xf32, #tpu.memory_space<hbm>> -> memref<32x256xf32, #tpu.memory_space<hbm>>
        tpu.enqueue_dma source(%dma_start3A_1080 : memref<32x256xf32, #tpu.memory_space<hbm>>) target(%arg13 : memref<32x256xf32, #tpu.memory_space<vmem>>) target_semaphore(%arg22 : memref<!tpu.dma_semaphore, #tpu.memory_space<semaphore_mem>>)
      } else {
      }
      %jit3A_975 = arith.constant 2 : i32
      %div3A_976 = arith.divsi %add3A_885, %jit3A_975 : i32
      %sign3A_977 = arith.constant 0 : i32
      %sign3A_978 = arith.cmpi sgt, %add3A_885, %sign3A_977 : i32
      %sign3A_979 = arith.extui %sign3A_978 : i1 to i32
      %sign3A_980 = arith.constant 0 : i32
      %sign3A_981 = arith.cmpi slt, %add3A_885, %sign3A_980 : i32
      %sign3A_982 = arith.extui %sign3A_981 : i1 to i32
      %sign3A_983 = arith.subi %sign3A_979, %sign3A_982 : i32
      %sign3A_984 = arith.constant 0 : i32
      %sign3A_985 = arith.cmpi sgt, %jit3A_975, %sign3A_984 : i32
      %sign3A_986 = arith.extui %sign3A_985 : i1 to i32
      %sign3A_987 = arith.constant 0 : i32
      %sign3A_988 = arith.cmpi slt, %jit3A_975, %sign3A_987 : i32
      %sign3A_989 = arith.extui %sign3A_988 : i1 to i32
      %sign3A_990 = arith.subi %sign3A_986, %sign3A_989 : i32
      %ne3A_991 = arith.cmpi ne, %sign3A_983, %sign3A_990 : i32
      %rem3A_992 = arith.remsi %add3A_885, %jit3A_975 : i32
      %ne3A_993 = arith.constant 0 : i32
      %ne3A_994 = arith.cmpi ne, %rem3A_992, %ne3A_993 : i32
      %and3A_995 = arith.andi %ne3A_991, %ne3A_994 : i1
      %sub3A_996 = arith.constant 1 : i32
      %sub3A_997 = arith.subi %div3A_976, %sub3A_996 : i32
      %select_n3A_998 = arith.select %and3A_995, %sub3A_997, %div3A_976 : i32
      %min3A_999 = arith.constant 15 : i32
      %min3A_1000 = arith.minsi %select_n3A_998, %min3A_999 : i32
      %add3A_1001 = arith.addi %add3A, %min3A_1000 : i32
      %mul3A_1002 = arith.constant 2 : i32
      %mul3A_1003 = arith.muli %mul3A_1002, %add3A_1001 : i32
      %jit3A_1004 = arith.constant 64 : i32
      %eq3A_1005 = arith.constant 0 : i32
      %eq3A_1006 = arith.cmpi eq, %jit3A_1004, %eq3A_1005 : i32
      %jit3A_1007 = arith.constant 1 : i32
      %select_n3A_1008 = arith.select %eq3A_1006, %jit3A_1007, %jit3A_1004 : i32
      %rem3A_1009 = arith.remsi %mul3A_1003, %select_n3A_1008 : i32
      %ne3A_1010 = arith.constant 0 : i32
      %ne3A_1011 = arith.cmpi ne, %rem3A_1009, %ne3A_1010 : i32
      %lt3A_1012 = arith.constant 0 : i32
      %lt3A_1013 = arith.cmpi slt, %rem3A_1009, %lt3A_1012 : i32
      %lt3A_1014 = arith.constant 0 : i32
      %lt3A_1015 = arith.cmpi slt, %select_n3A_1008, %lt3A_1014 : i32
      %ne3A_1016 = arith.xori %lt3A_1013, %lt3A_1015 : i1
      %and3A_1017 = arith.andi %ne3A_1016, %ne3A_1011 : i1
      %add3A_1018 = arith.addi %rem3A_1009, %select_n3A_1008 : i32
      %select_n3A_1019 = arith.select %and3A_1017, %add3A_1018, %rem3A_1009 : i32
      %jit3A_1020 = arith.constant 2 : i32
      %eq3A_1021 = arith.constant 0 : i32
      %eq3A_1022 = arith.cmpi eq, %jit3A_1020, %eq3A_1021 : i32
      %jit3A_1023 = arith.constant 1 : i32
      %select_n3A_1024 = arith.select %eq3A_1022, %jit3A_1023, %jit3A_1020 : i32
      %rem3A_1025 = arith.remsi %add3A_885, %select_n3A_1024 : i32
      %ne3A_1026 = arith.constant 0 : i32
      %ne3A_1027 = arith.cmpi ne, %rem3A_1025, %ne3A_1026 : i32
      %lt3A_1028 = arith.constant 0 : i32
      %lt3A_1029 = arith.cmpi slt, %rem3A_1025, %lt3A_1028 : i32
      %lt3A_1030 = arith.constant 0 : i32
      %lt3A_1031 = arith.cmpi slt, %select_n3A_1024, %lt3A_1030 : i32
      %ne3A_1032 = arith.xori %lt3A_1029, %lt3A_1031 : i1
      %and3A_1033 = arith.andi %ne3A_1032, %ne3A_1027 : i1
      %add3A_1034 = arith.addi %rem3A_1025, %select_n3A_1024 : i32
      %select_n3A_1035 = arith.select %and3A_1033, %add3A_1034, %rem3A_1025 : i32
      %eq3A_1036 = arith.constant 0 : i32
      %eq3A_1037 = arith.cmpi eq, %select_n3A_1035, %eq3A_1036 : i32
      %sub3A_1038 = arith.constant 63 : i32
      %sub3A_1039 = arith.subi %sub3A_1038, %select_n3A_1019 : i32
      %select_n3A_1040 = arith.select %eq3A_1037, %select_n3A_1019, %sub3A_1039 : i32
      %get3A_1041 = arith.index_cast %min3A_1000 : i32 to index
      %get3A_1042 = tpu.vector_load %arg6[%get3A_1041] {strides = array<i32>} : memref<32xi32, #tpu.memory_space<vmem>>, vector<16xi32>,
      %get3A_1043 = vector.shape_cast %get3A_1042 : vector<16xi32> to vector<16xi32>
      %slice3A_1044 = vector.extract_strided_slice %get3A_1043 {offsets = [0], sizes = [1], strides = [1]} : vector<16xi32> to vector<1xi32>
      %squeeze3A_1045 = vector.extract %slice3A_1044[0] : i32 from vector<1xi32>
      %mul3A_1046 = arith.constant 32 : i32
      %mul3A_1047 = arith.muli %select_n3A_1040, %mul3A_1046 : i32
      %sub3A_1048 = arith.subi %squeeze3A_1045, %mul3A_1047 : i32
      %mul3A_1049 = arith.constant 2048 : i32
      %mul3A_1050 = arith.muli %min3A_1000, %mul3A_1049 : i32
      %mul3A_1051 = arith.constant 32 : i32
      %mul3A_1052 = arith.muli %select_n3A_1040, %mul3A_1051 : i32
      %add3A_1053 = arith.addi %mul3A_1050, %mul3A_1052 : i32
      %gt3A_1054 = arith.constant 0 : i32
      %gt3A_1055 = arith.cmpi sgt, %sub3A_1048, %gt3A_1054 : i32
      %and3A_1056 = arith.constant 8 : i32
      %and3A_1057 = arith.andi %select_n3A_878, %and3A_1056 : i32
      %ne3A_1058 = arith.constant 0 : i32
      %ne3A_1059 = arith.cmpi ne, %and3A_1057, %ne3A_1058 : i32
      %convert_element_type3A_1060 = arith.extui %gt3A_1055 : i1 to i32
      %cond3A_1061 = arith.constant 0 : i32
      %cond3A_1062 = arith.cmpi ne, %convert_element_type3A_1060, %cond3A_1061 : i32
      scf.if %cond3A_1062 {
        %dma_wait3A = arith.constant 0 : i32
        %dma_wait3A_1074 = tpu.memref_slice %arg2[%add3A_1053, %dma_wait3A] : memref<32768x256xf32, #tpu.memory_space<hbm>> -> memref<32x256xf32, #tpu.memory_space<hbm>>
        %dma_wait3A_1075 = arith.constant 0 : i32
        %dma_wait3A_1076 = tpu.memref_slice %arg2[%add3A_1053, %dma_wait3A_1075] : memref<32768x256xf32, #tpu.memory_space<hbm>> -> memref<32x256xf32, #tpu.memory_space<hbm>>
        tpu.wait_dma2 semaphore(%arg23 : memref<!tpu.dma_semaphore, #tpu.memory_space<semaphore_mem>>) src(%dma_wait3A_1076 : memref<32x256xf32, #tpu.memory_space<hbm>>) dst(%arg10 : memref<32x256xf32, #tpu.memory_space<vmem>>)
        %dma_wait3A_1077 = arith.constant 0 : i32
        %dma_wait3A_1078 = tpu.memref_slice %arg4[%add3A_1053, %dma_wait3A_1077] : memref<32768x256xf32, #tpu.memory_space<hbm>> -> memref<32x256xf32, #tpu.memory_space<hbm>>
        %dma_wait3A_1079 = arith.constant 0 : i32
        %dma_wait3A_1080 = tpu.memref_slice %arg4[%add3A_1053, %dma_wait3A_1079] : memref<32768x256xf32, #tpu.memory_space<hbm>> -> memref<32x256xf32, #tpu.memory_space<hbm>>
        tpu.wait_dma2 semaphore(%arg23 : memref<!tpu.dma_semaphore, #tpu.memory_space<semaphore_mem>>) src(%dma_wait3A_1080 : memref<32x256xf32, #tpu.memory_space<hbm>>) dst(%arg14 : memref<32x256xf32, #tpu.memory_space<vmem>>)
        %convert_element_type3A_1081 = arith.extui %ne3A_1059 : i1 to i32
        %cond3A_1082 = arith.constant 0 : i32
        %cond3A_1083 = arith.cmpi ne, %convert_element_type3A_1081, %cond3A_1082 : i32
        scf.if %cond3A_1083 {
          %dma_wait3A_1096 = arith.constant 0 : i32
          %dma_wait3A_1097 = arith.constant 0 : i32
          %dma_wait3A_1098 = tpu.memref_slice %arg5[%dma_wait3A_1096, %dma_wait3A_1097] : memref<32768x256xf32, #tpu.memory_space<hbm>> -> memref<32x256xf32, #tpu.memory_space<hbm>>
          %dma_wait3A_1099 = arith.constant 0 : i32
          %dma_wait3A_1100 = arith.constant 0 : i32
          %dma_wait3A_1101 = tpu.memref_slice %arg5[%dma_wait3A_1099, %dma_wait3A_1100] : memref<32768x256xf32, #tpu.memory_space<hbm>> -> memref<32x256xf32, #tpu.memory_space<hbm>>
          tpu.wait_dma2 semaphore(%arg27 : memref<!tpu.dma_semaphore, #tpu.memory_space<semaphore_mem>>) src(%arg18 : memref<32x256xf32, #tpu.memory_space<vmem>>) dst(%dma_wait3A_1101 : memref<32x256xf32, #tpu.memory_space<hbm>>)
        } else {
        }
        %ge3A = arith.constant 32 : i32
        %ge3A_1084 = arith.cmpi sge, %sub3A_1048, %ge3A : i32
        %convert_element_type3A_1085 = arith.extui %ge3A_1084 : i1 to i32
        %cond3A_1086 = arith.constant 0 : i32
        %cond3A_1087 = arith.cmpi ne, %convert_element_type3A_1085, %cond3A_1086 : i32
        scf.if %cond3A_1087 {
          %scan3A_1096 = arith.constant 0 : i32
          %scan3A_1097 = arith.constant 0 : i32
          %scan3A_1098 = arith.constant 32 : i32
          %scan3A_1099 = arith.addi %scan3A_1097, %scan3A_1098 : i32
          %scan3A_1100 = arith.constant 1 : i32
          scf.for %scan3A_1102 = %scan3A_1097 to %scan3A_1099 step %scan3A_1100  : i32 {
            %get3A_1103 = arith.index_cast %scan3A_1102 : i32 to index
            %get3A_1104 = arith.constant 0 : index
            %get3A_1105 = tpu.vector_load %arg10[%get3A_1103, %get3A_1104] {strides = array<i32>} : memref<32x256xf32, #tpu.memory_space<vmem>>, vector<1x16xf32>,
            %get3A_1106 = vector.shape_cast %get3A_1105 : vector<1x16xf32> to vector<16xf32>
            %get3A_1107 = arith.index_cast %scan3A_1102 : i32 to index
            %get3A_1108 = arith.constant 0 : index
            %get3A_1109 = tpu.vector_load %arg14[%get3A_1107, %get3A_1108] {strides = array<i32>} : memref<32x256xf32, #tpu.memory_space<vmem>>, vector<1x16xf32>,
            %get3A_1110 = vector.shape_cast %get3A_1109 : vector<1x16xf32> to vector<16xf32>
            %add3A_1111 = arith.addf %get3A_1106, %get3A_1110 : vector<16xf32>
            %swap3A = arith.index_cast %scan3A_1102 : i32 to index
            %swap3A_1112 = arith.constant 0 : index
            %swap3A_1113 = tpu.vector_load %arg18[%swap3A, %swap3A_1112] {strides = array<i32>} : memref<32x256xf32, #tpu.memory_space<vmem>>, vector<1x16xf32>,
            %swap3A_1114 = vector.shape_cast %swap3A_1113 : vector<1x16xf32> to vector<16xf32>
            %swap3A_1115 = vector.shape_cast %add3A_1111 : vector<16xf32> to vector<1x16xf32>
            tpu.vector_store %arg18[%swap3A, %swap3A_1112], %swap3A_1115 {strides = array<i32>} : memref<32x256xf32, #tpu.memory_space<vmem>>, vector<1x16xf32>,
            %get3A_1116 = arith.index_cast %scan3A_1102 : i32 to index
            %get3A_1117 = arith.constant 16 : index
            %get3A_1118 = tpu.vector_load %arg10[%get3A_1116, %get3A_1117] {strides = array<i32>} : memref<32x256xf32, #tpu.memory_space<vmem>>, vector<1x16xf32>,
            %get3A_1119 = vector.shape_cast %get3A_1118 : vector<1x16xf32> to vector<16xf32>
            %get3A_1120 = arith.index_cast %scan3A_1102 : i32 to index
            %get3A_1121 = arith.constant 16 : index
            %get3A_1122 = tpu.vector_load %arg14[%get3A_1120, %get3A_1121] {strides = array<i32>} : memref<32x256xf32, #tpu.memory_space<vmem>>, vector<1x16xf32>,
            %get3A_1123 = vector.shape_cast %get3A_1122 : vector<1x16xf32> to vector<16xf32>
            %add3A_1124 = arith.addf %get3A_1119, %get3A_1123 : vector<16xf32>
            %swap3A_1125 = arith.index_cast %scan3A_1102 : i32 to index
            %swap3A_1126 = arith.constant 16 : index
            %swap3A_1127 = tpu.vector_load %arg18[%swap3A_1125, %swap3A_1126] {strides = array<i32>} : memref<32x256xf32, #tpu.memory_space<vmem>>, vector<1x16xf32>,
            %swap3A_1128 = vector.shape_cast %swap3A_1127 : vector<1x16xf32> to vector<16xf32>
            %swap3A_1129 = vector.shape_cast %add3A_1124 : vector<16xf32> to vector<1x16xf32>
            tpu.vector_store %arg18[%swap3A_1125, %swap3A_1126], %swap3A_1129 {strides = array<i32>} : memref<32x256xf32, #tpu.memory_space<vmem>>, vector<1x16xf32>,
            %get3A_1130 = arith.index_cast %scan3A_1102 : i32 to index
            %get3A_1131 = arith.constant 32 : index
            %get3A_1132 = tpu.vector_load %arg10[%get3A_1130, %get3A_1131] {strides = array<i32>} : memref<32x256xf32, #tpu.memory_space<vmem>>, vector<1x16xf32>,
            %get3A_1133 = vector.shape_cast %get3A_1132 : vector<1x16xf32> to vector<16xf32>
            %get3A_1134 = arith.index_cast %scan3A_1102 : i32 to index
            %get3A_1135 = arith.constant 32 : index
            %get3A_1136 = tpu.vector_load %arg14[%get3A_1134, %get3A_1135] {strides = array<i32>} : memref<32x256xf32, #tpu.memory_space<vmem>>, vector<1x16xf32>,
            %get3A_1137 = vector.shape_cast %get3A_1136 : vector<1x16xf32> to vector<16xf32>
            %add3A_1138 = arith.addf %get3A_1133, %get3A_1137 : vector<16xf32>
            %swap3A_1139 = arith.index_cast %scan3A_1102 : i32 to index
            %swap3A_1140 = arith.constant 32 : index
            %swap3A_1141 = tpu.vector_load %arg18[%swap3A_1139, %swap3A_1140] {strides = array<i32>} : memref<32x256xf32, #tpu.memory_space<vmem>>, vector<1x16xf32>,
            %swap3A_1142 = vector.shape_cast %swap3A_1141 : vector<1x16xf32> to vector<16xf32>
            %swap3A_1143 = vector.shape_cast %add3A_1138 : vector<16xf32> to vector<1x16xf32>
            tpu.vector_store %arg18[%swap3A_1139, %swap3A_1140], %swap3A_1143 {strides = array<i32>} : memref<32x256xf32, #tpu.memory_space<vmem>>, vector<1x16xf32>,
            %get3A_1144 = arith.index_cast %scan3A_1102 : i32 to index
            %get3A_1145 = arith.constant 48 : index
            %get3A_1146 = tpu.vector_load %arg10[%get3A_1144, %get3A_1145] {strides = array<i32>} : memref<32x256xf32, #tpu.memory_space<vmem>>, vector<1x16xf32>,
            %get3A_1147 = vector.shape_cast %get3A_1146 : vector<1x16xf32> to vector<16xf32>
            %get3A_1148 = arith.index_cast %scan3A_1102 : i32 to index
            %get3A_1149 = arith.constant 48 : index
            %get3A_1150 = tpu.vector_load %arg14[%get3A_1148, %get3A_1149] {strides = array<i32>} : memref<32x256xf32, #tpu.memory_space<vmem>>, vector<1x16xf32>,
            %get3A_1151 = vector.shape_cast %get3A_1150 : vector<1x16xf32> to vector<16xf32>
            %add3A_1152 = arith.addf %get3A_1147, %get3A_1151 : vector<16xf32>
            %swap3A_1153 = arith.index_cast %scan3A_1102 : i32 to index
            %swap3A_1154 = arith.constant 48 : index
            %swap3A_1155 = tpu.vector_load %arg18[%swap3A_1153, %swap3A_1154] {strides = array<i32>} : memref<32x256xf32, #tpu.memory_space<vmem>>, vector<1x16xf32>,
            %swap3A_1156 = vector.shape_cast %swap3A_1155 : vector<1x16xf32> to vector<16xf32>
            %swap3A_1157 = vector.shape_cast %add3A_1152 : vector<16xf32> to vector<1x16xf32>
            tpu.vector_store %arg18[%swap3A_1153, %swap3A_1154], %swap3A_1157 {strides = array<i32>} : memref<32x256xf32, #tpu.memory_space<vmem>>, vector<1x16xf32>,
            %get3A_1158 = arith.index_cast %scan3A_1102 : i32 to index
            %get3A_1159 = arith.constant 64 : index
            %get3A_1160 = tpu.vector_load %arg10[%get3A_1158, %get3A_1159] {strides = array<i32>} : memref<32x256xf32, #tpu.memory_space<vmem>>, vector<1x16xf32>,
            %get3A_1161 = vector.shape_cast %get3A_1160 : vector<1x16xf32> to vector<16xf32>
            %get3A_1162 = arith.index_cast %scan3A_1102 : i32 to index
            %get3A_1163 = arith.constant 64 : index
            %get3A_1164 = tpu.vector_load %arg14[%get3A_1162, %get3A_1163] {strides = array<i32>} : memref<32x256xf32, #tpu.memory_space<vmem>>, vector<1x16xf32>,
            %get3A_1165 = vector.shape_cast %get3A_1164 : vector<1x16xf32> to vector<16xf32>
            %add3A_1166 = arith.addf %get3A_1161, %get3A_1165 : vector<16xf32>
            %swap3A_1167 = arith.index_cast %scan3A_1102 : i32 to index
            %swap3A_1168 = arith.constant 64 : index
            %swap3A_1169 = tpu.vector_load %arg18[%swap3A_1167, %swap3A_1168] {strides = array<i32>} : memref<32x256xf32, #tpu.memory_space<vmem>>, vector<1x16xf32>,
            %swap3A_1170 = vector.shape_cast %swap3A_1169 : vector<1x16xf32> to vector<16xf32>
            %swap3A_1171 = vector.shape_cast %add3A_1166 : vector<16xf32> to vector<1x16xf32>
            tpu.vector_store %arg18[%swap3A_1167, %swap3A_1168], %swap3A_1171 {strides = array<i32>} : memref<32x256xf32, #tpu.memory_space<vmem>>, vector<1x16xf32>,
            %get3A_1172 = arith.index_cast %scan3A_1102 : i32 to index
            %get3A_1173 = arith.constant 80 : index
            %get3A_1174 = tpu.vector_load %arg10[%get3A_1172, %get3A_1173] {strides = array<i32>} : memref<32x256xf32, #tpu.memory_space<vmem>>, vector<1x16xf32>,
            %get3A_1175 = vector.shape_cast %get3A_1174 : vector<1x16xf32> to vector<16xf32>
            %get3A_1176 = arith.index_cast %scan3A_1102 : i32 to index
            %get3A_1177 = arith.constant 80 : index
            %get3A_1178 = tpu.vector_load %arg14[%get3A_1176, %get3A_1177] {strides = array<i32>} : memref<32x256xf32, #tpu.memory_space<vmem>>, vector<1x16xf32>,
            %get3A_1179 = vector.shape_cast %get3A_1178 : vector<1x16xf32> to vector<16xf32>
            %add3A_1180 = arith.addf %get3A_1175, %get3A_1179 : vector<16xf32>
            %swap3A_1181 = arith.index_cast %scan3A_1102 : i32 to index
            %swap3A_1182 = arith.constant 80 : index
            %swap3A_1183 = tpu.vector_load %arg18[%swap3A_1181, %swap3A_1182] {strides = array<i32>} : memref<32x256xf32, #tpu.memory_space<vmem>>, vector<1x16xf32>,
            %swap3A_1184 = vector.shape_cast %swap3A_1183 : vector<1x16xf32> to vector<16xf32>
            %swap3A_1185 = vector.shape_cast %add3A_1180 : vector<16xf32> to vector<1x16xf32>
            tpu.vector_store %arg18[%swap3A_1181, %swap3A_1182], %swap3A_1185 {strides = array<i32>} : memref<32x256xf32, #tpu.memory_space<vmem>>, vector<1x16xf32>,
            %get3A_1186 = arith.index_cast %scan3A_1102 : i32 to index
            %get3A_1187 = arith.constant 96 : index
            %get3A_1188 = tpu.vector_load %arg10[%get3A_1186, %get3A_1187] {strides = array<i32>} : memref<32x256xf32, #tpu.memory_space<vmem>>, vector<1x16xf32>,
            %get3A_1189 = vector.shape_cast %get3A_1188 : vector<1x16xf32> to vector<16xf32>
            %get3A_1190 = arith.index_cast %scan3A_1102 : i32 to index
            %get3A_1191 = arith.constant 96 : index
            %get3A_1192 = tpu.vector_load %arg14[%get3A_1190, %get3A_1191] {strides = array<i32>} : memref<32x256xf32, #tpu.memory_space<vmem>>, vector<1x16xf32>,
            %get3A_1193 = vector.shape_cast %get3A_1192 : vector<1x16xf32> to vector<16xf32>
            %add3A_1194 = arith.addf %get3A_1189, %get3A_1193 : vector<16xf32>
            %swap3A_1195 = arith.index_cast %scan3A_1102 : i32 to index
            %swap3A_1196 = arith.constant 96 : index
            %swap3A_1197 = tpu.vector_load %arg18[%swap3A_1195, %swap3A_1196] {strides = array<i32>} : memref<32x256xf32, #tpu.memory_space<vmem>>, vector<1x16xf32>,
            %swap3A_1198 = vector.shape_cast %swap3A_1197 : vector<1x16xf32> to vector<16xf32>
            %swap3A_1199 = vector.shape_cast %add3A_1194 : vector<16xf32> to vector<1x16xf32>
            tpu.vector_store %arg18[%swap3A_1195, %swap3A_1196], %swap3A_1199 {strides = array<i32>} : memref<32x256xf32, #tpu.memory_space<vmem>>, vector<1x16xf32>,
            %get3A_1200 = arith.index_cast %scan3A_1102 : i32 to index
            %get3A_1201 = arith.constant 112 : index
            %get3A_1202 = tpu.vector_load %arg10[%get3A_1200, %get3A_1201] {strides = array<i32>} : memref<32x256xf32, #tpu.memory_space<vmem>>, vector<1x16xf32>,
            %get3A_1203 = vector.shape_cast %get3A_1202 : vector<1x16xf32> to vector<16xf32>
            %get3A_1204 = arith.index_cast %scan3A_1102 : i32 to index
            %get3A_1205 = arith.constant 112 : index
            %get3A_1206 = tpu.vector_load %arg14[%get3A_1204, %get3A_1205] {strides = array<i32>} : memref<32x256xf32, #tpu.memory_space<vmem>>, vector<1x16xf32>,
            %get3A_1207 = vector.shape_cast %get3A_1206 : vector<1x16xf32> to vector<16xf32>
            %add3A_1208 = arith.addf %get3A_1203, %get3A_1207 : vector<16xf32>
            %swap3A_1209 = arith.index_cast %scan3A_1102 : i32 to index
            %swap3A_1210 = arith.constant 112 : index
            %swap3A_1211 = tpu.vector_load %arg18[%swap3A_1209, %swap3A_1210] {strides = array<i32>} : memref<32x256xf32, #tpu.memory_space<vmem>>, vector<1x16xf32>,
            %swap3A_1212 = vector.shape_cast %swap3A_1211 : vector<1x16xf32> to vector<16xf32>
            %swap3A_1213 = vector.shape_cast %add3A_1208 : vector<16xf32> to vector<1x16xf32>
            tpu.vector_store %arg18[%swap3A_1209, %swap3A_1210], %swap3A_1213 {strides = array<i32>} : memref<32x256xf32, #tpu.memory_space<vmem>>, vector<1x16xf32>,
            %get3A_1214 = arith.index_cast %scan3A_1102 : i32 to index
            %get3A_1215 = arith.constant 128 : index
            %get3A_1216 = tpu.vector_load %arg10[%get3A_1214, %get3A_1215] {strides = array<i32>} : memref<32x256xf32, #tpu.memory_space<vmem>>, vector<1x16xf32>,
            %get3A_1217 = vector.shape_cast %get3A_1216 : vector<1x16xf32> to vector<16xf32>
            %get3A_1218 = arith.index_cast %scan3A_1102 : i32 to index
            %get3A_1219 = arith.constant 128 : index
            %get3A_1220 = tpu.vector_load %arg14[%get3A_1218, %get3A_1219] {strides = array<i32>} : memref<32x256xf32, #tpu.memory_space<vmem>>, vector<1x16xf32>,
            %get3A_1221 = vector.shape_cast %get3A_1220 : vector<1x16xf32> to vector<16xf32>
            %add3A_1222 = arith.addf %get3A_1217, %get3A_1221 : vector<16xf32>
            %swap3A_1223 = arith.index_cast %scan3A_1102 : i32 to index
            %swap3A_1224 = arith.constant 128 : index
            %swap3A_1225 = tpu.vector_load %arg18[%swap3A_1223, %swap3A_1224] {strides = array<i32>} : memref<32x256xf32, #tpu.memory_space<vmem>>, vector<1x16xf32>,
            %swap3A_1226 = vector.shape_cast %swap3A_1225 : vector<1x16xf32> to vector<16xf32>
            %swap3A_1227 = vector.shape_cast %add3A_1222 : vector<16xf32> to vector<1x16xf32>
            tpu.vector_store %arg18[%swap3A_1223, %swap3A_1224], %swap3A_1227 {strides = array<i32>} : memref<32x256xf32, #tpu.memory_space<vmem>>, vector<1x16xf32>,
            %get3A_1228 = arith.index_cast %scan3A_1102 : i32 to index
            %get3A_1229 = arith.constant 144 : index
            %get3A_1230 = tpu.vector_load %arg10[%get3A_1228, %get3A_1229] {strides = array<i32>} : memref<32x256xf32, #tpu.memory_space<vmem>>, vector<1x16xf32>,
            %get3A_1231 = vector.shape_cast %get3A_1230 : vector<1x16xf32> to vector<16xf32>
            %get3A_1232 = arith.index_cast %scan3A_1102 : i32 to index
            %get3A_1233 = arith.constant 144 : index
            %get3A_1234 = tpu.vector_load %arg14[%get3A_1232, %get3A_1233] {strides = array<i32>} : memref<32x256xf32, #tpu.memory_space<vmem>>, vector<1x16xf32>,
            %get3A_1235 = vector.shape_cast %get3A_1234 : vector<1x16xf32> to vector<16xf32>
            %add3A_1236 = arith.addf %get3A_1231, %get3A_1235 : vector<16xf32>
            %swap3A_1237 = arith.index_cast %scan3A_1102 : i32 to index
            %swap3A_1238 = arith.constant 144 : index
            %swap3A_1239 = tpu.vector_load %arg18[%swap3A_1237, %swap3A_1238] {strides = array<i32>} : memref<32x256xf32, #tpu.memory_space<vmem>>, vector<1x16xf32>,
            %swap3A_1240 = vector.shape_cast %swap3A_1239 : vector<1x16xf32> to vector<16xf32>
            %swap3A_1241 = vector.shape_cast %add3A_1236 : vector<16xf32> to vector<1x16xf32>
            tpu.vector_store %arg18[%swap3A_1237, %swap3A_1238], %swap3A_1241 {strides = array<i32>} : memref<32x256xf32, #tpu.memory_space<vmem>>, vector<1x16xf32>,
            %get3A_1242 = arith.index_cast %scan3A_1102 : i32 to index
            %get3A_1243 = arith.constant 160 : index
            %get3A_1244 = tpu.vector_load %arg10[%get3A_1242, %get3A_1243] {strides = array<i32>} : memref<32x256xf32, #tpu.memory_space<vmem>>, vector<1x16xf32>,
            %get3A_1245 = vector.shape_cast %get3A_1244 : vector<1x16xf32> to vector<16xf32>
            %get3A_1246 = arith.index_cast %scan3A_1102 : i32 to index
            %get3A_1247 = arith.constant 160 : index
            %get3A_1248 = tpu.vector_load %arg14[%get3A_1246, %get3A_1247] {strides = array<i32>} : memref<32x256xf32, #tpu.memory_space<vmem>>, vector<1x16xf32>,
            %get3A_1249 = vector.shape_cast %get3A_1248 : vector<1x16xf32> to vector<16xf32>
            %add3A_1250 = arith.addf %get3A_1245, %get3A_1249 : vector<16xf32>
            %swap3A_1251 = arith.index_cast %scan3A_1102 : i32 to index
            %swap3A_1252 = arith.constant 160 : index
            %swap3A_1253 = tpu.vector_load %arg18[%swap3A_1251, %swap3A_1252] {strides = array<i32>} : memref<32x256xf32, #tpu.memory_space<vmem>>, vector<1x16xf32>,
            %swap3A_1254 = vector.shape_cast %swap3A_1253 : vector<1x16xf32> to vector<16xf32>
            %swap3A_1255 = vector.shape_cast %add3A_1250 : vector<16xf32> to vector<1x16xf32>
            tpu.vector_store %arg18[%swap3A_1251, %swap3A_1252], %swap3A_1255 {strides = array<i32>} : memref<32x256xf32, #tpu.memory_space<vmem>>, vector<1x16xf32>,
            %get3A_1256 = arith.index_cast %scan3A_1102 : i32 to index
            %get3A_1257 = arith.constant 176 : index
            %get3A_1258 = tpu.vector_load %arg10[%get3A_1256, %get3A_1257] {strides = array<i32>} : memref<32x256xf32, #tpu.memory_space<vmem>>, vector<1x16xf32>,
            %get3A_1259 = vector.shape_cast %get3A_1258 : vector<1x16xf32> to vector<16xf32>
            %get3A_1260 = arith.index_cast %scan3A_1102 : i32 to index
            %get3A_1261 = arith.constant 176 : index
            %get3A_1262 = tpu.vector_load %arg14[%get3A_1260, %get3A_1261] {strides = array<i32>} : memref<32x256xf32, #tpu.memory_space<vmem>>, vector<1x16xf32>,
            %get3A_1263 = vector.shape_cast %get3A_1262 : vector<1x16xf32> to vector<16xf32>
            %add3A_1264 = arith.addf %get3A_1259, %get3A_1263 : vector<16xf32>
            %swap3A_1265 = arith.index_cast %scan3A_1102 : i32 to index
            %swap3A_1266 = arith.constant 176 : index
            %swap3A_1267 = tpu.vector_load %arg18[%swap3A_1265, %swap3A_1266] {strides = array<i32>} : memref<32x256xf32, #tpu.memory_space<vmem>>, vector<1x16xf32>,
            %swap3A_1268 = vector.shape_cast %swap3A_1267 : vector<1x16xf32> to vector<16xf32>
            %swap3A_1269 = vector.shape_cast %add3A_1264 : vector<16xf32> to vector<1x16xf32>
            tpu.vector_store %arg18[%swap3A_1265, %swap3A_1266], %swap3A_1269 {strides = array<i32>} : memref<32x256xf32, #tpu.memory_space<vmem>>, vector<1x16xf32>,
            %get3A_1270 = arith.index_cast %scan3A_1102 : i32 to index
            %get3A_1271 = arith.constant 192 : index
            %get3A_1272 = tpu.vector_load %arg10[%get3A_1270, %get3A_1271] {strides = array<i32>} : memref<32x256xf32, #tpu.memory_space<vmem>>, vector<1x16xf32>,
            %get3A_1273 = vector.shape_cast %get3A_1272 : vector<1x16xf32> to vector<16xf32>
            %get3A_1274 = arith.index_cast %scan3A_1102 : i32 to index
            %get3A_1275 = arith.constant 192 : index
            %get3A_1276 = tpu.vector_load %arg14[%get3A_1274, %get3A_1275] {strides = array<i32>} : memref<32x256xf32, #tpu.memory_space<vmem>>, vector<1x16xf32>,
            %get3A_1277 = vector.shape_cast %get3A_1276 : vector<1x16xf32> to vector<16xf32>
            %add3A_1278 = arith.addf %get3A_1273, %get3A_1277 : vector<16xf32>
            %swap3A_1279 = arith.index_cast %scan3A_1102 : i32 to index
            %swap3A_1280 = arith.constant 192 : index
            %swap3A_1281 = tpu.vector_load %arg18[%swap3A_1279, %swap3A_1280] {strides = array<i32>} : memref<32x256xf32, #tpu.memory_space<vmem>>, vector<1x16xf32>,
            %swap3A_1282 = vector.shape_cast %swap3A_1281 : vector<1x16xf32> to vector<16xf32>
            %swap3A_1283 = vector.shape_cast %add3A_1278 : vector<16xf32> to vector<1x16xf32>
            tpu.vector_store %arg18[%swap3A_1279, %swap3A_1280], %swap3A_1283 {strides = array<i32>} : memref<32x256xf32, #tpu.memory_space<vmem>>, vector<1x16xf32>,
            %get3A_1284 = arith.index_cast %scan3A_1102 : i32 to index
            %get3A_1285 = arith.constant 208 : index
            %get3A_1286 = tpu.vector_load %arg10[%get3A_1284, %get3A_1285] {strides = array<i32>} : memref<32x256xf32, #tpu.memory_space<vmem>>, vector<1x16xf32>,
            %get3A_1287 = vector.shape_cast %get3A_1286 : vector<1x16xf32> to vector<16xf32>
            %get3A_1288 = arith.index_cast %scan3A_1102 : i32 to index
            %get3A_1289 = arith.constant 208 : index
            %get3A_1290 = tpu.vector_load %arg14[%get3A_1288, %get3A_1289] {strides = array<i32>} : memref<32x256xf32, #tpu.memory_space<vmem>>, vector<1x16xf32>,
            %get3A_1291 = vector.shape_cast %get3A_1290 : vector<1x16xf32> to vector<16xf32>
            %add3A_1292 = arith.addf %get3A_1287, %get3A_1291 : vector<16xf32>
            %swap3A_1293 = arith.index_cast %scan3A_1102 : i32 to index
            %swap3A_1294 = arith.constant 208 : index
            %swap3A_1295 = tpu.vector_load %arg18[%swap3A_1293, %swap3A_1294] {strides = array<i32>} : memref<32x256xf32, #tpu.memory_space<vmem>>, vector<1x16xf32>,
            %swap3A_1296 = vector.shape_cast %swap3A_1295 : vector<1x16xf32> to vector<16xf32>
            %swap3A_1297 = vector.shape_cast %add3A_1292 : vector<16xf32> to vector<1x16xf32>
            tpu.vector_store %arg18[%swap3A_1293, %swap3A_1294], %swap3A_1297 {strides = array<i32>} : memref<32x256xf32, #tpu.memory_space<vmem>>, vector<1x16xf32>,
            %get3A_1298 = arith.index_cast %scan3A_1102 : i32 to index
            %get3A_1299 = arith.constant 224 : index
            %get3A_1300 = tpu.vector_load %arg10[%get3A_1298, %get3A_1299] {strides = array<i32>} : memref<32x256xf32, #tpu.memory_space<vmem>>, vector<1x16xf32>,
            %get3A_1301 = vector.shape_cast %get3A_1300 : vector<1x16xf32> to vector<16xf32>
            %get3A_1302 = arith.index_cast %scan3A_1102 : i32 to index
            %get3A_1303 = arith.constant 224 : index
            %get3A_1304 = tpu.vector_load %arg14[%get3A_1302, %get3A_1303] {strides = array<i32>} : memref<32x256xf32, #tpu.memory_space<vmem>>, vector<1x16xf32>,
            %get3A_1305 = vector.shape_cast %get3A_1304 : vector<1x16xf32> to vector<16xf32>
            %add3A_1306 = arith.addf %get3A_1301, %get3A_1305 : vector<16xf32>
            %swap3A_1307 = arith.index_cast %scan3A_1102 : i32 to index
            %swap3A_1308 = arith.constant 224 : index
            %swap3A_1309 = tpu.vector_load %arg18[%swap3A_1307, %swap3A_1308] {strides = array<i32>} : memref<32x256xf32, #tpu.memory_space<vmem>>, vector<1x16xf32>,
            %swap3A_1310 = vector.shape_cast %swap3A_1309 : vector<1x16xf32> to vector<16xf32>
            %swap3A_1311 = vector.shape_cast %add3A_1306 : vector<16xf32> to vector<1x16xf32>
            tpu.vector_store %arg18[%swap3A_1307, %swap3A_1308], %swap3A_1311 {strides = array<i32>} : memref<32x256xf32, #tpu.memory_space<vmem>>, vector<1x16xf32>,
            %get3A_1312 = arith.index_cast %scan3A_1102 : i32 to index
            %get3A_1313 = arith.constant 240 : index
            %get3A_1314 = tpu.vector_load %arg10[%get3A_1312, %get3A_1313] {strides = array<i32>} : memref<32x256xf32, #tpu.memory_space<vmem>>, vector<1x16xf32>,
            %get3A_1315 = vector.shape_cast %get3A_1314 : vector<1x16xf32> to vector<16xf32>
            %get3A_1316 = arith.index_cast %scan3A_1102 : i32 to index
            %get3A_1317 = arith.constant 240 : index
            %get3A_1318 = tpu.vector_load %arg14[%get3A_1316, %get3A_1317] {strides = array<i32>} : memref<32x256xf32, #tpu.memory_space<vmem>>, vector<1x16xf32>,
            %get3A_1319 = vector.shape_cast %get3A_1318 : vector<1x16xf32> to vector<16xf32>
            %add3A_1320 = arith.addf %get3A_1315, %get3A_1319 : vector<16xf32>
            %swap3A_1321 = arith.index_cast %scan3A_1102 : i32 to index
            %swap3A_1322 = arith.constant 240 : index
            %swap3A_1323 = tpu.vector_load %arg18[%swap3A_1321, %swap3A_1322] {strides = array<i32>} : memref<32x256xf32, #tpu.memory_space<vmem>>, vector<1x16xf32>,
            %swap3A_1324 = vector.shape_cast %swap3A_1323 : vector<1x16xf32> to vector<16xf32>
            %swap3A_1325 = vector.shape_cast %add3A_1320 : vector<16xf32> to vector<1x16xf32>
            tpu.vector_store %arg18[%swap3A_1321, %swap3A_1322], %swap3A_1325 {strides = array<i32>} : memref<32x256xf32, #tpu.memory_space<vmem>>, vector<1x16xf32>,
          }
          %scan3A_1101 = arith.constant 32 : i32
        } else {
        }
        %lt3A_1088 = arith.constant 32 : i32
        %lt3A_1089 = arith.cmpi slt, %sub3A_1048, %lt3A_1088 : i32
        %convert_element_type3A_1090 = arith.extui %lt3A_1089 : i1 to i32
        %cond3A_1091 = arith.constant 0 : i32
        %cond3A_1092 = arith.cmpi ne, %convert_element_type3A_1090, %cond3A_1091 : i32
        scf.if %cond3A_1092 {
          %scan3A_1096 = arith.constant 0 : i32
          %scan3A_1097 = arith.constant 0 : i32
          %scan3A_1098 = arith.constant 32 : i32
          %scan3A_1099 = arith.addi %scan3A_1097, %scan3A_1098 : i32
          %scan3A_1100 = arith.constant 1 : i32
          scf.for %scan3A_1102 = %scan3A_1097 to %scan3A_1099 step %scan3A_1100  : i32 {
            %lt3A_1103 = arith.cmpi slt, %scan3A_1102, %sub3A_1048 : i32
            %get3A_1104 = arith.index_cast %scan3A_1102 : i32 to index
            %get3A_1105 = arith.constant 0 : index
            %get3A_1106 = tpu.vector_load %arg10[%get3A_1104, %get3A_1105] {strides = array<i32>} : memref<32x256xf32, #tpu.memory_space<vmem>>, vector<1x16xf32>,
            %get3A_1107 = vector.shape_cast %get3A_1106 : vector<1x16xf32> to vector<16xf32>
            %get3A_1108 = arith.index_cast %scan3A_1102 : i32 to index
            %get3A_1109 = arith.constant 0 : index
            %get3A_1110 = tpu.vector_load %arg14[%get3A_1108, %get3A_1109] {strides = array<i32>} : memref<32x256xf32, #tpu.memory_space<vmem>>, vector<1x16xf32>,
            %get3A_1111 = vector.shape_cast %get3A_1110 : vector<1x16xf32> to vector<16xf32>
            %add3A_1112 = arith.addf %get3A_1107, %get3A_1111 : vector<16xf32>
            %select_n3A_1113 = arith.select %lt3A_1103, %add3A_1112, %broadcast_in_dim3A_1 : vector<16xf32>
            %swap3A = arith.index_cast %scan3A_1102 : i32 to index
            %swap3A_1114 = arith.constant 0 : index
            %swap3A_1115 = tpu.vector_load %arg18[%swap3A, %swap3A_1114] {strides = array<i32>} : memref<32x256xf32, #tpu.memory_space<vmem>>, vector<1x16xf32>,
            %swap3A_1116 = vector.shape_cast %swap3A_1115 : vector<1x16xf32> to vector<16xf32>
            %swap3A_1117 = vector.shape_cast %select_n3A_1113 : vector<16xf32> to vector<1x16xf32>
            tpu.vector_store %arg18[%swap3A, %swap3A_1114], %swap3A_1117 {strides = array<i32>} : memref<32x256xf32, #tpu.memory_space<vmem>>, vector<1x16xf32>,
            %get3A_1118 = arith.index_cast %scan3A_1102 : i32 to index
            %get3A_1119 = arith.constant 16 : index
            %get3A_1120 = tpu.vector_load %arg10[%get3A_1118, %get3A_1119] {strides = array<i32>} : memref<32x256xf32, #tpu.memory_space<vmem>>, vector<1x16xf32>,
            %get3A_1121 = vector.shape_cast %get3A_1120 : vector<1x16xf32> to vector<16xf32>
            %get3A_1122 = arith.index_cast %scan3A_1102 : i32 to index
            %get3A_1123 = arith.constant 16 : index
            %get3A_1124 = tpu.vector_load %arg14[%get3A_1122, %get3A_1123] {strides = array<i32>} : memref<32x256xf32, #tpu.memory_space<vmem>>, vector<1x16xf32>,
            %get3A_1125 = vector.shape_cast %get3A_1124 : vector<1x16xf32> to vector<16xf32>
            %add3A_1126 = arith.addf %get3A_1121, %get3A_1125 : vector<16xf32>
            %select_n3A_1127 = arith.select %lt3A_1103, %add3A_1126, %broadcast_in_dim3A_1 : vector<16xf32>
            %swap3A_1128 = arith.index_cast %scan3A_1102 : i32 to index
            %swap3A_1129 = arith.constant 16 : index
            %swap3A_1130 = tpu.vector_load %arg18[%swap3A_1128, %swap3A_1129] {strides = array<i32>} : memref<32x256xf32, #tpu.memory_space<vmem>>, vector<1x16xf32>,
            %swap3A_1131 = vector.shape_cast %swap3A_1130 : vector<1x16xf32> to vector<16xf32>
            %swap3A_1132 = vector.shape_cast %select_n3A_1127 : vector<16xf32> to vector<1x16xf32>
            tpu.vector_store %arg18[%swap3A_1128, %swap3A_1129], %swap3A_1132 {strides = array<i32>} : memref<32x256xf32, #tpu.memory_space<vmem>>, vector<1x16xf32>,
            %get3A_1133 = arith.index_cast %scan3A_1102 : i32 to index
            %get3A_1134 = arith.constant 32 : index
            %get3A_1135 = tpu.vector_load %arg10[%get3A_1133, %get3A_1134] {strides = array<i32>} : memref<32x256xf32, #tpu.memory_space<vmem>>, vector<1x16xf32>,
            %get3A_1136 = vector.shape_cast %get3A_1135 : vector<1x16xf32> to vector<16xf32>
            %get3A_1137 = arith.index_cast %scan3A_1102 : i32 to index
            %get3A_1138 = arith.constant 32 : index
            %get3A_1139 = tpu.vector_load %arg14[%get3A_1137, %get3A_1138] {strides = array<i32>} : memref<32x256xf32, #tpu.memory_space<vmem>>, vector<1x16xf32>,
            %get3A_1140 = vector.shape_cast %get3A_1139 : vector<1x16xf32> to vector<16xf32>
            %add3A_1141 = arith.addf %get3A_1136, %get3A_1140 : vector<16xf32>
            %select_n3A_1142 = arith.select %lt3A_1103, %add3A_1141, %broadcast_in_dim3A_1 : vector<16xf32>
            %swap3A_1143 = arith.index_cast %scan3A_1102 : i32 to index
            %swap3A_1144 = arith.constant 32 : index
            %swap3A_1145 = tpu.vector_load %arg18[%swap3A_1143, %swap3A_1144] {strides = array<i32>} : memref<32x256xf32, #tpu.memory_space<vmem>>, vector<1x16xf32>,
            %swap3A_1146 = vector.shape_cast %swap3A_1145 : vector<1x16xf32> to vector<16xf32>
            %swap3A_1147 = vector.shape_cast %select_n3A_1142 : vector<16xf32> to vector<1x16xf32>
            tpu.vector_store %arg18[%swap3A_1143, %swap3A_1144], %swap3A_1147 {strides = array<i32>} : memref<32x256xf32, #tpu.memory_space<vmem>>, vector<1x16xf32>,
            %get3A_1148 = arith.index_cast %scan3A_1102 : i32 to index
            %get3A_1149 = arith.constant 48 : index
            %get3A_1150 = tpu.vector_load %arg10[%get3A_1148, %get3A_1149] {strides = array<i32>} : memref<32x256xf32, #tpu.memory_space<vmem>>, vector<1x16xf32>,
            %get3A_1151 = vector.shape_cast %get3A_1150 : vector<1x16xf32> to vector<16xf32>
            %get3A_1152 = arith.index_cast %scan3A_1102 : i32 to index
            %get3A_1153 = arith.constant 48 : index
            %get3A_1154 = tpu.vector_load %arg14[%get3A_1152, %get3A_1153] {strides = array<i32>} : memref<32x256xf32, #tpu.memory_space<vmem>>, vector<1x16xf32>,
            %get3A_1155 = vector.shape_cast %get3A_1154 : vector<1x16xf32> to vector<16xf32>
            %add3A_1156 = arith.addf %get3A_1151, %get3A_1155 : vector<16xf32>
            %select_n3A_1157 = arith.select %lt3A_1103, %add3A_1156, %broadcast_in_dim3A_1 : vector<16xf32>
            %swap3A_1158 = arith.index_cast %scan3A_1102 : i32 to index
            %swap3A_1159 = arith.constant 48 : index
            %swap3A_1160 = tpu.vector_load %arg18[%swap3A_1158, %swap3A_1159] {strides = array<i32>} : memref<32x256xf32, #tpu.memory_space<vmem>>, vector<1x16xf32>,
            %swap3A_1161 = vector.shape_cast %swap3A_1160 : vector<1x16xf32> to vector<16xf32>
            %swap3A_1162 = vector.shape_cast %select_n3A_1157 : vector<16xf32> to vector<1x16xf32>
            tpu.vector_store %arg18[%swap3A_1158, %swap3A_1159], %swap3A_1162 {strides = array<i32>} : memref<32x256xf32, #tpu.memory_space<vmem>>, vector<1x16xf32>,
            %get3A_1163 = arith.index_cast %scan3A_1102 : i32 to index
            %get3A_1164 = arith.constant 64 : index
            %get3A_1165 = tpu.vector_load %arg10[%get3A_1163, %get3A_1164] {strides = array<i32>} : memref<32x256xf32, #tpu.memory_space<vmem>>, vector<1x16xf32>,
            %get3A_1166 = vector.shape_cast %get3A_1165 : vector<1x16xf32> to vector<16xf32>
            %get3A_1167 = arith.index_cast %scan3A_1102 : i32 to index
            %get3A_1168 = arith.constant 64 : index
            %get3A_1169 = tpu.vector_load %arg14[%get3A_1167, %get3A_1168] {strides = array<i32>} : memref<32x256xf32, #tpu.memory_space<vmem>>, vector<1x16xf32>,
            %get3A_1170 = vector.shape_cast %get3A_1169 : vector<1x16xf32> to vector<16xf32>
            %add3A_1171 = arith.addf %get3A_1166, %get3A_1170 : vector<16xf32>
            %select_n3A_1172 = arith.select %lt3A_1103, %add3A_1171, %broadcast_in_dim3A_1 : vector<16xf32>
            %swap3A_1173 = arith.index_cast %scan3A_1102 : i32 to index
            %swap3A_1174 = arith.constant 64 : index
            %swap3A_1175 = tpu.vector_load %arg18[%swap3A_1173, %swap3A_1174] {strides = array<i32>} : memref<32x256xf32, #tpu.memory_space<vmem>>, vector<1x16xf32>,
            %swap3A_1176 = vector.shape_cast %swap3A_1175 : vector<1x16xf32> to vector<16xf32>
            %swap3A_1177 = vector.shape_cast %select_n3A_1172 : vector<16xf32> to vector<1x16xf32>
            tpu.vector_store %arg18[%swap3A_1173, %swap3A_1174], %swap3A_1177 {strides = array<i32>} : memref<32x256xf32, #tpu.memory_space<vmem>>, vector<1x16xf32>,
            %get3A_1178 = arith.index_cast %scan3A_1102 : i32 to index
            %get3A_1179 = arith.constant 80 : index
            %get3A_1180 = tpu.vector_load %arg10[%get3A_1178, %get3A_1179] {strides = array<i32>} : memref<32x256xf32, #tpu.memory_space<vmem>>, vector<1x16xf32>,
            %get3A_1181 = vector.shape_cast %get3A_1180 : vector<1x16xf32> to vector<16xf32>
            %get3A_1182 = arith.index_cast %scan3A_1102 : i32 to index
            %get3A_1183 = arith.constant 80 : index
            %get3A_1184 = tpu.vector_load %arg14[%get3A_1182, %get3A_1183] {strides = array<i32>} : memref<32x256xf32, #tpu.memory_space<vmem>>, vector<1x16xf32>,
            %get3A_1185 = vector.shape_cast %get3A_1184 : vector<1x16xf32> to vector<16xf32>
            %add3A_1186 = arith.addf %get3A_1181, %get3A_1185 : vector<16xf32>
            %select_n3A_1187 = arith.select %lt3A_1103, %add3A_1186, %broadcast_in_dim3A_1 : vector<16xf32>
            %swap3A_1188 = arith.index_cast %scan3A_1102 : i32 to index
            %swap3A_1189 = arith.constant 80 : index
            %swap3A_1190 = tpu.vector_load %arg18[%swap3A_1188, %swap3A_1189] {strides = array<i32>} : memref<32x256xf32, #tpu.memory_space<vmem>>, vector<1x16xf32>,
            %swap3A_1191 = vector.shape_cast %swap3A_1190 : vector<1x16xf32> to vector<16xf32>
            %swap3A_1192 = vector.shape_cast %select_n3A_1187 : vector<16xf32> to vector<1x16xf32>
            tpu.vector_store %arg18[%swap3A_1188, %swap3A_1189], %swap3A_1192 {strides = array<i32>} : memref<32x256xf32, #tpu.memory_space<vmem>>, vector<1x16xf32>,
            %get3A_1193 = arith.index_cast %scan3A_1102 : i32 to index
            %get3A_1194 = arith.constant 96 : index
            %get3A_1195 = tpu.vector_load %arg10[%get3A_1193, %get3A_1194] {strides = array<i32>} : memref<32x256xf32, #tpu.memory_space<vmem>>, vector<1x16xf32>,
            %get3A_1196 = vector.shape_cast %get3A_1195 : vector<1x16xf32> to vector<16xf32>
            %get3A_1197 = arith.index_cast %scan3A_1102 : i32 to index
            %get3A_1198 = arith.constant 96 : index
            %get3A_1199 = tpu.vector_load %arg14[%get3A_1197, %get3A_1198] {strides = array<i32>} : memref<32x256xf32, #tpu.memory_space<vmem>>, vector<1x16xf32>,
            %get3A_1200 = vector.shape_cast %get3A_1199 : vector<1x16xf32> to vector<16xf32>
            %add3A_1201 = arith.addf %get3A_1196, %get3A_1200 : vector<16xf32>
            %select_n3A_1202 = arith.select %lt3A_1103, %add3A_1201, %broadcast_in_dim3A_1 : vector<16xf32>
            %swap3A_1203 = arith.index_cast %scan3A_1102 : i32 to index
            %swap3A_1204 = arith.constant 96 : index
            %swap3A_1205 = tpu.vector_load %arg18[%swap3A_1203, %swap3A_1204] {strides = array<i32>} : memref<32x256xf32, #tpu.memory_space<vmem>>, vector<1x16xf32>,
            %swap3A_1206 = vector.shape_cast %swap3A_1205 : vector<1x16xf32> to vector<16xf32>
            %swap3A_1207 = vector.shape_cast %select_n3A_1202 : vector<16xf32> to vector<1x16xf32>
            tpu.vector_store %arg18[%swap3A_1203, %swap3A_1204], %swap3A_1207 {strides = array<i32>} : memref<32x256xf32, #tpu.memory_space<vmem>>, vector<1x16xf32>,
            %get3A_1208 = arith.index_cast %scan3A_1102 : i32 to index
            %get3A_1209 = arith.constant 112 : index
            %get3A_1210 = tpu.vector_load %arg10[%get3A_1208, %get3A_1209] {strides = array<i32>} : memref<32x256xf32, #tpu.memory_space<vmem>>, vector<1x16xf32>,
            %get3A_1211 = vector.shape_cast %get3A_1210 : vector<1x16xf32> to vector<16xf32>
            %get3A_1212 = arith.index_cast %scan3A_1102 : i32 to index
            %get3A_1213 = arith.constant 112 : index
            %get3A_1214 = tpu.vector_load %arg14[%get3A_1212, %get3A_1213] {strides = array<i32>} : memref<32x256xf32, #tpu.memory_space<vmem>>, vector<1x16xf32>,
            %get3A_1215 = vector.shape_cast %get3A_1214 : vector<1x16xf32> to vector<16xf32>
            %add3A_1216 = arith.addf %get3A_1211, %get3A_1215 : vector<16xf32>
            %select_n3A_1217 = arith.select %lt3A_1103, %add3A_1216, %broadcast_in_dim3A_1 : vector<16xf32>
            %swap3A_1218 = arith.index_cast %scan3A_1102 : i32 to index
            %swap3A_1219 = arith.constant 112 : index
            %swap3A_1220 = tpu.vector_load %arg18[%swap3A_1218, %swap3A_1219] {strides = array<i32>} : memref<32x256xf32, #tpu.memory_space<vmem>>, vector<1x16xf32>,
            %swap3A_1221 = vector.shape_cast %swap3A_1220 : vector<1x16xf32> to vector<16xf32>
            %swap3A_1222 = vector.shape_cast %select_n3A_1217 : vector<16xf32> to vector<1x16xf32>
            tpu.vector_store %arg18[%swap3A_1218, %swap3A_1219], %swap3A_1222 {strides = array<i32>} : memref<32x256xf32, #tpu.memory_space<vmem>>, vector<1x16xf32>,
            %get3A_1223 = arith.index_cast %scan3A_1102 : i32 to index
            %get3A_1224 = arith.constant 128 : index
            %get3A_1225 = tpu.vector_load %arg10[%get3A_1223, %get3A_1224] {strides = array<i32>} : memref<32x256xf32, #tpu.memory_space<vmem>>, vector<1x16xf32>,
            %get3A_1226 = vector.shape_cast %get3A_1225 : vector<1x16xf32> to vector<16xf32>
            %get3A_1227 = arith.index_cast %scan3A_1102 : i32 to index
            %get3A_1228 = arith.constant 128 : index
            %get3A_1229 = tpu.vector_load %arg14[%get3A_1227, %get3A_1228] {strides = array<i32>} : memref<32x256xf32, #tpu.memory_space<vmem>>, vector<1x16xf32>,
            %get3A_1230 = vector.shape_cast %get3A_1229 : vector<1x16xf32> to vector<16xf32>
            %add3A_1231 = arith.addf %get3A_1226, %get3A_1230 : vector<16xf32>
            %select_n3A_1232 = arith.select %lt3A_1103, %add3A_1231, %broadcast_in_dim3A_1 : vector<16xf32>
            %swap3A_1233 = arith.index_cast %scan3A_1102 : i32 to index
            %swap3A_1234 = arith.constant 128 : index
            %swap3A_1235 = tpu.vector_load %arg18[%swap3A_1233, %swap3A_1234] {strides = array<i32>} : memref<32x256xf32, #tpu.memory_space<vmem>>, vector<1x16xf32>,
            %swap3A_1236 = vector.shape_cast %swap3A_1235 : vector<1x16xf32> to vector<16xf32>
            %swap3A_1237 = vector.shape_cast %select_n3A_1232 : vector<16xf32> to vector<1x16xf32>
            tpu.vector_store %arg18[%swap3A_1233, %swap3A_1234], %swap3A_1237 {strides = array<i32>} : memref<32x256xf32, #tpu.memory_space<vmem>>, vector<1x16xf32>,
            %get3A_1238 = arith.index_cast %scan3A_1102 : i32 to index
            %get3A_1239 = arith.constant 144 : index
            %get3A_1240 = tpu.vector_load %arg10[%get3A_1238, %get3A_1239] {strides = array<i32>} : memref<32x256xf32, #tpu.memory_space<vmem>>, vector<1x16xf32>,
            %get3A_1241 = vector.shape_cast %get3A_1240 : vector<1x16xf32> to vector<16xf32>
            %get3A_1242 = arith.index_cast %scan3A_1102 : i32 to index
            %get3A_1243 = arith.constant 144 : index
            %get3A_1244 = tpu.vector_load %arg14[%get3A_1242, %get3A_1243] {strides = array<i32>} : memref<32x256xf32, #tpu.memory_space<vmem>>, vector<1x16xf32>,
            %get3A_1245 = vector.shape_cast %get3A_1244 : vector<1x16xf32> to vector<16xf32>
            %add3A_1246 = arith.addf %get3A_1241, %get3A_1245 : vector<16xf32>
            %select_n3A_1247 = arith.select %lt3A_1103, %add3A_1246, %broadcast_in_dim3A_1 : vector<16xf32>
            %swap3A_1248 = arith.index_cast %scan3A_1102 : i32 to index
            %swap3A_1249 = arith.constant 144 : index
            %swap3A_1250 = tpu.vector_load %arg18[%swap3A_1248, %swap3A_1249] {strides = array<i32>} : memref<32x256xf32, #tpu.memory_space<vmem>>, vector<1x16xf32>,
            %swap3A_1251 = vector.shape_cast %swap3A_1250 : vector<1x16xf32> to vector<16xf32>
            %swap3A_1252 = vector.shape_cast %select_n3A_1247 : vector<16xf32> to vector<1x16xf32>
            tpu.vector_store %arg18[%swap3A_1248, %swap3A_1249], %swap3A_1252 {strides = array<i32>} : memref<32x256xf32, #tpu.memory_space<vmem>>, vector<1x16xf32>,
            %get3A_1253 = arith.index_cast %scan3A_1102 : i32 to index
            %get3A_1254 = arith.constant 160 : index
            %get3A_1255 = tpu.vector_load %arg10[%get3A_1253, %get3A_1254] {strides = array<i32>} : memref<32x256xf32, #tpu.memory_space<vmem>>, vector<1x16xf32>,
            %get3A_1256 = vector.shape_cast %get3A_1255 : vector<1x16xf32> to vector<16xf32>
            %get3A_1257 = arith.index_cast %scan3A_1102 : i32 to index
            %get3A_1258 = arith.constant 160 : index
            %get3A_1259 = tpu.vector_load %arg14[%get3A_1257, %get3A_1258] {strides = array<i32>} : memref<32x256xf32, #tpu.memory_space<vmem>>, vector<1x16xf32>,
            %get3A_1260 = vector.shape_cast %get3A_1259 : vector<1x16xf32> to vector<16xf32>
            %add3A_1261 = arith.addf %get3A_1256, %get3A_1260 : vector<16xf32>
            %select_n3A_1262 = arith.select %lt3A_1103, %add3A_1261, %broadcast_in_dim3A_1 : vector<16xf32>
            %swap3A_1263 = arith.index_cast %scan3A_1102 : i32 to index
            %swap3A_1264 = arith.constant 160 : index
            %swap3A_1265 = tpu.vector_load %arg18[%swap3A_1263, %swap3A_1264] {strides = array<i32>} : memref<32x256xf32, #tpu.memory_space<vmem>>, vector<1x16xf32>,
            %swap3A_1266 = vector.shape_cast %swap3A_1265 : vector<1x16xf32> to vector<16xf32>
            %swap3A_1267 = vector.shape_cast %select_n3A_1262 : vector<16xf32> to vector<1x16xf32>
            tpu.vector_store %arg18[%swap3A_1263, %swap3A_1264], %swap3A_1267 {strides = array<i32>} : memref<32x256xf32, #tpu.memory_space<vmem>>, vector<1x16xf32>,
            %get3A_1268 = arith.index_cast %scan3A_1102 : i32 to index
            %get3A_1269 = arith.constant 176 : index
            %get3A_1270 = tpu.vector_load %arg10[%get3A_1268, %get3A_1269] {strides = array<i32>} : memref<32x256xf32, #tpu.memory_space<vmem>>, vector<1x16xf32>,
            %get3A_1271 = vector.shape_cast %get3A_1270 : vector<1x16xf32> to vector<16xf32>
            %get3A_1272 = arith.index_cast %scan3A_1102 : i32 to index
            %get3A_1273 = arith.constant 176 : index
            %get3A_1274 = tpu.vector_load %arg14[%get3A_1272, %get3A_1273] {strides = array<i32>} : memref<32x256xf32, #tpu.memory_space<vmem>>, vector<1x16xf32>,
            %get3A_1275 = vector.shape_cast %get3A_1274 : vector<1x16xf32> to vector<16xf32>
            %add3A_1276 = arith.addf %get3A_1271, %get3A_1275 : vector<16xf32>
            %select_n3A_1277 = arith.select %lt3A_1103, %add3A_1276, %broadcast_in_dim3A_1 : vector<16xf32>
            %swap3A_1278 = arith.index_cast %scan3A_1102 : i32 to index
            %swap3A_1279 = arith.constant 176 : index
            %swap3A_1280 = tpu.vector_load %arg18[%swap3A_1278, %swap3A_1279] {strides = array<i32>} : memref<32x256xf32, #tpu.memory_space<vmem>>, vector<1x16xf32>,
            %swap3A_1281 = vector.shape_cast %swap3A_1280 : vector<1x16xf32> to vector<16xf32>
            %swap3A_1282 = vector.shape_cast %select_n3A_1277 : vector<16xf32> to vector<1x16xf32>
            tpu.vector_store %arg18[%swap3A_1278, %swap3A_1279], %swap3A_1282 {strides = array<i32>} : memref<32x256xf32, #tpu.memory_space<vmem>>, vector<1x16xf32>,
            %get3A_1283 = arith.index_cast %scan3A_1102 : i32 to index
            %get3A_1284 = arith.constant 192 : index
            %get3A_1285 = tpu.vector_load %arg10[%get3A_1283, %get3A_1284] {strides = array<i32>} : memref<32x256xf32, #tpu.memory_space<vmem>>, vector<1x16xf32>,
            %get3A_1286 = vector.shape_cast %get3A_1285 : vector<1x16xf32> to vector<16xf32>
            %get3A_1287 = arith.index_cast %scan3A_1102 : i32 to index
            %get3A_1288 = arith.constant 192 : index
            %get3A_1289 = tpu.vector_load %arg14[%get3A_1287, %get3A_1288] {strides = array<i32>} : memref<32x256xf32, #tpu.memory_space<vmem>>, vector<1x16xf32>,
            %get3A_1290 = vector.shape_cast %get3A_1289 : vector<1x16xf32> to vector<16xf32>
            %add3A_1291 = arith.addf %get3A_1286, %get3A_1290 : vector<16xf32>
            %select_n3A_1292 = arith.select %lt3A_1103, %add3A_1291, %broadcast_in_dim3A_1 : vector<16xf32>
            %swap3A_1293 = arith.index_cast %scan3A_1102 : i32 to index
            %swap3A_1294 = arith.constant 192 : index
            %swap3A_1295 = tpu.vector_load %arg18[%swap3A_1293, %swap3A_1294] {strides = array<i32>} : memref<32x256xf32, #tpu.memory_space<vmem>>, vector<1x16xf32>,
            %swap3A_1296 = vector.shape_cast %swap3A_1295 : vector<1x16xf32> to vector<16xf32>
            %swap3A_1297 = vector.shape_cast %select_n3A_1292 : vector<16xf32> to vector<1x16xf32>
            tpu.vector_store %arg18[%swap3A_1293, %swap3A_1294], %swap3A_1297 {strides = array<i32>} : memref<32x256xf32, #tpu.memory_space<vmem>>, vector<1x16xf32>,
            %get3A_1298 = arith.index_cast %scan3A_1102 : i32 to index
            %get3A_1299 = arith.constant 208 : index
            %get3A_1300 = tpu.vector_load %arg10[%get3A_1298, %get3A_1299] {strides = array<i32>} : memref<32x256xf32, #tpu.memory_space<vmem>>, vector<1x16xf32>,
            %get3A_1301 = vector.shape_cast %get3A_1300 : vector<1x16xf32> to vector<16xf32>
            %get3A_1302 = arith.index_cast %scan3A_1102 : i32 to index
            %get3A_1303 = arith.constant 208 : index
            %get3A_1304 = tpu.vector_load %arg14[%get3A_1302, %get3A_1303] {strides = array<i32>} : memref<32x256xf32, #tpu.memory_space<vmem>>, vector<1x16xf32>,
            %get3A_1305 = vector.shape_cast %get3A_1304 : vector<1x16xf32> to vector<16xf32>
            %add3A_1306 = arith.addf %get3A_1301, %get3A_1305 : vector<16xf32>
            %select_n3A_1307 = arith.select %lt3A_1103, %add3A_1306, %broadcast_in_dim3A_1 : vector<16xf32>
            %swap3A_1308 = arith.index_cast %scan3A_1102 : i32 to index
            %swap3A_1309 = arith.constant 208 : index
            %swap3A_1310 = tpu.vector_load %arg18[%swap3A_1308, %swap3A_1309] {strides = array<i32>} : memref<32x256xf32, #tpu.memory_space<vmem>>, vector<1x16xf32>,
            %swap3A_1311 = vector.shape_cast %swap3A_1310 : vector<1x16xf32> to vector<16xf32>
            %swap3A_1312 = vector.shape_cast %select_n3A_1307 : vector<16xf32> to vector<1x16xf32>
            tpu.vector_store %arg18[%swap3A_1308, %swap3A_1309], %swap3A_1312 {strides = array<i32>} : memref<32x256xf32, #tpu.memory_space<vmem>>, vector<1x16xf32>,
            %get3A_1313 = arith.index_cast %scan3A_1102 : i32 to index
            %get3A_1314 = arith.constant 224 : index
            %get3A_1315 = tpu.vector_load %arg10[%get3A_1313, %get3A_1314] {strides = array<i32>} : memref<32x256xf32, #tpu.memory_space<vmem>>, vector<1x16xf32>,
            %get3A_1316 = vector.shape_cast %get3A_1315 : vector<1x16xf32> to vector<16xf32>
            %get3A_1317 = arith.index_cast %scan3A_1102 : i32 to index
            %get3A_1318 = arith.constant 224 : index
            %get3A_1319 = tpu.vector_load %arg14[%get3A_1317, %get3A_1318] {strides = array<i32>} : memref<32x256xf32, #tpu.memory_space<vmem>>, vector<1x16xf32>,
            %get3A_1320 = vector.shape_cast %get3A_1319 : vector<1x16xf32> to vector<16xf32>
            %add3A_1321 = arith.addf %get3A_1316, %get3A_1320 : vector<16xf32>
            %select_n3A_1322 = arith.select %lt3A_1103, %add3A_1321, %broadcast_in_dim3A_1 : vector<16xf32>
            %swap3A_1323 = arith.index_cast %scan3A_1102 : i32 to index
            %swap3A_1324 = arith.constant 224 : index
            %swap3A_1325 = tpu.vector_load %arg18[%swap3A_1323, %swap3A_1324] {strides = array<i32>} : memref<32x256xf32, #tpu.memory_space<vmem>>, vector<1x16xf32>,
            %swap3A_1326 = vector.shape_cast %swap3A_1325 : vector<1x16xf32> to vector<16xf32>
            %swap3A_1327 = vector.shape_cast %select_n3A_1322 : vector<16xf32> to vector<1x16xf32>
            tpu.vector_store %arg18[%swap3A_1323, %swap3A_1324], %swap3A_1327 {strides = array<i32>} : memref<32x256xf32, #tpu.memory_space<vmem>>, vector<1x16xf32>,
            %get3A_1328 = arith.index_cast %scan3A_1102 : i32 to index
            %get3A_1329 = arith.constant 240 : index
            %get3A_1330 = tpu.vector_load %arg10[%get3A_1328, %get3A_1329] {strides = array<i32>} : memref<32x256xf32, #tpu.memory_space<vmem>>, vector<1x16xf32>,
            %get3A_1331 = vector.shape_cast %get3A_1330 : vector<1x16xf32> to vector<16xf32>
            %get3A_1332 = arith.index_cast %scan3A_1102 : i32 to index
            %get3A_1333 = arith.constant 240 : index
            %get3A_1334 = tpu.vector_load %arg14[%get3A_1332, %get3A_1333] {strides = array<i32>} : memref<32x256xf32, #tpu.memory_space<vmem>>, vector<1x16xf32>,
            %get3A_1335 = vector.shape_cast %get3A_1334 : vector<1x16xf32> to vector<16xf32>
            %add3A_1336 = arith.addf %get3A_1331, %get3A_1335 : vector<16xf32>
            %select_n3A_1337 = arith.select %lt3A_1103, %add3A_1336, %broadcast_in_dim3A_1 : vector<16xf32>
            %swap3A_1338 = arith.index_cast %scan3A_1102 : i32 to index
            %swap3A_1339 = arith.constant 240 : index
            %swap3A_1340 = tpu.vector_load %arg18[%swap3A_1338, %swap3A_1339] {strides = array<i32>} : memref<32x256xf32, #tpu.memory_space<vmem>>, vector<1x16xf32>,
            %swap3A_1341 = vector.shape_cast %swap3A_1340 : vector<1x16xf32> to vector<16xf32>
            %swap3A_1342 = vector.shape_cast %select_n3A_1337 : vector<16xf32> to vector<1x16xf32>
            tpu.vector_store %arg18[%swap3A_1338, %swap3A_1339], %swap3A_1342 {strides = array<i32>} : memref<32x256xf32, #tpu.memory_space<vmem>>, vector<1x16xf32>,
          }
          %scan3A_1101 = arith.constant 32 : i32
        } else {
        }
        %dma_start3A = arith.constant 0 : i32
        %dma_start3A_1093 = tpu.memref_slice %arg5[%add3A_1053, %dma_start3A] : memref<32768x256xf32, #tpu.memory_space<hbm>> -> memref<32x256xf32, #tpu.memory_space<hbm>>
        %dma_start3A_1094 = arith.constant 0 : i32
        %dma_start3A_1095 = tpu.memref_slice %arg5[%add3A_1053, %dma_start3A_1094] : memref<32768x256xf32, #tpu.memory_space<hbm>> -> memref<32x256xf32, #tpu.memory_space<hbm>>
        tpu.enqueue_dma source(%arg18 : memref<32x256xf32, #tpu.memory_space<vmem>>) target(%dma_start3A_1095 : memref<32x256xf32, #tpu.memory_space<hbm>>) target_semaphore(%arg27 : memref<!tpu.dma_semaphore, #tpu.memory_space<semaphore_mem>>)
      } else {
      }
      %not3A_1063 = arith.constant true
      %not3A_1064 = arith.xori %gt3A_1055, %not3A_1063 : i1
      %convert_element_type3A_1065 = arith.extui %not3A_1064 : i1 to i32
      %cond3A_1066 = arith.constant 0 : i32
      %cond3A_1067 = arith.cmpi ne, %convert_element_type3A_1065, %cond3A_1066 : i32
      scf.if %cond3A_1067 {
        %dma_start3A = arith.constant 0 : i32
        %dma_start3A_1074 = tpu.memref_slice %arg5[%add3A_1053, %dma_start3A] : memref<32768x256xf32, #tpu.memory_space<hbm>> -> memref<32x256xf32, #tpu.memory_space<hbm>>
        %dma_start3A_1075 = arith.constant 0 : i32
        %dma_start3A_1076 = tpu.memref_slice %arg5[%add3A_1053, %dma_start3A_1075] : memref<32768x256xf32, #tpu.memory_space<hbm>> -> memref<32x256xf32, #tpu.memory_space<hbm>>
        tpu.enqueue_dma source(%arg19 : memref<32x256xf32, #tpu.memory_space<vmem>>) target(%dma_start3A_1076 : memref<32x256xf32, #tpu.memory_space<hbm>>) target_semaphore(%arg28 : memref<!tpu.dma_semaphore, #tpu.memory_space<semaphore_mem>>)
      } else {
      }
      %or3A_1068 = arith.constant 8 : i32
      %or3A_1069 = arith.ori %select_n3A_878, %or3A_1068 : i32
      %select_n3A_1070 = arith.select %gt3A_1055, %or3A_1069, %select_n3A_878 : i32
      %add3A_1071 = arith.constant 1 : i32
      %add3A_1072 = arith.addi %select_n3A_881, %add3A_1071 : i32
      %select_n3A_1073 = arith.select %gt3A_1055, %select_n3A_881, %add3A_1072 : i32
      scf.yield %select_n3A_1070, %select_n3A_1073 : i32, i32
    }
    %scan3A_267 = arith.constant 8 : i32
    %and3A_268 = arith.constant 1 : i32
    %and3A_269 = arith.andi %scan3A_266#0, %and3A_268 : i32
    %ne3A_270 = arith.constant 0 : i32
    %ne3A_271 = arith.cmpi ne, %and3A_269, %ne3A_270 : i32
    %convert_element_type3A_272 = arith.extui %ne3A_271 : i1 to i32
    %cond3A_273 = arith.constant 0 : i32
    %cond3A_274 = arith.cmpi ne, %convert_element_type3A_272, %cond3A_273 : i32
    scf.if %cond3A_274 {
      %dma_wait3A = arith.constant 0 : i32
      %dma_wait3A_305 = arith.constant 0 : i32
      %dma_wait3A_306 = tpu.memref_slice %arg5[%dma_wait3A, %dma_wait3A_305] : memref<32768x256xf32, #tpu.memory_space<hbm>> -> memref<32x256xf32, #tpu.memory_space<hbm>>
      %dma_wait3A_307 = arith.constant 0 : i32
      %dma_wait3A_308 = arith.constant 0 : i32
      %dma_wait3A_309 = tpu.memref_slice %arg5[%dma_wait3A_307, %dma_wait3A_308] : memref<32768x256xf32, #tpu.memory_space<hbm>> -> memref<32x256xf32, #tpu.memory_space<hbm>>
      tpu.wait_dma2 semaphore(%arg24 : memref<!tpu.dma_semaphore, #tpu.memory_space<semaphore_mem>>) src(%arg15 : memref<32x256xf32, #tpu.memory_space<vmem>>) dst(%dma_wait3A_309 : memref<32x256xf32, #tpu.memory_space<hbm>>)
    } else {
    }
    %and3A_275 = arith.constant 2 : i32
    %and3A_276 = arith.andi %scan3A_266#0, %and3A_275 : i32
    %ne3A_277 = arith.constant 0 : i32
    %ne3A_278 = arith.cmpi ne, %and3A_276, %ne3A_277 : i32
    %convert_element_type3A_279 = arith.extui %ne3A_278 : i1 to i32
    %cond3A_280 = arith.constant 0 : i32
    %cond3A_281 = arith.cmpi ne, %convert_element_type3A_279, %cond3A_280 : i32
    scf.if %cond3A_281 {
      %dma_wait3A = arith.constant 0 : i32
      %dma_wait3A_305 = arith.constant 0 : i32
      %dma_wait3A_306 = tpu.memref_slice %arg5[%dma_wait3A, %dma_wait3A_305] : memref<32768x256xf32, #tpu.memory_space<hbm>> -> memref<32x256xf32, #tpu.memory_space<hbm>>
      %dma_wait3A_307 = arith.constant 0 : i32
      %dma_wait3A_308 = arith.constant 0 : i32
      %dma_wait3A_309 = tpu.memref_slice %arg5[%dma_wait3A_307, %dma_wait3A_308] : memref<32768x256xf32, #tpu.memory_space<hbm>> -> memref<32x256xf32, #tpu.memory_space<hbm>>
      tpu.wait_dma2 semaphore(%arg25 : memref<!tpu.dma_semaphore, #tpu.memory_space<semaphore_mem>>) src(%arg16 : memref<32x256xf32, #tpu.memory_space<vmem>>) dst(%dma_wait3A_309 : memref<32x256xf32, #tpu.memory_space<hbm>>)
    } else {
    }
    %and3A_282 = arith.constant 4 : i32
    %and3A_283 = arith.andi %scan3A_266#0, %and3A_282 : i32
    %ne3A_284 = arith.constant 0 : i32
    %ne3A_285 = arith.cmpi ne, %and3A_283, %ne3A_284 : i32
    %convert_element_type3A_286 = arith.extui %ne3A_285 : i1 to i32
    %cond3A_287 = arith.constant 0 : i32
    %cond3A_288 = arith.cmpi ne, %convert_element_type3A_286, %cond3A_287 : i32
    scf.if %cond3A_288 {
      %dma_wait3A = arith.constant 0 : i32
      %dma_wait3A_305 = arith.constant 0 : i32
      %dma_wait3A_306 = tpu.memref_slice %arg5[%dma_wait3A, %dma_wait3A_305] : memref<32768x256xf32, #tpu.memory_space<hbm>> -> memref<32x256xf32, #tpu.memory_space<hbm>>
      %dma_wait3A_307 = arith.constant 0 : i32
      %dma_wait3A_308 = arith.constant 0 : i32
      %dma_wait3A_309 = tpu.memref_slice %arg5[%dma_wait3A_307, %dma_wait3A_308] : memref<32768x256xf32, #tpu.memory_space<hbm>> -> memref<32x256xf32, #tpu.memory_space<hbm>>
      tpu.wait_dma2 semaphore(%arg26 : memref<!tpu.dma_semaphore, #tpu.memory_space<semaphore_mem>>) src(%arg17 : memref<32x256xf32, #tpu.memory_space<vmem>>) dst(%dma_wait3A_309 : memref<32x256xf32, #tpu.memory_space<hbm>>)
    } else {
    }
    %and3A_289 = arith.constant 8 : i32
    %and3A_290 = arith.andi %scan3A_266#0, %and3A_289 : i32
    %ne3A_291 = arith.constant 0 : i32
    %ne3A_292 = arith.cmpi ne, %and3A_290, %ne3A_291 : i32
    %convert_element_type3A_293 = arith.extui %ne3A_292 : i1 to i32
    %cond3A_294 = arith.constant 0 : i32
    %cond3A_295 = arith.cmpi ne, %convert_element_type3A_293, %cond3A_294 : i32
    scf.if %cond3A_295 {
      %dma_wait3A = arith.constant 0 : i32
      %dma_wait3A_305 = arith.constant 0 : i32
      %dma_wait3A_306 = tpu.memref_slice %arg5[%dma_wait3A, %dma_wait3A_305] : memref<32768x256xf32, #tpu.memory_space<hbm>> -> memref<32x256xf32, #tpu.memory_space<hbm>>
      %dma_wait3A_307 = arith.constant 0 : i32
      %dma_wait3A_308 = arith.constant 0 : i32
      %dma_wait3A_309 = tpu.memref_slice %arg5[%dma_wait3A_307, %dma_wait3A_308] : memref<32768x256xf32, #tpu.memory_space<hbm>> -> memref<32x256xf32, #tpu.memory_space<hbm>>
      tpu.wait_dma2 semaphore(%arg27 : memref<!tpu.dma_semaphore, #tpu.memory_space<semaphore_mem>>) src(%arg18 : memref<32x256xf32, #tpu.memory_space<vmem>>) dst(%dma_wait3A_309 : memref<32x256xf32, #tpu.memory_space<hbm>>)
    } else {
    }
    %while3A = arith.constant 0 : i32
    %while3A_296 = arith.constant 0 : i32
    %while3A_297 = arith.subi %scan3A_266#1, %while3A_296 : i32
    %while3A_298 = arith.addi %while3A_296, %while3A_297 : i32
    %while3A_299 = arith.constant 1 : i32
    %while3A_300 = arith.divsi %while3A_297, %while3A_299 : i32
    %while3A_301 = arith.muli %while3A_300, %while3A_299 : i32
    %while3A_302 = arith.addi %while3A_296, %while3A_301 : i32
    %while3A_303 = arith.constant 1 : i32
    scf.for %while3A_305 = %while3A_296 to %while3A_302 step %while3A_303  : i32 {
      %dma_wait3A = arith.constant 0 : i32
      %dma_wait3A_306 = arith.constant 0 : i32
      %dma_wait3A_307 = tpu.memref_slice %arg5[%dma_wait3A, %dma_wait3A_306] : memref<32768x256xf32, #tpu.memory_space<hbm>> -> memref<32x256xf32, #tpu.memory_space<hbm>>
      %dma_wait3A_308 = arith.constant 0 : i32
      %dma_wait3A_309 = arith.constant 0 : i32
      %dma_wait3A_310 = tpu.memref_slice %arg5[%dma_wait3A_308, %dma_wait3A_309] : memref<32768x256xf32, #tpu.memory_space<hbm>> -> memref<32x256xf32, #tpu.memory_space<hbm>>
      tpu.wait_dma2 semaphore(%arg28 : memref<!tpu.dma_semaphore, #tpu.memory_space<semaphore_mem>>) src(%arg19 : memref<32x256xf32, #tpu.memory_space<vmem>>) dst(%dma_wait3A_310 : memref<32x256xf32, #tpu.memory_space<hbm>>)
    }
    %while3A_304 = arith.constant 1 : i32
    scf.for %while3A_305 = %while3A_302 to %while3A_298 step %while3A_304  : i32 {
      %dma_wait3A = arith.constant 0 : i32
      %dma_wait3A_306 = arith.constant 0 : i32
      %dma_wait3A_307 = tpu.memref_slice %arg5[%dma_wait3A, %dma_wait3A_306] : memref<32768x256xf32, #tpu.memory_space<hbm>> -> memref<32x256xf32, #tpu.memory_space<hbm>>
      %dma_wait3A_308 = arith.constant 0 : i32
      %dma_wait3A_309 = arith.constant 0 : i32
      %dma_wait3A_310 = tpu.memref_slice %arg5[%dma_wait3A_308, %dma_wait3A_309] : memref<32768x256xf32, #tpu.memory_space<hbm>> -> memref<32x256xf32, #tpu.memory_space<hbm>>
      tpu.wait_dma2 semaphore(%arg28 : memref<!tpu.dma_semaphore, #tpu.memory_space<semaphore_mem>>) src(%arg19 : memref<32x256xf32, #tpu.memory_space<vmem>>) dst(%dma_wait3A_310 : memref<32x256xf32, #tpu.memory_space<hbm>>)
    }
    return
  }
}

</mosaic_0001>

<sc_bundles>
// kernel: kernel.3.cloned.1.call-start
scs
__scs_entry_jumppad:
0x0: {  	(pc) =	sbr.rel $0x88, $3  }
0x1: {  	(tag) =	ssettag $0x0;
	lr =	simm.s32 $0x1  }
0x2: {  	[smem:$0x3F9E] =	sst lr;
	_ =	strace $0xD0000000  }
0x3: {  	_ = 	snop  }
0x4: {  	_ = 	snop  }
0x5: {  	_ = 	snop  }
0x6: {  	_ = 	snop  }
0x7: {  	_ = 	snop  }
__scs_overlays_trampoline_lowered:
0x8: {  	[smem:$0x3FAD] =	sst s0  }
0x9: {  	[smem:$0x3FAE] =	sst s1  }
0xa: {  	[smem:$0x3FAF] =	sst s2  }
0xb: {  	[smem:$0x3FB0] =	sst s3  }
0xc: {  	[smem:$0x3FB1] =	sst s4  }
0xd: {  	[smem:$0x3FB2] =	sst s5  }
0xe: {  	[smem:$0x3FB3] =	sst s6  }
0xf: {  	[smem:$0x3FB4] =	sst s7  }
0x10: {  	[smem:$0x3FB5] =	sst s8  }
0x11: {  	[smem:$0x3FB6] =	sst s9;
	s0 =	simm.s32 @!p0 $0x0  }
0x12: {  	s1 =	sld [smem:$0x3F9C];
	s0 =	simm.s32 @p0 $0x1  }
0x13: {  	[smem:$0x3FB7] =	sst s0;
	s0 =	simm.s32 @!p1 $0x0  }
0x14: {  	s2 =	sld [smem:$0x3F9B];
	s0 =	simm.s32 @p1 $0x1  }
0x15: {  	[smem:$0x3FB8] =	sst s0;
	s0 =	simm.s32 @!p2 $0x0  }
0x16: {  	s3 =	sld [smem:$0x3FDB];
	s0 =	simm.s32 @p2 $0x1  }
0x17: {  	s4 =	simm.s32 $0x1BF5;
	[smem:$0x3FBA] =	sst s0  }
0x18: {  	s0 =	sld [smem:$0x3F9D];
	_ =	swait.ge [sflag:s4], $0x0  }
0x19: {  	s7 =	sld [smem:$0x3F9E]  }
0x1a: {  	s8 =	sadd.s32 $0xFFFFE003, lr  }
0x1b: {  	s9 =	sadd.s32 $0xFFFFFEF7, lr;
	s5 =	simm.s32 $0xFFFFFFFF;
	p2 =	slt.u32 s8, $0xFFFFF086  }
0x1c: {  	p1 =	slt.u32 s9, $0xF7A;
	s5 =	simm.s32 @!p2 $0x0  }
0x1d: {  	s5 =	simm.s32 @p1 $0x1;
	p0 =	seq.s32 s7, s2  }
0x1e: {  	s7 =	smul.u32 @!p0 $0xF7A, s2;
	p2 =	seq.s32 @!p0 s5, $0x0  }
0x1f: {  	s9 =	smul.u32 $0xF7A, s1;
	s8 =	simm.s32 @!p0 $0x1BF5;
	p2 =	por !p2, p0  }
0x20: {  	[sflag:s8] =	ssyncset.s32 @!p0 $0xFFFFF086;
	s6 =	sadd.s32 @!p0 s3, s7;
	s7 =	simm.s32 @!p0 $0x108  }
0x21: {  	s3 =	sadd.s32 s3, s9;
	s6 =	sadd.s32 @!p0 $0x88, s6;
	s7 =	simm.s32 @p2 $0x1082  }
0x22: {  	[simem:s7], [sflag:s8] =	dma.local @!p0 [hbm:s6], $0xF7A  }
0x23: {  	s9 =	sor.u32 $0xD0000000, s2;
	s6 =	simm.s32 $0x108;
	_ =	swait.ge @!p0 [sflag:s8], $0x0  }
0x24: {  	s3 =	sadd.s32 $0x88, s3;
	s6 =	simm.s32 @!p1 $0x1082;
	[sflag:s4] =	ssyncset.s32 $0xFFFFF086  }
0x25: {  	[simem:s6], [sflag:s4] =	dma.local [hbm:s3], $0xF7A  }
0x26: {  	[smem:$0x3F9E] =	sst s1;
	(tag) =	ssettag s2;
	_ =	strace s9  }
0x27: {  	s1 =	sld [smem:$0x3FAE]  }
0x28: {  	s2 =	sld [smem:$0x3FAF]  }
0x29: {  	s4 =	sld [smem:$0x3FB1]  }
0x2a: {  	p0 =	seq.s32 s5, $0x0;
	s5 =	sld [smem:$0x3FB2]  }
0x2b: {  	s6 =	sld [smem:$0x3FB3]  }
0x2c: {  	s7 =	sld [smem:$0x3FB4]  }
0x2d: {  	s3 =	simm.s32 $0x108;
	s8 =	sld [smem:$0x3FB5]  }
0x2e: {  	s3 =	simm.s32 @!p0 $0x1082;
	s9 =	sld [smem:$0x3FB6]  }
0x2f: {  	lr =	sadd.s32 s0, s3;
	s0 =	sld [smem:$0x3FAD]  }
0x30: {  	s3 =	sld [smem:$0x3FB0]  }
0x31: {  	[smem:$0x3FB9] =	sst s10  }
0x32: {  	s10 =	sld [smem:$0x3FB7];
	_ =	sdelay $0x3  }
0x33: {  	p0 =	seq.s32 s10, $0x1;
	s10 =	sld [smem:$0x3FB9];
	_ =	sdelay $0x3  }
0x34: {  	[smem:$0x3FB9] =	sst s10  }
0x35: {  	s10 =	sld [smem:$0x3FB8];
	_ =	sdelay $0x3  }
0x36: {  	p1 =	seq.s32 s10, $0x1;
	s10 =	sld [smem:$0x3FB9];
	_ =	sdelay $0x3  }
0x37: {  	[smem:$0x3FB9] =	sst s10  }
0x38: {  	s10 =	sld [smem:$0x3FBA]  }
0x39: {  	_ = 	snop;
	(pc) =	sbr.ind lr, $3  }
0x3a: {  	_ = 	snop  }
0x3b: {  	_ = 	snop  }
0x3c: {  	p2 =	seq.s32 s10, $0x1;
	s10 =	sld [smem:$0x3FB9]  }
0x3d: {  	_ =	shalt  }
0x3e: {  	_ =	shalt  }
0x3f: {  	_ =	shalt  }
0x40: {  	_ =	shalt  }
0x41: {  	_ =	shalt  }
0x42: {  	_ =	shalt  }
0x43: {  	_ =	shalt  }
0x44: {  	_ =	shalt  }
0x45: {  	_ =	shalt  }
0x46: {  	_ =	shalt  }
0x47: {  	_ =	shalt  }
0x48: {  	_ =	shalt  }
0x49: {  	_ =	shalt  }
0x4a: {  	_ =	shalt  }
0x4b: {  	_ =	shalt  }
0x4c: {  	_ =	shalt  }
0x4d: {  	_ =	shalt  }
0x4e: {  	_ =	shalt  }
0x4f: {  	_ =	shalt  }
0x50: {  	_ =	shalt  }
0x51: {  	_ =	shalt  }
0x52: {  	_ =	shalt  }
0x53: {  	_ =	shalt  }
0x54: {  	_ =	shalt  }
0x55: {  	_ =	shalt  }
0x56: {  	_ =	shalt  }
0x57: {  	_ =	shalt  }
0x58: {  	_ =	shalt  }
0x59: {  	_ =	shalt  }
0x5a: {  	_ =	shalt  }
0x5b: {  	_ =	shalt  }
0x5c: {  	_ =	shalt  }
0x5d: {  	_ =	shalt  }
0x5e: {  	_ =	shalt  }
0x5f: {  	_ =	shalt  }
0x60: {  	_ =	shalt  }
0x61: {  	_ =	shalt  }
0x62: {  	_ =	shalt  }
0x63: {  	_ =	shalt  }
0x64: {  	_ =	shalt  }
0x65: {  	_ =	shalt  }
0x66: {  	_ =	shalt  }
0x67: {  	_ =	shalt  }
0x68: {  	_ =	shalt  }
0x69: {  	_ =	shalt  }
0x6a: {  	_ =	shalt  }
0x6b: {  	_ =	shalt  }
0x6c: {  	_ =	shalt  }
0x6d: {  	_ =	shalt  }
0x6e: {  	_ =	shalt  }
0x6f: {  	_ =	shalt  }
0x70: {  	_ =	shalt  }
0x71: {  	_ =	shalt  }
0x72: {  	_ =	shalt  }
0x73: {  	_ =	shalt  }
0x74: {  	_ =	shalt  }
0x75: {  	_ =	shalt  }
0x76: {  	_ =	shalt  }
0x77: {  	_ =	shalt  }
0x78: {  	_ =	shalt  }
0x79: {  	_ =	shalt  }
0x7a: {  	_ =	shalt  }
0x7b: {  	_ =	shalt  }
0x7c: {  	_ =	shalt  }
0x7d: {  	_ =	shalt  }
0x7e: {  	_ =	shalt  }
0x7f: {  	_ =	shalt  }
0x80: {  	_ =	shalt  }
0x81: {  	_ =	shalt  }
0x82: {  	_ =	shalt  }
0x83: {  	_ =	shalt  }
0x84: {  	_ =	shalt  }
0x85: {  	_ =	shalt  }
0x86: {  	_ =	shalt  }
0x87: {  	_ =	shalt  }
.Lfunc_end0:
.L_simem_size_0:
called_computation_lowered:
.L_overlay_start_0:
0x88: {  	s2 =	sld [smem:$0x3FD9]  }
0x89: {  	s3 =	sld [smem:$0x3FFE];
	_ =	sdelay $0x1  }
0x8a: {  	s1 =	srdreg.scid  }
0x8b: {  	s0 =	sand.u32 $0x1, s1  }
0x8c: {  	s17 =	sshll.u32 s0, $0xA;
	s2 =	sadd.s32 s3, s2  }
0x8d: {  	s2 =	sadd.s32 s2, s17  }
0x8e: {  	[smem:$0x3FC5] =	sst s2  }
0x8f: {  	_ = 	snop  }
0x90: {  	s2 =	sld [smem:$0x3FC9]  }
0x91: {  	s18 =	sld [smem:$0x3FC7]  }
0x92: {  	s4 =	sld [smem:$0x3FD0];
	(tm) =	ssettm $0x1  }
0x93: {  	s5 =	sld [smem:$0x3FFB];
	_ =	sdelay $0x3  }
0x94: {  	_ =	strace s5  }
0x95: {  	s5 =	sld [smem:$0x3FFC];
	_ =	sdelay $0x3  }
0x96: {  	_ =	strace s5  }
0x97: {  	s5 =	sld [smem:$0x3FFD];
	_ =	sdelay $0x3  }
0x98: {  	_ =	strace s5  }
0x99: {  	_ =	strace $0x8FFFFFFF  }
0x9a: {  	s19 =	sld [smem:$0x3FDB];
	_ =	sdelay $0x1  }
0x9b: {  	s6 =	simm.s32 $_scs_section_size  }
0x9c: {  	s7 =	simm.s32 $_size__tile_overlayer_lowered;
	s8 =	simm.s32 $_tile_overlayer_lowered  }
0x9d: {  	s22 =	simm.s32 $0x1BFF;
	s21 =	sshll.u32 s8, $0x1;
	s5 =	sadd.s32 s6, s19  }
0x9e: {  	s9 =	simm.s32 $0x0;
	s20 =	sshll.u32 s7, $0x1;
	s7 =	sadd.s32 s21, s5  }
0x9f: {  	[timem:s9], [sflag:s22] =	dma.local [hbm:s7], s20  }
0xa0: {  	_ =	swait.ge [sflag:s22], s20  }
0xa1: {  	s6 =	ssub.s32 $0x0, s20;
	[sflag:s22] =	ssyncset.done $0x0  }
0xa2: {  	[sflag:s22] =	ssyncadd.s32 s6;
	_ =	sdelay $0x1  }
0xa3: {  	s23 =	simm.s32 $0x1B8B  }
0xa4: {  	_ =	swait.ge [sflag:s23], $0x1  }
0xa5: {  	[sflag:s23] =	ssyncset.done $0x0  }
0xa6: {  	s25 =	simm.s32 $0x1B8E;
	s24 =	sld [smem:$0x3FFE];
	[sflag:s23] =	ssyncadd.s32 $0xFFFFFFFF  }
0xa7: {  	s26 =	simm.s32 $execute0_lowered;
	[smem:$0x3FD2] =	sst s25  }
0xa8: {  	s7 =	sshll.u32 s26, $0x1;
	_ =	strace $0x80000046;
	[dreg:$0x1] =	wrdreg $0xFFFFFFFF  }
0xa9: {  	s28 =	simm.s32 $_size_execute0_lowered;
	s5 =	sadd.s32 s5, s7;
	[dreg:$0x0] =	wrdreg $0x0  }
0xaa: {  	s7 =	sshll.u32 s28, $0x1;
	[dreg:$0x2] =	wrdreg s5  }
0xab: {  	[dreg:$0x3] =	wrdreg s7  }
0xac: {  	[dreg:$0x4] =	wrdreg $0xC0  }
0xad: {  	_ =	task [dreg:s9], $0x5FFFF  }
0xae: {  	[dreg:$0x1] =	wrdreg $0xFFFFFFFF  }
0xaf: {  	[dreg:$0x0] =	wrdreg $0x60  }
0xb0: {  	[dreg:$0x2] =	wrdreg s2  }
0xb1: {  	[dreg:$0x3] =	wrdreg s24  }
0xb2: {  	[dreg:$0x4] =	wrdreg s18  }
0xb3: {  	[dreg:$0x5] =	wrdreg s4  }
0xb4: {  	[dreg:$0x6] =	wrdreg $0x9  }
0xb5: {  	_ =	task.clear_ibuf [dreg:s9], $0x7FFFF;
	_ =	strace $0x90000046  }
0xb6: {  	s29 =	simm.s32 $0x9;
	_ =	strace $0x80000048  }
0xb7: {  	_ =	swait.ge [sflag:s29], $0x1  }
0xb8: {  	[sflag:s29] =	ssyncadd.s32 $0xFFFFFFFF  }
0xb9: {  	_ =	strace $0x90000048  }
0xba: {  	_ =	sfence  }
0xbb: {  	s30 =	sld [smem:$0x0];
	_ =	sdelay $0x2  }
0xbc: {  	s31 =	sshll.u32 s1, $0xD;
	s1 =	sshrl.u32 s1, $0x2  }
0xbd: {  	s3 =	sand.u32 $0x4000, s31;
	s1 =	sadd.s32 s1, s30  }
0xbe: {  	s0 =	sor.u32 s3, s0;
	s1 =	sshll.u32 s1, $0x11  }
0xbf: {  	s0 =	sor.u32 s1, s0  }
0xc0: {  	s0 =	sadd.s32 $0x8F2B, s0  }
0xc1: {  	[sflag:s0] =	ssyncadd.remote.s32 $0x1  }
0xc2: {  	_ =	sfence.sel $0xFFFF  }
0xc3: {  	[dreg:$0x0] =	wrdreg $0xFFFFFFFF;
	(pc) =	sbr.abs _section_cstart, $3  }
0xc4: {  	[dreg:$0x1] =	wrdreg $0xFFFFFFFF  }
0xc5: {  	_ =	task.clear_ibuf [dreg:s9], $0x2FFFF;
	_ =	strace $0x9FFFFFFF  }
0xc6: {  	(tm) =	ssettm $0x7FFFFFFF  }
0xc7: {  	_ =	shalt  }
tec
execute0_lowered:
.L_overlay_start_1:
0x0: {  	(tag) =	ssettag $0x1  }
0x1: {  	s1 =	rddreg [dreg:$0x0]  }
0x2: {  	s0 =	rddreg [dreg:$0x1]  }
0x3: {  	s2 =	rddreg [dreg:$0x2]  }
0x4: {  	s4 =	rddreg [dreg:$0x3];
	s5 =	simm.s32 $0x0;
	s3 =	srdreg.scid  }
0x5: {  	s6 =	stileid.u32;
	s19 =	simm.s32 $0x1;
	s21 =	simm.s32 $0x10080  }
0x6: {  	s30 =	simm.s32 $0x18080;
	s22 =	simm.s32 $0x9;
	[smem:$0x7FF] =	sst s5  }
0x7: {  	s3 =	sand.u32 $0x1, s3;
	s6 =	sshll.u32 s6, $0x1;
	s0 =	sadd.s32 $0x400, s0  }
0x8: {  	_ =	strace $0x80000047;
	s7 =	ssub.s32 $0x2, s3;
	s6 =	sor.u32 s3, s6  }
0x9: {  	[dreg:$0x5] =	wrdreg s0;
	s8 =	sshll.u32 s6, $0x6;
	s3 =	sshll.u32 s6, $0xB  }
0xa: {  	s25 =	sshrl.u32 s7, $0x1;
	s9 =	sadd.s32 s1, s3;
	[dreg:$0x6] =	wrdreg s8  }
0xb: {  	s0 =	ssub.s32 s7, s25;
	s3 =	sadd.s32 s2, s3;
	[dreg:$0x7] =	wrdreg s9  }
0xc: {  	s26 =	sadd.s32 $0x40, s8;
	s8 =	sxor.u32 $0x7E0, s8;
	[dreg:$0xa] =	wrdreg s3  }
0xd: {  	s7 =	sand.u32 $0x7C0, s26;
	[dreg:$0x8] =	wrdreg s8;
	s29 =	sshll.u32 s8, $0x5  }
0xe: {  	s0 =	smax.u32 s0, $0x1;
	[dreg:$0x9] =	wrdreg s7;
	s7 =	sshll.u32 s7, $0x5  }
.Ltmp0:
0xf: {  	s8 =	sadd.s32 s1, s29;
	[dreg:$0xf] =	wrdreg s0;
	(pc) =	sbr.rel .LBB2_1-.Ltmp0, $4  }
0x10: {  	s3 =	sadd.s32 s2, s29;
	[dreg:$0xb] =	wrdreg s8;
	s31 =	sor.u32 $0x10000, s7  }
0x11: {  	s23 =	simm.s32 $0x4;
	[dreg:$0xc] =	wrdreg s3;
	s7 =	sadd.s32 s1, s31  }
0x12: {  	s28 =	simm.s32 $0x2;
	s3 =	sadd.s32 s2, s31;
	[dreg:$0xd] =	wrdreg s7  }
0x13: {  	v0 =	vimm.f32 $0.0e+00;
	s25 =	simm.s32 $0x3;
	[dreg:$0xe] =	wrdreg s3;
	s3 =	simm.s32 $0x0  }
.LBB2_48:
0x14: {  	[sflag:s22] =	ssyncadd.s32 $0xFFFFE000  }
.LBB2_49:
0x15: {  	s3 =	sadd.s32 $0x1, s3;
	s0 =	rddreg [dreg:$0xf]  }
0x16: {  	p0 =	sne.s32 s3, s0  }
.Ltmp1:
0x17: {  	_ = 	snop;
	(pc) =	sbr.rel @!p0 .LBB2_50-.Ltmp1, $1  }
0x18: {  	_ =	sdelay $0x3  }
.LBB2_1:
0x19: {  	[dreg:$0x10] =	wrdreg s3  }
0x1a: {  	s0 =	rddreg [dreg:$0x5];
	s7 =	simm.s32 $0xA  }
0x1b: {  	[tilespmem:s5], [sflag:$0xA] =	stream.linear.gather [hbm4b:s0+s5], $0x80, $0x38;
	[tilespmem:$0x1A080] =	vst v63  }
0x1c: {  	_ =	swait.ge [sflag:s7], $0x80  }
0x1d: {  	s26 =	sand.u32 $0x1800, s5;
	s29 =	sand.u32 $0x380, s5;
	[sflag:s7] =	ssyncset.done $0x0  }
0x1e: {  	s3 =	sor.u32 s29, s26;
	[sflag:s7] =	ssyncadd.s32 $0xFFFFFF80  }
0x1f: {  	s0 =	sadd.s32 $0x18080, s3;
	[tilespmem:s3+$0x18080] =	vst v0  }
0x20: {  	[tilespmem:s0+$0x40] =	vst v0  }
0x21: {  	[tilespmem:s0+$0x50] =	vst v0  }
0x22: {  	[tilespmem:s0+$0x60] =	vst v0  }
0x23: {  	[tilespmem:s0+$0x70] =	vst v0  }
0x24: {  	[tilespmem:s0+$0x400] =	vst v0  }
0x25: {  	[tilespmem:s0+$0x410] =	vst v0  }
0x26: {  	[tilespmem:s0+$0x420] =	vst v0  }
0x27: {  	[tilespmem:s0+$0x430] =	vst v0  }
0x28: {  	[tilespmem:s0+$0x440] =	vst v0  }
0x29: {  	[tilespmem:s0+$0x450] =	vst v0  }
0x2a: {  	[tilespmem:s0+$0x460] =	vst v0  }
0x2b: {  	[tilespmem:s0+$0x10] =	vst v0  }
0x2c: {  	s31 =	simm.s32 $0x100;
	s3 =	simm.s32 $0x80;
	[tilespmem:s0+$0x20] =	vst v0  }
0x2d: {  	s8 =	sand.u32 $0x1800, s31;
	s7 =	simm.s32 $0x200;
	[tilespmem:s0+$0x30] =	vst v0;
	s9 =	sand.u32 $0x380, s3  }
.LBB2_2:
0x2e: {  	p0 =	sne.s32 s7, $0x1F00;
	s8 =	sor.u32 s9, s8;
	[tilespmem:s0+$0x470] =	vst v0  }
0x2f: {  	s0 =	sadd.s32 $0x18080, s8;
	[tilespmem:s8+$0x18080] =	vst v0  }
0x30: {  	[tilespmem:s0+$0x10] =	vst v0  }
0x31: {  	[tilespmem:s0+$0x20] =	vst v0  }
0x32: {  	[tilespmem:s0+$0x30] =	vst v0  }
0x33: {  	[tilespmem:s0+$0x40] =	vst v0  }
0x34: {  	[tilespmem:s0+$0x50] =	vst v0  }
0x35: {  	[tilespmem:s0+$0x60] =	vst v0  }
0x36: {  	[tilespmem:s0+$0x70] =	vst v0  }
0x37: {  	[tilespmem:s0+$0x400] =	vst v0  }
0x38: {  	[tilespmem:s0+$0x410] =	vst v0  }
.Ltmp2:
0x39: {  	[tilespmem:s0+$0x420] =	vst v0;
	(pc) =	sbr.rel @p0 .LBB2_2-.Ltmp2, $4  }
0x3a: {  	[tilespmem:s0+$0x430] =	vst v0  }
0x3b: {  	[tilespmem:s0+$0x440] =	vst v0  }
0x3c: {  	s3 =	sadd.s32 $0x80, s3;
	[tilespmem:s0+$0x450] =	vst v0  }
0x3d: {  	s8 =	sand.u32 $0x1800, s7;
	s9 =	sand.u32 $0x380, s3;
	s7 =	sadd.s32 $0x100, s7;
	[tilespmem:s0+$0x460] =	vst v0  }
0x3e: {  	s3 =	sor.u32 s9, s8;
	[tilespmem:s0+$0x470] =	vst v0  }
0x3f: {  	s16 =	sadd.s32 $0x18080, s3;
	[tilespmem:s3+$0x18080] =	vst v0  }
0x40: {  	[tilespmem:s16+$0x10] =	vst v0  }
0x41: {  	[tilespmem:s16+$0x20] =	vst v0  }
0x42: {  	[tilespmem:s16+$0x30] =	vst v0  }
0x43: {  	[tilespmem:s16+$0x40] =	vst v0  }
0x44: {  	[tilespmem:s16+$0x50] =	vst v0  }
0x45: {  	[tilespmem:s16+$0x60] =	vst v0  }
0x46: {  	[tilespmem:s16+$0x70] =	vst v0  }
0x47: {  	[tilespmem:s16+$0x400] =	vst v0  }
0x48: {  	[tilespmem:s16+$0x410] =	vst v0  }
0x49: {  	[tilespmem:s16+$0x420] =	vst v0  }
0x4a: {  	[tilespmem:s16+$0x430] =	vst v0  }
0x4b: {  	[tilespmem:s16+$0x440] =	vst v0  }
0x4c: {  	[tilespmem:s16+$0x450] =	vst v0  }
0x4d: {  	[tilespmem:s16+$0x460] =	vst v0  }
0x4e: {  	[tilespmem:s16+$0x470] =	vst v0  }
0x4f: {  	v1 =	vld [tilespmem:$0x0];
	_ =	sdelay $0x4  }
0x50: {  	(v2sf) =	vpush v1, $0x0;
	_ =	sdelay $0xe  }
0x51: {  	s18 =	rddreg [dreg:$0x6];
	s17 =	spop (v2sf)  }
0x52: {  	s0 =	ssub.s32 s17, s18  }
0x53: {  	p0 =	slt.s32 s0, $0x1  }
0x54: {  	s7 =	rddreg [dreg:$0x7];
	s0 =	simm.s32 @!p0 $0x0;
	s3 =	simm.s32 @!p0 $0x80  }
0x55: {  	[tilespmem:s3], [sflag:$0x1] =	stream.linear.gather @!p0 [hbm4b:s7+s0], $0x2000, $0x38;
	[tilespmem:$0x1A080] =	vst v63  }
0x56: {  	s3 =	simm.s32 @!p0 $0x8080;
	s7 =	rddreg [dreg:$0xa]  }
0x57: {  	[tilespmem:s3], [sflag:$0x1] =	stream.linear.gather @!p0 [hbm4b:s7+s0], $0x2000, $0x38;
	[tilespmem:$0x1A080] =	vst v63  }
0x58: {  	v1 =	vld [tilespmem:$0x0];
	_ =	sdelay $0x4  }
0x59: {  	(v2sf) =	vpush v1, $0x0;
	_ =	sdelay $0xe  }
0x5a: {  	s24 =	rddreg [dreg:$0x8];
	s20 =	spop (v2sf)  }
0x5b: {  	s0 =	ssub.s32 s20, s24  }
0x5c: {  	p0 =	slt.s32 s0, $0x1  }
0x5d: {  	s7 =	rddreg [dreg:$0xb];
	s0 =	simm.s32 @!p0 $0x0;
	s3 =	simm.s32 @!p0 $0x2080  }
0x5e: {  	[tilespmem:s3], [sflag:$0x2] =	stream.linear.gather @!p0 [hbm4b:s7+s0], $0x2000, $0x38;
	[tilespmem:$0x1A080] =	vst v63  }
0x5f: {  	s3 =	simm.s32 @!p0 $0xA080;
	s7 =	rddreg [dreg:$0xc]  }
0x60: {  	[tilespmem:s3], [sflag:$0x2] =	stream.linear.gather @!p0 [hbm4b:s7+s0], $0x2000, $0x38;
	[tilespmem:$0x1A080] =	vst v63  }
0x61: {  	v1 =	vld [tilespmem:$0x1];
	_ =	sdelay $0x4  }
0x62: {  	(v2sf) =	vpush v1, $0x0;
	_ =	sdelay $0xe  }
0x63: {  	s29 =	rddreg [dreg:$0x9];
	s26 =	spop (v2sf)  }
0x64: {  	s0 =	ssub.s32 s26, s29  }
0x65: {  	s7 =	rddreg [dreg:$0xd];
	p0 =	slt.s32 s0, $0x1  }
.Ltmp3:
0x66: {  	s0 =	simm.s32 @!p0 $0x0;
	s3 =	simm.s32 @!p0 $0x4080;
	(pc) =	sbr.rel .LBB2_4-.Ltmp3, $4  }
0x67: {  	[tilespmem:s3], [sflag:$0x3] =	stream.linear.gather @!p0 [hbm4b:s7+s0], $0x2000, $0x38;
	[tilespmem:$0x1A080] =	vst v63  }
0x68: {  	s3 =	simm.s32 @!p0 $0xC080;
	s7 =	rddreg [dreg:$0xe]  }
0x69: {  	[tilespmem:s3], [sflag:$0x3] =	stream.linear.gather @!p0 [hbm4b:s7+s0], $0x2000, $0x38;
	[tilespmem:$0x1A080] =	vst v63  }
0x6a: {  	s31 =	simm.s32 $0x0;
	s12 =	simm.s32 $0x0;
	s0 =	simm.s32 $0x0  }
.LBB2_43:
0x6b: {  	[hbm4b:s7+s5] =	stream.linear.scatter [tilespmem:s30], [sflag:$0x9], $0x2000, $0x38;
	[tilespmem:$0x1A080] =	vst v63  }
.LBB2_44:
0x6c: {  	s7 =	simm.s32 $0x1;
	s0 =	sadd.s32 $0x1, s0  }
0x6d: {  	s7 =	simm.s32 @!p0 $0x0;
	p0 =	sne.s32 s0, $0x8  }
.Ltmp4:
0x6e: {  	s8 =	simm.s32 $0x1;
	(pc) =	sbr.rel @!p0 .LBB2_45-.Ltmp4, $4  }
0x6f: {  	s9 =	simm.s32 $0x1;
	s8 =	simm.s32 @!p1 $0x0;
	s7 =	sadd.s32 s7, s31  }
0x70: {  	s9 =	simm.s32 @!p3 $0x0;
	s7 =	sadd.s32 s8, s7;
	s8 =	simm.s32 $0x1  }
0x71: {  	s12 =	sor.u32 $0x8, s3;
	s7 =	sadd.s32 s9, s7;
	s8 =	simm.s32 @!p2 $0x0  }
0x72: {  	s12 =	smov.u32 @p2 s3;
	s31 =	sadd.s32 s8, s7  }
.LBB2_4:
0x73: {  	s17 =	sshll.u32 s0, $0x1  }
0x74: {  	v1 =	vld [tilespmem:s17+$0x1];
	_ =	sdelay $0x4  }
0x75: {  	(v2sf) =	vpush v1, $0x0;
	_ =	sdelay $0xa  }
0x76: {  	s3 =	sshllo.u32 s0, $0x1  }
0x77: {  	s7 =	sadd.s32 s6, s3  }
0x78: {  	s7 =	sshll.u32 s7, $0x6  }
0x79: {  	s13 =	sand.u32 $0x7C0, s7  }
0x7a: {  	s7 =	sxor.u32 $0x7E0, s13;
	s8 =	spop (v2sf)  }
0x7b: {  	s14 =	sshll.u32 s3, $0xB;
	s8 =	ssub.s32 s8, s7  }
0x7c: {  	s9 =	sor.u32 s14, s7;
	p0 =	slt.s32 s8, $0x1  }
0x7d: {  	s8 =	sshll.u32 @!p0 s9, $0x5  }
0x7e: {  	s11 =	simm.s32 @!p0 $0x0;
	s15 =	simm.s32 @!p0 $0x6080;
	s10 =	sadd.s32 @!p0 s1, s8  }
0x7f: {  	[tilespmem:s15], [sflag:$0x4] =	stream.linear.gather @!p0 [hbm4b:s10+s11], $0x2000, $0x38;
	[tilespmem:$0x1A080] =	vst v63  }
0x80: {  	s8 =	sadd.s32 @!p0 s2, s8;
	s10 =	simm.s32 @!p0 $0xE080  }
0x81: {  	[tilespmem:s10], [sflag:$0x4] =	stream.linear.gather @!p0 [hbm4b:s8+s11], $0x2000, $0x38;
	[tilespmem:$0x1A080] =	vst v63  }
0x82: {  	v1 =	vld [tilespmem:s17+$0x0];
	_ =	sdelay $0x4  }
0x83: {  	(v2sf) =	vpush v1, $0x0;
	_ =	sdelay $0xc  }
0x84: {  	s26 =	sadd.s32 s6, s17  }
0x85: {  	s8 =	sshll.u32 s26, $0x6  }
0x86: {  	s11 =	sand.u32 $0x7C0, s8;
	s29 =	spop (v2sf)  }
0x87: {  	s16 =	ssub.s32 s29, s11  }
0x88: {  	p0 =	slt.s32 s16, $0x1  }
.Ltmp5:
0x89: {  	_ = 	snop;
	(pc) =	sbr.rel @p0 .LBB2_13-.Ltmp5, $3  }
0x8a: {  	_ =	sdelay $0x1  }
0x8b: {  	s8 =	sshll.u32 s0, $0xC  }
0x8c: {  	s10 =	sor.u32 s8, s11  }
0x8d: {  	_ =	swait.ge [sflag:s19], $0x2000  }
0x8e: {  	[sflag:s19] =	ssyncset.done $0x0  }
0x8f: {  	[sflag:s19] =	ssyncadd.s32 $0xFFFFE000  }
0x90: {  	s15 =	sand.u32 $0x1, s12;
	_ =	swait.ge [sflag:s19], $0x2000  }
0x91: {  	p2 =	slt.u32 s16, $0x20;
	p1 =	seq.s32 s15, $0x0;
	[sflag:s19] =	ssyncset.done $0x0  }
.Ltmp6:
0x92: {  	s15 =	simm.s32 @!p1 $0x5;
	[sflag:s19] =	ssyncadd.s32 $0xFFFFE000;
	(pc) =	sbr.rel @p2 .LBB2_9-.Ltmp6, $4  }
0x93: {  	_ =	swait.ge @!p1 [sflag:s15], $0x2000  }
0x94: {  	s29 =	simm.s32 $0x0;
	[sflag:s15] =	ssyncset.done @!p1 $0x0  }
0x95: {  	s18 =	sand.u32 $0x1800, s29;
	[sflag:s15] =	ssyncadd.s32 @!p1 $0xFFFFE000;
	s15 =	sand.u32 $0x380, s29  }
0x96: {  	s15 =	sor.u32 s15, s18  }
0x97: {  	v1 =	vld [tilespmem:s15+$0x4F0]  }
0x98: {  	v2 =	vld [tilespmem:s15+$0x84F0]  }
0x99: {  	v3 =	vld [tilespmem:s15+$0x80]  }
0x9a: {  	v4 =	vld [tilespmem:s15+$0x8080]  }
0x9b: {  	v5 =	vld [tilespmem:s15+$0x90]  }
0x9c: {  	v6 =	vld [tilespmem:s15+$0x8090]  }
0x9d: {  	v7 =	vld [tilespmem:s15+$0xA0]  }
0x9e: {  	v8 =	vld [tilespmem:s15+$0xB0];
	v1 =	vadd.f32 v2, v1  }
0x9f: {  	v2 =	vld [tilespmem:s15+$0x80A0]  }
0xa0: {  	v3 =	vadd.f32 v4, v3;
	[tilespmem:s15+$0x104F0] =	vst v1;
	v1 =	vld [tilespmem:s15+$0x80B0]  }
0xa1: {  	v4 =	vld [tilespmem:s15+$0xC0]  }
0xa2: {  	[tilespmem:s15+$0x10080] =	vst v3;
	v3 =	vadd.f32 v6, v5;
	v5 =	vld [tilespmem:s15+$0x80C0]  }
0xa3: {  	v6 =	vld [tilespmem:s15+$0x80D0]  }
0xa4: {  	[tilespmem:s15+$0x10090] =	vst v3;
	v3 =	vld [tilespmem:s15+$0xD0];
	v2 =	vadd.f32 v2, v7  }
0xa5: {  	v7 =	vld [tilespmem:s15+$0x80E0];
	v1 =	vadd.f32 v1, v8  }
0xa6: {  	[tilespmem:s15+$0x100A0] =	vst v2;
	v2 =	vld [tilespmem:s15+$0xE0]  }
0xa7: {  	[tilespmem:s15+$0x100B0] =	vst v1;
	v1 =	vadd.f32 v5, v4;
	v4 =	vld [tilespmem:s15+$0xF0]  }
0xa8: {  	v5 =	vld [tilespmem:s15+$0x80F0]  }
0xa9: {  	[tilespmem:s15+$0x100C0] =	vst v1;
	v1 =	vadd.f32 v6, v3;
	v3 =	vld [tilespmem:s15+$0x480]  }
0xaa: {  	v6 =	vld [tilespmem:s15+$0x8480]  }
0xab: {  	[tilespmem:s15+$0x100D0] =	vst v1;
	v1 =	vadd.f32 v7, v2;
	v2 =	vld [tilespmem:s15+$0x490]  }
0xac: {  	v7 =	vld [tilespmem:s15+$0x8490]  }
0xad: {  	[tilespmem:s15+$0x100E0] =	vst v1;
	v1 =	vadd.f32 v5, v4;
	v4 =	vld [tilespmem:s15+$0x4A0]  }
0xae: {  	v5 =	vld [tilespmem:s15+$0x84A0]  }
0xaf: {  	v8 =	vld [tilespmem:s15+$0x84B0]  }
0xb0: {  	[tilespmem:s15+$0x100F0] =	vst v1;
	v1 =	vadd.f32 v6, v3;
	v6 =	vld [tilespmem:s15+$0x4B0]  }
0xb1: {  	v3 =	vld [tilespmem:s15+$0x84C0];
	v2 =	vadd.f32 v7, v2  }
0xb2: {  	[tilespmem:s15+$0x10480] =	vst v1;
	v1 =	vld [tilespmem:s15+$0x4C0]  }
0xb3: {  	[tilespmem:s15+$0x10490] =	vst v2;
	v5 =	vadd.f32 v5, v4;
	v2 =	vld [tilespmem:s15+$0x4D0]  }
0xb4: {  	s20 =	simm.s32 $0x100;
	s18 =	simm.s32 $0x80;
	v4 =	vld [tilespmem:s15+$0x84D0]  }
0xb5: {  	s20 =	sand.u32 $0x1800, s20;
	s24 =	sand.u32 $0x380, s18;
	[tilespmem:s15+$0x104A0] =	vst v5;
	v5 =	vld [tilespmem:s15+$0x4E0];
	v7 =	vadd.f32 v8, v6  }
0xb6: {  	s24 =	sor.u32 s24, s20;
	s20 =	simm.s32 $0x200;
	v6 =	vld [tilespmem:s15+$0x84E0]  }
.LBB2_7:
0xb7: {  	p1 =	seq.s32 s20, $0x1F00;
	v8 =	vld [tilespmem:s24+$0x4F0];
	[tilespmem:s15+$0x104B0] =	vst v7;
	v1 =	vadd.f32 v3, v1  }
0xb8: {  	v3 =	vld [tilespmem:s24+$0x84F0]  }
0xb9: {  	v7 =	vld [tilespmem:s24+$0x80];
	[tilespmem:s15+$0x104C0] =	vst v1;
	v1 =	vadd.f32 v4, v2  }
0xba: {  	v2 =	vld [tilespmem:s24+$0x8080]  }
0xbb: {  	v4 =	vld [tilespmem:s24+$0x90];
	[tilespmem:s15+$0x104D0] =	vst v1;
	v1 =	vadd.f32 v6, v5  }
0xbc: {  	v5 =	vld [tilespmem:s24+$0x8090]  }
0xbd: {  	v6 =	vld [tilespmem:s24+$0xA0];
	v3 =	vadd.f32 v3, v8;
	[tilespmem:s15+$0x104E0] =	vst v1;
	s15 =	smov.u32 s24  }
0xbe: {  	v1 =	vld [tilespmem:s15+$0x80A0]  }
0xbf: {  	v2 =	vadd.f32 v2, v7;
	v7 =	vld [tilespmem:s15+$0xB0];
	[tilespmem:s15+$0x104F0] =	vst v3  }
0xc0: {  	v3 =	vld [tilespmem:s15+$0x80B0]  }
0xc1: {  	[tilespmem:s15+$0x10080] =	vst v2;
	v2 =	vadd.f32 v5, v4;
	v4 =	vld [tilespmem:s15+$0xC0]  }
0xc2: {  	v5 =	vld [tilespmem:s15+$0x80C0]  }
0xc3: {  	[tilespmem:s15+$0x10090] =	vst v2;
	v1 =	vadd.f32 v1, v6;
	v2 =	vld [tilespmem:s15+$0xD0]  }
0xc4: {  	v6 =	vld [tilespmem:s15+$0x80D0]  }
0xc5: {  	[tilespmem:s15+$0x100A0] =	vst v1;
	v1 =	vadd.f32 v3, v7;
	v3 =	vld [tilespmem:s15+$0xE0]  }
0xc6: {  	v7 =	vld [tilespmem:s15+$0x80E0]  }
0xc7: {  	[tilespmem:s15+$0x100B0] =	vst v1;
	v1 =	vadd.f32 v5, v4;
	v4 =	vld [tilespmem:s15+$0xF0]  }
0xc8: {  	v5 =	vld [tilespmem:s15+$0x80F0]  }
0xc9: {  	[tilespmem:s15+$0x100C0] =	vst v1;
	v1 =	vadd.f32 v6, v2;
	v2 =	vld [tilespmem:s15+$0x480]  }
0xca: {  	v6 =	vld [tilespmem:s15+$0x8480]  }
0xcb: {  	[tilespmem:s15+$0x100D0] =	vst v1;
	v1 =	vadd.f32 v7, v3;
	v3 =	vld [tilespmem:s15+$0x490]  }
0xcc: {  	v7 =	vld [tilespmem:s15+$0x8490]  }
0xcd: {  	[tilespmem:s15+$0x100E0] =	vst v1;
	v1 =	vadd.f32 v5, v4;
	v4 =	vld [tilespmem:s15+$0x4A0]  }
0xce: {  	v5 =	vld [tilespmem:s15+$0x84A0]  }
0xcf: {  	[tilespmem:s15+$0x100F0] =	vst v1;
	v1 =	vadd.f32 v6, v2;
	v6 =	vld [tilespmem:s15+$0x4B0]  }
0xd0: {  	v8 =	vld [tilespmem:s15+$0x84B0]  }
0xd1: {  	[tilespmem:s15+$0x10480] =	vst v1;
	v2 =	vadd.f32 v7, v3;
	v1 =	vld [tilespmem:s15+$0x4C0]  }
.Ltmp7:
0xd2: {  	v3 =	vld [tilespmem:s15+$0x84C0];
	(pc) =	sbr.rel @!p1 .LBB2_7-.Ltmp7, $4  }
0xd3: {  	[tilespmem:s15+$0x10490] =	vst v2;
	v5 =	vadd.f32 v5, v4;
	v2 =	vld [tilespmem:s15+$0x4D0]  }
0xd4: {  	s18 =	sadd.s32 $0x80, s18;
	v4 =	vld [tilespmem:s15+$0x84D0]  }
0xd5: {  	s26 =	sand.u32 $0x380, s18;
	s24 =	sand.u32 $0x1800, s20;
	[tilespmem:s15+$0x104A0] =	vst v5;
	v7 =	vadd.f32 v8, v6;
	v5 =	vld [tilespmem:s15+$0x4E0]  }
0xd6: {  	s20 =	sadd.s32 $0x100, s20;
	s24 =	sor.u32 s26, s24;
	v6 =	vld [tilespmem:s15+$0x84E0]  }
0xd7: {  	v8 =	vld [tilespmem:s24+$0x4F0];
	[tilespmem:s15+$0x104B0] =	vst v7;
	v1 =	vadd.f32 v3, v1  }
0xd8: {  	v3 =	vld [tilespmem:s24+$0x84F0]  }
0xd9: {  	v7 =	vld [tilespmem:s24+$0x80];
	[tilespmem:s15+$0x104C0] =	vst v1;
	v1 =	vadd.f32 v4, v2  }
0xda: {  	v2 =	vld [tilespmem:s24+$0x8080]  }
0xdb: {  	v45 =	vld [tilespmem:s24+$0x90];
	[tilespmem:s15+$0x104D0] =	vst v1;
	v1 =	vadd.f32 v6, v5  }
0xdc: {  	v46 =	vld [tilespmem:s24+$0x8090]  }
0xdd: {  	v47 =	vld [tilespmem:s24+$0xA0];
	[tilespmem:s15+$0x104E0] =	vst v1  }
0xde: {  	v1 =	vadd.f32 v3, v8;
	v3 =	vld [tilespmem:s24+$0x80A0]  }
0xdf: {  	v48 =	vld [tilespmem:s24+$0xB0]  }
0xe0: {  	v49 =	vld [tilespmem:s24+$0xC0]  }
0xe1: {  	v2 =	vadd.f32 v2, v7;
	[tilespmem:s24+$0x104F0] =	vst v1;
	v1 =	vld [tilespmem:s24+$0x80B0]  }
0xe2: {  	v50 =	vld [tilespmem:s24+$0x80C0]  }
0xe3: {  	v51 =	vld [tilespmem:s24+$0x80D0];
	[tilespmem:s24+$0x10080] =	vst v2;
	v2 =	vadd.f32 v46, v45  }
0xe4: {  	v52 =	vld [tilespmem:s24+$0x80E0]  }
0xe5: {  	[tilespmem:s24+$0x10090] =	vst v2;
	v2 =	vadd.f32 v3, v47;
	v3 =	vld [tilespmem:s24+$0xD0]  }
0xe6: {  	v53 =	vld [tilespmem:s24+$0xF0];
	v1 =	vadd.f32 v1, v48  }
0xe7: {  	[tilespmem:s24+$0x100A0] =	vst v2;
	v2 =	vld [tilespmem:s24+$0xE0]  }
0xe8: {  	v54 =	vld [tilespmem:s24+$0x80F0];
	[tilespmem:s24+$0x100B0] =	vst v1;
	v1 =	vadd.f32 v50, v49  }
0xe9: {  	v55 =	vld [tilespmem:s24+$0x8480]  }
0xea: {  	v56 =	vld [tilespmem:s24+$0x8490];
	[tilespmem:s24+$0x100C0] =	vst v1;
	v1 =	vadd.f32 v51, v3  }
0xeb: {  	v3 =	vld [tilespmem:s24+$0x480]  }
0xec: {  	v57 =	vld [tilespmem:s24+$0x4A0];
	[tilespmem:s24+$0x100D0] =	vst v1;
	v1 =	vadd.f32 v52, v2  }
0xed: {  	v2 =	vld [tilespmem:s24+$0x490]  }
0xee: {  	v58 =	vld [tilespmem:s24+$0x84A0];
	[tilespmem:s24+$0x100E0] =	vst v1;
	v1 =	vadd.f32 v54, v53  }
0xef: {  	v59 =	vld [tilespmem:s24+$0x84B0]  }
0xf0: {  	v60 =	vld [tilespmem:s24+$0x84C0];
	[tilespmem:s24+$0x100F0] =	vst v1;
	v1 =	vadd.f32 v55, v3  }
0xf1: {  	v61 =	vld [tilespmem:s24+$0x4D0]  }
0xf2: {  	v62 =	vld [tilespmem:s24+$0x84D0];
	[tilespmem:s24+$0x10480] =	vst v1;
	v1 =	vadd.f32 v56, v2  }
0xf3: {  	v3 =	vld [tilespmem:s24+$0x4B0]  }
0xf4: {  	v2 =	vld [tilespmem:s24+$0x4C0];
	[tilespmem:s24+$0x10490] =	vst v1;
	v1 =	vadd.f32 v58, v57  }
0xf5: {  	v63 =	vld [tilespmem:s24+$0x84E0]  }
0xf6: {  	[tilespmem:s24+$0x104A0] =	vst v1;
	v1 =	vld [tilespmem:s24+$0x4E0];
	_ =	sdelay $0x1  }
0xf7: {  	v3 =	vadd.f32 v59, v3  }
.Ltmp8:
0xf8: {  	v2 =	vadd.f32 v60, v2;
	(pc) =	sbr.rel .LBB2_12-.Ltmp8, $4  }
0xf9: {  	[tilespmem:s24+$0x104B0] =	vst v3;
	v3 =	vadd.f32 v62, v61  }
0xfa: {  	[tilespmem:s24+$0x104C0] =	vst v2;
	v1 =	vadd.f32 v63, v1  }
0xfb: {  	[tilespmem:s24+$0x104D0] =	vst v3  }
0xfc: {  	[tilespmem:s24+$0x104E0] =	vst v1  }
.LBB2_13:
.Ltmp9:
0xfd: {  	(pc) =	sbr.rel .LBB2_14-.Ltmp9, $4  }
0xfe: {  	_ = 	snop  }
0xff: {  	s10 =	sshll.u32 s10, $0x5  }
0x100: {  	s10 =	sadd.s32 s4, s10  }
0x101: {  	[hbm4b:s10+s5] =	stream.linear.scatter [tilespmem:s30], [sflag:$0x9], $0x2000, $0x38;
	[tilespmem:$0x1A080] =	vst v63  }
.LBB2_9:
0x102: {  	v1 =	vld [tilespmem:s15+$0x4F0]  }
0x103: {  	v2 =	vld [tilespmem:s15+$0x84F0]  }
0x104: {  	v3 =	vld [tilespmem:s15+$0x80]  }
0x105: {  	v4 =	vld [tilespmem:s15+$0x8080]  }
0x106: {  	v5 =	vld [tilespmem:s15+$0x90]  }
0x107: {  	v6 =	vld [tilespmem:s15+$0x8090]  }
0x108: {  	v7 =	vld [tilespmem:s15+$0xA0]  }
0x109: {  	v8 =	vld [tilespmem:s15+$0xB0]  }
0x10a: {  	v1 =	vadd.f32 v2, v1;
	v2 =	vld [tilespmem:s15+$0x80A0]  }
0x10b: {  	p1 =	sgt.s32 s16, $0x0;
	v3 =	vadd.f32 v4, v3;
	v4 =	vld [tilespmem:s15+$0x80B0]  }
0x10c: {  	v5 =	vadd.f32 v6, v5;
	v6 =	vld [tilespmem:s15+$0xD0];
	v1 =	vpsel !p1, $0x0, v1  }
0x10d: {  	[tilespmem:s15+$0x104F0] =	vst v1;
	v1 =	vpsel !p1, $0x0, v3;
	v3 =	vld [tilespmem:s15+$0xC0]  }
0x10e: {  	v5 =	vpsel !p1, $0x0, v5;
	[tilespmem:s15+$0x10080] =	vst v1;
	v1 =	vld [tilespmem:s15+$0x80C0]  }
0x10f: {  	[tilespmem:s15+$0x10090] =	vst v5;
	v5 =	vld [tilespmem:s15+$0x80D0];
	v2 =	vadd.f32 v2, v7  }
0x110: {  	v7 =	vld [tilespmem:s15+$0xE0];
	v4 =	vadd.f32 v4, v8  }
0x111: {  	v8 =	vld [tilespmem:s15+$0xF0];
	v2 =	vpsel !p1, $0x0, v2  }
0x112: {  	v4 =	vpsel !p1, $0x0, v4;
	[tilespmem:s15+$0x100A0] =	vst v2;
	v2 =	vld [tilespmem:s15+$0x80E0]  }
0x113: {  	[tilespmem:s15+$0x100B0] =	vst v4;
	v4 =	vld [tilespmem:s15+$0x480];
	v1 =	vadd.f32 v1, v3  }
0x114: {  	v5 =	vadd.f32 v5, v6;
	v3 =	vld [tilespmem:s15+$0x80F0]  }
0x115: {  	v6 =	vld [tilespmem:s15+$0x490];
	v1 =	vpsel !p1, $0x0, v1  }
0x116: {  	v5 =	vpsel !p1, $0x0, v5;
	[tilespmem:s15+$0x100C0] =	vst v1;
	v1 =	vld [tilespmem:s15+$0x8480]  }
0x117: {  	[tilespmem:s15+$0x100D0] =	vst v5;
	v5 =	vld [tilespmem:s15+$0x8490]  }
0x118: {  	v2 =	vadd.f32 v2, v7;
	v7 =	vld [tilespmem:s15+$0x4A0]  }
0x119: {  	v3 =	vadd.f32 v3, v8;
	v8 =	vld [tilespmem:s15+$0x84A0]  }
0x11a: {  	v9 =	vld [tilespmem:s15+$0x4B0]  }
0x11b: {  	v10 =	vld [tilespmem:s15+$0x84B0];
	v2 =	vpsel !p1, $0x0, v2;
	v1 =	vadd.f32 v1, v4  }
0x11c: {  	[tilespmem:s15+$0x100E0] =	vst v2;
	v2 =	vpsel !p1, $0x0, v3;
	v3 =	vld [tilespmem:s15+$0x84C0];
	v4 =	vadd.f32 v5, v6  }
0x11d: {  	[tilespmem:s15+$0x100F0] =	vst v2;
	v2 =	vpsel !p1, $0x0, v1;
	v1 =	vld [tilespmem:s15+$0x4C0]  }
0x11e: {  	v4 =	vpsel !p1, $0x0, v4;
	v5 =	vadd.f32 v8, v7;
	[tilespmem:s15+$0x10480] =	vst v2;
	v2 =	vld [tilespmem:s15+$0x4D0]  }
0x11f: {  	s30 =	simm.s32 $0x80;
	s20 =	simm.s32 $0x100;
	[tilespmem:s15+$0x10490] =	vst v4;
	v4 =	vld [tilespmem:s15+$0x84D0]  }
0x120: {  	s24 =	sand.u32 $0x1800, s20;
	s26 =	sand.u32 $0x380, s30;
	v7 =	vadd.f32 v10, v9;
	v6 =	vpsel !p1, $0x0, v5;
	v5 =	vld [tilespmem:s15+$0x4E0]  }
0x121: {  	s18 =	simm.s32 $0x1;
	s24 =	sor.u32 s26, s24;
	s26 =	simm.s32 $0x2;
	[tilespmem:s15+$0x104A0] =	vst v6;
	v6 =	vld [tilespmem:s15+$0x84E0]  }
.LBB2_10:
0x122: {  	p2 =	sne.s32 s26, $0x1F;
	v8 =	vld [tilespmem:s24+$0x4F0];
	v7 =	vpsel !p1, $0x0, v7;
	v1 =	vadd.f32 v3, v1  }
0x123: {  	v3 =	vld [tilespmem:s24+$0x84F0];
	[tilespmem:s15+$0x104B0] =	vst v7  }
0x124: {  	v7 =	vld [tilespmem:s24+$0x80];
	v1 =	vpsel !p1, $0x0, v1;
	v2 =	vadd.f32 v4, v2  }
0x125: {  	v4 =	vld [tilespmem:s24+$0x8080];
	[tilespmem:s15+$0x104C0] =	vst v1  }
0x126: {  	v1 =	vld [tilespmem:s24+$0x90];
	v2 =	vpsel !p1, $0x0, v2;
	v5 =	vadd.f32 v6, v5  }
0x127: {  	v6 =	vld [tilespmem:s24+$0x8090];
	[tilespmem:s15+$0x104D0] =	vst v2  }
0x128: {  	v2 =	vld [tilespmem:s24+$0xA0];
	v3 =	vadd.f32 v3, v8;
	v5 =	vpsel !p1, $0x0, v5  }
0x129: {  	p1 =	slt.s32 s18, s16;
	s18 =	smov.u32 s26;
	v8 =	vld [tilespmem:s24+$0x80A0];
	[tilespmem:s15+$0x104E0] =	vst v5;
	s15 =	smov.u32 s24  }
0x12a: {  	v4 =	vadd.f32 v4, v7;
	v5 =	vld [tilespmem:s15+$0xB0];
	v3 =	vpsel !p1, $0x0, v3  }
0x12b: {  	v7 =	vld [tilespmem:s15+$0x80B0];
	[tilespmem:s15+$0x104F0] =	vst v3  }
0x12c: {  	v3 =	vpsel !p1, $0x0, v4;
	v1 =	vadd.f32 v6, v1;
	v4 =	vld [tilespmem:s15+$0xC0]  }
0x12d: {  	[tilespmem:s15+$0x10080] =	vst v3;
	v3 =	vld [tilespmem:s15+$0x80C0]  }
0x12e: {  	v1 =	vpsel !p1, $0x0, v1;
	v2 =	vadd.f32 v8, v2;
	v6 =	vld [tilespmem:s15+$0xD0]  }
0x12f: {  	[tilespmem:s15+$0x10090] =	vst v1;
	v1 =	vld [tilespmem:s15+$0x80D0]  }
0x130: {  	v2 =	vpsel !p1, $0x0, v2;
	v5 =	vadd.f32 v7, v5;
	v7 =	vld [tilespmem:s15+$0xE0]  }
0x131: {  	[tilespmem:s15+$0x100A0] =	vst v2;
	v2 =	vld [tilespmem:s15+$0x80E0]  }
0x132: {  	v5 =	vpsel !p1, $0x0, v5;
	v3 =	vadd.f32 v3, v4;
	v4 =	vld [tilespmem:s15+$0xF0]  }
0x133: {  	[tilespmem:s15+$0x100B0] =	vst v5;
	v5 =	vld [tilespmem:s15+$0x80F0]  }
0x134: {  	v3 =	vpsel !p1, $0x0, v3;
	v1 =	vadd.f32 v1, v6;
	v6 =	vld [tilespmem:s15+$0x480]  }
0x135: {  	[tilespmem:s15+$0x100C0] =	vst v3;
	v3 =	vld [tilespmem:s15+$0x8480]  }
0x136: {  	v1 =	vpsel !p1, $0x0, v1;
	v2 =	vadd.f32 v2, v7;
	v7 =	vld [tilespmem:s15+$0x490]  }
0x137: {  	[tilespmem:s15+$0x100D0] =	vst v1;
	v1 =	vld [tilespmem:s15+$0x8490]  }
0x138: {  	v2 =	vpsel !p1, $0x0, v2;
	v4 =	vadd.f32 v5, v4;
	v5 =	vld [tilespmem:s15+$0x4A0]  }
0x139: {  	[tilespmem:s15+$0x100E0] =	vst v2;
	v2 =	vld [tilespmem:s15+$0x84A0]  }
0x13a: {  	v4 =	vpsel !p1, $0x0, v4;
	v3 =	vadd.f32 v3, v6;
	v6 =	vld [tilespmem:s15+$0x4B0]  }
0x13b: {  	[tilespmem:s15+$0x100F0] =	vst v4;
	v8 =	vld [tilespmem:s15+$0x84B0]  }
0x13c: {  	v3 =	vpsel !p1, $0x0, v3;
	v4 =	vadd.f32 v1, v7;
	v1 =	vld [tilespmem:s15+$0x4C0]  }
.Ltmp10:
0x13d: {  	[tilespmem:s15+$0x10480] =	vst v3;
	v3 =	vld [tilespmem:s15+$0x84C0];
	(pc) =	sbr.rel @p2 .LBB2_10-.Ltmp10, $4  }
0x13e: {  	v4 =	vpsel !p1, $0x0, v4;
	v5 =	vadd.f32 v2, v5;
	v2 =	vld [tilespmem:s15+$0x4D0]  }
0x13f: {  	s30 =	sadd.s32 $0x80, s30;
	s20 =	sadd.s32 $0x100, s20;
	[tilespmem:s15+$0x10490] =	vst v4;
	v4 =	vld [tilespmem:s15+$0x84D0]  }
0x140: {  	s29 =	sand.u32 $0x380, s30;
	s24 =	sand.u32 $0x1800, s20;
	v9 =	vpsel !p1, $0x0, v5;
	v7 =	vadd.f32 v8, v6;
	v5 =	vld [tilespmem:s15+$0x4E0]  }
0x141: {  	s26 =	sadd.s32 $0x1, s26;
	s24 =	sor.u32 s29, s24;
	[tilespmem:s15+$0x104A0] =	vst v9;
	v6 =	vld [tilespmem:s15+$0x84E0]  }
0x142: {  	v8 =	vld [tilespmem:s24+$0x4F0];
	v7 =	vpsel !p1, $0x0, v7;
	v1 =	vadd.f32 v3, v1  }
0x143: {  	v9 =	vld [tilespmem:s24+$0x84F0];
	[tilespmem:s15+$0x104B0] =	vst v7  }
0x144: {  	v3 =	vld [tilespmem:s24+$0x80];
	v1 =	vpsel !p1, $0x0, v1;
	v2 =	vadd.f32 v4, v2  }
0x145: {  	v7 =	vld [tilespmem:s24+$0x8080];
	[tilespmem:s15+$0x104C0] =	vst v1  }
0x146: {  	v1 =	vld [tilespmem:s24+$0x90];
	v2 =	vpsel !p1, $0x0, v2;
	v5 =	vadd.f32 v6, v5  }
0x147: {  	v47 =	vld [tilespmem:s24+$0x8090];
	[tilespmem:s15+$0x104D0] =	vst v2  }
0x148: {  	v2 =	vld [tilespmem:s24+$0xA0];
	v5 =	vpsel !p1, $0x0, v5  }
0x149: {  	v48 =	vld [tilespmem:s24+$0x80A0];
	[tilespmem:s15+$0x104E0] =	vst v5  }
0x14a: {  	v5 =	vld [tilespmem:s24+$0xB0]  }
0x14b: {  	v50 =	vld [tilespmem:s24+$0x80B0]  }
0x14c: {  	v3 =	vadd.f32 v7, v3;
	v51 =	vld [tilespmem:s24+$0xC0]  }
0x14d: {  	p6 =	slt.s32 s18, s16;
	v52 =	vld [tilespmem:s24+$0xD0];
	v1 =	vadd.f32 v47, v1  }
0x14e: {  	v53 =	vld [tilespmem:s24+$0xE0];
	v3 =	vpsel !p6, $0x0, v3;
	v2 =	vadd.f32 v48, v2  }
0x14f: {  	[tilespmem:s24+$0x10080] =	vst v3;
	v3 =	vld [tilespmem:s24+$0x80C0];
	v1 =	vpsel !p6, $0x0, v1  }
0x150: {  	[tilespmem:s24+$0x10090] =	vst v1;
	v1 =	vld [tilespmem:s24+$0x80D0];
	v2 =	vpsel !p6, $0x0, v2  }
0x151: {  	[tilespmem:s24+$0x100A0] =	vst v2;
	v2 =	vld [tilespmem:s24+$0x80E0]  }
0x152: {  	v54 =	vld [tilespmem:s24+$0xF0]  }
0x153: {  	v55 =	vld [tilespmem:s24+$0x80F0]  }
0x154: {  	v56 =	vld [tilespmem:s24+$0x480];
	v3 =	vadd.f32 v3, v51  }
0x155: {  	v57 =	vld [tilespmem:s24+$0x490];
	v1 =	vadd.f32 v1, v52  }
0x156: {  	v58 =	vld [tilespmem:s24+$0x4A0];
	v3 =	vpsel !p6, $0x0, v3;
	v2 =	vadd.f32 v2, v53  }
0x157: {  	[tilespmem:s24+$0x100C0] =	vst v3;
	v3 =	vld [tilespmem:s24+$0x8480];
	v1 =	vpsel !p6, $0x0, v1  }
0x158: {  	[tilespmem:s24+$0x100D0] =	vst v1;
	v1 =	vld [tilespmem:s24+$0x8490];
	v2 =	vpsel !p6, $0x0, v2  }
0x159: {  	[tilespmem:s24+$0x100E0] =	vst v2;
	v2 =	vld [tilespmem:s24+$0x84A0]  }
0x15a: {  	v59 =	vld [tilespmem:s24+$0x4B0]  }
0x15b: {  	v60 =	vld [tilespmem:s24+$0x84B0];
	v5 =	vadd.f32 v50, v5  }
0x15c: {  	v61 =	vld [tilespmem:s24+$0x4C0];
	v3 =	vadd.f32 v3, v56  }
0x15d: {  	v62 =	vld [tilespmem:s24+$0x4D0];
	v5 =	vpsel !p6, $0x0, v5;
	v1 =	vadd.f32 v1, v57  }
0x15e: {  	v63 =	vld [tilespmem:s24+$0x4E0];
	[tilespmem:s24+$0x100B0] =	vst v5;
	v3 =	vpsel !p6, $0x0, v3;
	v2 =	vadd.f32 v2, v58  }
0x15f: {  	[tilespmem:s24+$0x10480] =	vst v3;
	v3 =	vld [tilespmem:s24+$0x84C0];
	v1 =	vpsel !p6, $0x0, v1  }
0x160: {  	v5 =	vadd.f32 v55, v54;
	[tilespmem:s24+$0x10490] =	vst v1;
	v1 =	vld [tilespmem:s24+$0x84D0];
	v2 =	vpsel !p6, $0x0, v2  }
0x161: {  	[tilespmem:s24+$0x104A0] =	vst v2;
	v2 =	vld [tilespmem:s24+$0x84E0]  }
0x162: {  	v8 =	vadd.f32 v9, v8;
	v5 =	vpsel !p6, $0x0, v5  }
0x163: {  	[tilespmem:s24+$0x100F0] =	vst v5;
	v5 =	vadd.f32 v60, v59  }
0x164: {  	v49 =	vpsel !p6, $0x0, v8;
	v3 =	vadd.f32 v3, v61  }
0x165: {  	[tilespmem:s24+$0x104F0] =	vst v49;
	v5 =	vpsel !p6, $0x0, v5;
	v1 =	vadd.f32 v1, v62  }
0x166: {  	[tilespmem:s24+$0x104B0] =	vst v5;
	v3 =	vpsel !p6, $0x0, v3;
	v2 =	vadd.f32 v2, v63  }
0x167: {  	[tilespmem:s24+$0x104C0] =	vst v3;
	v1 =	vpsel !p6, $0x0, v1  }
0x168: {  	[tilespmem:s24+$0x104D0] =	vst v1;
	v1 =	vpsel !p6, $0x0, v2  }
0x169: {  	s30 =	simm.s32 $0x18080;
	[tilespmem:s24+$0x104E0] =	vst v1  }
.LBB2_12:
0x16a: {  	s10 =	sshll.u32 s10, $0x5  }
0x16b: {  	s10 =	sadd.s32 s4, s10  }
0x16c: {  	[hbm4b:s10+s5] =	stream.linear.scatter [tilespmem:s21], [sflag:$0x5], $0x2000, $0x38;
	[tilespmem:$0x1A080] =	vst v63  }
.LBB2_14:
0x16d: {  	s15 =	sshll.u32 s0, $0x2  }
0x16e: {  	s10 =	sshrl.u32 s15, $0x1  }
0x16f: {  	s10 =	sadd.s32 $0x2, s10  }
0x170: {  	s10 =	smin.u32 s10, $0xF  }
0x171: {  	v1 =	vld [tilespmem:s10+$0x0];
	_ =	sdelay $0x4  }
0x172: {  	(v2sf) =	vpush v1, $0x0;
	_ =	sdelay $0xc  }
0x173: {  	s18 =	sadd.s32 s6, s10  }
0x174: {  	s18 =	sshll.u32 s18, $0x6  }
0x175: {  	s18 =	sand.u32 $0x7C0, s18;
	s20 =	spop (v2sf)  }
0x176: {  	p2 =	seq.s32 s0, $0x7;
	s20 =	ssub.s32 s20, s18  }
0x177: {  	p1 =	slt.s32 @!p2 s20, $0x1  }
0x178: {  	p1 =	por p1, p2  }
0x179: {  	s20 =	sshll.u32 @!p1 s10, $0x10;
	s24 =	sshll.u32 @!p1 s18, $0x5  }
0x17a: {  	s20 =	sor.u32 @!p1 s20, s24  }
0x17b: {  	s26 =	simm.s32 @!p1 $0x0;
	s29 =	simm.s32 @!p1 $0x80;
	s24 =	sadd.s32 @!p1 s1, s20  }
0x17c: {  	[tilespmem:s29], [sflag:$0x1] =	stream.linear.gather @!p1 [hbm4b:s24+s26], $0x2000, $0x38;
	[tilespmem:$0x1A080] =	vst v63  }
0x17d: {  	s20 =	sadd.s32 @!p1 s2, s20;
	s24 =	simm.s32 @!p1 $0x8080  }
0x17e: {  	[tilespmem:s24], [sflag:$0x1] =	stream.linear.gather @!p1 [hbm4b:s20+s26], $0x2000, $0x38;
	[tilespmem:$0x1A080] =	vst v63  }
0x17f: {  	v1 =	vld [tilespmem:s17+$0x0];
	_ =	sdelay $0x4  }
0x180: {  	(v2sf) =	vpush v1, $0x0;
	_ =	sdelay $0xe  }
0x181: {  	s26 =	sxor.u32 $0x7E0, s11;
	s29 =	spop (v2sf)  }
0x182: {  	s11 =	ssub.s32 s29, s26  }
0x183: {  	p1 =	slt.s32 s11, $0x1  }
.Ltmp11:
0x184: {  	_ = 	snop;
	(pc) =	sbr.rel @p1 .LBB2_23-.Ltmp11, $4  }
0x185: {  	_ = 	snop  }
0x186: {  	s8 =	sor.u32 s8, s26  }
0x187: {  	s8 =	sshll.u32 s8, $0x5  }
0x188: {  	s8 =	sadd.s32 s4, s8  }
0x189: {  	_ =	swait.ge [sflag:s28], $0x2000  }
0x18a: {  	[sflag:s28] =	ssyncset.done $0x0  }
0x18b: {  	[sflag:s28] =	ssyncadd.s32 $0xFFFFE000  }
0x18c: {  	s17 =	sand.u32 $0x2, s12;
	p4 =	slt.u32 s11, $0x20;
	_ =	swait.ge [sflag:s28], $0x2000  }
.Ltmp12:
0x18d: {  	p3 =	seq.s32 s17, $0x0;
	[sflag:s28] =	ssyncset.done $0x0;
	(pc) =	sbr.rel @p4 .LBB2_19-.Ltmp12, $4  }
0x18e: {  	s17 =	simm.s32 @!p3 $0x6;
	[sflag:s28] =	ssyncadd.s32 $0xFFFFE000  }
0x18f: {  	_ =	swait.ge @!p3 [sflag:s17], $0x2000  }
0x190: {  	[sflag:s17] =	ssyncset.done @!p3 $0x0  }
0x191: {  	[sflag:s17] =	ssyncadd.s32 @!p3 $0xFFFFE000;
	s17 =	simm.s32 $0x0  }
0x192: {  	s11 =	sand.u32 $0x1800, s17;
	s29 =	sand.u32 $0x380, s17  }
0x193: {  	s11 =	sor.u32 s29, s11  }
0x194: {  	v1 =	vld [tilespmem:s11+$0x24F0]  }
0x195: {  	v2 =	vld [tilespmem:s11+$0xA4F0]  }
0x196: {  	v3 =	vld [tilespmem:s11+$0x2080]  }
0x197: {  	v4 =	vld [tilespmem:s11+$0xA080]  }
0x198: {  	v5 =	vld [tilespmem:s11+$0x2090]  }
0x199: {  	v6 =	vld [tilespmem:s11+$0xA090]  }
0x19a: {  	v7 =	vld [tilespmem:s11+$0x20A0]  }
0x19b: {  	v8 =	vld [tilespmem:s11+$0x20B0];
	v1 =	vadd.f32 v2, v1  }
0x19c: {  	v2 =	vld [tilespmem:s11+$0xA0A0]  }
0x19d: {  	v3 =	vadd.f32 v4, v3;
	[tilespmem:s11+$0x124F0] =	vst v1;
	v1 =	vld [tilespmem:s11+$0xA0B0]  }
0x19e: {  	v4 =	vld [tilespmem:s11+$0x20C0]  }
0x19f: {  	[tilespmem:s11+$0x12080] =	vst v3;
	v3 =	vadd.f32 v6, v5;
	v5 =	vld [tilespmem:s11+$0xA0C0]  }
0x1a0: {  	v6 =	vld [tilespmem:s11+$0xA0D0]  }
0x1a1: {  	[tilespmem:s11+$0x12090] =	vst v3;
	v3 =	vld [tilespmem:s11+$0x20D0];
	v2 =	vadd.f32 v2, v7  }
0x1a2: {  	v7 =	vld [tilespmem:s11+$0xA0E0];
	v1 =	vadd.f32 v1, v8  }
0x1a3: {  	[tilespmem:s11+$0x120A0] =	vst v2;
	v2 =	vld [tilespmem:s11+$0x20E0]  }
0x1a4: {  	[tilespmem:s11+$0x120B0] =	vst v1;
	v1 =	vadd.f32 v5, v4;
	v4 =	vld [tilespmem:s11+$0x20F0]  }
0x1a5: {  	v5 =	vld [tilespmem:s11+$0xA0F0]  }
0x1a6: {  	[tilespmem:s11+$0x120C0] =	vst v1;
	v1 =	vadd.f32 v6, v3;
	v3 =	vld [tilespmem:s11+$0x2480]  }
0x1a7: {  	v6 =	vld [tilespmem:s11+$0xA480]  }
0x1a8: {  	[tilespmem:s11+$0x120D0] =	vst v1;
	v1 =	vadd.f32 v7, v2;
	v2 =	vld [tilespmem:s11+$0x2490]  }
0x1a9: {  	v7 =	vld [tilespmem:s11+$0xA490]  }
0x1aa: {  	[tilespmem:s11+$0x120E0] =	vst v1;
	v1 =	vadd.f32 v5, v4;
	v4 =	vld [tilespmem:s11+$0x24A0]  }
0x1ab: {  	v5 =	vld [tilespmem:s11+$0xA4A0]  }
0x1ac: {  	v8 =	vld [tilespmem:s11+$0xA4B0]  }
0x1ad: {  	[tilespmem:s11+$0x120F0] =	vst v1;
	v1 =	vadd.f32 v6, v3;
	v6 =	vld [tilespmem:s11+$0x24B0]  }
0x1ae: {  	v3 =	vld [tilespmem:s11+$0xA4C0];
	v2 =	vadd.f32 v7, v2  }
0x1af: {  	[tilespmem:s11+$0x12480] =	vst v1;
	v1 =	vld [tilespmem:s11+$0x24C0]  }
0x1b0: {  	[tilespmem:s11+$0x12490] =	vst v2;
	v5 =	vadd.f32 v5, v4;
	v2 =	vld [tilespmem:s11+$0x24D0]  }
0x1b1: {  	s20 =	simm.s32 $0x100;
	s17 =	simm.s32 $0x80;
	v4 =	vld [tilespmem:s11+$0xA4D0]  }
0x1b2: {  	s20 =	sand.u32 $0x1800, s20;
	s24 =	sand.u32 $0x380, s17;
	[tilespmem:s11+$0x124A0] =	vst v5;
	v5 =	vld [tilespmem:s11+$0x24E0];
	v7 =	vadd.f32 v8, v6  }
0x1b3: {  	s24 =	sor.u32 s24, s20;
	s20 =	simm.s32 $0x200;
	v6 =	vld [tilespmem:s11+$0xA4E0]  }
.LBB2_17:
0x1b4: {  	p3 =	seq.s32 s20, $0x1F00;
	v8 =	vld [tilespmem:s24+$0x24F0];
	[tilespmem:s11+$0x124B0] =	vst v7;
	v1 =	vadd.f32 v3, v1  }
0x1b5: {  	v3 =	vld [tilespmem:s24+$0xA4F0]  }
0x1b6: {  	v7 =	vld [tilespmem:s24+$0x2080];
	[tilespmem:s11+$0x124C0] =	vst v1;
	v1 =	vadd.f32 v4, v2  }
0x1b7: {  	v2 =	vld [tilespmem:s24+$0xA080]  }
0x1b8: {  	v4 =	vld [tilespmem:s24+$0x2090];
	[tilespmem:s11+$0x124D0] =	vst v1;
	v1 =	vadd.f32 v6, v5  }
0x1b9: {  	v5 =	vld [tilespmem:s24+$0xA090]  }
0x1ba: {  	v6 =	vld [tilespmem:s24+$0x20A0];
	v3 =	vadd.f32 v3, v8;
	[tilespmem:s11+$0x124E0] =	vst v1;
	s11 =	smov.u32 s24  }
0x1bb: {  	v1 =	vld [tilespmem:s11+$0xA0A0]  }
0x1bc: {  	v2 =	vadd.f32 v2, v7;
	v7 =	vld [tilespmem:s11+$0x20B0];
	[tilespmem:s11+$0x124F0] =	vst v3  }
0x1bd: {  	v3 =	vld [tilespmem:s11+$0xA0B0]  }
0x1be: {  	[tilespmem:s11+$0x12080] =	vst v2;
	v2 =	vadd.f32 v5, v4;
	v4 =	vld [tilespmem:s11+$0x20C0]  }
0x1bf: {  	v5 =	vld [tilespmem:s11+$0xA0C0]  }
0x1c0: {  	[tilespmem:s11+$0x12090] =	vst v2;
	v1 =	vadd.f32 v1, v6;
	v2 =	vld [tilespmem:s11+$0x20D0]  }
0x1c1: {  	v6 =	vld [tilespmem:s11+$0xA0D0]  }
0x1c2: {  	[tilespmem:s11+$0x120A0] =	vst v1;
	v1 =	vadd.f32 v3, v7;
	v3 =	vld [tilespmem:s11+$0x20E0]  }
0x1c3: {  	v7 =	vld [tilespmem:s11+$0xA0E0]  }
0x1c4: {  	[tilespmem:s11+$0x120B0] =	vst v1;
	v1 =	vadd.f32 v5, v4;
	v4 =	vld [tilespmem:s11+$0x20F0]  }
0x1c5: {  	v5 =	vld [tilespmem:s11+$0xA0F0]  }
0x1c6: {  	[tilespmem:s11+$0x120C0] =	vst v1;
	v1 =	vadd.f32 v6, v2;
	v2 =	vld [tilespmem:s11+$0x2480]  }
0x1c7: {  	v6 =	vld [tilespmem:s11+$0xA480]  }
0x1c8: {  	[tilespmem:s11+$0x120D0] =	vst v1;
	v1 =	vadd.f32 v7, v3;
	v3 =	vld [tilespmem:s11+$0x2490]  }
0x1c9: {  	v7 =	vld [tilespmem:s11+$0xA490]  }
0x1ca: {  	[tilespmem:s11+$0x120E0] =	vst v1;
	v1 =	vadd.f32 v5, v4;
	v4 =	vld [tilespmem:s11+$0x24A0]  }
0x1cb: {  	v5 =	vld [tilespmem:s11+$0xA4A0]  }
0x1cc: {  	[tilespmem:s11+$0x120F0] =	vst v1;
	v1 =	vadd.f32 v6, v2;
	v6 =	vld [tilespmem:s11+$0x24B0]  }
0x1cd: {  	v8 =	vld [tilespmem:s11+$0xA4B0]  }
0x1ce: {  	[tilespmem:s11+$0x12480] =	vst v1;
	v2 =	vadd.f32 v7, v3;
	v1 =	vld [tilespmem:s11+$0x24C0]  }
.Ltmp13:
0x1cf: {  	v3 =	vld [tilespmem:s11+$0xA4C0];
	(pc) =	sbr.rel @!p3 .LBB2_17-.Ltmp13, $4  }
0x1d0: {  	[tilespmem:s11+$0x12490] =	vst v2;
	v5 =	vadd.f32 v5, v4;
	v2 =	vld [tilespmem:s11+$0x24D0]  }
0x1d1: {  	s17 =	sadd.s32 $0x80, s17;
	v4 =	vld [tilespmem:s11+$0xA4D0]  }
0x1d2: {  	s26 =	sand.u32 $0x380, s17;
	s24 =	sand.u32 $0x1800, s20;
	[tilespmem:s11+$0x124A0] =	vst v5;
	v7 =	vadd.f32 v8, v6;
	v5 =	vld [tilespmem:s11+$0x24E0]  }
0x1d3: {  	s20 =	sadd.s32 $0x100, s20;
	s24 =	sor.u32 s26, s24;
	v6 =	vld [tilespmem:s11+$0xA4E0]  }
0x1d4: {  	v8 =	vld [tilespmem:s24+$0x24F0];
	[tilespmem:s11+$0x124B0] =	vst v7;
	v1 =	vadd.f32 v3, v1  }
0x1d5: {  	v3 =	vld [tilespmem:s24+$0xA4F0]  }
0x1d6: {  	v7 =	vld [tilespmem:s24+$0x2080];
	[tilespmem:s11+$0x124C0] =	vst v1;
	v1 =	vadd.f32 v4, v2  }
0x1d7: {  	v2 =	vld [tilespmem:s24+$0xA080]  }
0x1d8: {  	v45 =	vld [tilespmem:s24+$0x2090];
	[tilespmem:s11+$0x124D0] =	vst v1;
	v1 =	vadd.f32 v6, v5  }
0x1d9: {  	v46 =	vld [tilespmem:s24+$0xA090]  }
0x1da: {  	v47 =	vld [tilespmem:s24+$0x20A0];
	[tilespmem:s11+$0x124E0] =	vst v1  }
0x1db: {  	v1 =	vadd.f32 v3, v8;
	v3 =	vld [tilespmem:s24+$0xA0A0]  }
0x1dc: {  	v48 =	vld [tilespmem:s24+$0x20B0]  }
0x1dd: {  	v49 =	vld [tilespmem:s24+$0x20C0]  }
0x1de: {  	v2 =	vadd.f32 v2, v7;
	[tilespmem:s24+$0x124F0] =	vst v1;
	v1 =	vld [tilespmem:s24+$0xA0B0]  }
0x1df: {  	v50 =	vld [tilespmem:s24+$0xA0C0]  }
0x1e0: {  	v51 =	vld [tilespmem:s24+$0xA0D0];
	[tilespmem:s24+$0x12080] =	vst v2;
	v2 =	vadd.f32 v46, v45  }
0x1e1: {  	v52 =	vld [tilespmem:s24+$0xA0E0]  }
0x1e2: {  	[tilespmem:s24+$0x12090] =	vst v2;
	v2 =	vadd.f32 v3, v47;
	v3 =	vld [tilespmem:s24+$0x20D0]  }
0x1e3: {  	v53 =	vld [tilespmem:s24+$0x20F0];
	v1 =	vadd.f32 v1, v48  }
0x1e4: {  	[tilespmem:s24+$0x120A0] =	vst v2;
	v2 =	vld [tilespmem:s24+$0x20E0]  }
0x1e5: {  	v54 =	vld [tilespmem:s24+$0xA0F0];
	[tilespmem:s24+$0x120B0] =	vst v1;
	v1 =	vadd.f32 v50, v49  }
0x1e6: {  	v55 =	vld [tilespmem:s24+$0xA480]  }
0x1e7: {  	v56 =	vld [tilespmem:s24+$0xA490];
	[tilespmem:s24+$0x120C0] =	vst v1;
	v1 =	vadd.f32 v51, v3  }
0x1e8: {  	v3 =	vld [tilespmem:s24+$0x2480]  }
0x1e9: {  	v57 =	vld [tilespmem:s24+$0x24A0];
	[tilespmem:s24+$0x120D0] =	vst v1;
	v1 =	vadd.f32 v52, v2  }
0x1ea: {  	v2 =	vld [tilespmem:s24+$0x2490]  }
0x1eb: {  	v58 =	vld [tilespmem:s24+$0xA4A0];
	[tilespmem:s24+$0x120E0] =	vst v1;
	v1 =	vadd.f32 v54, v53  }
0x1ec: {  	v59 =	vld [tilespmem:s24+$0xA4B0]  }
0x1ed: {  	v60 =	vld [tilespmem:s24+$0xA4C0];
	[tilespmem:s24+$0x120F0] =	vst v1;
	v1 =	vadd.f32 v55, v3  }
0x1ee: {  	v61 =	vld [tilespmem:s24+$0x24D0]  }
0x1ef: {  	v62 =	vld [tilespmem:s24+$0xA4D0];
	[tilespmem:s24+$0x12480] =	vst v1;
	v1 =	vadd.f32 v56, v2  }
0x1f0: {  	v3 =	vld [tilespmem:s24+$0x24B0]  }
0x1f1: {  	v2 =	vld [tilespmem:s24+$0x24C0];
	[tilespmem:s24+$0x12490] =	vst v1;
	v1 =	vadd.f32 v58, v57  }
0x1f2: {  	v63 =	vld [tilespmem:s24+$0xA4E0]  }
0x1f3: {  	[tilespmem:s24+$0x124A0] =	vst v1;
	v1 =	vld [tilespmem:s24+$0x24E0];
	_ =	sdelay $0x1  }
0x1f4: {  	v3 =	vadd.f32 v59, v3  }
.Ltmp14:
0x1f5: {  	v2 =	vadd.f32 v60, v2;
	(pc) =	sbr.rel .LBB2_22-.Ltmp14, $4  }
0x1f6: {  	[tilespmem:s24+$0x124B0] =	vst v3;
	v3 =	vadd.f32 v62, v61  }
0x1f7: {  	[tilespmem:s24+$0x124C0] =	vst v2;
	v1 =	vadd.f32 v63, v1  }
0x1f8: {  	[tilespmem:s24+$0x124D0] =	vst v3  }
0x1f9: {  	[tilespmem:s24+$0x124E0] =	vst v1  }
.LBB2_23:
.Ltmp15:
0x1fa: {  	(pc) =	sbr.rel .LBB2_24-.Ltmp15, $2  }
0x1fb: {  	_ =	sdelay $0x2  }
0x1fc: {  	[hbm4b:s8+s5] =	stream.linear.scatter [tilespmem:s30], [sflag:$0x9], $0x2000, $0x38;
	[tilespmem:$0x1A080] =	vst v63  }
.LBB2_19:
0x1fd: {  	s20 =	sand.u32 $0x1800, s17;
	s26 =	sand.u32 $0x380, s17  }
0x1fe: {  	s17 =	sor.u32 s26, s20  }
0x1ff: {  	v1 =	vld [tilespmem:s17+$0x24F0]  }
0x200: {  	v2 =	vld [tilespmem:s17+$0xA4F0]  }
0x201: {  	v3 =	vld [tilespmem:s17+$0x2080]  }
0x202: {  	v4 =	vld [tilespmem:s17+$0xA080]  }
0x203: {  	v5 =	vld [tilespmem:s17+$0x2090]  }
0x204: {  	v6 =	vld [tilespmem:s17+$0xA090]  }
0x205: {  	v7 =	vld [tilespmem:s17+$0x20A0]  }
0x206: {  	v8 =	vld [tilespmem:s17+$0x20B0]  }
0x207: {  	v1 =	vadd.f32 v2, v1;
	v2 =	vld [tilespmem:s17+$0xA0A0]  }
0x208: {  	p3 =	sgt.s32 s11, $0x0;
	v3 =	vadd.f32 v4, v3;
	v4 =	vld [tilespmem:s17+$0xA0B0]  }
0x209: {  	v5 =	vadd.f32 v6, v5;
	v6 =	vld [tilespmem:s17+$0x20D0];
	v1 =	vpsel !p3, $0x0, v1  }
0x20a: {  	[tilespmem:s17+$0x124F0] =	vst v1;
	v1 =	vpsel !p3, $0x0, v3;
	v3 =	vld [tilespmem:s17+$0x20C0]  }
0x20b: {  	v5 =	vpsel !p3, $0x0, v5;
	[tilespmem:s17+$0x12080] =	vst v1;
	v1 =	vld [tilespmem:s17+$0xA0C0]  }
0x20c: {  	[tilespmem:s17+$0x12090] =	vst v5;
	v5 =	vld [tilespmem:s17+$0xA0D0];
	v2 =	vadd.f32 v2, v7  }
0x20d: {  	v7 =	vld [tilespmem:s17+$0x20E0];
	v4 =	vadd.f32 v4, v8  }
0x20e: {  	v8 =	vld [tilespmem:s17+$0x20F0];
	v2 =	vpsel !p3, $0x0, v2  }
0x20f: {  	v4 =	vpsel !p3, $0x0, v4;
	[tilespmem:s17+$0x120A0] =	vst v2;
	v2 =	vld [tilespmem:s17+$0xA0E0]  }
0x210: {  	[tilespmem:s17+$0x120B0] =	vst v4;
	v4 =	vld [tilespmem:s17+$0x2480];
	v1 =	vadd.f32 v1, v3  }
0x211: {  	v5 =	vadd.f32 v5, v6;
	v3 =	vld [tilespmem:s17+$0xA0F0]  }
0x212: {  	v6 =	vld [tilespmem:s17+$0x2490];
	v1 =	vpsel !p3, $0x0, v1  }
0x213: {  	v5 =	vpsel !p3, $0x0, v5;
	[tilespmem:s17+$0x120C0] =	vst v1;
	v1 =	vld [tilespmem:s17+$0xA480]  }
0x214: {  	[tilespmem:s17+$0x120D0] =	vst v5;
	v5 =	vld [tilespmem:s17+$0xA490]  }
0x215: {  	v2 =	vadd.f32 v2, v7;
	v7 =	vld [tilespmem:s17+$0x24A0]  }
0x216: {  	v3 =	vadd.f32 v3, v8;
	v8 =	vld [tilespmem:s17+$0xA4A0]  }
0x217: {  	v9 =	vld [tilespmem:s17+$0x24B0]  }
0x218: {  	v10 =	vld [tilespmem:s17+$0xA4B0];
	v2 =	vpsel !p3, $0x0, v2;
	v1 =	vadd.f32 v1, v4  }
0x219: {  	[tilespmem:s17+$0x120E0] =	vst v2;
	v2 =	vpsel !p3, $0x0, v3;
	v3 =	vld [tilespmem:s17+$0xA4C0];
	v4 =	vadd.f32 v5, v6  }
0x21a: {  	[tilespmem:s17+$0x120F0] =	vst v2;
	v2 =	vpsel !p3, $0x0, v1;
	v1 =	vld [tilespmem:s17+$0x24C0]  }
0x21b: {  	v4 =	vpsel !p3, $0x0, v4;
	v5 =	vadd.f32 v8, v7;
	[tilespmem:s17+$0x12480] =	vst v2;
	v2 =	vld [tilespmem:s17+$0x24D0]  }
0x21c: {  	s24 =	simm.s32 $0x100;
	s20 =	simm.s32 $0x80;
	[tilespmem:s17+$0x12490] =	vst v4;
	v4 =	vld [tilespmem:s17+$0xA4D0]  }
0x21d: {  	s26 =	sand.u32 $0x1800, s24;
	s29 =	sand.u32 $0x380, s20;
	v7 =	vadd.f32 v10, v9;
	v6 =	vpsel !p3, $0x0, v5;
	v5 =	vld [tilespmem:s17+$0x24E0]  }
0x21e: {  	s30 =	simm.s32 $0x1;
	s26 =	sor.u32 s29, s26;
	s29 =	simm.s32 $0x2;
	[tilespmem:s17+$0x124A0] =	vst v6;
	v6 =	vld [tilespmem:s17+$0xA4E0]  }
.LBB2_20:
0x21f: {  	p4 =	sne.s32 s29, $0x1F;
	v8 =	vld [tilespmem:s26+$0x24F0];
	v7 =	vpsel !p3, $0x0, v7;
	v1 =	vadd.f32 v3, v1  }
0x220: {  	v3 =	vld [tilespmem:s26+$0xA4F0];
	[tilespmem:s17+$0x124B0] =	vst v7  }
0x221: {  	v7 =	vld [tilespmem:s26+$0x2080];
	v1 =	vpsel !p3, $0x0, v1;
	v2 =	vadd.f32 v4, v2  }
0x222: {  	v4 =	vld [tilespmem:s26+$0xA080];
	[tilespmem:s17+$0x124C0] =	vst v1  }
0x223: {  	v1 =	vld [tilespmem:s26+$0x2090];
	v2 =	vpsel !p3, $0x0, v2;
	v5 =	vadd.f32 v6, v5  }
0x224: {  	v6 =	vld [tilespmem:s26+$0xA090];
	[tilespmem:s17+$0x124D0] =	vst v2  }
0x225: {  	v2 =	vld [tilespmem:s26+$0x20A0];
	v3 =	vadd.f32 v3, v8;
	v5 =	vpsel !p3, $0x0, v5  }
0x226: {  	p3 =	slt.s32 s30, s11;
	s30 =	smov.u32 s29;
	v8 =	vld [tilespmem:s26+$0xA0A0];
	[tilespmem:s17+$0x124E0] =	vst v5;
	s17 =	smov.u32 s26  }
0x227: {  	v4 =	vadd.f32 v4, v7;
	v5 =	vld [tilespmem:s17+$0x20B0];
	v3 =	vpsel !p3, $0x0, v3  }
0x228: {  	v7 =	vld [tilespmem:s17+$0xA0B0];
	[tilespmem:s17+$0x124F0] =	vst v3  }
0x229: {  	v3 =	vpsel !p3, $0x0, v4;
	v1 =	vadd.f32 v6, v1;
	v4 =	vld [tilespmem:s17+$0x20C0]  }
0x22a: {  	[tilespmem:s17+$0x12080] =	vst v3;
	v3 =	vld [tilespmem:s17+$0xA0C0]  }
0x22b: {  	v1 =	vpsel !p3, $0x0, v1;
	v2 =	vadd.f32 v8, v2;
	v6 =	vld [tilespmem:s17+$0x20D0]  }
0x22c: {  	[tilespmem:s17+$0x12090] =	vst v1;
	v1 =	vld [tilespmem:s17+$0xA0D0]  }
0x22d: {  	v2 =	vpsel !p3, $0x0, v2;
	v5 =	vadd.f32 v7, v5;
	v7 =	vld [tilespmem:s17+$0x20E0]  }
0x22e: {  	[tilespmem:s17+$0x120A0] =	vst v2;
	v2 =	vld [tilespmem:s17+$0xA0E0]  }
0x22f: {  	v5 =	vpsel !p3, $0x0, v5;
	v3 =	vadd.f32 v3, v4;
	v4 =	vld [tilespmem:s17+$0x20F0]  }
0x230: {  	[tilespmem:s17+$0x120B0] =	vst v5;
	v5 =	vld [tilespmem:s17+$0xA0F0]  }
0x231: {  	v3 =	vpsel !p3, $0x0, v3;
	v1 =	vadd.f32 v1, v6;
	v6 =	vld [tilespmem:s17+$0x2480]  }
0x232: {  	[tilespmem:s17+$0x120C0] =	vst v3;
	v3 =	vld [tilespmem:s17+$0xA480]  }
0x233: {  	v1 =	vpsel !p3, $0x0, v1;
	v2 =	vadd.f32 v2, v7;
	v7 =	vld [tilespmem:s17+$0x2490]  }
0x234: {  	[tilespmem:s17+$0x120D0] =	vst v1;
	v1 =	vld [tilespmem:s17+$0xA490]  }
0x235: {  	v2 =	vpsel !p3, $0x0, v2;
	v4 =	vadd.f32 v5, v4;
	v5 =	vld [tilespmem:s17+$0x24A0]  }
0x236: {  	[tilespmem:s17+$0x120E0] =	vst v2;
	v2 =	vld [tilespmem:s17+$0xA4A0]  }
0x237: {  	v4 =	vpsel !p3, $0x0, v4;
	v3 =	vadd.f32 v3, v6;
	v6 =	vld [tilespmem:s17+$0x24B0]  }
0x238: {  	[tilespmem:s17+$0x120F0] =	vst v4;
	v8 =	vld [tilespmem:s17+$0xA4B0]  }
0x239: {  	v3 =	vpsel !p3, $0x0, v3;
	v4 =	vadd.f32 v1, v7;
	v1 =	vld [tilespmem:s17+$0x24C0]  }
.Ltmp16:
0x23a: {  	[tilespmem:s17+$0x12480] =	vst v3;
	v3 =	vld [tilespmem:s17+$0xA4C0];
	(pc) =	sbr.rel @p4 .LBB2_20-.Ltmp16, $4  }
0x23b: {  	v4 =	vpsel !p3, $0x0, v4;
	v5 =	vadd.f32 v2, v5;
	v2 =	vld [tilespmem:s17+$0x24D0]  }
0x23c: {  	s20 =	sadd.s32 $0x80, s20;
	s24 =	sadd.s32 $0x100, s24;
	[tilespmem:s17+$0x12490] =	vst v4;
	v4 =	vld [tilespmem:s17+$0xA4D0]  }
0x23d: {  	s21 =	sand.u32 $0x380, s20;
	s26 =	sand.u32 $0x1800, s24;
	v9 =	vpsel !p3, $0x0, v5;
	v7 =	vadd.f32 v8, v6;
	v5 =	vld [tilespmem:s17+$0x24E0]  }
0x23e: {  	s29 =	sadd.s32 $0x1, s29;
	s26 =	sor.u32 s21, s26;
	[tilespmem:s17+$0x124A0] =	vst v9;
	v6 =	vld [tilespmem:s17+$0xA4E0]  }
0x23f: {  	v8 =	vld [tilespmem:s26+$0x24F0];
	v7 =	vpsel !p3, $0x0, v7;
	v1 =	vadd.f32 v3, v1  }
0x240: {  	v9 =	vld [tilespmem:s26+$0xA4F0];
	[tilespmem:s17+$0x124B0] =	vst v7  }
0x241: {  	v3 =	vld [tilespmem:s26+$0x2080];
	v1 =	vpsel !p3, $0x0, v1;
	v2 =	vadd.f32 v4, v2  }
0x242: {  	v7 =	vld [tilespmem:s26+$0xA080];
	[tilespmem:s17+$0x124C0] =	vst v1  }
0x243: {  	v1 =	vld [tilespmem:s26+$0x2090];
	v2 =	vpsel !p3, $0x0, v2;
	v5 =	vadd.f32 v6, v5  }
0x244: {  	v47 =	vld [tilespmem:s26+$0xA090];
	[tilespmem:s17+$0x124D0] =	vst v2  }
0x245: {  	v2 =	vld [tilespmem:s26+$0x20A0];
	v5 =	vpsel !p3, $0x0, v5  }
0x246: {  	v48 =	vld [tilespmem:s26+$0xA0A0];
	[tilespmem:s17+$0x124E0] =	vst v5  }
0x247: {  	v5 =	vld [tilespmem:s26+$0x20B0]  }
0x248: {  	v50 =	vld [tilespmem:s26+$0xA0B0]  }
0x249: {  	v3 =	vadd.f32 v7, v3;
	v51 =	vld [tilespmem:s26+$0x20C0]  }
0x24a: {  	p6 =	slt.s32 s30, s11;
	v52 =	vld [tilespmem:s26+$0x20D0];
	v1 =	vadd.f32 v47, v1  }
0x24b: {  	v53 =	vld [tilespmem:s26+$0x20E0];
	v3 =	vpsel !p6, $0x0, v3;
	v2 =	vadd.f32 v48, v2  }
0x24c: {  	[tilespmem:s26+$0x12080] =	vst v3;
	v3 =	vld [tilespmem:s26+$0xA0C0];
	v1 =	vpsel !p6, $0x0, v1  }
0x24d: {  	[tilespmem:s26+$0x12090] =	vst v1;
	v1 =	vld [tilespmem:s26+$0xA0D0];
	v2 =	vpsel !p6, $0x0, v2  }
0x24e: {  	[tilespmem:s26+$0x120A0] =	vst v2;
	v2 =	vld [tilespmem:s26+$0xA0E0]  }
0x24f: {  	v54 =	vld [tilespmem:s26+$0x20F0]  }
0x250: {  	v55 =	vld [tilespmem:s26+$0xA0F0]  }
0x251: {  	v56 =	vld [tilespmem:s26+$0x2480];
	v3 =	vadd.f32 v3, v51  }
0x252: {  	v57 =	vld [tilespmem:s26+$0x2490];
	v1 =	vadd.f32 v1, v52  }
0x253: {  	v58 =	vld [tilespmem:s26+$0x24A0];
	v3 =	vpsel !p6, $0x0, v3;
	v2 =	vadd.f32 v2, v53  }
0x254: {  	[tilespmem:s26+$0x120C0] =	vst v3;
	v3 =	vld [tilespmem:s26+$0xA480];
	v1 =	vpsel !p6, $0x0, v1  }
0x255: {  	[tilespmem:s26+$0x120D0] =	vst v1;
	v1 =	vld [tilespmem:s26+$0xA490];
	v2 =	vpsel !p6, $0x0, v2  }
0x256: {  	[tilespmem:s26+$0x120E0] =	vst v2;
	v2 =	vld [tilespmem:s26+$0xA4A0]  }
0x257: {  	v59 =	vld [tilespmem:s26+$0x24B0]  }
0x258: {  	v60 =	vld [tilespmem:s26+$0xA4B0];
	v5 =	vadd.f32 v50, v5  }
0x259: {  	v61 =	vld [tilespmem:s26+$0x24C0];
	v3 =	vadd.f32 v3, v56  }
0x25a: {  	v62 =	vld [tilespmem:s26+$0x24D0];
	v5 =	vpsel !p6, $0x0, v5;
	v1 =	vadd.f32 v1, v57  }
0x25b: {  	v63 =	vld [tilespmem:s26+$0x24E0];
	[tilespmem:s26+$0x120B0] =	vst v5;
	v3 =	vpsel !p6, $0x0, v3;
	v2 =	vadd.f32 v2, v58  }
0x25c: {  	[tilespmem:s26+$0x12480] =	vst v3;
	v3 =	vld [tilespmem:s26+$0xA4C0];
	v1 =	vpsel !p6, $0x0, v1  }
0x25d: {  	v5 =	vadd.f32 v55, v54;
	[tilespmem:s26+$0x12490] =	vst v1;
	v1 =	vld [tilespmem:s26+$0xA4D0];
	v2 =	vpsel !p6, $0x0, v2  }
0x25e: {  	[tilespmem:s26+$0x124A0] =	vst v2;
	v2 =	vld [tilespmem:s26+$0xA4E0]  }
0x25f: {  	v8 =	vadd.f32 v9, v8;
	v5 =	vpsel !p6, $0x0, v5  }
0x260: {  	[tilespmem:s26+$0x120F0] =	vst v5;
	v5 =	vadd.f32 v60, v59  }
0x261: {  	v49 =	vpsel !p6, $0x0, v8;
	v3 =	vadd.f32 v3, v61  }
0x262: {  	[tilespmem:s26+$0x124F0] =	vst v49;
	v5 =	vpsel !p6, $0x0, v5;
	v1 =	vadd.f32 v1, v62  }
0x263: {  	[tilespmem:s26+$0x124B0] =	vst v5;
	v3 =	vpsel !p6, $0x0, v3;
	v2 =	vadd.f32 v2, v63  }
0x264: {  	[tilespmem:s26+$0x124C0] =	vst v3;
	v1 =	vpsel !p6, $0x0, v1  }
0x265: {  	[tilespmem:s26+$0x124D0] =	vst v1;
	v1 =	vpsel !p6, $0x0, v2  }
0x266: {  	s21 =	simm.s32 $0x10080;
	s30 =	simm.s32 $0x18080;
	[tilespmem:s26+$0x124E0] =	vst v1  }
.LBB2_22:
0x267: {  	s11 =	simm.s32 $0x12080  }
0x268: {  	[hbm4b:s8+s5] =	stream.linear.scatter [tilespmem:s11], [sflag:$0x6], $0x2000, $0x38;
	[tilespmem:$0x1A080] =	vst v63  }
.LBB2_24:
0x269: {  	v1 =	vld [tilespmem:s10+$0x0];
	_ =	sdelay $0x4  }
0x26a: {  	(v2sf) =	vpush v1, $0x0;
	_ =	sdelay $0xe  }
0x26b: {  	s8 =	sxor.u32 $0x7E0, s18;
	s11 =	spop (v2sf)  }
0x26c: {  	s11 =	ssub.s32 s11, s8  }
0x26d: {  	p3 =	slt.s32 @!p2 s11, $0x1  }
0x26e: {  	p3 =	por p3, p2  }
0x26f: {  	s10 =	sshll.u32 @!p3 s10, $0x10;
	s8 =	sshll.u32 @!p3 s8, $0x5  }
0x270: {  	s8 =	sor.u32 @!p3 s10, s8  }
0x271: {  	s11 =	simm.s32 @!p3 $0x0;
	s17 =	simm.s32 @!p3 $0x2080;
	s10 =	sadd.s32 @!p3 s1, s8  }
0x272: {  	[tilespmem:s17], [sflag:$0x2] =	stream.linear.gather @!p3 [hbm4b:s10+s11], $0x2000, $0x38;
	[tilespmem:$0x1A080] =	vst v63  }
0x273: {  	s8 =	sadd.s32 @!p3 s2, s8;
	s10 =	simm.s32 @!p3 $0xA080  }
0x274: {  	[tilespmem:s10], [sflag:$0x2] =	stream.linear.gather @!p3 [hbm4b:s8+s11], $0x2000, $0x38;
	[tilespmem:$0x1A080] =	vst v63  }
0x275: {  	v1 =	vld [tilespmem:s3+$0x0];
	_ =	sdelay $0x4  }
0x276: {  	(v2sf) =	vpush v1, $0x0;
	_ =	sdelay $0xe  }
0x277: {  	s26 =	spop (v2sf)  }
0x278: {  	p3 =	sgt.s32 s16, $0x0;
	s8 =	simm.s32 $0x1;
	s11 =	ssub.s32 s26, s13  }
0x279: {  	s8 =	simm.s32 @!p3 $0x0;
	p3 =	slt.s32 s11, $0x1  }
.Ltmp17:
0x27a: {  	_ = 	snop;
	(pc) =	sbr.rel @p3 .LBB2_33-.Ltmp17, $4  }
0x27b: {  	_ = 	snop  }
0x27c: {  	s29 =	sor.u32 s14, s13;
	s12 =	sor.u32 s8, s12  }
0x27d: {  	s10 =	sshll.u32 s29, $0x5;
	s8 =	sor.u32 $0x2, s12  }
0x27e: {  	s10 =	sadd.s32 s4, s10;
	s8 =	smov.u32 @p1 s12  }
0x27f: {  	_ =	swait.ge [sflag:s25], $0x2000  }
0x280: {  	[sflag:s25] =	ssyncset.done $0x0  }
0x281: {  	[sflag:s25] =	ssyncadd.s32 $0xFFFFE000  }
0x282: {  	s12 =	sand.u32 $0x4, s8;
	p5 =	slt.u32 s11, $0x20;
	_ =	swait.ge [sflag:s25], $0x2000  }
.Ltmp18:
0x283: {  	p4 =	seq.s32 s12, $0x0;
	[sflag:s25] =	ssyncset.done $0x0;
	(pc) =	sbr.rel @p5 .LBB2_29-.Ltmp18, $4  }
0x284: {  	s12 =	simm.s32 @!p4 $0x7;
	[sflag:s25] =	ssyncadd.s32 $0xFFFFE000  }
0x285: {  	_ =	swait.ge @!p4 [sflag:s12], $0x2000  }
0x286: {  	[sflag:s12] =	ssyncset.done @!p4 $0x0  }
0x287: {  	[sflag:s12] =	ssyncadd.s32 @!p4 $0xFFFFE000;
	s12 =	simm.s32 $0x0  }
0x288: {  	s11 =	sand.u32 $0x1800, s12;
	s29 =	sand.u32 $0x380, s12  }
0x289: {  	s11 =	sor.u32 s29, s11  }
0x28a: {  	v1 =	vld [tilespmem:s11+$0x44F0]  }
0x28b: {  	v2 =	vld [tilespmem:s11+$0xC4F0]  }
0x28c: {  	v3 =	vld [tilespmem:s11+$0x4080]  }
0x28d: {  	v4 =	vld [tilespmem:s11+$0xC080]  }
0x28e: {  	v5 =	vld [tilespmem:s11+$0x4090]  }
0x28f: {  	v6 =	vld [tilespmem:s11+$0xC090]  }
0x290: {  	v7 =	vld [tilespmem:s11+$0x40A0]  }
0x291: {  	v8 =	vld [tilespmem:s11+$0x40B0];
	v1 =	vadd.f32 v2, v1  }
0x292: {  	v2 =	vld [tilespmem:s11+$0xC0A0]  }
0x293: {  	v3 =	vadd.f32 v4, v3;
	[tilespmem:s11+$0x144F0] =	vst v1;
	v1 =	vld [tilespmem:s11+$0xC0B0]  }
0x294: {  	v4 =	vld [tilespmem:s11+$0x40C0]  }
0x295: {  	[tilespmem:s11+$0x14080] =	vst v3;
	v3 =	vadd.f32 v6, v5;
	v5 =	vld [tilespmem:s11+$0xC0C0]  }
0x296: {  	v6 =	vld [tilespmem:s11+$0xC0D0]  }
0x297: {  	[tilespmem:s11+$0x14090] =	vst v3;
	v3 =	vld [tilespmem:s11+$0x40D0];
	v2 =	vadd.f32 v2, v7  }
0x298: {  	v7 =	vld [tilespmem:s11+$0xC0E0];
	v1 =	vadd.f32 v1, v8  }
0x299: {  	[tilespmem:s11+$0x140A0] =	vst v2;
	v2 =	vld [tilespmem:s11+$0x40E0]  }
0x29a: {  	[tilespmem:s11+$0x140B0] =	vst v1;
	v1 =	vadd.f32 v5, v4;
	v4 =	vld [tilespmem:s11+$0x40F0]  }
0x29b: {  	v5 =	vld [tilespmem:s11+$0xC0F0]  }
0x29c: {  	[tilespmem:s11+$0x140C0] =	vst v1;
	v1 =	vadd.f32 v6, v3;
	v3 =	vld [tilespmem:s11+$0x4480]  }
0x29d: {  	v6 =	vld [tilespmem:s11+$0xC480]  }
0x29e: {  	[tilespmem:s11+$0x140D0] =	vst v1;
	v1 =	vadd.f32 v7, v2;
	v2 =	vld [tilespmem:s11+$0x4490]  }
0x29f: {  	v7 =	vld [tilespmem:s11+$0xC490]  }
0x2a0: {  	[tilespmem:s11+$0x140E0] =	vst v1;
	v1 =	vadd.f32 v5, v4;
	v4 =	vld [tilespmem:s11+$0x44A0]  }
0x2a1: {  	v5 =	vld [tilespmem:s11+$0xC4A0]  }
0x2a2: {  	v8 =	vld [tilespmem:s11+$0xC4B0]  }
0x2a3: {  	[tilespmem:s11+$0x140F0] =	vst v1;
	v1 =	vadd.f32 v6, v3;
	v6 =	vld [tilespmem:s11+$0x44B0]  }
0x2a4: {  	v3 =	vld [tilespmem:s11+$0xC4C0];
	v2 =	vadd.f32 v7, v2  }
0x2a5: {  	[tilespmem:s11+$0x14480] =	vst v1;
	v1 =	vld [tilespmem:s11+$0x44C0]  }
0x2a6: {  	[tilespmem:s11+$0x14490] =	vst v2;
	v5 =	vadd.f32 v5, v4;
	v2 =	vld [tilespmem:s11+$0x44D0]  }
0x2a7: {  	s13 =	simm.s32 $0x100;
	s12 =	simm.s32 $0x80;
	v4 =	vld [tilespmem:s11+$0xC4D0]  }
0x2a8: {  	s13 =	sand.u32 $0x1800, s13;
	s14 =	sand.u32 $0x380, s12;
	[tilespmem:s11+$0x144A0] =	vst v5;
	v5 =	vld [tilespmem:s11+$0x44E0];
	v7 =	vadd.f32 v8, v6  }
0x2a9: {  	s14 =	sor.u32 s14, s13;
	s13 =	simm.s32 $0x200;
	v6 =	vld [tilespmem:s11+$0xC4E0]  }
.LBB2_27:
0x2aa: {  	p4 =	seq.s32 s13, $0x1F00;
	v8 =	vld [tilespmem:s14+$0x44F0];
	[tilespmem:s11+$0x144B0] =	vst v7;
	v1 =	vadd.f32 v3, v1  }
0x2ab: {  	v3 =	vld [tilespmem:s14+$0xC4F0]  }
0x2ac: {  	v7 =	vld [tilespmem:s14+$0x4080];
	[tilespmem:s11+$0x144C0] =	vst v1;
	v1 =	vadd.f32 v4, v2  }
0x2ad: {  	v2 =	vld [tilespmem:s14+$0xC080]  }
0x2ae: {  	v4 =	vld [tilespmem:s14+$0x4090];
	[tilespmem:s11+$0x144D0] =	vst v1;
	v1 =	vadd.f32 v6, v5  }
0x2af: {  	v5 =	vld [tilespmem:s14+$0xC090]  }
0x2b0: {  	v6 =	vld [tilespmem:s14+$0x40A0];
	v3 =	vadd.f32 v3, v8;
	[tilespmem:s11+$0x144E0] =	vst v1;
	s11 =	smov.u32 s14  }
0x2b1: {  	v1 =	vld [tilespmem:s11+$0xC0A0]  }
0x2b2: {  	v2 =	vadd.f32 v2, v7;
	v7 =	vld [tilespmem:s11+$0x40B0];
	[tilespmem:s11+$0x144F0] =	vst v3  }
0x2b3: {  	v3 =	vld [tilespmem:s11+$0xC0B0]  }
0x2b4: {  	[tilespmem:s11+$0x14080] =	vst v2;
	v2 =	vadd.f32 v5, v4;
	v4 =	vld [tilespmem:s11+$0x40C0]  }
0x2b5: {  	v5 =	vld [tilespmem:s11+$0xC0C0]  }
0x2b6: {  	[tilespmem:s11+$0x14090] =	vst v2;
	v1 =	vadd.f32 v1, v6;
	v2 =	vld [tilespmem:s11+$0x40D0]  }
0x2b7: {  	v6 =	vld [tilespmem:s11+$0xC0D0]  }
0x2b8: {  	[tilespmem:s11+$0x140A0] =	vst v1;
	v1 =	vadd.f32 v3, v7;
	v3 =	vld [tilespmem:s11+$0x40E0]  }
0x2b9: {  	v7 =	vld [tilespmem:s11+$0xC0E0]  }
0x2ba: {  	[tilespmem:s11+$0x140B0] =	vst v1;
	v1 =	vadd.f32 v5, v4;
	v4 =	vld [tilespmem:s11+$0x40F0]  }
0x2bb: {  	v5 =	vld [tilespmem:s11+$0xC0F0]  }
0x2bc: {  	[tilespmem:s11+$0x140C0] =	vst v1;
	v1 =	vadd.f32 v6, v2;
	v2 =	vld [tilespmem:s11+$0x4480]  }
0x2bd: {  	v6 =	vld [tilespmem:s11+$0xC480]  }
0x2be: {  	[tilespmem:s11+$0x140D0] =	vst v1;
	v1 =	vadd.f32 v7, v3;
	v3 =	vld [tilespmem:s11+$0x4490]  }
0x2bf: {  	v7 =	vld [tilespmem:s11+$0xC490]  }
0x2c0: {  	[tilespmem:s11+$0x140E0] =	vst v1;
	v1 =	vadd.f32 v5, v4;
	v4 =	vld [tilespmem:s11+$0x44A0]  }
0x2c1: {  	v5 =	vld [tilespmem:s11+$0xC4A0]  }
0x2c2: {  	[tilespmem:s11+$0x140F0] =	vst v1;
	v1 =	vadd.f32 v6, v2;
	v6 =	vld [tilespmem:s11+$0x44B0]  }
0x2c3: {  	v8 =	vld [tilespmem:s11+$0xC4B0]  }
0x2c4: {  	[tilespmem:s11+$0x14480] =	vst v1;
	v2 =	vadd.f32 v7, v3;
	v1 =	vld [tilespmem:s11+$0x44C0]  }
.Ltmp19:
0x2c5: {  	v3 =	vld [tilespmem:s11+$0xC4C0];
	(pc) =	sbr.rel @!p4 .LBB2_27-.Ltmp19, $4  }
0x2c6: {  	[tilespmem:s11+$0x14490] =	vst v2;
	v5 =	vadd.f32 v5, v4;
	v2 =	vld [tilespmem:s11+$0x44D0]  }
0x2c7: {  	s12 =	sadd.s32 $0x80, s12;
	v4 =	vld [tilespmem:s11+$0xC4D0]  }
0x2c8: {  	s16 =	sand.u32 $0x380, s12;
	s14 =	sand.u32 $0x1800, s13;
	[tilespmem:s11+$0x144A0] =	vst v5;
	v7 =	vadd.f32 v8, v6;
	v5 =	vld [tilespmem:s11+$0x44E0]  }
0x2c9: {  	s13 =	sadd.s32 $0x100, s13;
	s14 =	sor.u32 s16, s14;
	v6 =	vld [tilespmem:s11+$0xC4E0]  }
0x2ca: {  	v8 =	vld [tilespmem:s14+$0x44F0];
	[tilespmem:s11+$0x144B0] =	vst v7;
	v1 =	vadd.f32 v3, v1  }
0x2cb: {  	v3 =	vld [tilespmem:s14+$0xC4F0]  }
0x2cc: {  	v7 =	vld [tilespmem:s14+$0x4080];
	[tilespmem:s11+$0x144C0] =	vst v1;
	v1 =	vadd.f32 v4, v2  }
0x2cd: {  	v2 =	vld [tilespmem:s14+$0xC080]  }
0x2ce: {  	v45 =	vld [tilespmem:s14+$0x4090];
	[tilespmem:s11+$0x144D0] =	vst v1;
	v1 =	vadd.f32 v6, v5  }
0x2cf: {  	v46 =	vld [tilespmem:s14+$0xC090]  }
0x2d0: {  	v47 =	vld [tilespmem:s14+$0x40A0];
	[tilespmem:s11+$0x144E0] =	vst v1  }
0x2d1: {  	v1 =	vadd.f32 v3, v8;
	v3 =	vld [tilespmem:s14+$0xC0A0]  }
0x2d2: {  	v48 =	vld [tilespmem:s14+$0x40B0]  }
0x2d3: {  	v49 =	vld [tilespmem:s14+$0x40C0]  }
0x2d4: {  	v2 =	vadd.f32 v2, v7;
	[tilespmem:s14+$0x144F0] =	vst v1;
	v1 =	vld [tilespmem:s14+$0xC0B0]  }
0x2d5: {  	v50 =	vld [tilespmem:s14+$0xC0C0]  }
0x2d6: {  	v51 =	vld [tilespmem:s14+$0xC0D0];
	[tilespmem:s14+$0x14080] =	vst v2;
	v2 =	vadd.f32 v46, v45  }
0x2d7: {  	v52 =	vld [tilespmem:s14+$0xC0E0]  }
0x2d8: {  	[tilespmem:s14+$0x14090] =	vst v2;
	v2 =	vadd.f32 v3, v47;
	v3 =	vld [tilespmem:s14+$0x40D0]  }
0x2d9: {  	v53 =	vld [tilespmem:s14+$0x40F0];
	v1 =	vadd.f32 v1, v48  }
0x2da: {  	[tilespmem:s14+$0x140A0] =	vst v2;
	v2 =	vld [tilespmem:s14+$0x40E0]  }
0x2db: {  	v54 =	vld [tilespmem:s14+$0xC0F0];
	[tilespmem:s14+$0x140B0] =	vst v1;
	v1 =	vadd.f32 v50, v49  }
0x2dc: {  	v55 =	vld [tilespmem:s14+$0xC480]  }
0x2dd: {  	v56 =	vld [tilespmem:s14+$0xC490];
	[tilespmem:s14+$0x140C0] =	vst v1;
	v1 =	vadd.f32 v51, v3  }
0x2de: {  	v3 =	vld [tilespmem:s14+$0x4480]  }
0x2df: {  	v57 =	vld [tilespmem:s14+$0x44A0];
	[tilespmem:s14+$0x140D0] =	vst v1;
	v1 =	vadd.f32 v52, v2  }
0x2e0: {  	v2 =	vld [tilespmem:s14+$0x4490]  }
0x2e1: {  	v58 =	vld [tilespmem:s14+$0xC4A0];
	[tilespmem:s14+$0x140E0] =	vst v1;
	v1 =	vadd.f32 v54, v53  }
0x2e2: {  	v59 =	vld [tilespmem:s14+$0xC4B0]  }
0x2e3: {  	v60 =	vld [tilespmem:s14+$0xC4C0];
	[tilespmem:s14+$0x140F0] =	vst v1;
	v1 =	vadd.f32 v55, v3  }
0x2e4: {  	v61 =	vld [tilespmem:s14+$0x44D0]  }
0x2e5: {  	v62 =	vld [tilespmem:s14+$0xC4D0];
	[tilespmem:s14+$0x14480] =	vst v1;
	v1 =	vadd.f32 v56, v2  }
0x2e6: {  	v3 =	vld [tilespmem:s14+$0x44B0]  }
0x2e7: {  	v2 =	vld [tilespmem:s14+$0x44C0];
	[tilespmem:s14+$0x14490] =	vst v1;
	v1 =	vadd.f32 v58, v57  }
0x2e8: {  	v63 =	vld [tilespmem:s14+$0xC4E0]  }
0x2e9: {  	[tilespmem:s14+$0x144A0] =	vst v1;
	v1 =	vld [tilespmem:s14+$0x44E0];
	_ =	sdelay $0x1  }
0x2ea: {  	v3 =	vadd.f32 v59, v3  }
.Ltmp20:
0x2eb: {  	v2 =	vadd.f32 v60, v2;
	(pc) =	sbr.rel .LBB2_32-.Ltmp20, $4  }
0x2ec: {  	[tilespmem:s14+$0x144B0] =	vst v3;
	v3 =	vadd.f32 v62, v61  }
0x2ed: {  	[tilespmem:s14+$0x144C0] =	vst v2;
	v1 =	vadd.f32 v63, v1  }
0x2ee: {  	[tilespmem:s14+$0x144D0] =	vst v3  }
0x2ef: {  	[tilespmem:s14+$0x144E0] =	vst v1  }
.LBB2_33:
.Ltmp21:
0x2f0: {  	(pc) =	sbr.rel .LBB2_34-.Ltmp21, $2  }
0x2f1: {  	_ =	sdelay $0x2  }
0x2f2: {  	[hbm4b:s10+s5] =	stream.linear.scatter [tilespmem:s30], [sflag:$0x9], $0x2000, $0x38;
	[tilespmem:$0x1A080] =	vst v63  }
.LBB2_29:
0x2f3: {  	s13 =	sand.u32 $0x1800, s12;
	s29 =	sand.u32 $0x380, s12  }
0x2f4: {  	s12 =	sor.u32 s29, s13  }
0x2f5: {  	v1 =	vld [tilespmem:s12+$0x44F0]  }
0x2f6: {  	v2 =	vld [tilespmem:s12+$0xC4F0]  }
0x2f7: {  	v3 =	vld [tilespmem:s12+$0x4080]  }
0x2f8: {  	v4 =	vld [tilespmem:s12+$0xC080]  }
0x2f9: {  	v5 =	vld [tilespmem:s12+$0x4090]  }
0x2fa: {  	v6 =	vld [tilespmem:s12+$0xC090]  }
0x2fb: {  	v7 =	vld [tilespmem:s12+$0x40A0]  }
0x2fc: {  	v8 =	vld [tilespmem:s12+$0x40B0]  }
0x2fd: {  	v1 =	vadd.f32 v2, v1;
	v2 =	vld [tilespmem:s12+$0xC0A0]  }
0x2fe: {  	p4 =	sgt.s32 s11, $0x0;
	v3 =	vadd.f32 v4, v3;
	v4 =	vld [tilespmem:s12+$0xC0B0]  }
0x2ff: {  	v5 =	vadd.f32 v6, v5;
	v6 =	vld [tilespmem:s12+$0x40D0];
	v1 =	vpsel !p4, $0x0, v1  }
0x300: {  	[tilespmem:s12+$0x144F0] =	vst v1;
	v1 =	vpsel !p4, $0x0, v3;
	v3 =	vld [tilespmem:s12+$0x40C0]  }
0x301: {  	v5 =	vpsel !p4, $0x0, v5;
	[tilespmem:s12+$0x14080] =	vst v1;
	v1 =	vld [tilespmem:s12+$0xC0C0]  }
0x302: {  	[tilespmem:s12+$0x14090] =	vst v5;
	v5 =	vld [tilespmem:s12+$0xC0D0];
	v2 =	vadd.f32 v2, v7  }
0x303: {  	v7 =	vld [tilespmem:s12+$0x40E0];
	v4 =	vadd.f32 v4, v8  }
0x304: {  	v8 =	vld [tilespmem:s12+$0x40F0];
	v2 =	vpsel !p4, $0x0, v2  }
0x305: {  	v4 =	vpsel !p4, $0x0, v4;
	[tilespmem:s12+$0x140A0] =	vst v2;
	v2 =	vld [tilespmem:s12+$0xC0E0]  }
0x306: {  	[tilespmem:s12+$0x140B0] =	vst v4;
	v4 =	vld [tilespmem:s12+$0x4480];
	v1 =	vadd.f32 v1, v3  }
0x307: {  	v5 =	vadd.f32 v5, v6;
	v3 =	vld [tilespmem:s12+$0xC0F0]  }
0x308: {  	v6 =	vld [tilespmem:s12+$0x4490];
	v1 =	vpsel !p4, $0x0, v1  }
0x309: {  	v5 =	vpsel !p4, $0x0, v5;
	[tilespmem:s12+$0x140C0] =	vst v1;
	v1 =	vld [tilespmem:s12+$0xC480]  }
0x30a: {  	[tilespmem:s12+$0x140D0] =	vst v5;
	v5 =	vld [tilespmem:s12+$0xC490]  }
0x30b: {  	v2 =	vadd.f32 v2, v7;
	v7 =	vld [tilespmem:s12+$0x44A0]  }
0x30c: {  	v3 =	vadd.f32 v3, v8;
	v8 =	vld [tilespmem:s12+$0xC4A0]  }
0x30d: {  	v9 =	vld [tilespmem:s12+$0x44B0]  }
0x30e: {  	v10 =	vld [tilespmem:s12+$0xC4B0];
	v2 =	vpsel !p4, $0x0, v2;
	v1 =	vadd.f32 v1, v4  }
0x30f: {  	[tilespmem:s12+$0x140E0] =	vst v2;
	v2 =	vpsel !p4, $0x0, v3;
	v3 =	vld [tilespmem:s12+$0xC4C0];
	v4 =	vadd.f32 v5, v6  }
0x310: {  	[tilespmem:s12+$0x140F0] =	vst v2;
	v2 =	vpsel !p4, $0x0, v1;
	v1 =	vld [tilespmem:s12+$0x44C0]  }
0x311: {  	v4 =	vpsel !p4, $0x0, v4;
	v5 =	vadd.f32 v8, v7;
	[tilespmem:s12+$0x14480] =	vst v2;
	v2 =	vld [tilespmem:s12+$0x44D0]  }
0x312: {  	s14 =	simm.s32 $0x80;
	s16 =	simm.s32 $0x100;
	[tilespmem:s12+$0x14490] =	vst v4;
	v4 =	vld [tilespmem:s12+$0xC4D0]  }
0x313: {  	s17 =	sand.u32 $0x1800, s16;
	s18 =	sand.u32 $0x380, s14;
	v7 =	vadd.f32 v10, v9;
	v6 =	vpsel !p4, $0x0, v5;
	v5 =	vld [tilespmem:s12+$0x44E0]  }
0x314: {  	s13 =	simm.s32 $0x1;
	s17 =	sor.u32 s18, s17;
	s18 =	simm.s32 $0x2;
	[tilespmem:s12+$0x144A0] =	vst v6;
	v6 =	vld [tilespmem:s12+$0xC4E0]  }
.LBB2_30:
0x315: {  	p5 =	sne.s32 s18, $0x1F;
	v8 =	vld [tilespmem:s17+$0x44F0];
	v7 =	vpsel !p4, $0x0, v7;
	v1 =	vadd.f32 v3, v1  }
0x316: {  	v3 =	vld [tilespmem:s17+$0xC4F0];
	[tilespmem:s12+$0x144B0] =	vst v7  }
0x317: {  	v7 =	vld [tilespmem:s17+$0x4080];
	v1 =	vpsel !p4, $0x0, v1;
	v2 =	vadd.f32 v4, v2  }
0x318: {  	v4 =	vld [tilespmem:s17+$0xC080];
	[tilespmem:s12+$0x144C0] =	vst v1  }
0x319: {  	v1 =	vld [tilespmem:s17+$0x4090];
	v2 =	vpsel !p4, $0x0, v2;
	v5 =	vadd.f32 v6, v5  }
0x31a: {  	v6 =	vld [tilespmem:s17+$0xC090];
	[tilespmem:s12+$0x144D0] =	vst v2  }
0x31b: {  	v2 =	vld [tilespmem:s17+$0x40A0];
	v3 =	vadd.f32 v3, v8;
	v5 =	vpsel !p4, $0x0, v5  }
0x31c: {  	p4 =	slt.s32 s13, s11;
	s13 =	smov.u32 s18;
	v8 =	vld [tilespmem:s17+$0xC0A0];
	[tilespmem:s12+$0x144E0] =	vst v5;
	s12 =	smov.u32 s17  }
0x31d: {  	v4 =	vadd.f32 v4, v7;
	v5 =	vld [tilespmem:s12+$0x40B0];
	v3 =	vpsel !p4, $0x0, v3  }
0x31e: {  	v7 =	vld [tilespmem:s12+$0xC0B0];
	[tilespmem:s12+$0x144F0] =	vst v3  }
0x31f: {  	v3 =	vpsel !p4, $0x0, v4;
	v1 =	vadd.f32 v6, v1;
	v4 =	vld [tilespmem:s12+$0x40C0]  }
0x320: {  	[tilespmem:s12+$0x14080] =	vst v3;
	v3 =	vld [tilespmem:s12+$0xC0C0]  }
0x321: {  	v1 =	vpsel !p4, $0x0, v1;
	v2 =	vadd.f32 v8, v2;
	v6 =	vld [tilespmem:s12+$0x40D0]  }
0x322: {  	[tilespmem:s12+$0x14090] =	vst v1;
	v1 =	vld [tilespmem:s12+$0xC0D0]  }
0x323: {  	v2 =	vpsel !p4, $0x0, v2;
	v5 =	vadd.f32 v7, v5;
	v7 =	vld [tilespmem:s12+$0x40E0]  }
0x324: {  	[tilespmem:s12+$0x140A0] =	vst v2;
	v2 =	vld [tilespmem:s12+$0xC0E0]  }
0x325: {  	v5 =	vpsel !p4, $0x0, v5;
	v3 =	vadd.f32 v3, v4;
	v4 =	vld [tilespmem:s12+$0x40F0]  }
0x326: {  	[tilespmem:s12+$0x140B0] =	vst v5;
	v5 =	vld [tilespmem:s12+$0xC0F0]  }
0x327: {  	v3 =	vpsel !p4, $0x0, v3;
	v1 =	vadd.f32 v1, v6;
	v6 =	vld [tilespmem:s12+$0x4480]  }
0x328: {  	[tilespmem:s12+$0x140C0] =	vst v3;
	v3 =	vld [tilespmem:s12+$0xC480]  }
0x329: {  	v1 =	vpsel !p4, $0x0, v1;
	v2 =	vadd.f32 v2, v7;
	v7 =	vld [tilespmem:s12+$0x4490]  }
0x32a: {  	[tilespmem:s12+$0x140D0] =	vst v1;
	v1 =	vld [tilespmem:s12+$0xC490]  }
0x32b: {  	v2 =	vpsel !p4, $0x0, v2;
	v4 =	vadd.f32 v5, v4;
	v5 =	vld [tilespmem:s12+$0x44A0]  }
0x32c: {  	[tilespmem:s12+$0x140E0] =	vst v2;
	v2 =	vld [tilespmem:s12+$0xC4A0]  }
0x32d: {  	v4 =	vpsel !p4, $0x0, v4;
	v3 =	vadd.f32 v3, v6;
	v6 =	vld [tilespmem:s12+$0x44B0]  }
0x32e: {  	[tilespmem:s12+$0x140F0] =	vst v4;
	v8 =	vld [tilespmem:s12+$0xC4B0]  }
0x32f: {  	v3 =	vpsel !p4, $0x0, v3;
	v4 =	vadd.f32 v1, v7;
	v1 =	vld [tilespmem:s12+$0x44C0]  }
.Ltmp22:
0x330: {  	[tilespmem:s12+$0x14480] =	vst v3;
	v3 =	vld [tilespmem:s12+$0xC4C0];
	(pc) =	sbr.rel @p5 .LBB2_30-.Ltmp22, $4  }
0x331: {  	v4 =	vpsel !p4, $0x0, v4;
	v5 =	vadd.f32 v2, v5;
	v2 =	vld [tilespmem:s12+$0x44D0]  }
0x332: {  	s14 =	sadd.s32 $0x80, s14;
	s16 =	sadd.s32 $0x100, s16;
	[tilespmem:s12+$0x14490] =	vst v4;
	v4 =	vld [tilespmem:s12+$0xC4D0]  }
0x333: {  	s20 =	sand.u32 $0x380, s14;
	s17 =	sand.u32 $0x1800, s16;
	v9 =	vpsel !p4, $0x0, v5;
	v7 =	vadd.f32 v8, v6;
	v5 =	vld [tilespmem:s12+$0x44E0]  }
0x334: {  	s18 =	sadd.s32 $0x1, s18;
	s17 =	sor.u32 s20, s17;
	[tilespmem:s12+$0x144A0] =	vst v9;
	v6 =	vld [tilespmem:s12+$0xC4E0]  }
0x335: {  	v8 =	vld [tilespmem:s17+$0x44F0];
	v7 =	vpsel !p4, $0x0, v7;
	v1 =	vadd.f32 v3, v1  }
0x336: {  	v9 =	vld [tilespmem:s17+$0xC4F0];
	[tilespmem:s12+$0x144B0] =	vst v7  }
0x337: {  	v3 =	vld [tilespmem:s17+$0x4080];
	v1 =	vpsel !p4, $0x0, v1;
	v2 =	vadd.f32 v4, v2  }
0x338: {  	v7 =	vld [tilespmem:s17+$0xC080];
	[tilespmem:s12+$0x144C0] =	vst v1  }
0x339: {  	v1 =	vld [tilespmem:s17+$0x4090];
	v2 =	vpsel !p4, $0x0, v2;
	v5 =	vadd.f32 v6, v5  }
0x33a: {  	v47 =	vld [tilespmem:s17+$0xC090];
	[tilespmem:s12+$0x144D0] =	vst v2  }
0x33b: {  	v2 =	vld [tilespmem:s17+$0x40A0];
	v5 =	vpsel !p4, $0x0, v5  }
0x33c: {  	v48 =	vld [tilespmem:s17+$0xC0A0];
	[tilespmem:s12+$0x144E0] =	vst v5  }
0x33d: {  	v5 =	vld [tilespmem:s17+$0x40B0]  }
0x33e: {  	v50 =	vld [tilespmem:s17+$0xC0B0]  }
0x33f: {  	v3 =	vadd.f32 v7, v3;
	v51 =	vld [tilespmem:s17+$0x40C0]  }
0x340: {  	p6 =	slt.s32 s13, s11;
	v52 =	vld [tilespmem:s17+$0x40D0];
	v1 =	vadd.f32 v47, v1  }
0x341: {  	v53 =	vld [tilespmem:s17+$0x40E0];
	v3 =	vpsel !p6, $0x0, v3;
	v2 =	vadd.f32 v48, v2  }
0x342: {  	[tilespmem:s17+$0x14080] =	vst v3;
	v3 =	vld [tilespmem:s17+$0xC0C0];
	v1 =	vpsel !p6, $0x0, v1  }
0x343: {  	[tilespmem:s17+$0x14090] =	vst v1;
	v1 =	vld [tilespmem:s17+$0xC0D0];
	v2 =	vpsel !p6, $0x0, v2  }
0x344: {  	[tilespmem:s17+$0x140A0] =	vst v2;
	v2 =	vld [tilespmem:s17+$0xC0E0]  }
0x345: {  	v54 =	vld [tilespmem:s17+$0x40F0]  }
0x346: {  	v55 =	vld [tilespmem:s17+$0xC0F0]  }
0x347: {  	v56 =	vld [tilespmem:s17+$0x4480];
	v3 =	vadd.f32 v3, v51  }
0x348: {  	v57 =	vld [tilespmem:s17+$0x4490];
	v1 =	vadd.f32 v1, v52  }
0x349: {  	v58 =	vld [tilespmem:s17+$0x44A0];
	v3 =	vpsel !p6, $0x0, v3;
	v2 =	vadd.f32 v2, v53  }
0x34a: {  	[tilespmem:s17+$0x140C0] =	vst v3;
	v3 =	vld [tilespmem:s17+$0xC480];
	v1 =	vpsel !p6, $0x0, v1  }
0x34b: {  	[tilespmem:s17+$0x140D0] =	vst v1;
	v1 =	vld [tilespmem:s17+$0xC490];
	v2 =	vpsel !p6, $0x0, v2  }
0x34c: {  	[tilespmem:s17+$0x140E0] =	vst v2;
	v2 =	vld [tilespmem:s17+$0xC4A0]  }
0x34d: {  	v59 =	vld [tilespmem:s17+$0x44B0]  }
0x34e: {  	v60 =	vld [tilespmem:s17+$0xC4B0];
	v5 =	vadd.f32 v50, v5  }
0x34f: {  	v61 =	vld [tilespmem:s17+$0x44C0];
	v3 =	vadd.f32 v3, v56  }
0x350: {  	v62 =	vld [tilespmem:s17+$0x44D0];
	v5 =	vpsel !p6, $0x0, v5;
	v1 =	vadd.f32 v1, v57  }
0x351: {  	v63 =	vld [tilespmem:s17+$0x44E0];
	[tilespmem:s17+$0x140B0] =	vst v5;
	v3 =	vpsel !p6, $0x0, v3;
	v2 =	vadd.f32 v2, v58  }
0x352: {  	[tilespmem:s17+$0x14480] =	vst v3;
	v3 =	vld [tilespmem:s17+$0xC4C0];
	v1 =	vpsel !p6, $0x0, v1  }
0x353: {  	v5 =	vadd.f32 v55, v54;
	[tilespmem:s17+$0x14490] =	vst v1;
	v1 =	vld [tilespmem:s17+$0xC4D0];
	v2 =	vpsel !p6, $0x0, v2  }
0x354: {  	[tilespmem:s17+$0x144A0] =	vst v2;
	v2 =	vld [tilespmem:s17+$0xC4E0]  }
0x355: {  	v8 =	vadd.f32 v9, v8;
	v5 =	vpsel !p6, $0x0, v5  }
0x356: {  	[tilespmem:s17+$0x140F0] =	vst v5;
	v5 =	vadd.f32 v60, v59  }
0x357: {  	v49 =	vpsel !p6, $0x0, v8;
	v3 =	vadd.f32 v3, v61  }
0x358: {  	[tilespmem:s17+$0x144F0] =	vst v49;
	v5 =	vpsel !p6, $0x0, v5;
	v1 =	vadd.f32 v1, v62  }
0x359: {  	[tilespmem:s17+$0x144B0] =	vst v5;
	v3 =	vpsel !p6, $0x0, v3;
	v2 =	vadd.f32 v2, v63  }
0x35a: {  	[tilespmem:s17+$0x144C0] =	vst v3;
	v1 =	vpsel !p6, $0x0, v1  }
0x35b: {  	[tilespmem:s17+$0x144D0] =	vst v1;
	v1 =	vpsel !p6, $0x0, v2  }
0x35c: {  	[tilespmem:s17+$0x144E0] =	vst v1  }
.LBB2_32:
0x35d: {  	s11 =	simm.s32 $0x14080  }
0x35e: {  	[hbm4b:s10+s5] =	stream.linear.scatter [tilespmem:s11], [sflag:$0x7], $0x2000, $0x38;
	[tilespmem:$0x1A080] =	vst v63  }
.LBB2_34:
0x35f: {  	s10 =	sadd.s32 $0x6, s15  }
0x360: {  	s10 =	sshrl.u32 s10, $0x1  }
0x361: {  	s10 =	smin.u32 s10, $0xF  }
0x362: {  	v1 =	vld [tilespmem:s10+$0x0];
	_ =	sdelay $0x4  }
0x363: {  	(v2sf) =	vpush v1, $0x0;
	_ =	sdelay $0xc  }
0x364: {  	s11 =	sadd.s32 s6, s10  }
0x365: {  	s11 =	sshll.u32 s11, $0x6  }
0x366: {  	s11 =	sand.u32 $0x7C0, s11;
	s12 =	spop (v2sf)  }
0x367: {  	s12 =	ssub.s32 s12, s11  }
0x368: {  	p4 =	slt.s32 @!p2 s12, $0x1  }
0x369: {  	p2 =	por p4, p2  }
0x36a: {  	s10 =	sshll.u32 @!p2 s10, $0x10;
	s11 =	sshll.u32 @!p2 s11, $0x5  }
0x36b: {  	s10 =	sor.u32 @!p2 s10, s11  }
0x36c: {  	s12 =	simm.s32 @!p2 $0x0;
	s13 =	simm.s32 @!p2 $0x4080;
	s11 =	sadd.s32 @!p2 s1, s10  }
0x36d: {  	[tilespmem:s13], [sflag:$0x3] =	stream.linear.gather @!p2 [hbm4b:s11+s12], $0x2000, $0x38;
	[tilespmem:$0x1A080] =	vst v63  }
0x36e: {  	s10 =	sadd.s32 @!p2 s2, s10;
	s11 =	simm.s32 @!p2 $0xC080  }
0x36f: {  	[tilespmem:s11], [sflag:$0x3] =	stream.linear.gather @!p2 [hbm4b:s10+s12], $0x2000, $0x38;
	[tilespmem:$0x1A080] =	vst v63  }
0x370: {  	v1 =	vld [tilespmem:s3+$0x0];
	_ =	sdelay $0x4  }
0x371: {  	(v2sf) =	vpush v1, $0x0;
	_ =	sdelay $0xe  }
0x372: {  	s26 =	spop (v2sf)  }
0x373: {  	s10 =	ssub.s32 s26, s7  }
0x374: {  	p2 =	slt.s32 s10, $0x1  }
.Ltmp23:
0x375: {  	_ = 	snop;
	(pc) =	sbr.rel @p2 .LBB2_43-.Ltmp23, $3  }
0x376: {  	_ =	sdelay $0x1  }
0x377: {  	s29 =	sshll.u32 s9, $0x5;
	s3 =	sor.u32 $0x4, s8  }
0x378: {  	s3 =	smov.u32 @p3 s8;
	s7 =	sadd.s32 s4, s29  }
0x379: {  	_ =	swait.ge [sflag:s23], $0x2000  }
0x37a: {  	[sflag:s23] =	ssyncset.done $0x0  }
0x37b: {  	[sflag:s23] =	ssyncadd.s32 $0xFFFFE000  }
0x37c: {  	s8 =	sand.u32 $0x8, s3;
	_ =	swait.ge [sflag:s23], $0x2000  }
0x37d: {  	p5 =	slt.u32 s10, $0x20;
	p4 =	seq.s32 s8, $0x0;
	[sflag:s23] =	ssyncset.done $0x0  }
.Ltmp24:
0x37e: {  	s8 =	simm.s32 @!p4 $0x8;
	[sflag:s23] =	ssyncadd.s32 $0xFFFFE000;
	(pc) =	sbr.rel @p5 .LBB2_39-.Ltmp24, $4  }
0x37f: {  	_ =	swait.ge @!p4 [sflag:s8], $0x2000  }
0x380: {  	s29 =	simm.s32 $0x0;
	[sflag:s8] =	ssyncset.done @!p4 $0x0  }
0x381: {  	s9 =	sand.u32 $0x1800, s29;
	[sflag:s8] =	ssyncadd.s32 @!p4 $0xFFFFE000;
	s8 =	sand.u32 $0x380, s29  }
0x382: {  	s8 =	sor.u32 s8, s9  }
0x383: {  	v1 =	vld [tilespmem:s8+$0x64F0]  }
0x384: {  	v2 =	vld [tilespmem:s8+$0xE4F0]  }
0x385: {  	v3 =	vld [tilespmem:s8+$0x6080]  }
0x386: {  	v4 =	vld [tilespmem:s8+$0xE080]  }
0x387: {  	v5 =	vld [tilespmem:s8+$0x6090]  }
0x388: {  	v6 =	vld [tilespmem:s8+$0xE090]  }
0x389: {  	v7 =	vld [tilespmem:s8+$0x60A0]  }
0x38a: {  	v8 =	vld [tilespmem:s8+$0x60B0];
	v1 =	vadd.f32 v2, v1  }
0x38b: {  	v2 =	vld [tilespmem:s8+$0xE0A0]  }
0x38c: {  	v3 =	vadd.f32 v4, v3;
	[tilespmem:s8+$0x164F0] =	vst v1;
	v1 =	vld [tilespmem:s8+$0xE0B0]  }
0x38d: {  	v4 =	vld [tilespmem:s8+$0x60C0]  }
0x38e: {  	[tilespmem:s8+$0x16080] =	vst v3;
	v3 =	vadd.f32 v6, v5;
	v5 =	vld [tilespmem:s8+$0xE0C0]  }
0x38f: {  	v6 =	vld [tilespmem:s8+$0xE0D0]  }
0x390: {  	[tilespmem:s8+$0x16090] =	vst v3;
	v3 =	vld [tilespmem:s8+$0x60D0];
	v2 =	vadd.f32 v2, v7  }
0x391: {  	v7 =	vld [tilespmem:s8+$0xE0E0];
	v1 =	vadd.f32 v1, v8  }
0x392: {  	[tilespmem:s8+$0x160A0] =	vst v2;
	v2 =	vld [tilespmem:s8+$0x60E0]  }
0x393: {  	[tilespmem:s8+$0x160B0] =	vst v1;
	v1 =	vadd.f32 v5, v4;
	v4 =	vld [tilespmem:s8+$0x60F0]  }
0x394: {  	v5 =	vld [tilespmem:s8+$0xE0F0]  }
0x395: {  	[tilespmem:s8+$0x160C0] =	vst v1;
	v1 =	vadd.f32 v6, v3;
	v3 =	vld [tilespmem:s8+$0x6480]  }
0x396: {  	v6 =	vld [tilespmem:s8+$0xE480]  }
0x397: {  	[tilespmem:s8+$0x160D0] =	vst v1;
	v1 =	vadd.f32 v7, v2;
	v2 =	vld [tilespmem:s8+$0x6490]  }
0x398: {  	v7 =	vld [tilespmem:s8+$0xE490]  }
0x399: {  	[tilespmem:s8+$0x160E0] =	vst v1;
	v1 =	vadd.f32 v5, v4;
	v4 =	vld [tilespmem:s8+$0x64A0]  }
0x39a: {  	v5 =	vld [tilespmem:s8+$0xE4A0]  }
0x39b: {  	v8 =	vld [tilespmem:s8+$0xE4B0]  }
0x39c: {  	[tilespmem:s8+$0x160F0] =	vst v1;
	v1 =	vadd.f32 v6, v3;
	v6 =	vld [tilespmem:s8+$0x64B0]  }
0x39d: {  	v3 =	vld [tilespmem:s8+$0xE4C0];
	v2 =	vadd.f32 v7, v2  }
0x39e: {  	[tilespmem:s8+$0x16480] =	vst v1;
	v1 =	vld [tilespmem:s8+$0x64C0]  }
0x39f: {  	[tilespmem:s8+$0x16490] =	vst v2;
	v5 =	vadd.f32 v5, v4;
	v2 =	vld [tilespmem:s8+$0x64D0]  }
0x3a0: {  	s10 =	simm.s32 $0x100;
	s9 =	simm.s32 $0x80;
	v4 =	vld [tilespmem:s8+$0xE4D0]  }
0x3a1: {  	s10 =	sand.u32 $0x1800, s10;
	s11 =	sand.u32 $0x380, s9;
	[tilespmem:s8+$0x164A0] =	vst v5;
	v5 =	vld [tilespmem:s8+$0x64E0];
	v7 =	vadd.f32 v8, v6  }
0x3a2: {  	s11 =	sor.u32 s11, s10;
	s10 =	simm.s32 $0x200;
	v6 =	vld [tilespmem:s8+$0xE4E0]  }
.LBB2_37:
0x3a3: {  	p4 =	seq.s32 s10, $0x1F00;
	v8 =	vld [tilespmem:s11+$0x64F0];
	[tilespmem:s8+$0x164B0] =	vst v7;
	v1 =	vadd.f32 v3, v1  }
0x3a4: {  	v3 =	vld [tilespmem:s11+$0xE4F0]  }
0x3a5: {  	v7 =	vld [tilespmem:s11+$0x6080];
	[tilespmem:s8+$0x164C0] =	vst v1;
	v1 =	vadd.f32 v4, v2  }
0x3a6: {  	v2 =	vld [tilespmem:s11+$0xE080]  }
0x3a7: {  	v4 =	vld [tilespmem:s11+$0x6090];
	[tilespmem:s8+$0x164D0] =	vst v1;
	v1 =	vadd.f32 v6, v5  }
0x3a8: {  	v5 =	vld [tilespmem:s11+$0xE090]  }
0x3a9: {  	v6 =	vld [tilespmem:s11+$0x60A0];
	v3 =	vadd.f32 v3, v8;
	[tilespmem:s8+$0x164E0] =	vst v1;
	s8 =	smov.u32 s11  }
0x3aa: {  	v1 =	vld [tilespmem:s8+$0xE0A0]  }
0x3ab: {  	v2 =	vadd.f32 v2, v7;
	v7 =	vld [tilespmem:s8+$0x60B0];
	[tilespmem:s8+$0x164F0] =	vst v3  }
0x3ac: {  	v3 =	vld [tilespmem:s8+$0xE0B0]  }
0x3ad: {  	[tilespmem:s8+$0x16080] =	vst v2;
	v2 =	vadd.f32 v5, v4;
	v4 =	vld [tilespmem:s8+$0x60C0]  }
0x3ae: {  	v5 =	vld [tilespmem:s8+$0xE0C0]  }
0x3af: {  	[tilespmem:s8+$0x16090] =	vst v2;
	v1 =	vadd.f32 v1, v6;
	v2 =	vld [tilespmem:s8+$0x60D0]  }
0x3b0: {  	v6 =	vld [tilespmem:s8+$0xE0D0]  }
0x3b1: {  	[tilespmem:s8+$0x160A0] =	vst v1;
	v1 =	vadd.f32 v3, v7;
	v3 =	vld [tilespmem:s8+$0x60E0]  }
0x3b2: {  	v7 =	vld [tilespmem:s8+$0xE0E0]  }
0x3b3: {  	[tilespmem:s8+$0x160B0] =	vst v1;
	v1 =	vadd.f32 v5, v4;
	v4 =	vld [tilespmem:s8+$0x60F0]  }
0x3b4: {  	v5 =	vld [tilespmem:s8+$0xE0F0]  }
0x3b5: {  	[tilespmem:s8+$0x160C0] =	vst v1;
	v1 =	vadd.f32 v6, v2;
	v2 =	vld [tilespmem:s8+$0x6480]  }
0x3b6: {  	v6 =	vld [tilespmem:s8+$0xE480]  }
0x3b7: {  	[tilespmem:s8+$0x160D0] =	vst v1;
	v1 =	vadd.f32 v7, v3;
	v3 =	vld [tilespmem:s8+$0x6490]  }
0x3b8: {  	v7 =	vld [tilespmem:s8+$0xE490]  }
0x3b9: {  	[tilespmem:s8+$0x160E0] =	vst v1;
	v1 =	vadd.f32 v5, v4;
	v4 =	vld [tilespmem:s8+$0x64A0]  }
0x3ba: {  	v5 =	vld [tilespmem:s8+$0xE4A0]  }
0x3bb: {  	[tilespmem:s8+$0x160F0] =	vst v1;
	v1 =	vadd.f32 v6, v2;
	v6 =	vld [tilespmem:s8+$0x64B0]  }
0x3bc: {  	v8 =	vld [tilespmem:s8+$0xE4B0]  }
0x3bd: {  	[tilespmem:s8+$0x16480] =	vst v1;
	v2 =	vadd.f32 v7, v3;
	v1 =	vld [tilespmem:s8+$0x64C0]  }
.Ltmp25:
0x3be: {  	v3 =	vld [tilespmem:s8+$0xE4C0];
	(pc) =	sbr.rel @!p4 .LBB2_37-.Ltmp25, $4  }
0x3bf: {  	[tilespmem:s8+$0x16490] =	vst v2;
	v5 =	vadd.f32 v5, v4;
	v2 =	vld [tilespmem:s8+$0x64D0]  }
0x3c0: {  	s9 =	sadd.s32 $0x80, s9;
	v4 =	vld [tilespmem:s8+$0xE4D0]  }
0x3c1: {  	s12 =	sand.u32 $0x380, s9;
	s11 =	sand.u32 $0x1800, s10;
	[tilespmem:s8+$0x164A0] =	vst v5;
	v7 =	vadd.f32 v8, v6;
	v5 =	vld [tilespmem:s8+$0x64E0]  }
0x3c2: {  	s10 =	sadd.s32 $0x100, s10;
	s11 =	sor.u32 s12, s11;
	v6 =	vld [tilespmem:s8+$0xE4E0]  }
0x3c3: {  	v8 =	vld [tilespmem:s11+$0x64F0];
	[tilespmem:s8+$0x164B0] =	vst v7;
	v1 =	vadd.f32 v3, v1  }
0x3c4: {  	v3 =	vld [tilespmem:s11+$0xE4F0]  }
0x3c5: {  	v7 =	vld [tilespmem:s11+$0x6080];
	[tilespmem:s8+$0x164C0] =	vst v1;
	v1 =	vadd.f32 v4, v2  }
0x3c6: {  	v2 =	vld [tilespmem:s11+$0xE080]  }
0x3c7: {  	v45 =	vld [tilespmem:s11+$0x6090];
	[tilespmem:s8+$0x164D0] =	vst v1;
	v1 =	vadd.f32 v6, v5  }
0x3c8: {  	v46 =	vld [tilespmem:s11+$0xE090]  }
0x3c9: {  	v47 =	vld [tilespmem:s11+$0x60A0];
	[tilespmem:s8+$0x164E0] =	vst v1  }
0x3ca: {  	v1 =	vadd.f32 v3, v8;
	v3 =	vld [tilespmem:s11+$0xE0A0]  }
0x3cb: {  	v48 =	vld [tilespmem:s11+$0x60B0]  }
0x3cc: {  	v49 =	vld [tilespmem:s11+$0x60C0]  }
0x3cd: {  	v2 =	vadd.f32 v2, v7;
	[tilespmem:s11+$0x164F0] =	vst v1;
	v1 =	vld [tilespmem:s11+$0xE0B0]  }
0x3ce: {  	v50 =	vld [tilespmem:s11+$0xE0C0]  }
0x3cf: {  	v51 =	vld [tilespmem:s11+$0xE0D0];
	[tilespmem:s11+$0x16080] =	vst v2;
	v2 =	vadd.f32 v46, v45  }
0x3d0: {  	v52 =	vld [tilespmem:s11+$0xE0E0]  }
0x3d1: {  	[tilespmem:s11+$0x16090] =	vst v2;
	v2 =	vadd.f32 v3, v47;
	v3 =	vld [tilespmem:s11+$0x60D0]  }
0x3d2: {  	v53 =	vld [tilespmem:s11+$0x60F0];
	v1 =	vadd.f32 v1, v48  }
0x3d3: {  	[tilespmem:s11+$0x160A0] =	vst v2;
	v2 =	vld [tilespmem:s11+$0x60E0]  }
0x3d4: {  	v54 =	vld [tilespmem:s11+$0xE0F0];
	[tilespmem:s11+$0x160B0] =	vst v1;
	v1 =	vadd.f32 v50, v49  }
0x3d5: {  	v55 =	vld [tilespmem:s11+$0xE480]  }
0x3d6: {  	v56 =	vld [tilespmem:s11+$0xE490];
	[tilespmem:s11+$0x160C0] =	vst v1;
	v1 =	vadd.f32 v51, v3  }
0x3d7: {  	v3 =	vld [tilespmem:s11+$0x6480]  }
0x3d8: {  	v57 =	vld [tilespmem:s11+$0x64A0];
	[tilespmem:s11+$0x160D0] =	vst v1;
	v1 =	vadd.f32 v52, v2  }
0x3d9: {  	v2 =	vld [tilespmem:s11+$0x6490]  }
0x3da: {  	v58 =	vld [tilespmem:s11+$0xE4A0];
	[tilespmem:s11+$0x160E0] =	vst v1;
	v1 =	vadd.f32 v54, v53  }
0x3db: {  	v59 =	vld [tilespmem:s11+$0xE4B0]  }
0x3dc: {  	v60 =	vld [tilespmem:s11+$0xE4C0];
	[tilespmem:s11+$0x160F0] =	vst v1;
	v1 =	vadd.f32 v55, v3  }
0x3dd: {  	v61 =	vld [tilespmem:s11+$0x64D0]  }
0x3de: {  	v62 =	vld [tilespmem:s11+$0xE4D0];
	[tilespmem:s11+$0x16480] =	vst v1;
	v1 =	vadd.f32 v56, v2  }
0x3df: {  	v3 =	vld [tilespmem:s11+$0x64B0]  }
0x3e0: {  	v2 =	vld [tilespmem:s11+$0x64C0];
	[tilespmem:s11+$0x16490] =	vst v1;
	v1 =	vadd.f32 v58, v57  }
0x3e1: {  	v63 =	vld [tilespmem:s11+$0xE4E0]  }
0x3e2: {  	[tilespmem:s11+$0x164A0] =	vst v1;
	v1 =	vld [tilespmem:s11+$0x64E0];
	_ =	sdelay $0x1  }
0x3e3: {  	v3 =	vadd.f32 v59, v3  }
.Ltmp26:
0x3e4: {  	v2 =	vadd.f32 v60, v2;
	(pc) =	sbr.rel .LBB2_42-.Ltmp26, $4  }
0x3e5: {  	[tilespmem:s11+$0x164B0] =	vst v3;
	v3 =	vadd.f32 v62, v61  }
0x3e6: {  	[tilespmem:s11+$0x164C0] =	vst v2;
	v1 =	vadd.f32 v63, v1  }
0x3e7: {  	[tilespmem:s11+$0x164D0] =	vst v3  }
0x3e8: {  	[tilespmem:s11+$0x164E0] =	vst v1  }
.LBB2_39:
0x3e9: {  	v1 =	vld [tilespmem:s8+$0x64F0]  }
0x3ea: {  	v2 =	vld [tilespmem:s8+$0xE4F0]  }
0x3eb: {  	v3 =	vld [tilespmem:s8+$0x6080]  }
0x3ec: {  	v4 =	vld [tilespmem:s8+$0xE080]  }
0x3ed: {  	v5 =	vld [tilespmem:s8+$0x6090]  }
0x3ee: {  	v6 =	vld [tilespmem:s8+$0xE090]  }
0x3ef: {  	v7 =	vld [tilespmem:s8+$0x60A0]  }
0x3f0: {  	v8 =	vld [tilespmem:s8+$0x60B0]  }
0x3f1: {  	v1 =	vadd.f32 v2, v1;
	v2 =	vld [tilespmem:s8+$0xE0A0]  }
0x3f2: {  	p4 =	sgt.s32 s10, $0x0;
	v3 =	vadd.f32 v4, v3;
	v4 =	vld [tilespmem:s8+$0xE0B0]  }
0x3f3: {  	v5 =	vadd.f32 v6, v5;
	v6 =	vld [tilespmem:s8+$0x60D0];
	v1 =	vpsel !p4, $0x0, v1  }
0x3f4: {  	[tilespmem:s8+$0x164F0] =	vst v1;
	v1 =	vpsel !p4, $0x0, v3;
	v3 =	vld [tilespmem:s8+$0x60C0]  }
0x3f5: {  	v5 =	vpsel !p4, $0x0, v5;
	[tilespmem:s8+$0x16080] =	vst v1;
	v1 =	vld [tilespmem:s8+$0xE0C0]  }
0x3f6: {  	[tilespmem:s8+$0x16090] =	vst v5;
	v5 =	vld [tilespmem:s8+$0xE0D0];
	v2 =	vadd.f32 v2, v7  }
0x3f7: {  	v7 =	vld [tilespmem:s8+$0x60E0];
	v4 =	vadd.f32 v4, v8  }
0x3f8: {  	v8 =	vld [tilespmem:s8+$0x60F0];
	v2 =	vpsel !p4, $0x0, v2  }
0x3f9: {  	v4 =	vpsel !p4, $0x0, v4;
	[tilespmem:s8+$0x160A0] =	vst v2;
	v2 =	vld [tilespmem:s8+$0xE0E0]  }
0x3fa: {  	[tilespmem:s8+$0x160B0] =	vst v4;
	v4 =	vld [tilespmem:s8+$0x6480];
	v1 =	vadd.f32 v1, v3  }
0x3fb: {  	v5 =	vadd.f32 v5, v6;
	v3 =	vld [tilespmem:s8+$0xE0F0]  }
0x3fc: {  	v6 =	vld [tilespmem:s8+$0x6490];
	v1 =	vpsel !p4, $0x0, v1  }
0x3fd: {  	v5 =	vpsel !p4, $0x0, v5;
	[tilespmem:s8+$0x160C0] =	vst v1;
	v1 =	vld [tilespmem:s8+$0xE480]  }
0x3fe: {  	[tilespmem:s8+$0x160D0] =	vst v5;
	v5 =	vld [tilespmem:s8+$0xE490]  }
0x3ff: {  	v2 =	vadd.f32 v2, v7;
	v7 =	vld [tilespmem:s8+$0x64A0]  }
0x400: {  	v3 =	vadd.f32 v3, v8;
	v8 =	vld [tilespmem:s8+$0xE4A0]  }
0x401: {  	v9 =	vld [tilespmem:s8+$0x64B0]  }
0x402: {  	v10 =	vld [tilespmem:s8+$0xE4B0];
	v2 =	vpsel !p4, $0x0, v2;
	v1 =	vadd.f32 v1, v4  }
0x403: {  	[tilespmem:s8+$0x160E0] =	vst v2;
	v2 =	vpsel !p4, $0x0, v3;
	v3 =	vld [tilespmem:s8+$0xE4C0];
	v4 =	vadd.f32 v5, v6  }
0x404: {  	[tilespmem:s8+$0x160F0] =	vst v2;
	v2 =	vpsel !p4, $0x0, v1;
	v1 =	vld [tilespmem:s8+$0x64C0]  }
0x405: {  	v4 =	vpsel !p4, $0x0, v4;
	v5 =	vadd.f32 v8, v7;
	[tilespmem:s8+$0x16480] =	vst v2;
	v2 =	vld [tilespmem:s8+$0x64D0]  }
0x406: {  	s11 =	simm.s32 $0x80;
	s12 =	simm.s32 $0x100;
	[tilespmem:s8+$0x16490] =	vst v4;
	v4 =	vld [tilespmem:s8+$0xE4D0]  }
0x407: {  	s13 =	sand.u32 $0x1800, s12;
	s14 =	sand.u32 $0x380, s11;
	v7 =	vadd.f32 v10, v9;
	v6 =	vpsel !p4, $0x0, v5;
	v5 =	vld [tilespmem:s8+$0x64E0]  }
0x408: {  	s9 =	simm.s32 $0x1;
	s13 =	sor.u32 s14, s13;
	s14 =	simm.s32 $0x2;
	[tilespmem:s8+$0x164A0] =	vst v6;
	v6 =	vld [tilespmem:s8+$0xE4E0]  }
.LBB2_40:
0x409: {  	p5 =	sne.s32 s14, $0x1F;
	v8 =	vld [tilespmem:s13+$0x64F0];
	v7 =	vpsel !p4, $0x0, v7;
	v1 =	vadd.f32 v3, v1  }
0x40a: {  	v3 =	vld [tilespmem:s13+$0xE4F0];
	[tilespmem:s8+$0x164B0] =	vst v7  }
0x40b: {  	v7 =	vld [tilespmem:s13+$0x6080];
	v1 =	vpsel !p4, $0x0, v1;
	v2 =	vadd.f32 v4, v2  }
0x40c: {  	v4 =	vld [tilespmem:s13+$0xE080];
	[tilespmem:s8+$0x164C0] =	vst v1  }
0x40d: {  	v1 =	vld [tilespmem:s13+$0x6090];
	v2 =	vpsel !p4, $0x0, v2;
	v5 =	vadd.f32 v6, v5  }
0x40e: {  	v6 =	vld [tilespmem:s13+$0xE090];
	[tilespmem:s8+$0x164D0] =	vst v2  }
0x40f: {  	v2 =	vld [tilespmem:s13+$0x60A0];
	v3 =	vadd.f32 v3, v8;
	v5 =	vpsel !p4, $0x0, v5  }
0x410: {  	p4 =	slt.s32 s9, s10;
	s9 =	smov.u32 s14;
	v8 =	vld [tilespmem:s13+$0xE0A0];
	[tilespmem:s8+$0x164E0] =	vst v5;
	s8 =	smov.u32 s13  }
0x411: {  	v4 =	vadd.f32 v4, v7;
	v5 =	vld [tilespmem:s8+$0x60B0];
	v3 =	vpsel !p4, $0x0, v3  }
0x412: {  	v7 =	vld [tilespmem:s8+$0xE0B0];
	[tilespmem:s8+$0x164F0] =	vst v3  }
0x413: {  	v3 =	vpsel !p4, $0x0, v4;
	v1 =	vadd.f32 v6, v1;
	v4 =	vld [tilespmem:s8+$0x60C0]  }
0x414: {  	[tilespmem:s8+$0x16080] =	vst v3;
	v3 =	vld [tilespmem:s8+$0xE0C0]  }
0x415: {  	v1 =	vpsel !p4, $0x0, v1;
	v2 =	vadd.f32 v8, v2;
	v6 =	vld [tilespmem:s8+$0x60D0]  }
0x416: {  	[tilespmem:s8+$0x16090] =	vst v1;
	v1 =	vld [tilespmem:s8+$0xE0D0]  }
0x417: {  	v2 =	vpsel !p4, $0x0, v2;
	v5 =	vadd.f32 v7, v5;
	v7 =	vld [tilespmem:s8+$0x60E0]  }
0x418: {  	[tilespmem:s8+$0x160A0] =	vst v2;
	v2 =	vld [tilespmem:s8+$0xE0E0]  }
0x419: {  	v5 =	vpsel !p4, $0x0, v5;
	v3 =	vadd.f32 v3, v4;
	v4 =	vld [tilespmem:s8+$0x60F0]  }
0x41a: {  	[tilespmem:s8+$0x160B0] =	vst v5;
	v5 =	vld [tilespmem:s8+$0xE0F0]  }
0x41b: {  	v3 =	vpsel !p4, $0x0, v3;
	v1 =	vadd.f32 v1, v6;
	v6 =	vld [tilespmem:s8+$0x6480]  }
0x41c: {  	[tilespmem:s8+$0x160C0] =	vst v3;
	v3 =	vld [tilespmem:s8+$0xE480]  }
0x41d: {  	v1 =	vpsel !p4, $0x0, v1;
	v2 =	vadd.f32 v2, v7;
	v7 =	vld [tilespmem:s8+$0x6490]  }
0x41e: {  	[tilespmem:s8+$0x160D0] =	vst v1;
	v1 =	vld [tilespmem:s8+$0xE490]  }
0x41f: {  	v2 =	vpsel !p4, $0x0, v2;
	v4 =	vadd.f32 v5, v4;
	v5 =	vld [tilespmem:s8+$0x64A0]  }
0x420: {  	[tilespmem:s8+$0x160E0] =	vst v2;
	v2 =	vld [tilespmem:s8+$0xE4A0]  }
0x421: {  	v4 =	vpsel !p4, $0x0, v4;
	v3 =	vadd.f32 v3, v6;
	v6 =	vld [tilespmem:s8+$0x64B0]  }
0x422: {  	[tilespmem:s8+$0x160F0] =	vst v4;
	v8 =	vld [tilespmem:s8+$0xE4B0]  }
0x423: {  	v3 =	vpsel !p4, $0x0, v3;
	v4 =	vadd.f32 v1, v7;
	v1 =	vld [tilespmem:s8+$0x64C0]  }
.Ltmp27:
0x424: {  	[tilespmem:s8+$0x16480] =	vst v3;
	v3 =	vld [tilespmem:s8+$0xE4C0];
	(pc) =	sbr.rel @p5 .LBB2_40-.Ltmp27, $4  }
0x425: {  	v4 =	vpsel !p4, $0x0, v4;
	v5 =	vadd.f32 v2, v5;
	v2 =	vld [tilespmem:s8+$0x64D0]  }
0x426: {  	s11 =	sadd.s32 $0x80, s11;
	s12 =	sadd.s32 $0x100, s12;
	[tilespmem:s8+$0x16490] =	vst v4;
	v4 =	vld [tilespmem:s8+$0xE4D0]  }
0x427: {  	s15 =	sand.u32 $0x380, s11;
	s13 =	sand.u32 $0x1800, s12;
	v9 =	vpsel !p4, $0x0, v5;
	v7 =	vadd.f32 v8, v6;
	v5 =	vld [tilespmem:s8+$0x64E0]  }
0x428: {  	s14 =	sadd.s32 $0x1, s14;
	s13 =	sor.u32 s15, s13;
	[tilespmem:s8+$0x164A0] =	vst v9;
	v6 =	vld [tilespmem:s8+$0xE4E0]  }
0x429: {  	v8 =	vld [tilespmem:s13+$0x64F0];
	v7 =	vpsel !p4, $0x0, v7;
	v1 =	vadd.f32 v3, v1  }
0x42a: {  	v9 =	vld [tilespmem:s13+$0xE4F0];
	[tilespmem:s8+$0x164B0] =	vst v7  }
0x42b: {  	v3 =	vld [tilespmem:s13+$0x6080];
	v1 =	vpsel !p4, $0x0, v1;
	v2 =	vadd.f32 v4, v2  }
0x42c: {  	v7 =	vld [tilespmem:s13+$0xE080];
	[tilespmem:s8+$0x164C0] =	vst v1  }
0x42d: {  	v1 =	vld [tilespmem:s13+$0x6090];
	v2 =	vpsel !p4, $0x0, v2;
	v5 =	vadd.f32 v6, v5  }
0x42e: {  	v47 =	vld [tilespmem:s13+$0xE090];
	[tilespmem:s8+$0x164D0] =	vst v2  }
0x42f: {  	v2 =	vld [tilespmem:s13+$0x60A0];
	v5 =	vpsel !p4, $0x0, v5  }
0x430: {  	v48 =	vld [tilespmem:s13+$0xE0A0];
	[tilespmem:s8+$0x164E0] =	vst v5  }
0x431: {  	v5 =	vld [tilespmem:s13+$0x60B0]  }
0x432: {  	v50 =	vld [tilespmem:s13+$0xE0B0]  }
0x433: {  	v3 =	vadd.f32 v7, v3;
	v51 =	vld [tilespmem:s13+$0x60C0]  }
0x434: {  	p6 =	slt.s32 s9, s10;
	v52 =	vld [tilespmem:s13+$0x60D0];
	v1 =	vadd.f32 v47, v1  }
0x435: {  	v53 =	vld [tilespmem:s13+$0x60E0];
	v3 =	vpsel !p6, $0x0, v3;
	v2 =	vadd.f32 v48, v2  }
0x436: {  	[tilespmem:s13+$0x16080] =	vst v3;
	v3 =	vld [tilespmem:s13+$0xE0C0];
	v1 =	vpsel !p6, $0x0, v1  }
0x437: {  	[tilespmem:s13+$0x16090] =	vst v1;
	v1 =	vld [tilespmem:s13+$0xE0D0];
	v2 =	vpsel !p6, $0x0, v2  }
0x438: {  	[tilespmem:s13+$0x160A0] =	vst v2;
	v2 =	vld [tilespmem:s13+$0xE0E0]  }
0x439: {  	v54 =	vld [tilespmem:s13+$0x60F0]  }
0x43a: {  	v55 =	vld [tilespmem:s13+$0xE0F0]  }
0x43b: {  	v56 =	vld [tilespmem:s13+$0x6480];
	v3 =	vadd.f32 v3, v51  }
0x43c: {  	v57 =	vld [tilespmem:s13+$0x6490];
	v1 =	vadd.f32 v1, v52  }
0x43d: {  	v58 =	vld [tilespmem:s13+$0x64A0];
	v3 =	vpsel !p6, $0x0, v3;
	v2 =	vadd.f32 v2, v53  }
0x43e: {  	[tilespmem:s13+$0x160C0] =	vst v3;
	v3 =	vld [tilespmem:s13+$0xE480];
	v1 =	vpsel !p6, $0x0, v1  }
0x43f: {  	[tilespmem:s13+$0x160D0] =	vst v1;
	v1 =	vld [tilespmem:s13+$0xE490];
	v2 =	vpsel !p6, $0x0, v2  }
0x440: {  	[tilespmem:s13+$0x160E0] =	vst v2;
	v2 =	vld [tilespmem:s13+$0xE4A0]  }
0x441: {  	v59 =	vld [tilespmem:s13+$0x64B0]  }
0x442: {  	v60 =	vld [tilespmem:s13+$0xE4B0];
	v5 =	vadd.f32 v50, v5  }
0x443: {  	v61 =	vld [tilespmem:s13+$0x64C0];
	v3 =	vadd.f32 v3, v56  }
0x444: {  	v62 =	vld [tilespmem:s13+$0x64D0];
	v5 =	vpsel !p6, $0x0, v5;
	v1 =	vadd.f32 v1, v57  }
0x445: {  	v63 =	vld [tilespmem:s13+$0x64E0];
	[tilespmem:s13+$0x160B0] =	vst v5;
	v3 =	vpsel !p6, $0x0, v3;
	v2 =	vadd.f32 v2, v58  }
0x446: {  	[tilespmem:s13+$0x16480] =	vst v3;
	v3 =	vld [tilespmem:s13+$0xE4C0];
	v1 =	vpsel !p6, $0x0, v1  }
0x447: {  	v5 =	vadd.f32 v55, v54;
	[tilespmem:s13+$0x16490] =	vst v1;
	v1 =	vld [tilespmem:s13+$0xE4D0];
	v2 =	vpsel !p6, $0x0, v2  }
0x448: {  	[tilespmem:s13+$0x164A0] =	vst v2;
	v2 =	vld [tilespmem:s13+$0xE4E0]  }
0x449: {  	v8 =	vadd.f32 v9, v8;
	v5 =	vpsel !p6, $0x0, v5  }
0x44a: {  	[tilespmem:s13+$0x160F0] =	vst v5;
	v5 =	vadd.f32 v60, v59  }
0x44b: {  	v49 =	vpsel !p6, $0x0, v8;
	v3 =	vadd.f32 v3, v61  }
0x44c: {  	[tilespmem:s13+$0x164F0] =	vst v49;
	v5 =	vpsel !p6, $0x0, v5;
	v1 =	vadd.f32 v1, v62  }
0x44d: {  	[tilespmem:s13+$0x164B0] =	vst v5;
	v3 =	vpsel !p6, $0x0, v3;
	v2 =	vadd.f32 v2, v63  }
0x44e: {  	[tilespmem:s13+$0x164C0] =	vst v3;
	v1 =	vpsel !p6, $0x0, v1  }
0x44f: {  	[tilespmem:s13+$0x164D0] =	vst v1;
	v1 =	vpsel !p6, $0x0, v2  }
0x450: {  	[tilespmem:s13+$0x164E0] =	vst v1  }
.LBB2_42:
.Ltmp28:
0x451: {  	(pc) =	sbr.rel .LBB2_44-.Ltmp28, $3  }
0x452: {  	_ =	sdelay $0x1  }
0x453: {  	s8 =	simm.s32 $0x16080  }
0x454: {  	[hbm4b:s7+s5] =	stream.linear.scatter [tilespmem:s8], [sflag:$0x8], $0x2000, $0x38;
	[tilespmem:$0x1A080] =	vst v63  }
.LBB2_45:
0x455: {  	s0 =	sand.u32 $0x1, s12  }
0x456: {  	p0 =	seq.s32 s0, $0x0  }
0x457: {  	s0 =	simm.s32 @!p0 $0x5  }
0x458: {  	s3 =	sand.u32 $0x2, s12;
	_ =	swait.ge @!p0 [sflag:s0], $0x2000  }
0x459: {  	p1 =	seq.s32 s3, $0x0;
	[sflag:s0] =	ssyncset.done @!p0 $0x0  }
0x45a: {  	[sflag:s0] =	ssyncadd.s32 @!p0 $0xFFFFE000;
	s0 =	simm.s32 @!p1 $0x6  }
0x45b: {  	s26 =	sand.u32 $0x4, s12;
	_ =	swait.ge @!p1 [sflag:s0], $0x2000  }
0x45c: {  	p0 =	seq.s32 s26, $0x0;
	[sflag:s0] =	ssyncset.done @!p1 $0x0  }
0x45d: {  	[sflag:s0] =	ssyncadd.s32 @!p1 $0xFFFFE000;
	s0 =	simm.s32 @!p0 $0x7  }
0x45e: {  	_ =	swait.ge @!p0 [sflag:s0], $0x2000  }
0x45f: {  	[sflag:s0] =	ssyncset.done @!p0 $0x0  }
0x460: {  	s29 =	sand.u32 $0x8, s12;
	[sflag:s0] =	ssyncadd.s32 @!p0 $0xFFFFE000;
	p0 =	slt.s32 s31, $0x1  }
.Ltmp29:
0x461: {  	p1 =	seq.s32 s29, $0x0;
	(pc) =	sbr.rel @p0 .LBB2_49-.Ltmp29, $4  }
0x462: {  	s0 =	simm.s32 @!p1 $0x8  }
0x463: {  	_ =	swait.ge @!p1 [sflag:s0], $0x2000  }
0x464: {  	[sflag:s0] =	ssyncset.done @!p1 $0x0  }
0x465: {  	s3 =	rddreg [dreg:$0x10];
	[sflag:s0] =	ssyncadd.s32 @!p1 $0xFFFFE000;
	s0 =	simm.s32 $0x0  }
0x466: {  	s0 =	sadd.s32 $0x1, s0  }
0x467: {  	p0 =	slt.s32 s0, s31  }
.Ltmp30:
0x468: {  	_ = 	snop;
	(pc) =	sbr.rel @!p0 .LBB2_48-.Ltmp30, $3  }
0x469: {  	_ =	sdelay $0x1  }
0x46a: {  	_ =	swait.ge [sflag:s22], $0x2000  }
0x46b: {  	[sflag:s22] =	ssyncset.done $0x0  }
.LBB2_47:
0x46c: {  	s0 =	sadd.s32 $0x1, s0  }
0x46d: {  	[sflag:s22] =	ssyncadd.s32 $0xFFFFE000;
	p0 =	slt.s32 s0, s31  }
.Ltmp31:
0x46e: {  	(pc) =	sbr.rel @p0 .LBB2_47-.Ltmp31, $3  }
0x46f: {  	_ =	sdelay $0x1  }
0x470: {  	_ =	swait.ge [sflag:s22], $0x2000  }
0x471: {  	[sflag:s22] =	ssyncset.done $0x0  }
.Ltmp32:
0x472: {  	_ = 	snop;
	(pc) =	sbr.rel .LBB2_48-.Ltmp32, $1  }
0x473: {  	_ =	sdelay $0x3  }
.LBB2_50:
0x474: {  	_ =	sfence.sel $0x180000  }
0x475: {  	[bflag:$0x0] =	sbarrier.arrive $0xFFFF  }
0x476: {  	_ =	strace $0x90000047  }
0x477: {  	s0 =	stileid.u32;
	[bflag:$0x2] =	sbarrier.arrive $0xFFFF  }
0x478: {  	p0 =	sne.s32 s0, $0x0;
	s0 =	rddreg [dreg:$0x4]  }
0x479: {  	s0 =	sadd.s32 @!p0 $0x100000, s0  }
0x47a: {  	[sflag:s0] =	ssyncadd.tile.s32 @!p0 $0x1;
	_ =	shalt  }
.Lfunc_end2:
_tile_overlayer_lowered:
.L_overlay_start_2:
0x47b: {  	(tag) =	ssettag $0x2  }
0x47c: {  	s0 =	rddreg [dreg:$0x0];
	s2 =	stileid.u32  }
0x47d: {  	s1 =	rddreg [dreg:$0x1];
	p0 =	sne.s32 s2, $0x0  }
0x47e: {  	s3 =	rddreg [dreg:$0x2];
	[bflag:$0x3] =	sbarrier.arrive $0xFFFF;
	s2 =	simm.s32 @!p0 $0x1C0A  }
0x47f: {  	[timem:s3], [sflag:s2] =	dma.local @!p0 [hbm:s0], s1  }
0x480: {  	s0 =	simm.s32 @!p0 $0xA  }
0x481: {  	_ =	swait.ge @!p0 [sflag:s0], s1  }
0x482: {  	s1 =	ssub.s32 @!p0 $0x0, s1;
	[sflag:s0] =	ssyncset.done @!p0 $0x0  }
0x483: {  	[sflag:s0] =	ssyncadd.s32 @!p0 s1  }
0x484: {  	[bflag:$0x3] =	sbarrier.arrive $0xFFFF  }
0x485: {  	_ =	shalt  }

</sc_bundles>
